<compile_context>
chip_gen: v7x
topology: tpu7x:2x2x1
jax: 0.10.2.dev20260603
libtpu: 0.0.44.dev20260713+nightly
codegen_flags: <defaults>
</compile_context>

<pallas_src>
import functools

import jax
import jax.numpy as jnp
from jax import lax
from jax.experimental import pallas as pl
from jax.experimental.pallas import tpu as pltpu
from jax.experimental.pallas import tpu_sc as plsc

R = 512
C = 32
B = 1048576
NC = 2
NS = 16
NW = NC * NS
PPW = B // NW
N = 128
NCH = PPW // N
PAIRS = ((0, 1), (0, 2), (1, 2))
NG = N // 16


def _grid_body(table_hbm, inp_hbm, out_hbm,
               in_v0, in_v1, idx_v0, idx_v1, w_v0, w_v1,
               rows_v0, rows_v1, out_v0, out_v1,
               sem_g0, sem_g1, sem_o0, sem_o1, sem_i0, sem_i1):
    wid = lax.axis_index("s") * NC + lax.axis_index("c")
    wbase = wid * PPW
    lanes = lax.iota(jnp.int32, 16)

    slots = ((in_v0, idx_v0, w_v0, rows_v0, out_v0, sem_g0, sem_o0),
             (in_v1, idx_v1, w_v1, rows_v1, out_v1, sem_g1, sem_o1))
    in_sems = (sem_i0, sem_i1)

    def fire_in(k, s):
        in_v = slots[s][0]
        sem_i = in_sems[s]
        base = wbase + k * N
        for a in range(3):
            pltpu.async_copy(inp_hbm.at[pl.ds(a * B + base, N)],
                             in_v.at[pl.ds(a * N, N)], sem_i)

    def wait_in(k, s):
        in_v = slots[s][0]
        sem_i = in_sems[s]
        base = wbase + k * N
        for a in range(3):
            pltpu.make_async_copy(inp_hbm.at[pl.ds(a * B + base, N)],
                                  in_v.at[pl.ds(a * N, N)], sem_i).wait()

    def prep_fire(k, s):
        in_v, idx_v, w_v, rows_v, _, sem_g, _ = slots[s]

        def prep_g(g, carry):
            off = g * 16
            coords = []
            for a in range(3):
                x = in_v[pl.ds(a * N + off, 16)]
                t = jnp.clip((x + 1.0) * 0.5, 0.0, 1.0) * float(R - 1)
                ti = jnp.minimum(t.astype(jnp.int32), R - 2)
                tf = t - ti.astype(jnp.float32)
                coords.append((ti, tf))
            for l, (a, b) in enumerate(PAIRS):
                ua, fa = coords[a]
                vb, fb = coords[b]
                i00 = ua * R + vb + (l * R * R)
                ga = 1.0 - fa
                gb = 1.0 - fb
                idx_v[4 * l + 0, pl.ds(off, 16)] = i00
                idx_v[4 * l + 1, pl.ds(off, 16)] = i00 + 1
                idx_v[4 * l + 2, pl.ds(off, 16)] = i00 + R
                idx_v[4 * l + 3, pl.ds(off, 16)] = i00 + (R + 1)
                w_v[4 * l + 0, pl.ds(off, 16)] = ga * gb
                w_v[4 * l + 1, pl.ds(off, 16)] = ga * fb
                w_v[4 * l + 2, pl.ds(off, 16)] = fa * gb
                w_v[4 * l + 3, pl.ds(off, 16)] = fa * fb
            return carry

        lax.fori_loop(0, NG, prep_g, 0)
        for j in range(12):
            pltpu.async_copy(table_hbm.at[idx_v.at[j]],
                             rows_v.at[pl.ds(j * N, N)], sem_g)

    def drain_gathers(s):
        _, idx_v, _, rows_v, _, sem_g, _ = slots[s]
        for j in range(12):
            pltpu.make_async_copy(table_hbm.at[idx_v.at[j]],
                                  rows_v.at[pl.ds(j * N, N)], sem_g).wait()

    def interp(k, s):
        _, _, w_v, rows_v, out_v, _, _ = slots[s]

        def g_body(g, carry):
            base16 = g * 16
            w16s = [w_v[j, pl.ds(base16, 16)] for j in range(12)]

            def i_body(i, carry2):
                p = base16 + i
                il = lax.broadcast(i, (16,))
                acc0 = jnp.zeros((16,), jnp.float32)
                acc1 = jnp.zeros((16,), jnp.float32)
                for j in range(12):
                    wj = jnp.take(w16s[j], il)
                    r0 = rows_v[j * N + p, pl.ds(0, 16)]
                    r1 = rows_v[j * N + p, pl.ds(16, 16)]
                    acc0 = acc0 + wj * r0
                    acc1 = acc1 + wj * r1
                out_v[p, pl.ds(0, 16)] = acc0
                out_v[p, pl.ds(16, 16)] = acc1
                return carry2

            lax.fori_loop(0, 16, i_body, 0)
            return carry

        lax.fori_loop(0, NG, g_body, 0)

    def fire_out(k, s):
        out_v, sem_o = slots[s][4], slots[s][6]
        base = wbase + k * N
        pltpu.async_copy(out_v, out_hbm.at[pl.ds(base, N)], sem_o)

    def wait_out(k, s):
        out_v, sem_o = slots[s][4], slots[s][6]
        base = wbase + (k - 2) * N
        pltpu.make_async_copy(out_v, out_hbm.at[pl.ds(base, N)], sem_o).wait()

    def step(k, s):
        nxt = k + 1

        @pl.when(nxt < NCH)
        def _():
            wait_in(nxt, 1 - s)
            prep_fire(nxt, 1 - s)

        @pl.when(k + 2 < NCH)
        def _():
            fire_in(k + 2, s)

        drain_gathers(s)

        @pl.when(k >= 2)
        def _():
            wait_out(k, s)

        interp(k, s)
        fire_out(k, s)

    fire_in(0, 0)
    fire_in(1, 1)
    wait_in(0, 0)
    prep_fire(0, 0)

    def body2(k2, carry):
        k = 2 * k2
        step(k, 0)
        step(k + 1, 1)
        return carry

    lax.fori_loop(0, NCH // 2, body2, 0)
    wait_out(NCH, 0)
    wait_out(NCH + 1, 1)


@jax.jit
def _grid_encode_sc(table, inp_t):
    mesh = plsc.VectorSubcoreMesh(core_axis_name="c", subcore_axis_name="s")
    f = pl.kernel(
        _grid_body,
        out_type=jax.ShapeDtypeStruct((B, C), jnp.float32),
        mesh=mesh,
        compiler_params=pltpu.CompilerParams(needs_layout_passes=False,
                                             use_tc_tiling_on_sc=False),
        scratch_types=[
            pltpu.VMEM((N * 3,), jnp.float32),
            pltpu.VMEM((N * 3,), jnp.float32),
            pltpu.VMEM((12, N), jnp.int32),
            pltpu.VMEM((12, N), jnp.int32),
            pltpu.VMEM((12, N), jnp.float32),
            pltpu.VMEM((12, N), jnp.float32),
            pltpu.VMEM((12 * N, C), jnp.float32),
            pltpu.VMEM((12 * N, C), jnp.float32),
            pltpu.VMEM((N, C), jnp.float32),
            pltpu.VMEM((N, C), jnp.float32),
            pltpu.SemaphoreType.DMA,
            pltpu.SemaphoreType.DMA,
            pltpu.SemaphoreType.DMA,
            pltpu.SemaphoreType.DMA,
            pltpu.SemaphoreType.DMA,
            pltpu.SemaphoreType.DMA,
        ],
    )
    return f(table, inp_t)


def kernel(triplane_, inputs):
    tp = jnp.squeeze(triplane_, axis=1)
    table = jnp.transpose(tp, (0, 2, 3, 1)).reshape(3 * R * R, C)
    inp_t = jnp.transpose(inputs).reshape(3 * B)
    return _grid_encode_sc(table, inp_t)

# --- scband reference (transcript-rebuilt; emitter-appended) ---
"""Pipeline reference for scband-grid-encoder-74234214744826 (READ-ONLY COPY).

The authoritative reference and input builder live on the scoring server;
editing this copy changes nothing except your own understanding.
"""

import jax, jax.numpy as jnp
import numpy as np

R = 512   # base_resolution (per_level_scale=1 -> same resolution all 3 planes)
C = 32    # level_dim
B = 1048576
PAIRS = ((0, 1), (0, 2), (1, 2))  # (xy, xz, yz) coordinate pairs per plane


def setup_inputs(seed: int = 0) -> dict:
    key = jax.random.key(seed)
    k1, k2 = jax.random.split(key)
    triplane_ = jax.random.normal(k1, (3, 1, C, R, R), dtype=jnp.float32) * 0.1
    inputs = jax.random.uniform(k2, (B, 3), dtype=jnp.float32)
    return {"triplane_": triplane_, "inputs": inputs}


def _grid_encode(triplane_, inputs, bound=1.0):
    # GridEncoder.forward: normalize coords to [0, 1]
    x = (inputs + bound) / (2.0 * bound)
    x = jnp.clip(x, 0.0, 1.0)
    x = x.reshape(-1, 3)
    # triplane_.squeeze().permute(0,2,3,1).reshape(-1, level_dim)
    tp = jnp.squeeze(triplane_, axis=1)            # [3, C, R, R]
    tp = jnp.transpose(tp, (0, 2, 3, 1))           # [3, R, R, C]
    table = tp.reshape(-1, C)                      # [3*R*R, C], offsets = l*R*R
    out = jnp.zeros((x.shape[0], C), dtype=jnp.float32)
    for l, (a, b) in enumerate(PAIRS):
        # align_corners=True linear interpolation at resolution R
        u = x[:, a] * (R - 1)
        v = x[:, b] * (R - 1)
        u0 = jnp.clip(jnp.floor(u).astype(jnp.int32), 0, R - 2)
        v0 = jnp.clip(jnp.floor(v).astype(jnp.int32), 0, R - 2)
        fu = (u - u0.astype(jnp.float32))[:, None]
        fv = (v - v0.astype(jnp.float32))[:, None]
        base = l * R * R
        i00 = base + u0 * R + v0
        i01 = i00 + 1
        i10 = i00 + R
        i11 = i10 + 1
        e00 = jnp.take(table, i00, axis=0)
        e01 = jnp.take(table, i01, axis=0)
        e10 = jnp.take(table, i10, axis=0)
        e11 = jnp.take(table, i11, axis=0)
        plane = (e00 * (1 - fu) * (1 - fv) + e01 * (1 - fu) * fv
                 + e10 * fu * (1 - fv) + e11 * fu * fv)
        out = out + plane  # outputs reduced over the 3 planes -> [B, C]
    return out


def reference(triplane_, inputs):
    return _grid_encode(triplane_, inputs, bound=1.0)

if __name__ == "__main__":
    import jax
    _d = setup_inputs()
    print(jax.jit(kernel)(*tuple(_d.values())))

</pallas_src>

<mosaic_0001>
#map = affine_map<(d0, d1) -> (0, 0)>
#map1 = affine_map<(d0, d1) -> (0)>
module attributes {stable_mosaic.version = 14 : i64} {
  func.func @_grid_body(%arg0: i32, %arg1: i32, %arg2: memref<786432x32xf32, #tpu.memory_space<hbm>>, %arg3: memref<3145728xf32, #tpu.memory_space<hbm>>, %arg4: memref<1048576x32xf32, #tpu.memory_space<hbm>>, %arg5: memref<384xf32, #tpu.memory_space<vmem>>, %arg6: memref<384xf32, #tpu.memory_space<vmem>>, %arg7: memref<12x128xi32, #tpu.memory_space<vmem>>, %arg8: memref<12x128xi32, #tpu.memory_space<vmem>>, %arg9: memref<12x128xf32, #tpu.memory_space<vmem>>, %arg10: memref<12x128xf32, #tpu.memory_space<vmem>>, %arg11: memref<1536x32xf32, #tpu.memory_space<vmem>>, %arg12: memref<1536x32xf32, #tpu.memory_space<vmem>>, %arg13: memref<128x32xf32, #tpu.memory_space<vmem>>, %arg14: memref<128x32xf32, #tpu.memory_space<vmem>>, %arg15: memref<!tpu.dma_semaphore, #tpu.memory_space<semaphore_mem>>, %arg16: memref<!tpu.dma_semaphore, #tpu.memory_space<semaphore_mem>>, %arg17: memref<!tpu.dma_semaphore, #tpu.memory_space<semaphore_mem>>, %arg18: memref<!tpu.dma_semaphore, #tpu.memory_space<semaphore_mem>>, %arg19: memref<!tpu.dma_semaphore, #tpu.memory_space<semaphore_mem>>, %arg20: memref<!tpu.dma_semaphore, #tpu.memory_space<semaphore_mem>>) attributes {dimension_semantics = [#tpu.dimension_semantics<core_parallel>, #tpu.dimension_semantics<subcore_parallel>], iteration_bounds = array<i64: 2, 16>, scalar_prefetch = 0 : i64, scratch_operands = 16 : i64, tpu.core_type = #tpu.core_type<sc_vector_subcore>, window_params = [{transform_indices = #map}, {transform_indices = #map1}, {transform_indices = #map}]} {
    %mul3A = arith.constant 2 : i32
    %mul3A_0 = arith.muli %arg1, %mul3A : i32
    %add3A = arith.addi %mul3A_0, %arg0 : i32
    %mul3A_1 = arith.constant 32768 : i32
    %mul3A_2 = arith.muli %add3A, %mul3A_1 : i32
    %iota3A = tpu.iota {dimensions = array<i32: 0>} : vector<16xi32>
    %add3A_3 = arith.constant 0 : i32
    %add3A_4 = arith.addi %mul3A_2, %add3A_3 : i32
    %add3A_5 = arith.constant 0 : i32
    %add3A_6 = arith.addi %add3A_5, %add3A_4 : i32
    %dma_start3A = arith.constant 0 : i32
    %dma_start3A_7 = tpu.memref_slice %arg5[%dma_start3A] : memref<384xf32, #tpu.memory_space<vmem>> -> memref<128xf32, #tpu.memory_space<vmem>>
    %dma_start3A_8 = tpu.memref_slice %arg3[%add3A_6] : memref<3145728xf32, #tpu.memory_space<hbm>> -> memref<128xf32, #tpu.memory_space<hbm>>
    %dma_start3A_9 = arith.constant 0 : i32
    %dma_start3A_10 = tpu.memref_slice %arg5[%dma_start3A_9] : memref<384xf32, #tpu.memory_space<vmem>> -> memref<128xf32, #tpu.memory_space<vmem>>
    %dma_start3A_11 = tpu.memref_slice %arg3[%add3A_6] : memref<3145728xf32, #tpu.memory_space<hbm>> -> memref<128xf32, #tpu.memory_space<hbm>>
    tpu.enqueue_dma source(%dma_start3A_11 : memref<128xf32, #tpu.memory_space<hbm>>) target(%dma_start3A_10 : memref<128xf32, #tpu.memory_space<vmem>>) target_semaphore(%arg19 : memref<!tpu.dma_semaphore, #tpu.memory_space<semaphore_mem>>)
    %add3A_12 = arith.constant 1048576 : i32
    %add3A_13 = arith.addi %add3A_12, %add3A_4 : i32
    %dma_start3A_14 = arith.constant 128 : i32
    %dma_start3A_15 = tpu.memref_slice %arg5[%dma_start3A_14] : memref<384xf32, #tpu.memory_space<vmem>> -> memref<128xf32, #tpu.memory_space<vmem>>
    %dma_start3A_16 = tpu.memref_slice %arg3[%add3A_13] : memref<3145728xf32, #tpu.memory_space<hbm>> -> memref<128xf32, #tpu.memory_space<hbm>>
    %dma_start3A_17 = arith.constant 128 : i32
    %dma_start3A_18 = tpu.memref_slice %arg5[%dma_start3A_17] : memref<384xf32, #tpu.memory_space<vmem>> -> memref<128xf32, #tpu.memory_space<vmem>>
    %dma_start3A_19 = tpu.memref_slice %arg3[%add3A_13] : memref<3145728xf32, #tpu.memory_space<hbm>> -> memref<128xf32, #tpu.memory_space<hbm>>
    tpu.enqueue_dma source(%dma_start3A_19 : memref<128xf32, #tpu.memory_space<hbm>>) target(%dma_start3A_18 : memref<128xf32, #tpu.memory_space<vmem>>) target_semaphore(%arg19 : memref<!tpu.dma_semaphore, #tpu.memory_space<semaphore_mem>>)
    %add3A_20 = arith.constant 2097152 : i32
    %add3A_21 = arith.addi %add3A_20, %add3A_4 : i32
    %dma_start3A_22 = arith.constant 256 : i32
    %dma_start3A_23 = tpu.memref_slice %arg5[%dma_start3A_22] : memref<384xf32, #tpu.memory_space<vmem>> -> memref<128xf32, #tpu.memory_space<vmem>>
    %dma_start3A_24 = tpu.memref_slice %arg3[%add3A_21] : memref<3145728xf32, #tpu.memory_space<hbm>> -> memref<128xf32, #tpu.memory_space<hbm>>
    %dma_start3A_25 = arith.constant 256 : i32
    %dma_start3A_26 = tpu.memref_slice %arg5[%dma_start3A_25] : memref<384xf32, #tpu.memory_space<vmem>> -> memref<128xf32, #tpu.memory_space<vmem>>
    %dma_start3A_27 = tpu.memref_slice %arg3[%add3A_21] : memref<3145728xf32, #tpu.memory_space<hbm>> -> memref<128xf32, #tpu.memory_space<hbm>>
    tpu.enqueue_dma source(%dma_start3A_27 : memref<128xf32, #tpu.memory_space<hbm>>) target(%dma_start3A_26 : memref<128xf32, #tpu.memory_space<vmem>>) target_semaphore(%arg19 : memref<!tpu.dma_semaphore, #tpu.memory_space<semaphore_mem>>)
    %add3A_28 = arith.constant 128 : i32
    %add3A_29 = arith.addi %mul3A_2, %add3A_28 : i32
    %add3A_30 = arith.constant 0 : i32
    %add3A_31 = arith.addi %add3A_30, %add3A_29 : i32
    %dma_start3A_32 = arith.constant 0 : i32
    %dma_start3A_33 = tpu.memref_slice %arg6[%dma_start3A_32] : memref<384xf32, #tpu.memory_space<vmem>> -> memref<128xf32, #tpu.memory_space<vmem>>
    %dma_start3A_34 = tpu.memref_slice %arg3[%add3A_31] : memref<3145728xf32, #tpu.memory_space<hbm>> -> memref<128xf32, #tpu.memory_space<hbm>>
    %dma_start3A_35 = arith.constant 0 : i32
    %dma_start3A_36 = tpu.memref_slice %arg6[%dma_start3A_35] : memref<384xf32, #tpu.memory_space<vmem>> -> memref<128xf32, #tpu.memory_space<vmem>>
    %dma_start3A_37 = tpu.memref_slice %arg3[%add3A_31] : memref<3145728xf32, #tpu.memory_space<hbm>> -> memref<128xf32, #tpu.memory_space<hbm>>
    tpu.enqueue_dma source(%dma_start3A_37 : memref<128xf32, #tpu.memory_space<hbm>>) target(%dma_start3A_36 : memref<128xf32, #tpu.memory_space<vmem>>) target_semaphore(%arg20 : memref<!tpu.dma_semaphore, #tpu.memory_space<semaphore_mem>>)
    %add3A_38 = arith.constant 1048576 : i32
    %add3A_39 = arith.addi %add3A_38, %add3A_29 : i32
    %dma_start3A_40 = arith.constant 128 : i32
    %dma_start3A_41 = tpu.memref_slice %arg6[%dma_start3A_40] : memref<384xf32, #tpu.memory_space<vmem>> -> memref<128xf32, #tpu.memory_space<vmem>>
    %dma_start3A_42 = tpu.memref_slice %arg3[%add3A_39] : memref<3145728xf32, #tpu.memory_space<hbm>> -> memref<128xf32, #tpu.memory_space<hbm>>
    %dma_start3A_43 = arith.constant 128 : i32
    %dma_start3A_44 = tpu.memref_slice %arg6[%dma_start3A_43] : memref<384xf32, #tpu.memory_space<vmem>> -> memref<128xf32, #tpu.memory_space<vmem>>
    %dma_start3A_45 = tpu.memref_slice %arg3[%add3A_39] : memref<3145728xf32, #tpu.memory_space<hbm>> -> memref<128xf32, #tpu.memory_space<hbm>>
    tpu.enqueue_dma source(%dma_start3A_45 : memref<128xf32, #tpu.memory_space<hbm>>) target(%dma_start3A_44 : memref<128xf32, #tpu.memory_space<vmem>>) target_semaphore(%arg20 : memref<!tpu.dma_semaphore, #tpu.memory_space<semaphore_mem>>)
    %add3A_46 = arith.constant 2097152 : i32
    %add3A_47 = arith.addi %add3A_46, %add3A_29 : i32
    %dma_start3A_48 = arith.constant 256 : i32
    %dma_start3A_49 = tpu.memref_slice %arg6[%dma_start3A_48] : memref<384xf32, #tpu.memory_space<vmem>> -> memref<128xf32, #tpu.memory_space<vmem>>
    %dma_start3A_50 = tpu.memref_slice %arg3[%add3A_47] : memref<3145728xf32, #tpu.memory_space<hbm>> -> memref<128xf32, #tpu.memory_space<hbm>>
    %dma_start3A_51 = arith.constant 256 : i32
    %dma_start3A_52 = tpu.memref_slice %arg6[%dma_start3A_51] : memref<384xf32, #tpu.memory_space<vmem>> -> memref<128xf32, #tpu.memory_space<vmem>>
    %dma_start3A_53 = tpu.memref_slice %arg3[%add3A_47] : memref<3145728xf32, #tpu.memory_space<hbm>> -> memref<128xf32, #tpu.memory_space<hbm>>
    tpu.enqueue_dma source(%dma_start3A_53 : memref<128xf32, #tpu.memory_space<hbm>>) target(%dma_start3A_52 : memref<128xf32, #tpu.memory_space<vmem>>) target_semaphore(%arg20 : memref<!tpu.dma_semaphore, #tpu.memory_space<semaphore_mem>>)
    %add3A_54 = arith.constant 0 : i32
    %add3A_55 = arith.addi %mul3A_2, %add3A_54 : i32
    %add3A_56 = arith.constant 0 : i32
    %add3A_57 = arith.addi %add3A_56, %add3A_55 : i32
    %dma_wait3A = arith.constant 0 : i32
    %dma_wait3A_58 = tpu.memref_slice %arg5[%dma_wait3A] : memref<384xf32, #tpu.memory_space<vmem>> -> memref<128xf32, #tpu.memory_space<vmem>>
    %dma_wait3A_59 = tpu.memref_slice %arg3[%add3A_57] : memref<3145728xf32, #tpu.memory_space<hbm>> -> memref<128xf32, #tpu.memory_space<hbm>>
    %dma_wait3A_60 = arith.constant 0 : i32
    %dma_wait3A_61 = tpu.memref_slice %arg5[%dma_wait3A_60] : memref<384xf32, #tpu.memory_space<vmem>> -> memref<128xf32, #tpu.memory_space<vmem>>
    %dma_wait3A_62 = tpu.memref_slice %arg3[%add3A_57] : memref<3145728xf32, #tpu.memory_space<hbm>> -> memref<128xf32, #tpu.memory_space<hbm>>
    tpu.wait_dma2 semaphore(%arg19 : memref<!tpu.dma_semaphore, #tpu.memory_space<semaphore_mem>>) src(%dma_wait3A_62 : memref<128xf32, #tpu.memory_space<hbm>>) dst(%dma_wait3A_61 : memref<128xf32, #tpu.memory_space<vmem>>)
    %add3A_63 = arith.constant 1048576 : i32
    %add3A_64 = arith.addi %add3A_63, %add3A_55 : i32
    %dma_wait3A_65 = arith.constant 128 : i32
    %dma_wait3A_66 = tpu.memref_slice %arg5[%dma_wait3A_65] : memref<384xf32, #tpu.memory_space<vmem>> -> memref<128xf32, #tpu.memory_space<vmem>>
    %dma_wait3A_67 = tpu.memref_slice %arg3[%add3A_64] : memref<3145728xf32, #tpu.memory_space<hbm>> -> memref<128xf32, #tpu.memory_space<hbm>>
    %dma_wait3A_68 = arith.constant 128 : i32
    %dma_wait3A_69 = tpu.memref_slice %arg5[%dma_wait3A_68] : memref<384xf32, #tpu.memory_space<vmem>> -> memref<128xf32, #tpu.memory_space<vmem>>
    %dma_wait3A_70 = tpu.memref_slice %arg3[%add3A_64] : memref<3145728xf32, #tpu.memory_space<hbm>> -> memref<128xf32, #tpu.memory_space<hbm>>
    tpu.wait_dma2 semaphore(%arg19 : memref<!tpu.dma_semaphore, #tpu.memory_space<semaphore_mem>>) src(%dma_wait3A_70 : memref<128xf32, #tpu.memory_space<hbm>>) dst(%dma_wait3A_69 : memref<128xf32, #tpu.memory_space<vmem>>)
    %add3A_71 = arith.constant 2097152 : i32
    %add3A_72 = arith.addi %add3A_71, %add3A_55 : i32
    %dma_wait3A_73 = arith.constant 256 : i32
    %dma_wait3A_74 = tpu.memref_slice %arg5[%dma_wait3A_73] : memref<384xf32, #tpu.memory_space<vmem>> -> memref<128xf32, #tpu.memory_space<vmem>>
    %dma_wait3A_75 = tpu.memref_slice %arg3[%add3A_72] : memref<3145728xf32, #tpu.memory_space<hbm>> -> memref<128xf32, #tpu.memory_space<hbm>>
    %dma_wait3A_76 = arith.constant 256 : i32
    %dma_wait3A_77 = tpu.memref_slice %arg5[%dma_wait3A_76] : memref<384xf32, #tpu.memory_space<vmem>> -> memref<128xf32, #tpu.memory_space<vmem>>
    %dma_wait3A_78 = tpu.memref_slice %arg3[%add3A_72] : memref<3145728xf32, #tpu.memory_space<hbm>> -> memref<128xf32, #tpu.memory_space<hbm>>
    tpu.wait_dma2 semaphore(%arg19 : memref<!tpu.dma_semaphore, #tpu.memory_space<semaphore_mem>>) src(%dma_wait3A_78 : memref<128xf32, #tpu.memory_space<hbm>>) dst(%dma_wait3A_77 : memref<128xf32, #tpu.memory_space<vmem>>)
    %scan3A = arith.constant 0 : i32
    %scan3A_79 = arith.constant 0 : i32
    %scan3A_80 = arith.constant 8 : i32
    %scan3A_81 = arith.addi %scan3A_79, %scan3A_80 : i32
    %scan3A_82 = arith.constant 1 : i32
    scf.for %scan3A_222 = %scan3A_79 to %scan3A_81 step %scan3A_82  : i32 {
      %mul3A_223 = arith.constant 16 : i32
      %mul3A_224 = arith.muli %scan3A_222, %mul3A_223 : i32
      %add3A_225 = arith.constant 0 : i32
      %add3A_226 = arith.addi %add3A_225, %mul3A_224 : i32
      %get3A = arith.index_cast %add3A_226 : i32 to index
      %get3A_227 = tpu.vector_load %arg5[%get3A] {strides = array<i32>} : memref<384xf32, #tpu.memory_space<vmem>>, vector<16xf32>,
      %add3A_228 = arith.constant 1.000000e+00 : f32
      %add3A_229 = vector.broadcast %add3A_228 : f32 to vector<16xf32>
      %add3A_230 = arith.addf %get3A_227, %add3A_229 : vector<16xf32>
      %mul3A_231 = arith.constant 5.000000e-01 : f32
      %mul3A_232 = vector.broadcast %mul3A_231 : f32 to vector<16xf32>
      %mul3A_233 = arith.mulf %add3A_230, %mul3A_232 : vector<16xf32>
      %jit3A = arith.constant 0.000000e+00 : f32
      %jit3A_234 = arith.constant 1.000000e+00 : f32
      %max3A = vector.broadcast %jit3A : f32 to vector<16xf32>
      %max3A_235 = arith.maximumf %max3A, %mul3A_233 : vector<16xf32>
      %min3A = vector.broadcast %jit3A_234 : f32 to vector<16xf32>
      %min3A_236 = arith.minimumf %min3A, %max3A_235 : vector<16xf32>
      %mul3A_237 = arith.constant 5.110000e+02 : f32
      %mul3A_238 = vector.broadcast %mul3A_237 : f32 to vector<16xf32>
      %mul3A_239 = arith.mulf %min3A_236, %mul3A_238 : vector<16xf32>
      %convert_element_type3A = arith.fptosi %mul3A_239 : vector<16xf32> to vector<16xi32>
      %min3A_240 = arith.constant 510 : i32
      %min3A_241 = vector.broadcast %min3A_240 : i32 to vector<16xi32>
      %min3A_242 = arith.minsi %convert_element_type3A, %min3A_241 : vector<16xi32>
      %convert_element_type3A_243 = arith.sitofp %min3A_242 : vector<16xi32> to vector<16xf32>
      %sub3A = arith.subf %mul3A_239, %convert_element_type3A_243 : vector<16xf32>
      %add3A_244 = arith.constant 128 : i32
      %add3A_245 = arith.addi %add3A_244, %mul3A_224 : i32
      %get3A_246 = arith.index_cast %add3A_245 : i32 to index
      %get3A_247 = tpu.vector_load %arg5[%get3A_246] {strides = array<i32>} : memref<384xf32, #tpu.memory_space<vmem>>, vector<16xf32>,
      %add3A_248 = arith.constant 1.000000e+00 : f32
      %add3A_249 = vector.broadcast %add3A_248 : f32 to vector<16xf32>
      %add3A_250 = arith.addf %get3A_247, %add3A_249 : vector<16xf32>
      %mul3A_251 = arith.constant 5.000000e-01 : f32
      %mul3A_252 = vector.broadcast %mul3A_251 : f32 to vector<16xf32>
      %mul3A_253 = arith.mulf %add3A_250, %mul3A_252 : vector<16xf32>
      %jit3A_254 = arith.constant 0.000000e+00 : f32
      %jit3A_255 = arith.constant 1.000000e+00 : f32
      %max3A_256 = vector.broadcast %jit3A_254 : f32 to vector<16xf32>
      %max3A_257 = arith.maximumf %max3A_256, %mul3A_253 : vector<16xf32>
      %min3A_258 = vector.broadcast %jit3A_255 : f32 to vector<16xf32>
      %min3A_259 = arith.minimumf %min3A_258, %max3A_257 : vector<16xf32>
      %mul3A_260 = arith.constant 5.110000e+02 : f32
      %mul3A_261 = vector.broadcast %mul3A_260 : f32 to vector<16xf32>
      %mul3A_262 = arith.mulf %min3A_259, %mul3A_261 : vector<16xf32>
      %convert_element_type3A_263 = arith.fptosi %mul3A_262 : vector<16xf32> to vector<16xi32>
      %min3A_264 = arith.constant 510 : i32
      %min3A_265 = vector.broadcast %min3A_264 : i32 to vector<16xi32>
      %min3A_266 = arith.minsi %convert_element_type3A_263, %min3A_265 : vector<16xi32>
      %convert_element_type3A_267 = arith.sitofp %min3A_266 : vector<16xi32> to vector<16xf32>
      %sub3A_268 = arith.subf %mul3A_262, %convert_element_type3A_267 : vector<16xf32>
      %add3A_269 = arith.constant 256 : i32
      %add3A_270 = arith.addi %add3A_269, %mul3A_224 : i32
      %get3A_271 = arith.index_cast %add3A_270 : i32 to index
      %get3A_272 = tpu.vector_load %arg5[%get3A_271] {strides = array<i32>} : memref<384xf32, #tpu.memory_space<vmem>>, vector<16xf32>,
      %add3A_273 = arith.constant 1.000000e+00 : f32
      %add3A_274 = vector.broadcast %add3A_273 : f32 to vector<16xf32>
      %add3A_275 = arith.addf %get3A_272, %add3A_274 : vector<16xf32>
      %mul3A_276 = arith.constant 5.000000e-01 : f32
      %mul3A_277 = vector.broadcast %mul3A_276 : f32 to vector<16xf32>
      %mul3A_278 = arith.mulf %add3A_275, %mul3A_277 : vector<16xf32>
      %jit3A_279 = arith.constant 0.000000e+00 : f32
      %jit3A_280 = arith.constant 1.000000e+00 : f32
      %max3A_281 = vector.broadcast %jit3A_279 : f32 to vector<16xf32>
      %max3A_282 = arith.maximumf %max3A_281, %mul3A_278 : vector<16xf32>
      %min3A_283 = vector.broadcast %jit3A_280 : f32 to vector<16xf32>
      %min3A_284 = arith.minimumf %min3A_283, %max3A_282 : vector<16xf32>
      %mul3A_285 = arith.constant 5.110000e+02 : f32
      %mul3A_286 = vector.broadcast %mul3A_285 : f32 to vector<16xf32>
      %mul3A_287 = arith.mulf %min3A_284, %mul3A_286 : vector<16xf32>
      %convert_element_type3A_288 = arith.fptosi %mul3A_287 : vector<16xf32> to vector<16xi32>
      %min3A_289 = arith.constant 510 : i32
      %min3A_290 = vector.broadcast %min3A_289 : i32 to vector<16xi32>
      %min3A_291 = arith.minsi %convert_element_type3A_288, %min3A_290 : vector<16xi32>
      %convert_element_type3A_292 = arith.sitofp %min3A_291 : vector<16xi32> to vector<16xf32>
      %sub3A_293 = arith.subf %mul3A_287, %convert_element_type3A_292 : vector<16xf32>
      %mul3A_294 = arith.constant 512 : i32
      %mul3A_295 = vector.broadcast %mul3A_294 : i32 to vector<16xi32>
      %mul3A_296 = arith.muli %min3A_242, %mul3A_295 : vector<16xi32>
      %add3A_297 = arith.addi %mul3A_296, %min3A_266 : vector<16xi32>
      %add3A_298 = arith.constant 0 : i32
      %add3A_299 = vector.broadcast %add3A_298 : i32 to vector<16xi32>
      %add3A_300 = arith.addi %add3A_297, %add3A_299 : vector<16xi32>
      %sub3A_301 = arith.constant 1.000000e+00 : f32
      %sub3A_302 = vector.broadcast %sub3A_301 : f32 to vector<16xf32>
      %sub3A_303 = arith.subf %sub3A_302, %sub3A : vector<16xf32>
      %sub3A_304 = arith.constant 1.000000e+00 : f32
      %sub3A_305 = vector.broadcast %sub3A_304 : f32 to vector<16xf32>
      %sub3A_306 = arith.subf %sub3A_305, %sub3A_268 : vector<16xf32>
      %swap3A = arith.constant 0 : i32
      %swap3A_307 = arith.index_cast %swap3A : i32 to index
      %swap3A_308 = arith.index_cast %mul3A_224 : i32 to index
      %swap3A_309 = tpu.vector_load %arg7[%swap3A_307, %swap3A_308] {strides = array<i32>} : memref<12x128xi32, #tpu.memory_space<vmem>>, vector<16xi32>,
      tpu.vector_store %arg7[%swap3A_307, %swap3A_308], %add3A_300 {strides = array<i32>} : memref<12x128xi32, #tpu.memory_space<vmem>>, vector<16xi32>,
      %add3A_310 = arith.constant 1 : i32
      %add3A_311 = vector.broadcast %add3A_310 : i32 to vector<16xi32>
      %add3A_312 = arith.addi %add3A_300, %add3A_311 : vector<16xi32>
      %swap3A_313 = arith.constant 1 : i32
      %swap3A_314 = arith.index_cast %swap3A_313 : i32 to index
      %swap3A_315 = arith.index_cast %mul3A_224 : i32 to index
      %swap3A_316 = tpu.vector_load %arg7[%swap3A_314, %swap3A_315] {strides = array<i32>} : memref<12x128xi32, #tpu.memory_space<vmem>>, vector<16xi32>,
      tpu.vector_store %arg7[%swap3A_314, %swap3A_315], %add3A_312 {strides = array<i32>} : memref<12x128xi32, #tpu.memory_space<vmem>>, vector<16xi32>,
      %add3A_317 = arith.constant 512 : i32
      %add3A_318 = vector.broadcast %add3A_317 : i32 to vector<16xi32>
      %add3A_319 = arith.addi %add3A_300, %add3A_318 : vector<16xi32>
      %swap3A_320 = arith.constant 2 : i32
      %swap3A_321 = arith.index_cast %swap3A_320 : i32 to index
      %swap3A_322 = arith.index_cast %mul3A_224 : i32 to index
      %swap3A_323 = tpu.vector_load %arg7[%swap3A_321, %swap3A_322] {strides = array<i32>} : memref<12x128xi32, #tpu.memory_space<vmem>>, vector<16xi32>,
      tpu.vector_store %arg7[%swap3A_321, %swap3A_322], %add3A_319 {strides = array<i32>} : memref<12x128xi32, #tpu.memory_space<vmem>>, vector<16xi32>,
      %add3A_324 = arith.constant 513 : i32
      %add3A_325 = vector.broadcast %add3A_324 : i32 to vector<16xi32>
      %add3A_326 = arith.addi %add3A_300, %add3A_325 : vector<16xi32>
      %swap3A_327 = arith.constant 3 : i32
      %swap3A_328 = arith.index_cast %swap3A_327 : i32 to index
      %swap3A_329 = arith.index_cast %mul3A_224 : i32 to index
      %swap3A_330 = tpu.vector_load %arg7[%swap3A_328, %swap3A_329] {strides = array<i32>} : memref<12x128xi32, #tpu.memory_space<vmem>>, vector<16xi32>,
      tpu.vector_store %arg7[%swap3A_328, %swap3A_329], %add3A_326 {strides = array<i32>} : memref<12x128xi32, #tpu.memory_space<vmem>>, vector<16xi32>,
      %mul3A_331 = arith.mulf %sub3A_303, %sub3A_306 : vector<16xf32>
      %swap3A_332 = arith.constant 0 : i32
      %swap3A_333 = arith.index_cast %swap3A_332 : i32 to index
      %swap3A_334 = arith.index_cast %mul3A_224 : i32 to index
      %swap3A_335 = tpu.vector_load %arg9[%swap3A_333, %swap3A_334] {strides = array<i32>} : memref<12x128xf32, #tpu.memory_space<vmem>>, vector<16xf32>,
      tpu.vector_store %arg9[%swap3A_333, %swap3A_334], %mul3A_331 {strides = array<i32>} : memref<12x128xf32, #tpu.memory_space<vmem>>, vector<16xf32>,
      %mul3A_336 = arith.mulf %sub3A_303, %sub3A_268 : vector<16xf32>
      %swap3A_337 = arith.constant 1 : i32
      %swap3A_338 = arith.index_cast %swap3A_337 : i32 to index
      %swap3A_339 = arith.index_cast %mul3A_224 : i32 to index
      %swap3A_340 = tpu.vector_load %arg9[%swap3A_338, %swap3A_339] {strides = array<i32>} : memref<12x128xf32, #tpu.memory_space<vmem>>, vector<16xf32>,
      tpu.vector_store %arg9[%swap3A_338, %swap3A_339], %mul3A_336 {strides = array<i32>} : memref<12x128xf32, #tpu.memory_space<vmem>>, vector<16xf32>,
      %mul3A_341 = arith.mulf %sub3A, %sub3A_306 : vector<16xf32>
      %swap3A_342 = arith.constant 2 : i32
      %swap3A_343 = arith.index_cast %swap3A_342 : i32 to index
      %swap3A_344 = arith.index_cast %mul3A_224 : i32 to index
      %swap3A_345 = tpu.vector_load %arg9[%swap3A_343, %swap3A_344] {strides = array<i32>} : memref<12x128xf32, #tpu.memory_space<vmem>>, vector<16xf32>,
      tpu.vector_store %arg9[%swap3A_343, %swap3A_344], %mul3A_341 {strides = array<i32>} : memref<12x128xf32, #tpu.memory_space<vmem>>, vector<16xf32>,
      %mul3A_346 = arith.mulf %sub3A, %sub3A_268 : vector<16xf32>
      %swap3A_347 = arith.constant 3 : i32
      %swap3A_348 = arith.index_cast %swap3A_347 : i32 to index
      %swap3A_349 = arith.index_cast %mul3A_224 : i32 to index
      %swap3A_350 = tpu.vector_load %arg9[%swap3A_348, %swap3A_349] {strides = array<i32>} : memref<12x128xf32, #tpu.memory_space<vmem>>, vector<16xf32>,
      tpu.vector_store %arg9[%swap3A_348, %swap3A_349], %mul3A_346 {strides = array<i32>} : memref<12x128xf32, #tpu.memory_space<vmem>>, vector<16xf32>,
      %mul3A_351 = arith.constant 512 : i32
      %mul3A_352 = vector.broadcast %mul3A_351 : i32 to vector<16xi32>
      %mul3A_353 = arith.muli %min3A_242, %mul3A_352 : vector<16xi32>
      %add3A_354 = arith.addi %mul3A_353, %min3A_291 : vector<16xi32>
      %add3A_355 = arith.constant 262144 : i32
      %add3A_356 = vector.broadcast %add3A_355 : i32 to vector<16xi32>
      %add3A_357 = arith.addi %add3A_354, %add3A_356 : vector<16xi32>
      %sub3A_358 = arith.constant 1.000000e+00 : f32
      %sub3A_359 = vector.broadcast %sub3A_358 : f32 to vector<16xf32>
      %sub3A_360 = arith.subf %sub3A_359, %sub3A : vector<16xf32>
      %sub3A_361 = arith.constant 1.000000e+00 : f32
      %sub3A_362 = vector.broadcast %sub3A_361 : f32 to vector<16xf32>
      %sub3A_363 = arith.subf %sub3A_362, %sub3A_293 : vector<16xf32>
      %swap3A_364 = arith.constant 4 : i32
      %swap3A_365 = arith.index_cast %swap3A_364 : i32 to index
      %swap3A_366 = arith.index_cast %mul3A_224 : i32 to index
      %swap3A_367 = tpu.vector_load %arg7[%swap3A_365, %swap3A_366] {strides = array<i32>} : memref<12x128xi32, #tpu.memory_space<vmem>>, vector<16xi32>,
      tpu.vector_store %arg7[%swap3A_365, %swap3A_366], %add3A_357 {strides = array<i32>} : memref<12x128xi32, #tpu.memory_space<vmem>>, vector<16xi32>,
      %add3A_368 = arith.constant 1 : i32
      %add3A_369 = vector.broadcast %add3A_368 : i32 to vector<16xi32>
      %add3A_370 = arith.addi %add3A_357, %add3A_369 : vector<16xi32>
      %swap3A_371 = arith.constant 5 : i32
      %swap3A_372 = arith.index_cast %swap3A_371 : i32 to index
      %swap3A_373 = arith.index_cast %mul3A_224 : i32 to index
      %swap3A_374 = tpu.vector_load %arg7[%swap3A_372, %swap3A_373] {strides = array<i32>} : memref<12x128xi32, #tpu.memory_space<vmem>>, vector<16xi32>,
      tpu.vector_store %arg7[%swap3A_372, %swap3A_373], %add3A_370 {strides = array<i32>} : memref<12x128xi32, #tpu.memory_space<vmem>>, vector<16xi32>,
      %add3A_375 = arith.constant 512 : i32
      %add3A_376 = vector.broadcast %add3A_375 : i32 to vector<16xi32>
      %add3A_377 = arith.addi %add3A_357, %add3A_376 : vector<16xi32>
      %swap3A_378 = arith.constant 6 : i32
      %swap3A_379 = arith.index_cast %swap3A_378 : i32 to index
      %swap3A_380 = arith.index_cast %mul3A_224 : i32 to index
      %swap3A_381 = tpu.vector_load %arg7[%swap3A_379, %swap3A_380] {strides = array<i32>} : memref<12x128xi32, #tpu.memory_space<vmem>>, vector<16xi32>,
      tpu.vector_store %arg7[%swap3A_379, %swap3A_380], %add3A_377 {strides = array<i32>} : memref<12x128xi32, #tpu.memory_space<vmem>>, vector<16xi32>,
      %add3A_382 = arith.constant 513 : i32
      %add3A_383 = vector.broadcast %add3A_382 : i32 to vector<16xi32>
      %add3A_384 = arith.addi %add3A_357, %add3A_383 : vector<16xi32>
      %swap3A_385 = arith.constant 7 : i32
      %swap3A_386 = arith.index_cast %swap3A_385 : i32 to index
      %swap3A_387 = arith.index_cast %mul3A_224 : i32 to index
      %swap3A_388 = tpu.vector_load %arg7[%swap3A_386, %swap3A_387] {strides = array<i32>} : memref<12x128xi32, #tpu.memory_space<vmem>>, vector<16xi32>,
      tpu.vector_store %arg7[%swap3A_386, %swap3A_387], %add3A_384 {strides = array<i32>} : memref<12x128xi32, #tpu.memory_space<vmem>>, vector<16xi32>,
      %mul3A_389 = arith.mulf %sub3A_360, %sub3A_363 : vector<16xf32>
      %swap3A_390 = arith.constant 4 : i32
      %swap3A_391 = arith.index_cast %swap3A_390 : i32 to index
      %swap3A_392 = arith.index_cast %mul3A_224 : i32 to index
      %swap3A_393 = tpu.vector_load %arg9[%swap3A_391, %swap3A_392] {strides = array<i32>} : memref<12x128xf32, #tpu.memory_space<vmem>>, vector<16xf32>,
      tpu.vector_store %arg9[%swap3A_391, %swap3A_392], %mul3A_389 {strides = array<i32>} : memref<12x128xf32, #tpu.memory_space<vmem>>, vector<16xf32>,
      %mul3A_394 = arith.mulf %sub3A_360, %sub3A_293 : vector<16xf32>
      %swap3A_395 = arith.constant 5 : i32
      %swap3A_396 = arith.index_cast %swap3A_395 : i32 to index
      %swap3A_397 = arith.index_cast %mul3A_224 : i32 to index
      %swap3A_398 = tpu.vector_load %arg9[%swap3A_396, %swap3A_397] {strides = array<i32>} : memref<12x128xf32, #tpu.memory_space<vmem>>, vector<16xf32>,
      tpu.vector_store %arg9[%swap3A_396, %swap3A_397], %mul3A_394 {strides = array<i32>} : memref<12x128xf32, #tpu.memory_space<vmem>>, vector<16xf32>,
      %mul3A_399 = arith.mulf %sub3A, %sub3A_363 : vector<16xf32>
      %swap3A_400 = arith.constant 6 : i32
      %swap3A_401 = arith.index_cast %swap3A_400 : i32 to index
      %swap3A_402 = arith.index_cast %mul3A_224 : i32 to index
      %swap3A_403 = tpu.vector_load %arg9[%swap3A_401, %swap3A_402] {strides = array<i32>} : memref<12x128xf32, #tpu.memory_space<vmem>>, vector<16xf32>,
      tpu.vector_store %arg9[%swap3A_401, %swap3A_402], %mul3A_399 {strides = array<i32>} : memref<12x128xf32, #tpu.memory_space<vmem>>, vector<16xf32>,
      %mul3A_404 = arith.mulf %sub3A, %sub3A_293 : vector<16xf32>
      %swap3A_405 = arith.constant 7 : i32
      %swap3A_406 = arith.index_cast %swap3A_405 : i32 to index
      %swap3A_407 = arith.index_cast %mul3A_224 : i32 to index
      %swap3A_408 = tpu.vector_load %arg9[%swap3A_406, %swap3A_407] {strides = array<i32>} : memref<12x128xf32, #tpu.memory_space<vmem>>, vector<16xf32>,
      tpu.vector_store %arg9[%swap3A_406, %swap3A_407], %mul3A_404 {strides = array<i32>} : memref<12x128xf32, #tpu.memory_space<vmem>>, vector<16xf32>,
      %mul3A_409 = arith.constant 512 : i32
      %mul3A_410 = vector.broadcast %mul3A_409 : i32 to vector<16xi32>
      %mul3A_411 = arith.muli %min3A_266, %mul3A_410 : vector<16xi32>
      %add3A_412 = arith.addi %mul3A_411, %min3A_291 : vector<16xi32>
      %add3A_413 = arith.constant 524288 : i32
      %add3A_414 = vector.broadcast %add3A_413 : i32 to vector<16xi32>
      %add3A_415 = arith.addi %add3A_412, %add3A_414 : vector<16xi32>
      %sub3A_416 = arith.constant 1.000000e+00 : f32
      %sub3A_417 = vector.broadcast %sub3A_416 : f32 to vector<16xf32>
      %sub3A_418 = arith.subf %sub3A_417, %sub3A_268 : vector<16xf32>
      %sub3A_419 = arith.constant 1.000000e+00 : f32
      %sub3A_420 = vector.broadcast %sub3A_419 : f32 to vector<16xf32>
      %sub3A_421 = arith.subf %sub3A_420, %sub3A_293 : vector<16xf32>
      %swap3A_422 = arith.constant 8 : i32
      %swap3A_423 = arith.index_cast %swap3A_422 : i32 to index
      %swap3A_424 = arith.index_cast %mul3A_224 : i32 to index
      %swap3A_425 = tpu.vector_load %arg7[%swap3A_423, %swap3A_424] {strides = array<i32>} : memref<12x128xi32, #tpu.memory_space<vmem>>, vector<16xi32>,
      tpu.vector_store %arg7[%swap3A_423, %swap3A_424], %add3A_415 {strides = array<i32>} : memref<12x128xi32, #tpu.memory_space<vmem>>, vector<16xi32>,
      %add3A_426 = arith.constant 1 : i32
      %add3A_427 = vector.broadcast %add3A_426 : i32 to vector<16xi32>
      %add3A_428 = arith.addi %add3A_415, %add3A_427 : vector<16xi32>
      %swap3A_429 = arith.constant 9 : i32
      %swap3A_430 = arith.index_cast %swap3A_429 : i32 to index
      %swap3A_431 = arith.index_cast %mul3A_224 : i32 to index
      %swap3A_432 = tpu.vector_load %arg7[%swap3A_430, %swap3A_431] {strides = array<i32>} : memref<12x128xi32, #tpu.memory_space<vmem>>, vector<16xi32>,
      tpu.vector_store %arg7[%swap3A_430, %swap3A_431], %add3A_428 {strides = array<i32>} : memref<12x128xi32, #tpu.memory_space<vmem>>, vector<16xi32>,
      %add3A_433 = arith.constant 512 : i32
      %add3A_434 = vector.broadcast %add3A_433 : i32 to vector<16xi32>
      %add3A_435 = arith.addi %add3A_415, %add3A_434 : vector<16xi32>
      %swap3A_436 = arith.constant 10 : i32
      %swap3A_437 = arith.index_cast %swap3A_436 : i32 to index
      %swap3A_438 = arith.index_cast %mul3A_224 : i32 to index
      %swap3A_439 = tpu.vector_load %arg7[%swap3A_437, %swap3A_438] {strides = array<i32>} : memref<12x128xi32, #tpu.memory_space<vmem>>, vector<16xi32>,
      tpu.vector_store %arg7[%swap3A_437, %swap3A_438], %add3A_435 {strides = array<i32>} : memref<12x128xi32, #tpu.memory_space<vmem>>, vector<16xi32>,
      %add3A_440 = arith.constant 513 : i32
      %add3A_441 = vector.broadcast %add3A_440 : i32 to vector<16xi32>
      %add3A_442 = arith.addi %add3A_415, %add3A_441 : vector<16xi32>
      %swap3A_443 = arith.constant 11 : i32
      %swap3A_444 = arith.index_cast %swap3A_443 : i32 to index
      %swap3A_445 = arith.index_cast %mul3A_224 : i32 to index
      %swap3A_446 = tpu.vector_load %arg7[%swap3A_444, %swap3A_445] {strides = array<i32>} : memref<12x128xi32, #tpu.memory_space<vmem>>, vector<16xi32>,
      tpu.vector_store %arg7[%swap3A_444, %swap3A_445], %add3A_442 {strides = array<i32>} : memref<12x128xi32, #tpu.memory_space<vmem>>, vector<16xi32>,
      %mul3A_447 = arith.mulf %sub3A_418, %sub3A_421 : vector<16xf32>
      %swap3A_448 = arith.constant 8 : i32
      %swap3A_449 = arith.index_cast %swap3A_448 : i32 to index
      %swap3A_450 = arith.index_cast %mul3A_224 : i32 to index
      %swap3A_451 = tpu.vector_load %arg9[%swap3A_449, %swap3A_450] {strides = array<i32>} : memref<12x128xf32, #tpu.memory_space<vmem>>, vector<16xf32>,
      tpu.vector_store %arg9[%swap3A_449, %swap3A_450], %mul3A_447 {strides = array<i32>} : memref<12x128xf32, #tpu.memory_space<vmem>>, vector<16xf32>,
      %mul3A_452 = arith.mulf %sub3A_418, %sub3A_293 : vector<16xf32>
      %swap3A_453 = arith.constant 9 : i32
      %swap3A_454 = arith.index_cast %swap3A_453 : i32 to index
      %swap3A_455 = arith.index_cast %mul3A_224 : i32 to index
      %swap3A_456 = tpu.vector_load %arg9[%swap3A_454, %swap3A_455] {strides = array<i32>} : memref<12x128xf32, #tpu.memory_space<vmem>>, vector<16xf32>,
      tpu.vector_store %arg9[%swap3A_454, %swap3A_455], %mul3A_452 {strides = array<i32>} : memref<12x128xf32, #tpu.memory_space<vmem>>, vector<16xf32>,
      %mul3A_457 = arith.mulf %sub3A_268, %sub3A_421 : vector<16xf32>
      %swap3A_458 = arith.constant 10 : i32
      %swap3A_459 = arith.index_cast %swap3A_458 : i32 to index
      %swap3A_460 = arith.index_cast %mul3A_224 : i32 to index
      %swap3A_461 = tpu.vector_load %arg9[%swap3A_459, %swap3A_460] {strides = array<i32>} : memref<12x128xf32, #tpu.memory_space<vmem>>, vector<16xf32>,
      tpu.vector_store %arg9[%swap3A_459, %swap3A_460], %mul3A_457 {strides = array<i32>} : memref<12x128xf32, #tpu.memory_space<vmem>>, vector<16xf32>,
      %mul3A_462 = arith.mulf %sub3A_268, %sub3A_293 : vector<16xf32>
      %swap3A_463 = arith.constant 11 : i32
      %swap3A_464 = arith.index_cast %swap3A_463 : i32 to index
      %swap3A_465 = arith.index_cast %mul3A_224 : i32 to index
      %swap3A_466 = tpu.vector_load %arg9[%swap3A_464, %swap3A_465] {strides = array<i32>} : memref<12x128xf32, #tpu.memory_space<vmem>>, vector<16xf32>,
      tpu.vector_store %arg9[%swap3A_464, %swap3A_465], %mul3A_462 {strides = array<i32>} : memref<12x128xf32, #tpu.memory_space<vmem>>, vector<16xf32>,
    }
    %scan3A_83 = arith.constant 8 : i32
    %dma_start3A_84 = arith.constant 0 : i32
    %dma_start3A_85 = arith.constant 0 : i32
    %dma_start3A_86 = arith.constant 0 : i32
    %dma_start3A_87 = tpu.memref_slice %arg11[%dma_start3A_85, %dma_start3A_86] : memref<1536x32xf32, #tpu.memory_space<vmem>> -> memref<128x32xf32, #tpu.memory_space<vmem>>
    %dma_start3A_88 = arith.constant 0 : i32
    %dma_start3A_89 = tpu.memref_slice %arg7[%dma_start3A_84, %dma_start3A_88] : memref<12x128xi32, #tpu.memory_space<vmem>> -> memref<1x128xi32, #tpu.memory_space<vmem>>
    %dma_start3A_90 = tpu.memref_squeeze %dma_start3A_89 : memref<1x128xi32, #tpu.memory_space<vmem>> -> memref<128xi32, #tpu.memory_space<vmem>>
    %dma_start3A_91 = arith.constant 0 : i32
    %dma_start3A_92 = arith.constant 0 : i32
    %dma_start3A_93 = tpu.memref_slice %arg2[%dma_start3A_91, %dma_start3A_92] : memref<786432x32xf32, #tpu.memory_space<hbm>> -> memref<786432x32xf32, #tpu.memory_space<hbm>>
    tpu.enqueue_indirect_dma source(%dma_start3A_93 : memref<786432x32xf32, #tpu.memory_space<hbm>>) target(%dma_start3A_87 : memref<128x32xf32, #tpu.memory_space<vmem>>) offsets(%dma_start3A_90 : memref<128xi32, #tpu.memory_space<vmem>>) semaphore(%arg15 : memref<!tpu.dma_semaphore, #tpu.memory_space<semaphore_mem>>)
    %dma_start3A_94 = arith.constant 1 : i32
    %dma_start3A_95 = arith.constant 128 : i32
    %dma_start3A_96 = arith.constant 0 : i32
    %dma_start3A_97 = tpu.memref_slice %arg11[%dma_start3A_95, %dma_start3A_96] : memref<1536x32xf32, #tpu.memory_space<vmem>> -> memref<128x32xf32, #tpu.memory_space<vmem>>
    %dma_start3A_98 = arith.constant 0 : i32
    %dma_start3A_99 = tpu.memref_slice %arg7[%dma_start3A_94, %dma_start3A_98] : memref<12x128xi32, #tpu.memory_space<vmem>> -> memref<1x128xi32, #tpu.memory_space<vmem>>
    %dma_start3A_100 = tpu.memref_squeeze %dma_start3A_99 : memref<1x128xi32, #tpu.memory_space<vmem>> -> memref<128xi32, #tpu.memory_space<vmem>>
    %dma_start3A_101 = arith.constant 0 : i32
    %dma_start3A_102 = arith.constant 0 : i32
    %dma_start3A_103 = tpu.memref_slice %arg2[%dma_start3A_101, %dma_start3A_102] : memref<786432x32xf32, #tpu.memory_space<hbm>> -> memref<786432x32xf32, #tpu.memory_space<hbm>>
    tpu.enqueue_indirect_dma source(%dma_start3A_103 : memref<786432x32xf32, #tpu.memory_space<hbm>>) target(%dma_start3A_97 : memref<128x32xf32, #tpu.memory_space<vmem>>) offsets(%dma_start3A_100 : memref<128xi32, #tpu.memory_space<vmem>>) semaphore(%arg15 : memref<!tpu.dma_semaphore, #tpu.memory_space<semaphore_mem>>)
    %dma_start3A_104 = arith.constant 2 : i32
    %dma_start3A_105 = arith.constant 256 : i32
    %dma_start3A_106 = arith.constant 0 : i32
    %dma_start3A_107 = tpu.memref_slice %arg11[%dma_start3A_105, %dma_start3A_106] : memref<1536x32xf32, #tpu.memory_space<vmem>> -> memref<128x32xf32, #tpu.memory_space<vmem>>
    %dma_start3A_108 = arith.constant 0 : i32
    %dma_start3A_109 = tpu.memref_slice %arg7[%dma_start3A_104, %dma_start3A_108] : memref<12x128xi32, #tpu.memory_space<vmem>> -> memref<1x128xi32, #tpu.memory_space<vmem>>
    %dma_start3A_110 = tpu.memref_squeeze %dma_start3A_109 : memref<1x128xi32, #tpu.memory_space<vmem>> -> memref<128xi32, #tpu.memory_space<vmem>>
    %dma_start3A_111 = arith.constant 0 : i32
    %dma_start3A_112 = arith.constant 0 : i32
    %dma_start3A_113 = tpu.memref_slice %arg2[%dma_start3A_111, %dma_start3A_112] : memref<786432x32xf32, #tpu.memory_space<hbm>> -> memref<786432x32xf32, #tpu.memory_space<hbm>>
    tpu.enqueue_indirect_dma source(%dma_start3A_113 : memref<786432x32xf32, #tpu.memory_space<hbm>>) target(%dma_start3A_107 : memref<128x32xf32, #tpu.memory_space<vmem>>) offsets(%dma_start3A_110 : memref<128xi32, #tpu.memory_space<vmem>>) semaphore(%arg15 : memref<!tpu.dma_semaphore, #tpu.memory_space<semaphore_mem>>)
    %dma_start3A_114 = arith.constant 3 : i32
    %dma_start3A_115 = arith.constant 384 : i32
    %dma_start3A_116 = arith.constant 0 : i32
    %dma_start3A_117 = tpu.memref_slice %arg11[%dma_start3A_115, %dma_start3A_116] : memref<1536x32xf32, #tpu.memory_space<vmem>> -> memref<128x32xf32, #tpu.memory_space<vmem>>
    %dma_start3A_118 = arith.constant 0 : i32
    %dma_start3A_119 = tpu.memref_slice %arg7[%dma_start3A_114, %dma_start3A_118] : memref<12x128xi32, #tpu.memory_space<vmem>> -> memref<1x128xi32, #tpu.memory_space<vmem>>
    %dma_start3A_120 = tpu.memref_squeeze %dma_start3A_119 : memref<1x128xi32, #tpu.memory_space<vmem>> -> memref<128xi32, #tpu.memory_space<vmem>>
    %dma_start3A_121 = arith.constant 0 : i32
    %dma_start3A_122 = arith.constant 0 : i32
    %dma_start3A_123 = tpu.memref_slice %arg2[%dma_start3A_121, %dma_start3A_122] : memref<786432x32xf32, #tpu.memory_space<hbm>> -> memref<786432x32xf32, #tpu.memory_space<hbm>>
    tpu.enqueue_indirect_dma source(%dma_start3A_123 : memref<786432x32xf32, #tpu.memory_space<hbm>>) target(%dma_start3A_117 : memref<128x32xf32, #tpu.memory_space<vmem>>) offsets(%dma_start3A_120 : memref<128xi32, #tpu.memory_space<vmem>>) semaphore(%arg15 : memref<!tpu.dma_semaphore, #tpu.memory_space<semaphore_mem>>)
    %dma_start3A_124 = arith.constant 4 : i32
    %dma_start3A_125 = arith.constant 512 : i32
    %dma_start3A_126 = arith.constant 0 : i32
    %dma_start3A_127 = tpu.memref_slice %arg11[%dma_start3A_125, %dma_start3A_126] : memref<1536x32xf32, #tpu.memory_space<vmem>> -> memref<128x32xf32, #tpu.memory_space<vmem>>
    %dma_start3A_128 = arith.constant 0 : i32
    %dma_start3A_129 = tpu.memref_slice %arg7[%dma_start3A_124, %dma_start3A_128] : memref<12x128xi32, #tpu.memory_space<vmem>> -> memref<1x128xi32, #tpu.memory_space<vmem>>
    %dma_start3A_130 = tpu.memref_squeeze %dma_start3A_129 : memref<1x128xi32, #tpu.memory_space<vmem>> -> memref<128xi32, #tpu.memory_space<vmem>>
    %dma_start3A_131 = arith.constant 0 : i32
    %dma_start3A_132 = arith.constant 0 : i32
    %dma_start3A_133 = tpu.memref_slice %arg2[%dma_start3A_131, %dma_start3A_132] : memref<786432x32xf32, #tpu.memory_space<hbm>> -> memref<786432x32xf32, #tpu.memory_space<hbm>>
    tpu.enqueue_indirect_dma source(%dma_start3A_133 : memref<786432x32xf32, #tpu.memory_space<hbm>>) target(%dma_start3A_127 : memref<128x32xf32, #tpu.memory_space<vmem>>) offsets(%dma_start3A_130 : memref<128xi32, #tpu.memory_space<vmem>>) semaphore(%arg15 : memref<!tpu.dma_semaphore, #tpu.memory_space<semaphore_mem>>)
    %dma_start3A_134 = arith.constant 5 : i32
    %dma_start3A_135 = arith.constant 640 : i32
    %dma_start3A_136 = arith.constant 0 : i32
    %dma_start3A_137 = tpu.memref_slice %arg11[%dma_start3A_135, %dma_start3A_136] : memref<1536x32xf32, #tpu.memory_space<vmem>> -> memref<128x32xf32, #tpu.memory_space<vmem>>
    %dma_start3A_138 = arith.constant 0 : i32
    %dma_start3A_139 = tpu.memref_slice %arg7[%dma_start3A_134, %dma_start3A_138] : memref<12x128xi32, #tpu.memory_space<vmem>> -> memref<1x128xi32, #tpu.memory_space<vmem>>
    %dma_start3A_140 = tpu.memref_squeeze %dma_start3A_139 : memref<1x128xi32, #tpu.memory_space<vmem>> -> memref<128xi32, #tpu.memory_space<vmem>>
    %dma_start3A_141 = arith.constant 0 : i32
    %dma_start3A_142 = arith.constant 0 : i32
    %dma_start3A_143 = tpu.memref_slice %arg2[%dma_start3A_141, %dma_start3A_142] : memref<786432x32xf32, #tpu.memory_space<hbm>> -> memref<786432x32xf32, #tpu.memory_space<hbm>>
    tpu.enqueue_indirect_dma source(%dma_start3A_143 : memref<786432x32xf32, #tpu.memory_space<hbm>>) target(%dma_start3A_137 : memref<128x32xf32, #tpu.memory_space<vmem>>) offsets(%dma_start3A_140 : memref<128xi32, #tpu.memory_space<vmem>>) semaphore(%arg15 : memref<!tpu.dma_semaphore, #tpu.memory_space<semaphore_mem>>)
    %dma_start3A_144 = arith.constant 6 : i32
    %dma_start3A_145 = arith.constant 768 : i32
    %dma_start3A_146 = arith.constant 0 : i32
    %dma_start3A_147 = tpu.memref_slice %arg11[%dma_start3A_145, %dma_start3A_146] : memref<1536x32xf32, #tpu.memory_space<vmem>> -> memref<128x32xf32, #tpu.memory_space<vmem>>
    %dma_start3A_148 = arith.constant 0 : i32
    %dma_start3A_149 = tpu.memref_slice %arg7[%dma_start3A_144, %dma_start3A_148] : memref<12x128xi32, #tpu.memory_space<vmem>> -> memref<1x128xi32, #tpu.memory_space<vmem>>
    %dma_start3A_150 = tpu.memref_squeeze %dma_start3A_149 : memref<1x128xi32, #tpu.memory_space<vmem>> -> memref<128xi32, #tpu.memory_space<vmem>>
    %dma_start3A_151 = arith.constant 0 : i32
    %dma_start3A_152 = arith.constant 0 : i32
    %dma_start3A_153 = tpu.memref_slice %arg2[%dma_start3A_151, %dma_start3A_152] : memref<786432x32xf32, #tpu.memory_space<hbm>> -> memref<786432x32xf32, #tpu.memory_space<hbm>>
    tpu.enqueue_indirect_dma source(%dma_start3A_153 : memref<786432x32xf32, #tpu.memory_space<hbm>>) target(%dma_start3A_147 : memref<128x32xf32, #tpu.memory_space<vmem>>) offsets(%dma_start3A_150 : memref<128xi32, #tpu.memory_space<vmem>>) semaphore(%arg15 : memref<!tpu.dma_semaphore, #tpu.memory_space<semaphore_mem>>)
    %dma_start3A_154 = arith.constant 7 : i32
    %dma_start3A_155 = arith.constant 896 : i32
    %dma_start3A_156 = arith.constant 0 : i32
    %dma_start3A_157 = tpu.memref_slice %arg11[%dma_start3A_155, %dma_start3A_156] : memref<1536x32xf32, #tpu.memory_space<vmem>> -> memref<128x32xf32, #tpu.memory_space<vmem>>
    %dma_start3A_158 = arith.constant 0 : i32
    %dma_start3A_159 = tpu.memref_slice %arg7[%dma_start3A_154, %dma_start3A_158] : memref<12x128xi32, #tpu.memory_space<vmem>> -> memref<1x128xi32, #tpu.memory_space<vmem>>
    %dma_start3A_160 = tpu.memref_squeeze %dma_start3A_159 : memref<1x128xi32, #tpu.memory_space<vmem>> -> memref<128xi32, #tpu.memory_space<vmem>>
    %dma_start3A_161 = arith.constant 0 : i32
    %dma_start3A_162 = arith.constant 0 : i32
    %dma_start3A_163 = tpu.memref_slice %arg2[%dma_start3A_161, %dma_start3A_162] : memref<786432x32xf32, #tpu.memory_space<hbm>> -> memref<786432x32xf32, #tpu.memory_space<hbm>>
    tpu.enqueue_indirect_dma source(%dma_start3A_163 : memref<786432x32xf32, #tpu.memory_space<hbm>>) target(%dma_start3A_157 : memref<128x32xf32, #tpu.memory_space<vmem>>) offsets(%dma_start3A_160 : memref<128xi32, #tpu.memory_space<vmem>>) semaphore(%arg15 : memref<!tpu.dma_semaphore, #tpu.memory_space<semaphore_mem>>)
    %dma_start3A_164 = arith.constant 8 : i32
    %dma_start3A_165 = arith.constant 1024 : i32
    %dma_start3A_166 = arith.constant 0 : i32
    %dma_start3A_167 = tpu.memref_slice %arg11[%dma_start3A_165, %dma_start3A_166] : memref<1536x32xf32, #tpu.memory_space<vmem>> -> memref<128x32xf32, #tpu.memory_space<vmem>>
    %dma_start3A_168 = arith.constant 0 : i32
    %dma_start3A_169 = tpu.memref_slice %arg7[%dma_start3A_164, %dma_start3A_168] : memref<12x128xi32, #tpu.memory_space<vmem>> -> memref<1x128xi32, #tpu.memory_space<vmem>>
    %dma_start3A_170 = tpu.memref_squeeze %dma_start3A_169 : memref<1x128xi32, #tpu.memory_space<vmem>> -> memref<128xi32, #tpu.memory_space<vmem>>
    %dma_start3A_171 = arith.constant 0 : i32
    %dma_start3A_172 = arith.constant 0 : i32
    %dma_start3A_173 = tpu.memref_slice %arg2[%dma_start3A_171, %dma_start3A_172] : memref<786432x32xf32, #tpu.memory_space<hbm>> -> memref<786432x32xf32, #tpu.memory_space<hbm>>
    tpu.enqueue_indirect_dma source(%dma_start3A_173 : memref<786432x32xf32, #tpu.memory_space<hbm>>) target(%dma_start3A_167 : memref<128x32xf32, #tpu.memory_space<vmem>>) offsets(%dma_start3A_170 : memref<128xi32, #tpu.memory_space<vmem>>) semaphore(%arg15 : memref<!tpu.dma_semaphore, #tpu.memory_space<semaphore_mem>>)
    %dma_start3A_174 = arith.constant 9 : i32
    %dma_start3A_175 = arith.constant 1152 : i32
    %dma_start3A_176 = arith.constant 0 : i32
    %dma_start3A_177 = tpu.memref_slice %arg11[%dma_start3A_175, %dma_start3A_176] : memref<1536x32xf32, #tpu.memory_space<vmem>> -> memref<128x32xf32, #tpu.memory_space<vmem>>
    %dma_start3A_178 = arith.constant 0 : i32
    %dma_start3A_179 = tpu.memref_slice %arg7[%dma_start3A_174, %dma_start3A_178] : memref<12x128xi32, #tpu.memory_space<vmem>> -> memref<1x128xi32, #tpu.memory_space<vmem>>
    %dma_start3A_180 = tpu.memref_squeeze %dma_start3A_179 : memref<1x128xi32, #tpu.memory_space<vmem>> -> memref<128xi32, #tpu.memory_space<vmem>>
    %dma_start3A_181 = arith.constant 0 : i32
    %dma_start3A_182 = arith.constant 0 : i32
    %dma_start3A_183 = tpu.memref_slice %arg2[%dma_start3A_181, %dma_start3A_182] : memref<786432x32xf32, #tpu.memory_space<hbm>> -> memref<786432x32xf32, #tpu.memory_space<hbm>>
    tpu.enqueue_indirect_dma source(%dma_start3A_183 : memref<786432x32xf32, #tpu.memory_space<hbm>>) target(%dma_start3A_177 : memref<128x32xf32, #tpu.memory_space<vmem>>) offsets(%dma_start3A_180 : memref<128xi32, #tpu.memory_space<vmem>>) semaphore(%arg15 : memref<!tpu.dma_semaphore, #tpu.memory_space<semaphore_mem>>)
    %dma_start3A_184 = arith.constant 10 : i32
    %dma_start3A_185 = arith.constant 1280 : i32
    %dma_start3A_186 = arith.constant 0 : i32
    %dma_start3A_187 = tpu.memref_slice %arg11[%dma_start3A_185, %dma_start3A_186] : memref<1536x32xf32, #tpu.memory_space<vmem>> -> memref<128x32xf32, #tpu.memory_space<vmem>>
    %dma_start3A_188 = arith.constant 0 : i32
    %dma_start3A_189 = tpu.memref_slice %arg7[%dma_start3A_184, %dma_start3A_188] : memref<12x128xi32, #tpu.memory_space<vmem>> -> memref<1x128xi32, #tpu.memory_space<vmem>>
    %dma_start3A_190 = tpu.memref_squeeze %dma_start3A_189 : memref<1x128xi32, #tpu.memory_space<vmem>> -> memref<128xi32, #tpu.memory_space<vmem>>
    %dma_start3A_191 = arith.constant 0 : i32
    %dma_start3A_192 = arith.constant 0 : i32
    %dma_start3A_193 = tpu.memref_slice %arg2[%dma_start3A_191, %dma_start3A_192] : memref<786432x32xf32, #tpu.memory_space<hbm>> -> memref<786432x32xf32, #tpu.memory_space<hbm>>
    tpu.enqueue_indirect_dma source(%dma_start3A_193 : memref<786432x32xf32, #tpu.memory_space<hbm>>) target(%dma_start3A_187 : memref<128x32xf32, #tpu.memory_space<vmem>>) offsets(%dma_start3A_190 : memref<128xi32, #tpu.memory_space<vmem>>) semaphore(%arg15 : memref<!tpu.dma_semaphore, #tpu.memory_space<semaphore_mem>>)
    %dma_start3A_194 = arith.constant 11 : i32
    %dma_start3A_195 = arith.constant 1408 : i32
    %dma_start3A_196 = arith.constant 0 : i32
    %dma_start3A_197 = tpu.memref_slice %arg11[%dma_start3A_195, %dma_start3A_196] : memref<1536x32xf32, #tpu.memory_space<vmem>> -> memref<128x32xf32, #tpu.memory_space<vmem>>
    %dma_start3A_198 = arith.constant 0 : i32
    %dma_start3A_199 = tpu.memref_slice %arg7[%dma_start3A_194, %dma_start3A_198] : memref<12x128xi32, #tpu.memory_space<vmem>> -> memref<1x128xi32, #tpu.memory_space<vmem>>
    %dma_start3A_200 = tpu.memref_squeeze %dma_start3A_199 : memref<1x128xi32, #tpu.memory_space<vmem>> -> memref<128xi32, #tpu.memory_space<vmem>>
    %dma_start3A_201 = arith.constant 0 : i32
    %dma_start3A_202 = arith.constant 0 : i32
    %dma_start3A_203 = tpu.memref_slice %arg2[%dma_start3A_201, %dma_start3A_202] : memref<786432x32xf32, #tpu.memory_space<hbm>> -> memref<786432x32xf32, #tpu.memory_space<hbm>>
    tpu.enqueue_indirect_dma source(%dma_start3A_203 : memref<786432x32xf32, #tpu.memory_space<hbm>>) target(%dma_start3A_197 : memref<128x32xf32, #tpu.memory_space<vmem>>) offsets(%dma_start3A_200 : memref<128xi32, #tpu.memory_space<vmem>>) semaphore(%arg15 : memref<!tpu.dma_semaphore, #tpu.memory_space<semaphore_mem>>)
    %scan3A_204 = arith.constant 0 : i32
    %scan3A_205 = arith.constant 0 : i32
    %scan3A_206 = arith.constant 128 : i32
    %scan3A_207 = arith.addi %scan3A_205, %scan3A_206 : i32
    %scan3A_208 = arith.constant 1 : i32
    scf.for %scan3A_222 = %scan3A_205 to %scan3A_207 step %scan3A_208  : i32 {
      %mul3A_223 = arith.constant 2 : i32
      %mul3A_224 = arith.muli %mul3A_223, %scan3A_222 : i32
      %add3A_225 = arith.constant 1 : i32
      %add3A_226 = arith.addi %mul3A_224, %add3A_225 : i32
      %lt3A = arith.constant 256 : i32
      %lt3A_227 = arith.cmpi slt, %add3A_226, %lt3A : i32
      %convert_element_type3A = arith.extui %lt3A_227 : i1 to i32
      %cond3A = arith.constant 0 : i32
      %cond3A_228 = arith.cmpi ne, %convert_element_type3A, %cond3A : i32
      scf.if %cond3A_228 {
        %mul3A_527 = arith.constant 128 : i32
        %mul3A_528 = arith.muli %add3A_226, %mul3A_527 : i32
        %add3A_529 = arith.addi %mul3A_2, %mul3A_528 : i32
        %add3A_530 = arith.constant 0 : i32
        %add3A_531 = arith.addi %add3A_530, %add3A_529 : i32
        %dma_wait3A_532 = arith.constant 0 : i32
        %dma_wait3A_533 = tpu.memref_slice %arg6[%dma_wait3A_532] : memref<384xf32, #tpu.memory_space<vmem>> -> memref<128xf32, #tpu.memory_space<vmem>>
        %dma_wait3A_534 = tpu.memref_slice %arg3[%add3A_531] : memref<3145728xf32, #tpu.memory_space<hbm>> -> memref<128xf32, #tpu.memory_space<hbm>>
        %dma_wait3A_535 = arith.constant 0 : i32
        %dma_wait3A_536 = tpu.memref_slice %arg6[%dma_wait3A_535] : memref<384xf32, #tpu.memory_space<vmem>> -> memref<128xf32, #tpu.memory_space<vmem>>
        %dma_wait3A_537 = tpu.memref_slice %arg3[%add3A_531] : memref<3145728xf32, #tpu.memory_space<hbm>> -> memref<128xf32, #tpu.memory_space<hbm>>
        tpu.wait_dma2 semaphore(%arg20 : memref<!tpu.dma_semaphore, #tpu.memory_space<semaphore_mem>>) src(%dma_wait3A_537 : memref<128xf32, #tpu.memory_space<hbm>>) dst(%dma_wait3A_536 : memref<128xf32, #tpu.memory_space<vmem>>)
        %add3A_538 = arith.constant 1048576 : i32
        %add3A_539 = arith.addi %add3A_538, %add3A_529 : i32
        %dma_wait3A_540 = arith.constant 128 : i32
        %dma_wait3A_541 = tpu.memref_slice %arg6[%dma_wait3A_540] : memref<384xf32, #tpu.memory_space<vmem>> -> memref<128xf32, #tpu.memory_space<vmem>>
        %dma_wait3A_542 = tpu.memref_slice %arg3[%add3A_539] : memref<3145728xf32, #tpu.memory_space<hbm>> -> memref<128xf32, #tpu.memory_space<hbm>>
        %dma_wait3A_543 = arith.constant 128 : i32
        %dma_wait3A_544 = tpu.memref_slice %arg6[%dma_wait3A_543] : memref<384xf32, #tpu.memory_space<vmem>> -> memref<128xf32, #tpu.memory_space<vmem>>
        %dma_wait3A_545 = tpu.memref_slice %arg3[%add3A_539] : memref<3145728xf32, #tpu.memory_space<hbm>> -> memref<128xf32, #tpu.memory_space<hbm>>
        tpu.wait_dma2 semaphore(%arg20 : memref<!tpu.dma_semaphore, #tpu.memory_space<semaphore_mem>>) src(%dma_wait3A_545 : memref<128xf32, #tpu.memory_space<hbm>>) dst(%dma_wait3A_544 : memref<128xf32, #tpu.memory_space<vmem>>)
        %add3A_546 = arith.constant 2097152 : i32
        %add3A_547 = arith.addi %add3A_546, %add3A_529 : i32
        %dma_wait3A_548 = arith.constant 256 : i32
        %dma_wait3A_549 = tpu.memref_slice %arg6[%dma_wait3A_548] : memref<384xf32, #tpu.memory_space<vmem>> -> memref<128xf32, #tpu.memory_space<vmem>>
        %dma_wait3A_550 = tpu.memref_slice %arg3[%add3A_547] : memref<3145728xf32, #tpu.memory_space<hbm>> -> memref<128xf32, #tpu.memory_space<hbm>>
        %dma_wait3A_551 = arith.constant 256 : i32
        %dma_wait3A_552 = tpu.memref_slice %arg6[%dma_wait3A_551] : memref<384xf32, #tpu.memory_space<vmem>> -> memref<128xf32, #tpu.memory_space<vmem>>
        %dma_wait3A_553 = tpu.memref_slice %arg3[%add3A_547] : memref<3145728xf32, #tpu.memory_space<hbm>> -> memref<128xf32, #tpu.memory_space<hbm>>
        tpu.wait_dma2 semaphore(%arg20 : memref<!tpu.dma_semaphore, #tpu.memory_space<semaphore_mem>>) src(%dma_wait3A_553 : memref<128xf32, #tpu.memory_space<hbm>>) dst(%dma_wait3A_552 : memref<128xf32, #tpu.memory_space<vmem>>)
        %scan3A_554 = arith.constant 0 : i32
        %scan3A_555 = arith.constant 0 : i32
        %scan3A_556 = arith.constant 8 : i32
        %scan3A_557 = arith.addi %scan3A_555, %scan3A_556 : i32
        %scan3A_558 = arith.constant 1 : i32
        scf.for %scan3A_680 = %scan3A_555 to %scan3A_557 step %scan3A_558  : i32 {
          %mul3A_681 = arith.constant 16 : i32
          %mul3A_682 = arith.muli %scan3A_680, %mul3A_681 : i32
          %add3A_683 = arith.constant 0 : i32
          %add3A_684 = arith.addi %add3A_683, %mul3A_682 : i32
          %get3A = arith.index_cast %add3A_684 : i32 to index
          %get3A_685 = tpu.vector_load %arg6[%get3A] {strides = array<i32>} : memref<384xf32, #tpu.memory_space<vmem>>, vector<16xf32>,
          %add3A_686 = arith.constant 1.000000e+00 : f32
          %add3A_687 = vector.broadcast %add3A_686 : f32 to vector<16xf32>
          %add3A_688 = arith.addf %get3A_685, %add3A_687 : vector<16xf32>
          %mul3A_689 = arith.constant 5.000000e-01 : f32
          %mul3A_690 = vector.broadcast %mul3A_689 : f32 to vector<16xf32>
          %mul3A_691 = arith.mulf %add3A_688, %mul3A_690 : vector<16xf32>
          %jit3A = arith.constant 0.000000e+00 : f32
          %jit3A_692 = arith.constant 1.000000e+00 : f32
          %max3A = vector.broadcast %jit3A : f32 to vector<16xf32>
          %max3A_693 = arith.maximumf %max3A, %mul3A_691 : vector<16xf32>
          %min3A = vector.broadcast %jit3A_692 : f32 to vector<16xf32>
          %min3A_694 = arith.minimumf %min3A, %max3A_693 : vector<16xf32>
          %mul3A_695 = arith.constant 5.110000e+02 : f32
          %mul3A_696 = vector.broadcast %mul3A_695 : f32 to vector<16xf32>
          %mul3A_697 = arith.mulf %min3A_694, %mul3A_696 : vector<16xf32>
          %convert_element_type3A_698 = arith.fptosi %mul3A_697 : vector<16xf32> to vector<16xi32>
          %min3A_699 = arith.constant 510 : i32
          %min3A_700 = vector.broadcast %min3A_699 : i32 to vector<16xi32>
          %min3A_701 = arith.minsi %convert_element_type3A_698, %min3A_700 : vector<16xi32>
          %convert_element_type3A_702 = arith.sitofp %min3A_701 : vector<16xi32> to vector<16xf32>
          %sub3A = arith.subf %mul3A_697, %convert_element_type3A_702 : vector<16xf32>
          %add3A_703 = arith.constant 128 : i32
          %add3A_704 = arith.addi %add3A_703, %mul3A_682 : i32
          %get3A_705 = arith.index_cast %add3A_704 : i32 to index
          %get3A_706 = tpu.vector_load %arg6[%get3A_705] {strides = array<i32>} : memref<384xf32, #tpu.memory_space<vmem>>, vector<16xf32>,
          %add3A_707 = arith.constant 1.000000e+00 : f32
          %add3A_708 = vector.broadcast %add3A_707 : f32 to vector<16xf32>
          %add3A_709 = arith.addf %get3A_706, %add3A_708 : vector<16xf32>
          %mul3A_710 = arith.constant 5.000000e-01 : f32
          %mul3A_711 = vector.broadcast %mul3A_710 : f32 to vector<16xf32>
          %mul3A_712 = arith.mulf %add3A_709, %mul3A_711 : vector<16xf32>
          %jit3A_713 = arith.constant 0.000000e+00 : f32
          %jit3A_714 = arith.constant 1.000000e+00 : f32
          %max3A_715 = vector.broadcast %jit3A_713 : f32 to vector<16xf32>
          %max3A_716 = arith.maximumf %max3A_715, %mul3A_712 : vector<16xf32>
          %min3A_717 = vector.broadcast %jit3A_714 : f32 to vector<16xf32>
          %min3A_718 = arith.minimumf %min3A_717, %max3A_716 : vector<16xf32>
          %mul3A_719 = arith.constant 5.110000e+02 : f32
          %mul3A_720 = vector.broadcast %mul3A_719 : f32 to vector<16xf32>
          %mul3A_721 = arith.mulf %min3A_718, %mul3A_720 : vector<16xf32>
          %convert_element_type3A_722 = arith.fptosi %mul3A_721 : vector<16xf32> to vector<16xi32>
          %min3A_723 = arith.constant 510 : i32
          %min3A_724 = vector.broadcast %min3A_723 : i32 to vector<16xi32>
          %min3A_725 = arith.minsi %convert_element_type3A_722, %min3A_724 : vector<16xi32>
          %convert_element_type3A_726 = arith.sitofp %min3A_725 : vector<16xi32> to vector<16xf32>
          %sub3A_727 = arith.subf %mul3A_721, %convert_element_type3A_726 : vector<16xf32>
          %add3A_728 = arith.constant 256 : i32
          %add3A_729 = arith.addi %add3A_728, %mul3A_682 : i32
          %get3A_730 = arith.index_cast %add3A_729 : i32 to index
          %get3A_731 = tpu.vector_load %arg6[%get3A_730] {strides = array<i32>} : memref<384xf32, #tpu.memory_space<vmem>>, vector<16xf32>,
          %add3A_732 = arith.constant 1.000000e+00 : f32
          %add3A_733 = vector.broadcast %add3A_732 : f32 to vector<16xf32>
          %add3A_734 = arith.addf %get3A_731, %add3A_733 : vector<16xf32>
          %mul3A_735 = arith.constant 5.000000e-01 : f32
          %mul3A_736 = vector.broadcast %mul3A_735 : f32 to vector<16xf32>
          %mul3A_737 = arith.mulf %add3A_734, %mul3A_736 : vector<16xf32>
          %jit3A_738 = arith.constant 0.000000e+00 : f32
          %jit3A_739 = arith.constant 1.000000e+00 : f32
          %max3A_740 = vector.broadcast %jit3A_738 : f32 to vector<16xf32>
          %max3A_741 = arith.maximumf %max3A_740, %mul3A_737 : vector<16xf32>
          %min3A_742 = vector.broadcast %jit3A_739 : f32 to vector<16xf32>
          %min3A_743 = arith.minimumf %min3A_742, %max3A_741 : vector<16xf32>
          %mul3A_744 = arith.constant 5.110000e+02 : f32
          %mul3A_745 = vector.broadcast %mul3A_744 : f32 to vector<16xf32>
          %mul3A_746 = arith.mulf %min3A_743, %mul3A_745 : vector<16xf32>
          %convert_element_type3A_747 = arith.fptosi %mul3A_746 : vector<16xf32> to vector<16xi32>
          %min3A_748 = arith.constant 510 : i32
          %min3A_749 = vector.broadcast %min3A_748 : i32 to vector<16xi32>
          %min3A_750 = arith.minsi %convert_element_type3A_747, %min3A_749 : vector<16xi32>
          %convert_element_type3A_751 = arith.sitofp %min3A_750 : vector<16xi32> to vector<16xf32>
          %sub3A_752 = arith.subf %mul3A_746, %convert_element_type3A_751 : vector<16xf32>
          %mul3A_753 = arith.constant 512 : i32
          %mul3A_754 = vector.broadcast %mul3A_753 : i32 to vector<16xi32>
          %mul3A_755 = arith.muli %min3A_701, %mul3A_754 : vector<16xi32>
          %add3A_756 = arith.addi %mul3A_755, %min3A_725 : vector<16xi32>
          %add3A_757 = arith.constant 0 : i32
          %add3A_758 = vector.broadcast %add3A_757 : i32 to vector<16xi32>
          %add3A_759 = arith.addi %add3A_756, %add3A_758 : vector<16xi32>
          %sub3A_760 = arith.constant 1.000000e+00 : f32
          %sub3A_761 = vector.broadcast %sub3A_760 : f32 to vector<16xf32>
          %sub3A_762 = arith.subf %sub3A_761, %sub3A : vector<16xf32>
          %sub3A_763 = arith.constant 1.000000e+00 : f32
          %sub3A_764 = vector.broadcast %sub3A_763 : f32 to vector<16xf32>
          %sub3A_765 = arith.subf %sub3A_764, %sub3A_727 : vector<16xf32>
          %swap3A = arith.constant 0 : i32
          %swap3A_766 = arith.index_cast %swap3A : i32 to index
          %swap3A_767 = arith.index_cast %mul3A_682 : i32 to index
          %swap3A_768 = tpu.vector_load %arg8[%swap3A_766, %swap3A_767] {strides = array<i32>} : memref<12x128xi32, #tpu.memory_space<vmem>>, vector<16xi32>,
          tpu.vector_store %arg8[%swap3A_766, %swap3A_767], %add3A_759 {strides = array<i32>} : memref<12x128xi32, #tpu.memory_space<vmem>>, vector<16xi32>,
          %add3A_769 = arith.constant 1 : i32
          %add3A_770 = vector.broadcast %add3A_769 : i32 to vector<16xi32>
          %add3A_771 = arith.addi %add3A_759, %add3A_770 : vector<16xi32>
          %swap3A_772 = arith.constant 1 : i32
          %swap3A_773 = arith.index_cast %swap3A_772 : i32 to index
          %swap3A_774 = arith.index_cast %mul3A_682 : i32 to index
          %swap3A_775 = tpu.vector_load %arg8[%swap3A_773, %swap3A_774] {strides = array<i32>} : memref<12x128xi32, #tpu.memory_space<vmem>>, vector<16xi32>,
          tpu.vector_store %arg8[%swap3A_773, %swap3A_774], %add3A_771 {strides = array<i32>} : memref<12x128xi32, #tpu.memory_space<vmem>>, vector<16xi32>,
          %add3A_776 = arith.constant 512 : i32
          %add3A_777 = vector.broadcast %add3A_776 : i32 to vector<16xi32>
          %add3A_778 = arith.addi %add3A_759, %add3A_777 : vector<16xi32>
          %swap3A_779 = arith.constant 2 : i32
          %swap3A_780 = arith.index_cast %swap3A_779 : i32 to index
          %swap3A_781 = arith.index_cast %mul3A_682 : i32 to index
          %swap3A_782 = tpu.vector_load %arg8[%swap3A_780, %swap3A_781] {strides = array<i32>} : memref<12x128xi32, #tpu.memory_space<vmem>>, vector<16xi32>,
          tpu.vector_store %arg8[%swap3A_780, %swap3A_781], %add3A_778 {strides = array<i32>} : memref<12x128xi32, #tpu.memory_space<vmem>>, vector<16xi32>,
          %add3A_783 = arith.constant 513 : i32
          %add3A_784 = vector.broadcast %add3A_783 : i32 to vector<16xi32>
          %add3A_785 = arith.addi %add3A_759, %add3A_784 : vector<16xi32>
          %swap3A_786 = arith.constant 3 : i32
          %swap3A_787 = arith.index_cast %swap3A_786 : i32 to index
          %swap3A_788 = arith.index_cast %mul3A_682 : i32 to index
          %swap3A_789 = tpu.vector_load %arg8[%swap3A_787, %swap3A_788] {strides = array<i32>} : memref<12x128xi32, #tpu.memory_space<vmem>>, vector<16xi32>,
          tpu.vector_store %arg8[%swap3A_787, %swap3A_788], %add3A_785 {strides = array<i32>} : memref<12x128xi32, #tpu.memory_space<vmem>>, vector<16xi32>,
          %mul3A_790 = arith.mulf %sub3A_762, %sub3A_765 : vector<16xf32>
          %swap3A_791 = arith.constant 0 : i32
          %swap3A_792 = arith.index_cast %swap3A_791 : i32 to index
          %swap3A_793 = arith.index_cast %mul3A_682 : i32 to index
          %swap3A_794 = tpu.vector_load %arg10[%swap3A_792, %swap3A_793] {strides = array<i32>} : memref<12x128xf32, #tpu.memory_space<vmem>>, vector<16xf32>,
          tpu.vector_store %arg10[%swap3A_792, %swap3A_793], %mul3A_790 {strides = array<i32>} : memref<12x128xf32, #tpu.memory_space<vmem>>, vector<16xf32>,
          %mul3A_795 = arith.mulf %sub3A_762, %sub3A_727 : vector<16xf32>
          %swap3A_796 = arith.constant 1 : i32
          %swap3A_797 = arith.index_cast %swap3A_796 : i32 to index
          %swap3A_798 = arith.index_cast %mul3A_682 : i32 to index
          %swap3A_799 = tpu.vector_load %arg10[%swap3A_797, %swap3A_798] {strides = array<i32>} : memref<12x128xf32, #tpu.memory_space<vmem>>, vector<16xf32>,
          tpu.vector_store %arg10[%swap3A_797, %swap3A_798], %mul3A_795 {strides = array<i32>} : memref<12x128xf32, #tpu.memory_space<vmem>>, vector<16xf32>,
          %mul3A_800 = arith.mulf %sub3A, %sub3A_765 : vector<16xf32>
          %swap3A_801 = arith.constant 2 : i32
          %swap3A_802 = arith.index_cast %swap3A_801 : i32 to index
          %swap3A_803 = arith.index_cast %mul3A_682 : i32 to index
          %swap3A_804 = tpu.vector_load %arg10[%swap3A_802, %swap3A_803] {strides = array<i32>} : memref<12x128xf32, #tpu.memory_space<vmem>>, vector<16xf32>,
          tpu.vector_store %arg10[%swap3A_802, %swap3A_803], %mul3A_800 {strides = array<i32>} : memref<12x128xf32, #tpu.memory_space<vmem>>, vector<16xf32>,
          %mul3A_805 = arith.mulf %sub3A, %sub3A_727 : vector<16xf32>
          %swap3A_806 = arith.constant 3 : i32
          %swap3A_807 = arith.index_cast %swap3A_806 : i32 to index
          %swap3A_808 = arith.index_cast %mul3A_682 : i32 to index
          %swap3A_809 = tpu.vector_load %arg10[%swap3A_807, %swap3A_808] {strides = array<i32>} : memref<12x128xf32, #tpu.memory_space<vmem>>, vector<16xf32>,
          tpu.vector_store %arg10[%swap3A_807, %swap3A_808], %mul3A_805 {strides = array<i32>} : memref<12x128xf32, #tpu.memory_space<vmem>>, vector<16xf32>,
          %mul3A_810 = arith.constant 512 : i32
          %mul3A_811 = vector.broadcast %mul3A_810 : i32 to vector<16xi32>
          %mul3A_812 = arith.muli %min3A_701, %mul3A_811 : vector<16xi32>
          %add3A_813 = arith.addi %mul3A_812, %min3A_750 : vector<16xi32>
          %add3A_814 = arith.constant 262144 : i32
          %add3A_815 = vector.broadcast %add3A_814 : i32 to vector<16xi32>
          %add3A_816 = arith.addi %add3A_813, %add3A_815 : vector<16xi32>
          %sub3A_817 = arith.constant 1.000000e+00 : f32
          %sub3A_818 = vector.broadcast %sub3A_817 : f32 to vector<16xf32>
          %sub3A_819 = arith.subf %sub3A_818, %sub3A : vector<16xf32>
          %sub3A_820 = arith.constant 1.000000e+00 : f32
          %sub3A_821 = vector.broadcast %sub3A_820 : f32 to vector<16xf32>
          %sub3A_822 = arith.subf %sub3A_821, %sub3A_752 : vector<16xf32>
          %swap3A_823 = arith.constant 4 : i32
          %swap3A_824 = arith.index_cast %swap3A_823 : i32 to index
          %swap3A_825 = arith.index_cast %mul3A_682 : i32 to index
          %swap3A_826 = tpu.vector_load %arg8[%swap3A_824, %swap3A_825] {strides = array<i32>} : memref<12x128xi32, #tpu.memory_space<vmem>>, vector<16xi32>,
          tpu.vector_store %arg8[%swap3A_824, %swap3A_825], %add3A_816 {strides = array<i32>} : memref<12x128xi32, #tpu.memory_space<vmem>>, vector<16xi32>,
          %add3A_827 = arith.constant 1 : i32
          %add3A_828 = vector.broadcast %add3A_827 : i32 to vector<16xi32>
          %add3A_829 = arith.addi %add3A_816, %add3A_828 : vector<16xi32>
          %swap3A_830 = arith.constant 5 : i32
          %swap3A_831 = arith.index_cast %swap3A_830 : i32 to index
          %swap3A_832 = arith.index_cast %mul3A_682 : i32 to index
          %swap3A_833 = tpu.vector_load %arg8[%swap3A_831, %swap3A_832] {strides = array<i32>} : memref<12x128xi32, #tpu.memory_space<vmem>>, vector<16xi32>,
          tpu.vector_store %arg8[%swap3A_831, %swap3A_832], %add3A_829 {strides = array<i32>} : memref<12x128xi32, #tpu.memory_space<vmem>>, vector<16xi32>,
          %add3A_834 = arith.constant 512 : i32
          %add3A_835 = vector.broadcast %add3A_834 : i32 to vector<16xi32>
          %add3A_836 = arith.addi %add3A_816, %add3A_835 : vector<16xi32>
          %swap3A_837 = arith.constant 6 : i32
          %swap3A_838 = arith.index_cast %swap3A_837 : i32 to index
          %swap3A_839 = arith.index_cast %mul3A_682 : i32 to index
          %swap3A_840 = tpu.vector_load %arg8[%swap3A_838, %swap3A_839] {strides = array<i32>} : memref<12x128xi32, #tpu.memory_space<vmem>>, vector<16xi32>,
          tpu.vector_store %arg8[%swap3A_838, %swap3A_839], %add3A_836 {strides = array<i32>} : memref<12x128xi32, #tpu.memory_space<vmem>>, vector<16xi32>,
          %add3A_841 = arith.constant 513 : i32
          %add3A_842 = vector.broadcast %add3A_841 : i32 to vector<16xi32>
          %add3A_843 = arith.addi %add3A_816, %add3A_842 : vector<16xi32>
          %swap3A_844 = arith.constant 7 : i32
          %swap3A_845 = arith.index_cast %swap3A_844 : i32 to index
          %swap3A_846 = arith.index_cast %mul3A_682 : i32 to index
          %swap3A_847 = tpu.vector_load %arg8[%swap3A_845, %swap3A_846] {strides = array<i32>} : memref<12x128xi32, #tpu.memory_space<vmem>>, vector<16xi32>,
          tpu.vector_store %arg8[%swap3A_845, %swap3A_846], %add3A_843 {strides = array<i32>} : memref<12x128xi32, #tpu.memory_space<vmem>>, vector<16xi32>,
          %mul3A_848 = arith.mulf %sub3A_819, %sub3A_822 : vector<16xf32>
          %swap3A_849 = arith.constant 4 : i32
          %swap3A_850 = arith.index_cast %swap3A_849 : i32 to index
          %swap3A_851 = arith.index_cast %mul3A_682 : i32 to index
          %swap3A_852 = tpu.vector_load %arg10[%swap3A_850, %swap3A_851] {strides = array<i32>} : memref<12x128xf32, #tpu.memory_space<vmem>>, vector<16xf32>,
          tpu.vector_store %arg10[%swap3A_850, %swap3A_851], %mul3A_848 {strides = array<i32>} : memref<12x128xf32, #tpu.memory_space<vmem>>, vector<16xf32>,
          %mul3A_853 = arith.mulf %sub3A_819, %sub3A_752 : vector<16xf32>
          %swap3A_854 = arith.constant 5 : i32
          %swap3A_855 = arith.index_cast %swap3A_854 : i32 to index
          %swap3A_856 = arith.index_cast %mul3A_682 : i32 to index
          %swap3A_857 = tpu.vector_load %arg10[%swap3A_855, %swap3A_856] {strides = array<i32>} : memref<12x128xf32, #tpu.memory_space<vmem>>, vector<16xf32>,
          tpu.vector_store %arg10[%swap3A_855, %swap3A_856], %mul3A_853 {strides = array<i32>} : memref<12x128xf32, #tpu.memory_space<vmem>>, vector<16xf32>,
          %mul3A_858 = arith.mulf %sub3A, %sub3A_822 : vector<16xf32>
          %swap3A_859 = arith.constant 6 : i32
          %swap3A_860 = arith.index_cast %swap3A_859 : i32 to index
          %swap3A_861 = arith.index_cast %mul3A_682 : i32 to index
          %swap3A_862 = tpu.vector_load %arg10[%swap3A_860, %swap3A_861] {strides = array<i32>} : memref<12x128xf32, #tpu.memory_space<vmem>>, vector<16xf32>,
          tpu.vector_store %arg10[%swap3A_860, %swap3A_861], %mul3A_858 {strides = array<i32>} : memref<12x128xf32, #tpu.memory_space<vmem>>, vector<16xf32>,
          %mul3A_863 = arith.mulf %sub3A, %sub3A_752 : vector<16xf32>
          %swap3A_864 = arith.constant 7 : i32
          %swap3A_865 = arith.index_cast %swap3A_864 : i32 to index
          %swap3A_866 = arith.index_cast %mul3A_682 : i32 to index
          %swap3A_867 = tpu.vector_load %arg10[%swap3A_865, %swap3A_866] {strides = array<i32>} : memref<12x128xf32, #tpu.memory_space<vmem>>, vector<16xf32>,
          tpu.vector_store %arg10[%swap3A_865, %swap3A_866], %mul3A_863 {strides = array<i32>} : memref<12x128xf32, #tpu.memory_space<vmem>>, vector<16xf32>,
          %mul3A_868 = arith.constant 512 : i32
          %mul3A_869 = vector.broadcast %mul3A_868 : i32 to vector<16xi32>
          %mul3A_870 = arith.muli %min3A_725, %mul3A_869 : vector<16xi32>
          %add3A_871 = arith.addi %mul3A_870, %min3A_750 : vector<16xi32>
          %add3A_872 = arith.constant 524288 : i32
          %add3A_873 = vector.broadcast %add3A_872 : i32 to vector<16xi32>
          %add3A_874 = arith.addi %add3A_871, %add3A_873 : vector<16xi32>
          %sub3A_875 = arith.constant 1.000000e+00 : f32
          %sub3A_876 = vector.broadcast %sub3A_875 : f32 to vector<16xf32>
          %sub3A_877 = arith.subf %sub3A_876, %sub3A_727 : vector<16xf32>
          %sub3A_878 = arith.constant 1.000000e+00 : f32
          %sub3A_879 = vector.broadcast %sub3A_878 : f32 to vector<16xf32>
          %sub3A_880 = arith.subf %sub3A_879, %sub3A_752 : vector<16xf32>
          %swap3A_881 = arith.constant 8 : i32
          %swap3A_882 = arith.index_cast %swap3A_881 : i32 to index
          %swap3A_883 = arith.index_cast %mul3A_682 : i32 to index
          %swap3A_884 = tpu.vector_load %arg8[%swap3A_882, %swap3A_883] {strides = array<i32>} : memref<12x128xi32, #tpu.memory_space<vmem>>, vector<16xi32>,
          tpu.vector_store %arg8[%swap3A_882, %swap3A_883], %add3A_874 {strides = array<i32>} : memref<12x128xi32, #tpu.memory_space<vmem>>, vector<16xi32>,
          %add3A_885 = arith.constant 1 : i32
          %add3A_886 = vector.broadcast %add3A_885 : i32 to vector<16xi32>
          %add3A_887 = arith.addi %add3A_874, %add3A_886 : vector<16xi32>
          %swap3A_888 = arith.constant 9 : i32
          %swap3A_889 = arith.index_cast %swap3A_888 : i32 to index
          %swap3A_890 = arith.index_cast %mul3A_682 : i32 to index
          %swap3A_891 = tpu.vector_load %arg8[%swap3A_889, %swap3A_890] {strides = array<i32>} : memref<12x128xi32, #tpu.memory_space<vmem>>, vector<16xi32>,
          tpu.vector_store %arg8[%swap3A_889, %swap3A_890], %add3A_887 {strides = array<i32>} : memref<12x128xi32, #tpu.memory_space<vmem>>, vector<16xi32>,
          %add3A_892 = arith.constant 512 : i32
          %add3A_893 = vector.broadcast %add3A_892 : i32 to vector<16xi32>
          %add3A_894 = arith.addi %add3A_874, %add3A_893 : vector<16xi32>
          %swap3A_895 = arith.constant 10 : i32
          %swap3A_896 = arith.index_cast %swap3A_895 : i32 to index
          %swap3A_897 = arith.index_cast %mul3A_682 : i32 to index
          %swap3A_898 = tpu.vector_load %arg8[%swap3A_896, %swap3A_897] {strides = array<i32>} : memref<12x128xi32, #tpu.memory_space<vmem>>, vector<16xi32>,
          tpu.vector_store %arg8[%swap3A_896, %swap3A_897], %add3A_894 {strides = array<i32>} : memref<12x128xi32, #tpu.memory_space<vmem>>, vector<16xi32>,
          %add3A_899 = arith.constant 513 : i32
          %add3A_900 = vector.broadcast %add3A_899 : i32 to vector<16xi32>
          %add3A_901 = arith.addi %add3A_874, %add3A_900 : vector<16xi32>
          %swap3A_902 = arith.constant 11 : i32
          %swap3A_903 = arith.index_cast %swap3A_902 : i32 to index
          %swap3A_904 = arith.index_cast %mul3A_682 : i32 to index
          %swap3A_905 = tpu.vector_load %arg8[%swap3A_903, %swap3A_904] {strides = array<i32>} : memref<12x128xi32, #tpu.memory_space<vmem>>, vector<16xi32>,
          tpu.vector_store %arg8[%swap3A_903, %swap3A_904], %add3A_901 {strides = array<i32>} : memref<12x128xi32, #tpu.memory_space<vmem>>, vector<16xi32>,
          %mul3A_906 = arith.mulf %sub3A_877, %sub3A_880 : vector<16xf32>
          %swap3A_907 = arith.constant 8 : i32
          %swap3A_908 = arith.index_cast %swap3A_907 : i32 to index
          %swap3A_909 = arith.index_cast %mul3A_682 : i32 to index
          %swap3A_910 = tpu.vector_load %arg10[%swap3A_908, %swap3A_909] {strides = array<i32>} : memref<12x128xf32, #tpu.memory_space<vmem>>, vector<16xf32>,
          tpu.vector_store %arg10[%swap3A_908, %swap3A_909], %mul3A_906 {strides = array<i32>} : memref<12x128xf32, #tpu.memory_space<vmem>>, vector<16xf32>,
          %mul3A_911 = arith.mulf %sub3A_877, %sub3A_752 : vector<16xf32>
          %swap3A_912 = arith.constant 9 : i32
          %swap3A_913 = arith.index_cast %swap3A_912 : i32 to index
          %swap3A_914 = arith.index_cast %mul3A_682 : i32 to index
          %swap3A_915 = tpu.vector_load %arg10[%swap3A_913, %swap3A_914] {strides = array<i32>} : memref<12x128xf32, #tpu.memory_space<vmem>>, vector<16xf32>,
          tpu.vector_store %arg10[%swap3A_913, %swap3A_914], %mul3A_911 {strides = array<i32>} : memref<12x128xf32, #tpu.memory_space<vmem>>, vector<16xf32>,
          %mul3A_916 = arith.mulf %sub3A_727, %sub3A_880 : vector<16xf32>
          %swap3A_917 = arith.constant 10 : i32
          %swap3A_918 = arith.index_cast %swap3A_917 : i32 to index
          %swap3A_919 = arith.index_cast %mul3A_682 : i32 to index
          %swap3A_920 = tpu.vector_load %arg10[%swap3A_918, %swap3A_919] {strides = array<i32>} : memref<12x128xf32, #tpu.memory_space<vmem>>, vector<16xf32>,
          tpu.vector_store %arg10[%swap3A_918, %swap3A_919], %mul3A_916 {strides = array<i32>} : memref<12x128xf32, #tpu.memory_space<vmem>>, vector<16xf32>,
          %mul3A_921 = arith.mulf %sub3A_727, %sub3A_752 : vector<16xf32>
          %swap3A_922 = arith.constant 11 : i32
          %swap3A_923 = arith.index_cast %swap3A_922 : i32 to index
          %swap3A_924 = arith.index_cast %mul3A_682 : i32 to index
          %swap3A_925 = tpu.vector_load %arg10[%swap3A_923, %swap3A_924] {strides = array<i32>} : memref<12x128xf32, #tpu.memory_space<vmem>>, vector<16xf32>,
          tpu.vector_store %arg10[%swap3A_923, %swap3A_924], %mul3A_921 {strides = array<i32>} : memref<12x128xf32, #tpu.memory_space<vmem>>, vector<16xf32>,
        }
        %scan3A_559 = arith.constant 8 : i32
        %dma_start3A_560 = arith.constant 0 : i32
        %dma_start3A_561 = arith.constant 0 : i32
        %dma_start3A_562 = arith.constant 0 : i32
        %dma_start3A_563 = tpu.memref_slice %arg12[%dma_start3A_561, %dma_start3A_562] : memref<1536x32xf32, #tpu.memory_space<vmem>> -> memref<128x32xf32, #tpu.memory_space<vmem>>
        %dma_start3A_564 = arith.constant 0 : i32
        %dma_start3A_565 = tpu.memref_slice %arg8[%dma_start3A_560, %dma_start3A_564] : memref<12x128xi32, #tpu.memory_space<vmem>> -> memref<1x128xi32, #tpu.memory_space<vmem>>
        %dma_start3A_566 = tpu.memref_squeeze %dma_start3A_565 : memref<1x128xi32, #tpu.memory_space<vmem>> -> memref<128xi32, #tpu.memory_space<vmem>>
        %dma_start3A_567 = arith.constant 0 : i32
        %dma_start3A_568 = arith.constant 0 : i32
        %dma_start3A_569 = tpu.memref_slice %arg2[%dma_start3A_567, %dma_start3A_568] : memref<786432x32xf32, #tpu.memory_space<hbm>> -> memref<786432x32xf32, #tpu.memory_space<hbm>>
        tpu.enqueue_indirect_dma source(%dma_start3A_569 : memref<786432x32xf32, #tpu.memory_space<hbm>>) target(%dma_start3A_563 : memref<128x32xf32, #tpu.memory_space<vmem>>) offsets(%dma_start3A_566 : memref<128xi32, #tpu.memory_space<vmem>>) semaphore(%arg16 : memref<!tpu.dma_semaphore, #tpu.memory_space<semaphore_mem>>)
        %dma_start3A_570 = arith.constant 1 : i32
        %dma_start3A_571 = arith.constant 128 : i32
        %dma_start3A_572 = arith.constant 0 : i32
        %dma_start3A_573 = tpu.memref_slice %arg12[%dma_start3A_571, %dma_start3A_572] : memref<1536x32xf32, #tpu.memory_space<vmem>> -> memref<128x32xf32, #tpu.memory_space<vmem>>
        %dma_start3A_574 = arith.constant 0 : i32
        %dma_start3A_575 = tpu.memref_slice %arg8[%dma_start3A_570, %dma_start3A_574] : memref<12x128xi32, #tpu.memory_space<vmem>> -> memref<1x128xi32, #tpu.memory_space<vmem>>
        %dma_start3A_576 = tpu.memref_squeeze %dma_start3A_575 : memref<1x128xi32, #tpu.memory_space<vmem>> -> memref<128xi32, #tpu.memory_space<vmem>>
        %dma_start3A_577 = arith.constant 0 : i32
        %dma_start3A_578 = arith.constant 0 : i32
        %dma_start3A_579 = tpu.memref_slice %arg2[%dma_start3A_577, %dma_start3A_578] : memref<786432x32xf32, #tpu.memory_space<hbm>> -> memref<786432x32xf32, #tpu.memory_space<hbm>>
        tpu.enqueue_indirect_dma source(%dma_start3A_579 : memref<786432x32xf32, #tpu.memory_space<hbm>>) target(%dma_start3A_573 : memref<128x32xf32, #tpu.memory_space<vmem>>) offsets(%dma_start3A_576 : memref<128xi32, #tpu.memory_space<vmem>>) semaphore(%arg16 : memref<!tpu.dma_semaphore, #tpu.memory_space<semaphore_mem>>)
        %dma_start3A_580 = arith.constant 2 : i32
        %dma_start3A_581 = arith.constant 256 : i32
        %dma_start3A_582 = arith.constant 0 : i32
        %dma_start3A_583 = tpu.memref_slice %arg12[%dma_start3A_581, %dma_start3A_582] : memref<1536x32xf32, #tpu.memory_space<vmem>> -> memref<128x32xf32, #tpu.memory_space<vmem>>
        %dma_start3A_584 = arith.constant 0 : i32
        %dma_start3A_585 = tpu.memref_slice %arg8[%dma_start3A_580, %dma_start3A_584] : memref<12x128xi32, #tpu.memory_space<vmem>> -> memref<1x128xi32, #tpu.memory_space<vmem>>
        %dma_start3A_586 = tpu.memref_squeeze %dma_start3A_585 : memref<1x128xi32, #tpu.memory_space<vmem>> -> memref<128xi32, #tpu.memory_space<vmem>>
        %dma_start3A_587 = arith.constant 0 : i32
        %dma_start3A_588 = arith.constant 0 : i32
        %dma_start3A_589 = tpu.memref_slice %arg2[%dma_start3A_587, %dma_start3A_588] : memref<786432x32xf32, #tpu.memory_space<hbm>> -> memref<786432x32xf32, #tpu.memory_space<hbm>>
        tpu.enqueue_indirect_dma source(%dma_start3A_589 : memref<786432x32xf32, #tpu.memory_space<hbm>>) target(%dma_start3A_583 : memref<128x32xf32, #tpu.memory_space<vmem>>) offsets(%dma_start3A_586 : memref<128xi32, #tpu.memory_space<vmem>>) semaphore(%arg16 : memref<!tpu.dma_semaphore, #tpu.memory_space<semaphore_mem>>)
        %dma_start3A_590 = arith.constant 3 : i32
        %dma_start3A_591 = arith.constant 384 : i32
        %dma_start3A_592 = arith.constant 0 : i32
        %dma_start3A_593 = tpu.memref_slice %arg12[%dma_start3A_591, %dma_start3A_592] : memref<1536x32xf32, #tpu.memory_space<vmem>> -> memref<128x32xf32, #tpu.memory_space<vmem>>
        %dma_start3A_594 = arith.constant 0 : i32
        %dma_start3A_595 = tpu.memref_slice %arg8[%dma_start3A_590, %dma_start3A_594] : memref<12x128xi32, #tpu.memory_space<vmem>> -> memref<1x128xi32, #tpu.memory_space<vmem>>
        %dma_start3A_596 = tpu.memref_squeeze %dma_start3A_595 : memref<1x128xi32, #tpu.memory_space<vmem>> -> memref<128xi32, #tpu.memory_space<vmem>>
        %dma_start3A_597 = arith.constant 0 : i32
        %dma_start3A_598 = arith.constant 0 : i32
        %dma_start3A_599 = tpu.memref_slice %arg2[%dma_start3A_597, %dma_start3A_598] : memref<786432x32xf32, #tpu.memory_space<hbm>> -> memref<786432x32xf32, #tpu.memory_space<hbm>>
        tpu.enqueue_indirect_dma source(%dma_start3A_599 : memref<786432x32xf32, #tpu.memory_space<hbm>>) target(%dma_start3A_593 : memref<128x32xf32, #tpu.memory_space<vmem>>) offsets(%dma_start3A_596 : memref<128xi32, #tpu.memory_space<vmem>>) semaphore(%arg16 : memref<!tpu.dma_semaphore, #tpu.memory_space<semaphore_mem>>)
        %dma_start3A_600 = arith.constant 4 : i32
        %dma_start3A_601 = arith.constant 512 : i32
        %dma_start3A_602 = arith.constant 0 : i32
        %dma_start3A_603 = tpu.memref_slice %arg12[%dma_start3A_601, %dma_start3A_602] : memref<1536x32xf32, #tpu.memory_space<vmem>> -> memref<128x32xf32, #tpu.memory_space<vmem>>
        %dma_start3A_604 = arith.constant 0 : i32
        %dma_start3A_605 = tpu.memref_slice %arg8[%dma_start3A_600, %dma_start3A_604] : memref<12x128xi32, #tpu.memory_space<vmem>> -> memref<1x128xi32, #tpu.memory_space<vmem>>
        %dma_start3A_606 = tpu.memref_squeeze %dma_start3A_605 : memref<1x128xi32, #tpu.memory_space<vmem>> -> memref<128xi32, #tpu.memory_space<vmem>>
        %dma_start3A_607 = arith.constant 0 : i32
        %dma_start3A_608 = arith.constant 0 : i32
        %dma_start3A_609 = tpu.memref_slice %arg2[%dma_start3A_607, %dma_start3A_608] : memref<786432x32xf32, #tpu.memory_space<hbm>> -> memref<786432x32xf32, #tpu.memory_space<hbm>>
        tpu.enqueue_indirect_dma source(%dma_start3A_609 : memref<786432x32xf32, #tpu.memory_space<hbm>>) target(%dma_start3A_603 : memref<128x32xf32, #tpu.memory_space<vmem>>) offsets(%dma_start3A_606 : memref<128xi32, #tpu.memory_space<vmem>>) semaphore(%arg16 : memref<!tpu.dma_semaphore, #tpu.memory_space<semaphore_mem>>)
        %dma_start3A_610 = arith.constant 5 : i32
        %dma_start3A_611 = arith.constant 640 : i32
        %dma_start3A_612 = arith.constant 0 : i32
        %dma_start3A_613 = tpu.memref_slice %arg12[%dma_start3A_611, %dma_start3A_612] : memref<1536x32xf32, #tpu.memory_space<vmem>> -> memref<128x32xf32, #tpu.memory_space<vmem>>
        %dma_start3A_614 = arith.constant 0 : i32
        %dma_start3A_615 = tpu.memref_slice %arg8[%dma_start3A_610, %dma_start3A_614] : memref<12x128xi32, #tpu.memory_space<vmem>> -> memref<1x128xi32, #tpu.memory_space<vmem>>
        %dma_start3A_616 = tpu.memref_squeeze %dma_start3A_615 : memref<1x128xi32, #tpu.memory_space<vmem>> -> memref<128xi32, #tpu.memory_space<vmem>>
        %dma_start3A_617 = arith.constant 0 : i32
        %dma_start3A_618 = arith.constant 0 : i32
        %dma_start3A_619 = tpu.memref_slice %arg2[%dma_start3A_617, %dma_start3A_618] : memref<786432x32xf32, #tpu.memory_space<hbm>> -> memref<786432x32xf32, #tpu.memory_space<hbm>>
        tpu.enqueue_indirect_dma source(%dma_start3A_619 : memref<786432x32xf32, #tpu.memory_space<hbm>>) target(%dma_start3A_613 : memref<128x32xf32, #tpu.memory_space<vmem>>) offsets(%dma_start3A_616 : memref<128xi32, #tpu.memory_space<vmem>>) semaphore(%arg16 : memref<!tpu.dma_semaphore, #tpu.memory_space<semaphore_mem>>)
        %dma_start3A_620 = arith.constant 6 : i32
        %dma_start3A_621 = arith.constant 768 : i32
        %dma_start3A_622 = arith.constant 0 : i32
        %dma_start3A_623 = tpu.memref_slice %arg12[%dma_start3A_621, %dma_start3A_622] : memref<1536x32xf32, #tpu.memory_space<vmem>> -> memref<128x32xf32, #tpu.memory_space<vmem>>
        %dma_start3A_624 = arith.constant 0 : i32
        %dma_start3A_625 = tpu.memref_slice %arg8[%dma_start3A_620, %dma_start3A_624] : memref<12x128xi32, #tpu.memory_space<vmem>> -> memref<1x128xi32, #tpu.memory_space<vmem>>
        %dma_start3A_626 = tpu.memref_squeeze %dma_start3A_625 : memref<1x128xi32, #tpu.memory_space<vmem>> -> memref<128xi32, #tpu.memory_space<vmem>>
        %dma_start3A_627 = arith.constant 0 : i32
        %dma_start3A_628 = arith.constant 0 : i32
        %dma_start3A_629 = tpu.memref_slice %arg2[%dma_start3A_627, %dma_start3A_628] : memref<786432x32xf32, #tpu.memory_space<hbm>> -> memref<786432x32xf32, #tpu.memory_space<hbm>>
        tpu.enqueue_indirect_dma source(%dma_start3A_629 : memref<786432x32xf32, #tpu.memory_space<hbm>>) target(%dma_start3A_623 : memref<128x32xf32, #tpu.memory_space<vmem>>) offsets(%dma_start3A_626 : memref<128xi32, #tpu.memory_space<vmem>>) semaphore(%arg16 : memref<!tpu.dma_semaphore, #tpu.memory_space<semaphore_mem>>)
        %dma_start3A_630 = arith.constant 7 : i32
        %dma_start3A_631 = arith.constant 896 : i32
        %dma_start3A_632 = arith.constant 0 : i32
        %dma_start3A_633 = tpu.memref_slice %arg12[%dma_start3A_631, %dma_start3A_632] : memref<1536x32xf32, #tpu.memory_space<vmem>> -> memref<128x32xf32, #tpu.memory_space<vmem>>
        %dma_start3A_634 = arith.constant 0 : i32
        %dma_start3A_635 = tpu.memref_slice %arg8[%dma_start3A_630, %dma_start3A_634] : memref<12x128xi32, #tpu.memory_space<vmem>> -> memref<1x128xi32, #tpu.memory_space<vmem>>
        %dma_start3A_636 = tpu.memref_squeeze %dma_start3A_635 : memref<1x128xi32, #tpu.memory_space<vmem>> -> memref<128xi32, #tpu.memory_space<vmem>>
        %dma_start3A_637 = arith.constant 0 : i32
        %dma_start3A_638 = arith.constant 0 : i32
        %dma_start3A_639 = tpu.memref_slice %arg2[%dma_start3A_637, %dma_start3A_638] : memref<786432x32xf32, #tpu.memory_space<hbm>> -> memref<786432x32xf32, #tpu.memory_space<hbm>>
        tpu.enqueue_indirect_dma source(%dma_start3A_639 : memref<786432x32xf32, #tpu.memory_space<hbm>>) target(%dma_start3A_633 : memref<128x32xf32, #tpu.memory_space<vmem>>) offsets(%dma_start3A_636 : memref<128xi32, #tpu.memory_space<vmem>>) semaphore(%arg16 : memref<!tpu.dma_semaphore, #tpu.memory_space<semaphore_mem>>)
        %dma_start3A_640 = arith.constant 8 : i32
        %dma_start3A_641 = arith.constant 1024 : i32
        %dma_start3A_642 = arith.constant 0 : i32
        %dma_start3A_643 = tpu.memref_slice %arg12[%dma_start3A_641, %dma_start3A_642] : memref<1536x32xf32, #tpu.memory_space<vmem>> -> memref<128x32xf32, #tpu.memory_space<vmem>>
        %dma_start3A_644 = arith.constant 0 : i32
        %dma_start3A_645 = tpu.memref_slice %arg8[%dma_start3A_640, %dma_start3A_644] : memref<12x128xi32, #tpu.memory_space<vmem>> -> memref<1x128xi32, #tpu.memory_space<vmem>>
        %dma_start3A_646 = tpu.memref_squeeze %dma_start3A_645 : memref<1x128xi32, #tpu.memory_space<vmem>> -> memref<128xi32, #tpu.memory_space<vmem>>
        %dma_start3A_647 = arith.constant 0 : i32
        %dma_start3A_648 = arith.constant 0 : i32
        %dma_start3A_649 = tpu.memref_slice %arg2[%dma_start3A_647, %dma_start3A_648] : memref<786432x32xf32, #tpu.memory_space<hbm>> -> memref<786432x32xf32, #tpu.memory_space<hbm>>
        tpu.enqueue_indirect_dma source(%dma_start3A_649 : memref<786432x32xf32, #tpu.memory_space<hbm>>) target(%dma_start3A_643 : memref<128x32xf32, #tpu.memory_space<vmem>>) offsets(%dma_start3A_646 : memref<128xi32, #tpu.memory_space<vmem>>) semaphore(%arg16 : memref<!tpu.dma_semaphore, #tpu.memory_space<semaphore_mem>>)
        %dma_start3A_650 = arith.constant 9 : i32
        %dma_start3A_651 = arith.constant 1152 : i32
        %dma_start3A_652 = arith.constant 0 : i32
        %dma_start3A_653 = tpu.memref_slice %arg12[%dma_start3A_651, %dma_start3A_652] : memref<1536x32xf32, #tpu.memory_space<vmem>> -> memref<128x32xf32, #tpu.memory_space<vmem>>
        %dma_start3A_654 = arith.constant 0 : i32
        %dma_start3A_655 = tpu.memref_slice %arg8[%dma_start3A_650, %dma_start3A_654] : memref<12x128xi32, #tpu.memory_space<vmem>> -> memref<1x128xi32, #tpu.memory_space<vmem>>
        %dma_start3A_656 = tpu.memref_squeeze %dma_start3A_655 : memref<1x128xi32, #tpu.memory_space<vmem>> -> memref<128xi32, #tpu.memory_space<vmem>>
        %dma_start3A_657 = arith.constant 0 : i32
        %dma_start3A_658 = arith.constant 0 : i32
        %dma_start3A_659 = tpu.memref_slice %arg2[%dma_start3A_657, %dma_start3A_658] : memref<786432x32xf32, #tpu.memory_space<hbm>> -> memref<786432x32xf32, #tpu.memory_space<hbm>>
        tpu.enqueue_indirect_dma source(%dma_start3A_659 : memref<786432x32xf32, #tpu.memory_space<hbm>>) target(%dma_start3A_653 : memref<128x32xf32, #tpu.memory_space<vmem>>) offsets(%dma_start3A_656 : memref<128xi32, #tpu.memory_space<vmem>>) semaphore(%arg16 : memref<!tpu.dma_semaphore, #tpu.memory_space<semaphore_mem>>)
        %dma_start3A_660 = arith.constant 10 : i32
        %dma_start3A_661 = arith.constant 1280 : i32
        %dma_start3A_662 = arith.constant 0 : i32
        %dma_start3A_663 = tpu.memref_slice %arg12[%dma_start3A_661, %dma_start3A_662] : memref<1536x32xf32, #tpu.memory_space<vmem>> -> memref<128x32xf32, #tpu.memory_space<vmem>>
        %dma_start3A_664 = arith.constant 0 : i32
        %dma_start3A_665 = tpu.memref_slice %arg8[%dma_start3A_660, %dma_start3A_664] : memref<12x128xi32, #tpu.memory_space<vmem>> -> memref<1x128xi32, #tpu.memory_space<vmem>>
        %dma_start3A_666 = tpu.memref_squeeze %dma_start3A_665 : memref<1x128xi32, #tpu.memory_space<vmem>> -> memref<128xi32, #tpu.memory_space<vmem>>
        %dma_start3A_667 = arith.constant 0 : i32
        %dma_start3A_668 = arith.constant 0 : i32
        %dma_start3A_669 = tpu.memref_slice %arg2[%dma_start3A_667, %dma_start3A_668] : memref<786432x32xf32, #tpu.memory_space<hbm>> -> memref<786432x32xf32, #tpu.memory_space<hbm>>
        tpu.enqueue_indirect_dma source(%dma_start3A_669 : memref<786432x32xf32, #tpu.memory_space<hbm>>) target(%dma_start3A_663 : memref<128x32xf32, #tpu.memory_space<vmem>>) offsets(%dma_start3A_666 : memref<128xi32, #tpu.memory_space<vmem>>) semaphore(%arg16 : memref<!tpu.dma_semaphore, #tpu.memory_space<semaphore_mem>>)
        %dma_start3A_670 = arith.constant 11 : i32
        %dma_start3A_671 = arith.constant 1408 : i32
        %dma_start3A_672 = arith.constant 0 : i32
        %dma_start3A_673 = tpu.memref_slice %arg12[%dma_start3A_671, %dma_start3A_672] : memref<1536x32xf32, #tpu.memory_space<vmem>> -> memref<128x32xf32, #tpu.memory_space<vmem>>
        %dma_start3A_674 = arith.constant 0 : i32
        %dma_start3A_675 = tpu.memref_slice %arg8[%dma_start3A_670, %dma_start3A_674] : memref<12x128xi32, #tpu.memory_space<vmem>> -> memref<1x128xi32, #tpu.memory_space<vmem>>
        %dma_start3A_676 = tpu.memref_squeeze %dma_start3A_675 : memref<1x128xi32, #tpu.memory_space<vmem>> -> memref<128xi32, #tpu.memory_space<vmem>>
        %dma_start3A_677 = arith.constant 0 : i32
        %dma_start3A_678 = arith.constant 0 : i32
        %dma_start3A_679 = tpu.memref_slice %arg2[%dma_start3A_677, %dma_start3A_678] : memref<786432x32xf32, #tpu.memory_space<hbm>> -> memref<786432x32xf32, #tpu.memory_space<hbm>>
        tpu.enqueue_indirect_dma source(%dma_start3A_679 : memref<786432x32xf32, #tpu.memory_space<hbm>>) target(%dma_start3A_673 : memref<128x32xf32, #tpu.memory_space<vmem>>) offsets(%dma_start3A_676 : memref<128xi32, #tpu.memory_space<vmem>>) semaphore(%arg16 : memref<!tpu.dma_semaphore, #tpu.memory_space<semaphore_mem>>)
      } else {
      }
      %add3A_229 = arith.constant 2 : i32
      %add3A_230 = arith.addi %mul3A_224, %add3A_229 : i32
      %lt3A_231 = arith.constant 256 : i32
      %lt3A_232 = arith.cmpi slt, %add3A_230, %lt3A_231 : i32
      %convert_element_type3A_233 = arith.extui %lt3A_232 : i1 to i32
      %cond3A_234 = arith.constant 0 : i32
      %cond3A_235 = arith.cmpi ne, %convert_element_type3A_233, %cond3A_234 : i32
      scf.if %cond3A_235 {
        %add3A_527 = arith.constant 2 : i32
        %add3A_528 = arith.addi %mul3A_224, %add3A_527 : i32
        %mul3A_529 = arith.constant 128 : i32
        %mul3A_530 = arith.muli %add3A_528, %mul3A_529 : i32
        %add3A_531 = arith.addi %mul3A_2, %mul3A_530 : i32
        %add3A_532 = arith.constant 0 : i32
        %add3A_533 = arith.addi %add3A_532, %add3A_531 : i32
        %dma_start3A_534 = arith.constant 0 : i32
        %dma_start3A_535 = tpu.memref_slice %arg5[%dma_start3A_534] : memref<384xf32, #tpu.memory_space<vmem>> -> memref<128xf32, #tpu.memory_space<vmem>>
        %dma_start3A_536 = tpu.memref_slice %arg3[%add3A_533] : memref<3145728xf32, #tpu.memory_space<hbm>> -> memref<128xf32, #tpu.memory_space<hbm>>
        %dma_start3A_537 = arith.constant 0 : i32
        %dma_start3A_538 = tpu.memref_slice %arg5[%dma_start3A_537] : memref<384xf32, #tpu.memory_space<vmem>> -> memref<128xf32, #tpu.memory_space<vmem>>
        %dma_start3A_539 = tpu.memref_slice %arg3[%add3A_533] : memref<3145728xf32, #tpu.memory_space<hbm>> -> memref<128xf32, #tpu.memory_space<hbm>>
        tpu.enqueue_dma source(%dma_start3A_539 : memref<128xf32, #tpu.memory_space<hbm>>) target(%dma_start3A_538 : memref<128xf32, #tpu.memory_space<vmem>>) target_semaphore(%arg19 : memref<!tpu.dma_semaphore, #tpu.memory_space<semaphore_mem>>)
        %add3A_540 = arith.constant 1048576 : i32
        %add3A_541 = arith.addi %add3A_540, %add3A_531 : i32
        %dma_start3A_542 = arith.constant 128 : i32
        %dma_start3A_543 = tpu.memref_slice %arg5[%dma_start3A_542] : memref<384xf32, #tpu.memory_space<vmem>> -> memref<128xf32, #tpu.memory_space<vmem>>
        %dma_start3A_544 = tpu.memref_slice %arg3[%add3A_541] : memref<3145728xf32, #tpu.memory_space<hbm>> -> memref<128xf32, #tpu.memory_space<hbm>>
        %dma_start3A_545 = arith.constant 128 : i32
        %dma_start3A_546 = tpu.memref_slice %arg5[%dma_start3A_545] : memref<384xf32, #tpu.memory_space<vmem>> -> memref<128xf32, #tpu.memory_space<vmem>>
        %dma_start3A_547 = tpu.memref_slice %arg3[%add3A_541] : memref<3145728xf32, #tpu.memory_space<hbm>> -> memref<128xf32, #tpu.memory_space<hbm>>
        tpu.enqueue_dma source(%dma_start3A_547 : memref<128xf32, #tpu.memory_space<hbm>>) target(%dma_start3A_546 : memref<128xf32, #tpu.memory_space<vmem>>) target_semaphore(%arg19 : memref<!tpu.dma_semaphore, #tpu.memory_space<semaphore_mem>>)
        %add3A_548 = arith.constant 2097152 : i32
        %add3A_549 = arith.addi %add3A_548, %add3A_531 : i32
        %dma_start3A_550 = arith.constant 256 : i32
        %dma_start3A_551 = tpu.memref_slice %arg5[%dma_start3A_550] : memref<384xf32, #tpu.memory_space<vmem>> -> memref<128xf32, #tpu.memory_space<vmem>>
        %dma_start3A_552 = tpu.memref_slice %arg3[%add3A_549] : memref<3145728xf32, #tpu.memory_space<hbm>> -> memref<128xf32, #tpu.memory_space<hbm>>
        %dma_start3A_553 = arith.constant 256 : i32
        %dma_start3A_554 = tpu.memref_slice %arg5[%dma_start3A_553] : memref<384xf32, #tpu.memory_space<vmem>> -> memref<128xf32, #tpu.memory_space<vmem>>
        %dma_start3A_555 = tpu.memref_slice %arg3[%add3A_549] : memref<3145728xf32, #tpu.memory_space<hbm>> -> memref<128xf32, #tpu.memory_space<hbm>>
        tpu.enqueue_dma source(%dma_start3A_555 : memref<128xf32, #tpu.memory_space<hbm>>) target(%dma_start3A_554 : memref<128xf32, #tpu.memory_space<vmem>>) target_semaphore(%arg19 : memref<!tpu.dma_semaphore, #tpu.memory_space<semaphore_mem>>)
      } else {
      }
      %dma_wait3A_236 = arith.constant 0 : i32
      %dma_wait3A_237 = arith.constant 0 : i32
      %dma_wait3A_238 = arith.constant 0 : i32
      %dma_wait3A_239 = tpu.memref_slice %arg11[%dma_wait3A_237, %dma_wait3A_238] : memref<1536x32xf32, #tpu.memory_space<vmem>> -> memref<128x32xf32, #tpu.memory_space<vmem>>
      %dma_wait3A_240 = arith.constant 0 : i32
      %dma_wait3A_241 = tpu.memref_slice %arg7[%dma_wait3A_236, %dma_wait3A_240] : memref<12x128xi32, #tpu.memory_space<vmem>> -> memref<1x128xi32, #tpu.memory_space<vmem>>
      %dma_wait3A_242 = tpu.memref_squeeze %dma_wait3A_241 : memref<1x128xi32, #tpu.memory_space<vmem>> -> memref<128xi32, #tpu.memory_space<vmem>>
      %dma_wait3A_243 = arith.constant 0 : i32
      %dma_wait3A_244 = arith.constant 0 : i32
      %dma_wait3A_245 = tpu.memref_slice %arg2[%dma_wait3A_243, %dma_wait3A_244] : memref<786432x32xf32, #tpu.memory_space<hbm>> -> memref<786432x32xf32, #tpu.memory_space<hbm>>
      tpu.wait_indirect_dma semaphore(%arg15 : memref<!tpu.dma_semaphore, #tpu.memory_space<semaphore_mem>>) src(%dma_wait3A_245 : memref<786432x32xf32, #tpu.memory_space<hbm>>) dst(%dma_wait3A_239 : memref<128x32xf32, #tpu.memory_space<vmem>>)
      %dma_wait3A_246 = arith.constant 1 : i32
      %dma_wait3A_247 = arith.constant 128 : i32
      %dma_wait3A_248 = arith.constant 0 : i32
      %dma_wait3A_249 = tpu.memref_slice %arg11[%dma_wait3A_247, %dma_wait3A_248] : memref<1536x32xf32, #tpu.memory_space<vmem>> -> memref<128x32xf32, #tpu.memory_space<vmem>>
      %dma_wait3A_250 = arith.constant 0 : i32
      %dma_wait3A_251 = tpu.memref_slice %arg7[%dma_wait3A_246, %dma_wait3A_250] : memref<12x128xi32, #tpu.memory_space<vmem>> -> memref<1x128xi32, #tpu.memory_space<vmem>>
      %dma_wait3A_252 = tpu.memref_squeeze %dma_wait3A_251 : memref<1x128xi32, #tpu.memory_space<vmem>> -> memref<128xi32, #tpu.memory_space<vmem>>
      %dma_wait3A_253 = arith.constant 0 : i32
      %dma_wait3A_254 = arith.constant 0 : i32
      %dma_wait3A_255 = tpu.memref_slice %arg2[%dma_wait3A_253, %dma_wait3A_254] : memref<786432x32xf32, #tpu.memory_space<hbm>> -> memref<786432x32xf32, #tpu.memory_space<hbm>>
      tpu.wait_indirect_dma semaphore(%arg15 : memref<!tpu.dma_semaphore, #tpu.memory_space<semaphore_mem>>) src(%dma_wait3A_255 : memref<786432x32xf32, #tpu.memory_space<hbm>>) dst(%dma_wait3A_249 : memref<128x32xf32, #tpu.memory_space<vmem>>)
      %dma_wait3A_256 = arith.constant 2 : i32
      %dma_wait3A_257 = arith.constant 256 : i32
      %dma_wait3A_258 = arith.constant 0 : i32
      %dma_wait3A_259 = tpu.memref_slice %arg11[%dma_wait3A_257, %dma_wait3A_258] : memref<1536x32xf32, #tpu.memory_space<vmem>> -> memref<128x32xf32, #tpu.memory_space<vmem>>
      %dma_wait3A_260 = arith.constant 0 : i32
      %dma_wait3A_261 = tpu.memref_slice %arg7[%dma_wait3A_256, %dma_wait3A_260] : memref<12x128xi32, #tpu.memory_space<vmem>> -> memref<1x128xi32, #tpu.memory_space<vmem>>
      %dma_wait3A_262 = tpu.memref_squeeze %dma_wait3A_261 : memref<1x128xi32, #tpu.memory_space<vmem>> -> memref<128xi32, #tpu.memory_space<vmem>>
      %dma_wait3A_263 = arith.constant 0 : i32
      %dma_wait3A_264 = arith.constant 0 : i32
      %dma_wait3A_265 = tpu.memref_slice %arg2[%dma_wait3A_263, %dma_wait3A_264] : memref<786432x32xf32, #tpu.memory_space<hbm>> -> memref<786432x32xf32, #tpu.memory_space<hbm>>
      tpu.wait_indirect_dma semaphore(%arg15 : memref<!tpu.dma_semaphore, #tpu.memory_space<semaphore_mem>>) src(%dma_wait3A_265 : memref<786432x32xf32, #tpu.memory_space<hbm>>) dst(%dma_wait3A_259 : memref<128x32xf32, #tpu.memory_space<vmem>>)
      %dma_wait3A_266 = arith.constant 3 : i32
      %dma_wait3A_267 = arith.constant 384 : i32
      %dma_wait3A_268 = arith.constant 0 : i32
      %dma_wait3A_269 = tpu.memref_slice %arg11[%dma_wait3A_267, %dma_wait3A_268] : memref<1536x32xf32, #tpu.memory_space<vmem>> -> memref<128x32xf32, #tpu.memory_space<vmem>>
      %dma_wait3A_270 = arith.constant 0 : i32
      %dma_wait3A_271 = tpu.memref_slice %arg7[%dma_wait3A_266, %dma_wait3A_270] : memref<12x128xi32, #tpu.memory_space<vmem>> -> memref<1x128xi32, #tpu.memory_space<vmem>>
      %dma_wait3A_272 = tpu.memref_squeeze %dma_wait3A_271 : memref<1x128xi32, #tpu.memory_space<vmem>> -> memref<128xi32, #tpu.memory_space<vmem>>
      %dma_wait3A_273 = arith.constant 0 : i32
      %dma_wait3A_274 = arith.constant 0 : i32
      %dma_wait3A_275 = tpu.memref_slice %arg2[%dma_wait3A_273, %dma_wait3A_274] : memref<786432x32xf32, #tpu.memory_space<hbm>> -> memref<786432x32xf32, #tpu.memory_space<hbm>>
      tpu.wait_indirect_dma semaphore(%arg15 : memref<!tpu.dma_semaphore, #tpu.memory_space<semaphore_mem>>) src(%dma_wait3A_275 : memref<786432x32xf32, #tpu.memory_space<hbm>>) dst(%dma_wait3A_269 : memref<128x32xf32, #tpu.memory_space<vmem>>)
      %dma_wait3A_276 = arith.constant 4 : i32
      %dma_wait3A_277 = arith.constant 512 : i32
      %dma_wait3A_278 = arith.constant 0 : i32
      %dma_wait3A_279 = tpu.memref_slice %arg11[%dma_wait3A_277, %dma_wait3A_278] : memref<1536x32xf32, #tpu.memory_space<vmem>> -> memref<128x32xf32, #tpu.memory_space<vmem>>
      %dma_wait3A_280 = arith.constant 0 : i32
      %dma_wait3A_281 = tpu.memref_slice %arg7[%dma_wait3A_276, %dma_wait3A_280] : memref<12x128xi32, #tpu.memory_space<vmem>> -> memref<1x128xi32, #tpu.memory_space<vmem>>
      %dma_wait3A_282 = tpu.memref_squeeze %dma_wait3A_281 : memref<1x128xi32, #tpu.memory_space<vmem>> -> memref<128xi32, #tpu.memory_space<vmem>>
      %dma_wait3A_283 = arith.constant 0 : i32
      %dma_wait3A_284 = arith.constant 0 : i32
      %dma_wait3A_285 = tpu.memref_slice %arg2[%dma_wait3A_283, %dma_wait3A_284] : memref<786432x32xf32, #tpu.memory_space<hbm>> -> memref<786432x32xf32, #tpu.memory_space<hbm>>
      tpu.wait_indirect_dma semaphore(%arg15 : memref<!tpu.dma_semaphore, #tpu.memory_space<semaphore_mem>>) src(%dma_wait3A_285 : memref<786432x32xf32, #tpu.memory_space<hbm>>) dst(%dma_wait3A_279 : memref<128x32xf32, #tpu.memory_space<vmem>>)
      %dma_wait3A_286 = arith.constant 5 : i32
      %dma_wait3A_287 = arith.constant 640 : i32
      %dma_wait3A_288 = arith.constant 0 : i32
      %dma_wait3A_289 = tpu.memref_slice %arg11[%dma_wait3A_287, %dma_wait3A_288] : memref<1536x32xf32, #tpu.memory_space<vmem>> -> memref<128x32xf32, #tpu.memory_space<vmem>>
      %dma_wait3A_290 = arith.constant 0 : i32
      %dma_wait3A_291 = tpu.memref_slice %arg7[%dma_wait3A_286, %dma_wait3A_290] : memref<12x128xi32, #tpu.memory_space<vmem>> -> memref<1x128xi32, #tpu.memory_space<vmem>>
      %dma_wait3A_292 = tpu.memref_squeeze %dma_wait3A_291 : memref<1x128xi32, #tpu.memory_space<vmem>> -> memref<128xi32, #tpu.memory_space<vmem>>
      %dma_wait3A_293 = arith.constant 0 : i32
      %dma_wait3A_294 = arith.constant 0 : i32
      %dma_wait3A_295 = tpu.memref_slice %arg2[%dma_wait3A_293, %dma_wait3A_294] : memref<786432x32xf32, #tpu.memory_space<hbm>> -> memref<786432x32xf32, #tpu.memory_space<hbm>>
      tpu.wait_indirect_dma semaphore(%arg15 : memref<!tpu.dma_semaphore, #tpu.memory_space<semaphore_mem>>) src(%dma_wait3A_295 : memref<786432x32xf32, #tpu.memory_space<hbm>>) dst(%dma_wait3A_289 : memref<128x32xf32, #tpu.memory_space<vmem>>)
      %dma_wait3A_296 = arith.constant 6 : i32
      %dma_wait3A_297 = arith.constant 768 : i32
      %dma_wait3A_298 = arith.constant 0 : i32
      %dma_wait3A_299 = tpu.memref_slice %arg11[%dma_wait3A_297, %dma_wait3A_298] : memref<1536x32xf32, #tpu.memory_space<vmem>> -> memref<128x32xf32, #tpu.memory_space<vmem>>
      %dma_wait3A_300 = arith.constant 0 : i32
      %dma_wait3A_301 = tpu.memref_slice %arg7[%dma_wait3A_296, %dma_wait3A_300] : memref<12x128xi32, #tpu.memory_space<vmem>> -> memref<1x128xi32, #tpu.memory_space<vmem>>
      %dma_wait3A_302 = tpu.memref_squeeze %dma_wait3A_301 : memref<1x128xi32, #tpu.memory_space<vmem>> -> memref<128xi32, #tpu.memory_space<vmem>>
      %dma_wait3A_303 = arith.constant 0 : i32
      %dma_wait3A_304 = arith.constant 0 : i32
      %dma_wait3A_305 = tpu.memref_slice %arg2[%dma_wait3A_303, %dma_wait3A_304] : memref<786432x32xf32, #tpu.memory_space<hbm>> -> memref<786432x32xf32, #tpu.memory_space<hbm>>
      tpu.wait_indirect_dma semaphore(%arg15 : memref<!tpu.dma_semaphore, #tpu.memory_space<semaphore_mem>>) src(%dma_wait3A_305 : memref<786432x32xf32, #tpu.memory_space<hbm>>) dst(%dma_wait3A_299 : memref<128x32xf32, #tpu.memory_space<vmem>>)
      %dma_wait3A_306 = arith.constant 7 : i32
      %dma_wait3A_307 = arith.constant 896 : i32
      %dma_wait3A_308 = arith.constant 0 : i32
      %dma_wait3A_309 = tpu.memref_slice %arg11[%dma_wait3A_307, %dma_wait3A_308] : memref<1536x32xf32, #tpu.memory_space<vmem>> -> memref<128x32xf32, #tpu.memory_space<vmem>>
      %dma_wait3A_310 = arith.constant 0 : i32
      %dma_wait3A_311 = tpu.memref_slice %arg7[%dma_wait3A_306, %dma_wait3A_310] : memref<12x128xi32, #tpu.memory_space<vmem>> -> memref<1x128xi32, #tpu.memory_space<vmem>>
      %dma_wait3A_312 = tpu.memref_squeeze %dma_wait3A_311 : memref<1x128xi32, #tpu.memory_space<vmem>> -> memref<128xi32, #tpu.memory_space<vmem>>
      %dma_wait3A_313 = arith.constant 0 : i32
      %dma_wait3A_314 = arith.constant 0 : i32
      %dma_wait3A_315 = tpu.memref_slice %arg2[%dma_wait3A_313, %dma_wait3A_314] : memref<786432x32xf32, #tpu.memory_space<hbm>> -> memref<786432x32xf32, #tpu.memory_space<hbm>>
      tpu.wait_indirect_dma semaphore(%arg15 : memref<!tpu.dma_semaphore, #tpu.memory_space<semaphore_mem>>) src(%dma_wait3A_315 : memref<786432x32xf32, #tpu.memory_space<hbm>>) dst(%dma_wait3A_309 : memref<128x32xf32, #tpu.memory_space<vmem>>)
      %dma_wait3A_316 = arith.constant 8 : i32
      %dma_wait3A_317 = arith.constant 1024 : i32
      %dma_wait3A_318 = arith.constant 0 : i32
      %dma_wait3A_319 = tpu.memref_slice %arg11[%dma_wait3A_317, %dma_wait3A_318] : memref<1536x32xf32, #tpu.memory_space<vmem>> -> memref<128x32xf32, #tpu.memory_space<vmem>>
      %dma_wait3A_320 = arith.constant 0 : i32
      %dma_wait3A_321 = tpu.memref_slice %arg7[%dma_wait3A_316, %dma_wait3A_320] : memref<12x128xi32, #tpu.memory_space<vmem>> -> memref<1x128xi32, #tpu.memory_space<vmem>>
      %dma_wait3A_322 = tpu.memref_squeeze %dma_wait3A_321 : memref<1x128xi32, #tpu.memory_space<vmem>> -> memref<128xi32, #tpu.memory_space<vmem>>
      %dma_wait3A_323 = arith.constant 0 : i32
      %dma_wait3A_324 = arith.constant 0 : i32
      %dma_wait3A_325 = tpu.memref_slice %arg2[%dma_wait3A_323, %dma_wait3A_324] : memref<786432x32xf32, #tpu.memory_space<hbm>> -> memref<786432x32xf32, #tpu.memory_space<hbm>>
      tpu.wait_indirect_dma semaphore(%arg15 : memref<!tpu.dma_semaphore, #tpu.memory_space<semaphore_mem>>) src(%dma_wait3A_325 : memref<786432x32xf32, #tpu.memory_space<hbm>>) dst(%dma_wait3A_319 : memref<128x32xf32, #tpu.memory_space<vmem>>)
      %dma_wait3A_326 = arith.constant 9 : i32
      %dma_wait3A_327 = arith.constant 1152 : i32
      %dma_wait3A_328 = arith.constant 0 : i32
      %dma_wait3A_329 = tpu.memref_slice %arg11[%dma_wait3A_327, %dma_wait3A_328] : memref<1536x32xf32, #tpu.memory_space<vmem>> -> memref<128x32xf32, #tpu.memory_space<vmem>>
      %dma_wait3A_330 = arith.constant 0 : i32
      %dma_wait3A_331 = tpu.memref_slice %arg7[%dma_wait3A_326, %dma_wait3A_330] : memref<12x128xi32, #tpu.memory_space<vmem>> -> memref<1x128xi32, #tpu.memory_space<vmem>>
      %dma_wait3A_332 = tpu.memref_squeeze %dma_wait3A_331 : memref<1x128xi32, #tpu.memory_space<vmem>> -> memref<128xi32, #tpu.memory_space<vmem>>
      %dma_wait3A_333 = arith.constant 0 : i32
      %dma_wait3A_334 = arith.constant 0 : i32
      %dma_wait3A_335 = tpu.memref_slice %arg2[%dma_wait3A_333, %dma_wait3A_334] : memref<786432x32xf32, #tpu.memory_space<hbm>> -> memref<786432x32xf32, #tpu.memory_space<hbm>>
      tpu.wait_indirect_dma semaphore(%arg15 : memref<!tpu.dma_semaphore, #tpu.memory_space<semaphore_mem>>) src(%dma_wait3A_335 : memref<786432x32xf32, #tpu.memory_space<hbm>>) dst(%dma_wait3A_329 : memref<128x32xf32, #tpu.memory_space<vmem>>)
      %dma_wait3A_336 = arith.constant 10 : i32
      %dma_wait3A_337 = arith.constant 1280 : i32
      %dma_wait3A_338 = arith.constant 0 : i32
      %dma_wait3A_339 = tpu.memref_slice %arg11[%dma_wait3A_337, %dma_wait3A_338] : memref<1536x32xf32, #tpu.memory_space<vmem>> -> memref<128x32xf32, #tpu.memory_space<vmem>>
      %dma_wait3A_340 = arith.constant 0 : i32
      %dma_wait3A_341 = tpu.memref_slice %arg7[%dma_wait3A_336, %dma_wait3A_340] : memref<12x128xi32, #tpu.memory_space<vmem>> -> memref<1x128xi32, #tpu.memory_space<vmem>>
      %dma_wait3A_342 = tpu.memref_squeeze %dma_wait3A_341 : memref<1x128xi32, #tpu.memory_space<vmem>> -> memref<128xi32, #tpu.memory_space<vmem>>
      %dma_wait3A_343 = arith.constant 0 : i32
      %dma_wait3A_344 = arith.constant 0 : i32
      %dma_wait3A_345 = tpu.memref_slice %arg2[%dma_wait3A_343, %dma_wait3A_344] : memref<786432x32xf32, #tpu.memory_space<hbm>> -> memref<786432x32xf32, #tpu.memory_space<hbm>>
      tpu.wait_indirect_dma semaphore(%arg15 : memref<!tpu.dma_semaphore, #tpu.memory_space<semaphore_mem>>) src(%dma_wait3A_345 : memref<786432x32xf32, #tpu.memory_space<hbm>>) dst(%dma_wait3A_339 : memref<128x32xf32, #tpu.memory_space<vmem>>)
      %dma_wait3A_346 = arith.constant 11 : i32
      %dma_wait3A_347 = arith.constant 1408 : i32
      %dma_wait3A_348 = arith.constant 0 : i32
      %dma_wait3A_349 = tpu.memref_slice %arg11[%dma_wait3A_347, %dma_wait3A_348] : memref<1536x32xf32, #tpu.memory_space<vmem>> -> memref<128x32xf32, #tpu.memory_space<vmem>>
      %dma_wait3A_350 = arith.constant 0 : i32
      %dma_wait3A_351 = tpu.memref_slice %arg7[%dma_wait3A_346, %dma_wait3A_350] : memref<12x128xi32, #tpu.memory_space<vmem>> -> memref<1x128xi32, #tpu.memory_space<vmem>>
      %dma_wait3A_352 = tpu.memref_squeeze %dma_wait3A_351 : memref<1x128xi32, #tpu.memory_space<vmem>> -> memref<128xi32, #tpu.memory_space<vmem>>
      %dma_wait3A_353 = arith.constant 0 : i32
      %dma_wait3A_354 = arith.constant 0 : i32
      %dma_wait3A_355 = tpu.memref_slice %arg2[%dma_wait3A_353, %dma_wait3A_354] : memref<786432x32xf32, #tpu.memory_space<hbm>> -> memref<786432x32xf32, #tpu.memory_space<hbm>>
      tpu.wait_indirect_dma semaphore(%arg15 : memref<!tpu.dma_semaphore, #tpu.memory_space<semaphore_mem>>) src(%dma_wait3A_355 : memref<786432x32xf32, #tpu.memory_space<hbm>>) dst(%dma_wait3A_349 : memref<128x32xf32, #tpu.memory_space<vmem>>)
      %ge3A = arith.constant 2 : i32
      %ge3A_356 = arith.cmpi sge, %mul3A_224, %ge3A : i32
      %convert_element_type3A_357 = arith.extui %ge3A_356 : i1 to i32
      %cond3A_358 = arith.constant 0 : i32
      %cond3A_359 = arith.cmpi ne, %convert_element_type3A_357, %cond3A_358 : i32
      scf.if %cond3A_359 {
        %sub3A = arith.constant 2 : i32
        %sub3A_527 = arith.subi %mul3A_224, %sub3A : i32
        %mul3A_528 = arith.constant 128 : i32
        %mul3A_529 = arith.muli %sub3A_527, %mul3A_528 : i32
        %add3A_530 = arith.addi %mul3A_2, %mul3A_529 : i32
        %dma_wait3A_531 = arith.constant 0 : i32
        %dma_wait3A_532 = tpu.memref_slice %arg4[%add3A_530, %dma_wait3A_531] : memref<1048576x32xf32, #tpu.memory_space<hbm>> -> memref<128x32xf32, #tpu.memory_space<hbm>>
        %dma_wait3A_533 = arith.constant 0 : i32
        %dma_wait3A_534 = tpu.memref_slice %arg4[%add3A_530, %dma_wait3A_533] : memref<1048576x32xf32, #tpu.memory_space<hbm>> -> memref<128x32xf32, #tpu.memory_space<hbm>>
        tpu.wait_dma2 semaphore(%arg17 : memref<!tpu.dma_semaphore, #tpu.memory_space<semaphore_mem>>) src(%arg13 : memref<128x32xf32, #tpu.memory_space<vmem>>) dst(%dma_wait3A_534 : memref<128x32xf32, #tpu.memory_space<hbm>>)
      } else {
      }
      %scan3A_360 = arith.constant 0 : i32
      %scan3A_361 = arith.constant 0 : i32
      %scan3A_362 = arith.constant 8 : i32
      %scan3A_363 = arith.addi %scan3A_361, %scan3A_362 : i32
      %scan3A_364 = arith.constant 1 : i32
      scf.for %scan3A_527 = %scan3A_361 to %scan3A_363 step %scan3A_364  : i32 {
        %mul3A_528 = arith.constant 16 : i32
        %mul3A_529 = arith.muli %scan3A_527, %mul3A_528 : i32
        %get3A = arith.constant 0 : i32
        %get3A_530 = arith.index_cast %get3A : i32 to index
        %get3A_531 = arith.index_cast %mul3A_529 : i32 to index
        %get3A_532 = tpu.vector_load %arg9[%get3A_530, %get3A_531] {strides = array<i32>} : memref<12x128xf32, #tpu.memory_space<vmem>>, vector<16xf32>,
        %get3A_533 = arith.constant 1 : i32
        %get3A_534 = arith.index_cast %get3A_533 : i32 to index
        %get3A_535 = arith.index_cast %mul3A_529 : i32 to index
        %get3A_536 = tpu.vector_load %arg9[%get3A_534, %get3A_535] {strides = array<i32>} : memref<12x128xf32, #tpu.memory_space<vmem>>, vector<16xf32>,
        %get3A_537 = arith.constant 2 : i32
        %get3A_538 = arith.index_cast %get3A_537 : i32 to index
        %get3A_539 = arith.index_cast %mul3A_529 : i32 to index
        %get3A_540 = tpu.vector_load %arg9[%get3A_538, %get3A_539] {strides = array<i32>} : memref<12x128xf32, #tpu.memory_space<vmem>>, vector<16xf32>,
        %get3A_541 = arith.constant 3 : i32
        %get3A_542 = arith.index_cast %get3A_541 : i32 to index
        %get3A_543 = arith.index_cast %mul3A_529 : i32 to index
        %get3A_544 = tpu.vector_load %arg9[%get3A_542, %get3A_543] {strides = array<i32>} : memref<12x128xf32, #tpu.memory_space<vmem>>, vector<16xf32>,
        %get3A_545 = arith.constant 4 : i32
        %get3A_546 = arith.index_cast %get3A_545 : i32 to index
        %get3A_547 = arith.index_cast %mul3A_529 : i32 to index
        %get3A_548 = tpu.vector_load %arg9[%get3A_546, %get3A_547] {strides = array<i32>} : memref<12x128xf32, #tpu.memory_space<vmem>>, vector<16xf32>,
        %get3A_549 = arith.constant 5 : i32
        %get3A_550 = arith.index_cast %get3A_549 : i32 to index
        %get3A_551 = arith.index_cast %mul3A_529 : i32 to index
        %get3A_552 = tpu.vector_load %arg9[%get3A_550, %get3A_551] {strides = array<i32>} : memref<12x128xf32, #tpu.memory_space<vmem>>, vector<16xf32>,
        %get3A_553 = arith.constant 6 : i32
        %get3A_554 = arith.index_cast %get3A_553 : i32 to index
        %get3A_555 = arith.index_cast %mul3A_529 : i32 to index
        %get3A_556 = tpu.vector_load %arg9[%get3A_554, %get3A_555] {strides = array<i32>} : memref<12x128xf32, #tpu.memory_space<vmem>>, vector<16xf32>,
        %get3A_557 = arith.constant 7 : i32
        %get3A_558 = arith.index_cast %get3A_557 : i32 to index
        %get3A_559 = arith.index_cast %mul3A_529 : i32 to index
        %get3A_560 = tpu.vector_load %arg9[%get3A_558, %get3A_559] {strides = array<i32>} : memref<12x128xf32, #tpu.memory_space<vmem>>, vector<16xf32>,
        %get3A_561 = arith.constant 8 : i32
        %get3A_562 = arith.index_cast %get3A_561 : i32 to index
        %get3A_563 = arith.index_cast %mul3A_529 : i32 to index
        %get3A_564 = tpu.vector_load %arg9[%get3A_562, %get3A_563] {strides = array<i32>} : memref<12x128xf32, #tpu.memory_space<vmem>>, vector<16xf32>,
        %get3A_565 = arith.constant 9 : i32
        %get3A_566 = arith.index_cast %get3A_565 : i32 to index
        %get3A_567 = arith.index_cast %mul3A_529 : i32 to index
        %get3A_568 = tpu.vector_load %arg9[%get3A_566, %get3A_567] {strides = array<i32>} : memref<12x128xf32, #tpu.memory_space<vmem>>, vector<16xf32>,
        %get3A_569 = arith.constant 10 : i32
        %get3A_570 = arith.index_cast %get3A_569 : i32 to index
        %get3A_571 = arith.index_cast %mul3A_529 : i32 to index
        %get3A_572 = tpu.vector_load %arg9[%get3A_570, %get3A_571] {strides = array<i32>} : memref<12x128xf32, #tpu.memory_space<vmem>>, vector<16xf32>,
        %get3A_573 = arith.constant 11 : i32
        %get3A_574 = arith.index_cast %get3A_573 : i32 to index
        %get3A_575 = arith.index_cast %mul3A_529 : i32 to index
        %get3A_576 = tpu.vector_load %arg9[%get3A_574, %get3A_575] {strides = array<i32>} : memref<12x128xf32, #tpu.memory_space<vmem>>, vector<16xf32>,
        %scan3A_577 = arith.constant 0 : i32
        %scan3A_578 = arith.constant 0 : i32
        %scan3A_579 = arith.constant 16 : i32
        %scan3A_580 = arith.addi %scan3A_578, %scan3A_579 : i32
        %scan3A_581 = arith.constant 1 : i32
        scf.for %scan3A_583 = %scan3A_578 to %scan3A_580 step %scan3A_581  : i32 {
          %add3A_584 = arith.addi %mul3A_529, %scan3A_583 : i32
          %broadcast_in_dim3A = vector.broadcast %scan3A_583 : i32 to vector<16xi32>
          %broadcast_in_dim3A_585 = arith.constant 0.000000e+00 : f32
          %broadcast_in_dim3A_586 = vector.broadcast %broadcast_in_dim3A_585 : f32 to vector<16xf32>
          %broadcast_in_dim3A_587 = arith.constant 0.000000e+00 : f32
          %broadcast_in_dim3A_588 = vector.broadcast %broadcast_in_dim3A_587 : f32 to vector<16xf32>
          %lt3A_589 = arith.constant 0 : i32
          %lt3A_590 = vector.broadcast %lt3A_589 : i32 to vector<16xi32>
          %lt3A_591 = arith.cmpi slt, %broadcast_in_dim3A, %lt3A_590 : vector<16xi32>
          %add3A_592 = arith.constant 16 : i32
          %add3A_593 = vector.broadcast %add3A_592 : i32 to vector<16xi32>
          %add3A_594 = arith.addi %broadcast_in_dim3A, %add3A_593 : vector<16xi32>
          %select_n3A = arith.select %lt3A_591, %add3A_594, %broadcast_in_dim3A : vector<16xi1>, vector<16xi32>
          %broadcast_in_dim3A_595 = vector.shape_cast %select_n3A : vector<16xi32> to vector<16x1xi32>
          %gather3A = vector.shape_cast %broadcast_in_dim3A_595 : vector<16x1xi32> to vector<16xi32>
          %gather3A_596 = tpu.dynamic_gather %get3A_532[%gather3A] in [0] : vector<16xf32>, vector<16xi32> -> vector<16xf32>
          %add3A_597 = arith.constant 0 : i32
          %add3A_598 = arith.addi %add3A_597, %add3A_584 : i32
          %get3A_599 = arith.index_cast %add3A_598 : i32 to index
          %get3A_600 = arith.constant 0 : index
          %get3A_601 = tpu.vector_load %arg11[%get3A_599, %get3A_600] {strides = array<i32>} : memref<1536x32xf32, #tpu.memory_space<vmem>>, vector<16xf32>,
          %add3A_602 = arith.constant 0 : i32
          %add3A_603 = arith.addi %add3A_602, %add3A_584 : i32
          %get3A_604 = arith.index_cast %add3A_603 : i32 to index
          %get3A_605 = arith.constant 16 : index
          %get3A_606 = tpu.vector_load %arg11[%get3A_604, %get3A_605] {strides = array<i32>} : memref<1536x32xf32, #tpu.memory_space<vmem>>, vector<16xf32>,
          %mul3A_607 = arith.mulf %gather3A_596, %get3A_601 : vector<16xf32>
          %add3A_608 = arith.addf %broadcast_in_dim3A_586, %mul3A_607 : vector<16xf32>
          %mul3A_609 = arith.mulf %gather3A_596, %get3A_606 : vector<16xf32>
          %add3A_610 = arith.addf %broadcast_in_dim3A_588, %mul3A_609 : vector<16xf32>
          %lt3A_611 = arith.constant 0 : i32
          %lt3A_612 = vector.broadcast %lt3A_611 : i32 to vector<16xi32>
          %lt3A_613 = arith.cmpi slt, %broadcast_in_dim3A, %lt3A_612 : vector<16xi32>
          %add3A_614 = arith.constant 16 : i32
          %add3A_615 = vector.broadcast %add3A_614 : i32 to vector<16xi32>
          %add3A_616 = arith.addi %broadcast_in_dim3A, %add3A_615 : vector<16xi32>
          %select_n3A_617 = arith.select %lt3A_613, %add3A_616, %broadcast_in_dim3A : vector<16xi1>, vector<16xi32>
          %broadcast_in_dim3A_618 = vector.shape_cast %select_n3A_617 : vector<16xi32> to vector<16x1xi32>
          %gather3A_619 = vector.shape_cast %broadcast_in_dim3A_618 : vector<16x1xi32> to vector<16xi32>
          %gather3A_620 = tpu.dynamic_gather %get3A_536[%gather3A_619] in [0] : vector<16xf32>, vector<16xi32> -> vector<16xf32>
          %add3A_621 = arith.constant 128 : i32
          %add3A_622 = arith.addi %add3A_621, %add3A_584 : i32
          %get3A_623 = arith.index_cast %add3A_622 : i32 to index
          %get3A_624 = arith.constant 0 : index
          %get3A_625 = tpu.vector_load %arg11[%get3A_623, %get3A_624] {strides = array<i32>} : memref<1536x32xf32, #tpu.memory_space<vmem>>, vector<16xf32>,
          %add3A_626 = arith.constant 128 : i32
          %add3A_627 = arith.addi %add3A_626, %add3A_584 : i32
          %get3A_628 = arith.index_cast %add3A_627 : i32 to index
          %get3A_629 = arith.constant 16 : index
          %get3A_630 = tpu.vector_load %arg11[%get3A_628, %get3A_629] {strides = array<i32>} : memref<1536x32xf32, #tpu.memory_space<vmem>>, vector<16xf32>,
          %mul3A_631 = arith.mulf %gather3A_620, %get3A_625 : vector<16xf32>
          %add3A_632 = arith.addf %add3A_608, %mul3A_631 : vector<16xf32>
          %mul3A_633 = arith.mulf %gather3A_620, %get3A_630 : vector<16xf32>
          %add3A_634 = arith.addf %add3A_610, %mul3A_633 : vector<16xf32>
          %lt3A_635 = arith.constant 0 : i32
          %lt3A_636 = vector.broadcast %lt3A_635 : i32 to vector<16xi32>
          %lt3A_637 = arith.cmpi slt, %broadcast_in_dim3A, %lt3A_636 : vector<16xi32>
          %add3A_638 = arith.constant 16 : i32
          %add3A_639 = vector.broadcast %add3A_638 : i32 to vector<16xi32>
          %add3A_640 = arith.addi %broadcast_in_dim3A, %add3A_639 : vector<16xi32>
          %select_n3A_641 = arith.select %lt3A_637, %add3A_640, %broadcast_in_dim3A : vector<16xi1>, vector<16xi32>
          %broadcast_in_dim3A_642 = vector.shape_cast %select_n3A_641 : vector<16xi32> to vector<16x1xi32>
          %gather3A_643 = vector.shape_cast %broadcast_in_dim3A_642 : vector<16x1xi32> to vector<16xi32>
          %gather3A_644 = tpu.dynamic_gather %get3A_540[%gather3A_643] in [0] : vector<16xf32>, vector<16xi32> -> vector<16xf32>
          %add3A_645 = arith.constant 256 : i32
          %add3A_646 = arith.addi %add3A_645, %add3A_584 : i32
          %get3A_647 = arith.index_cast %add3A_646 : i32 to index
          %get3A_648 = arith.constant 0 : index
          %get3A_649 = tpu.vector_load %arg11[%get3A_647, %get3A_648] {strides = array<i32>} : memref<1536x32xf32, #tpu.memory_space<vmem>>, vector<16xf32>,
          %add3A_650 = arith.constant 256 : i32
          %add3A_651 = arith.addi %add3A_650, %add3A_584 : i32
          %get3A_652 = arith.index_cast %add3A_651 : i32 to index
          %get3A_653 = arith.constant 16 : index
          %get3A_654 = tpu.vector_load %arg11[%get3A_652, %get3A_653] {strides = array<i32>} : memref<1536x32xf32, #tpu.memory_space<vmem>>, vector<16xf32>,
          %mul3A_655 = arith.mulf %gather3A_644, %get3A_649 : vector<16xf32>
          %add3A_656 = arith.addf %add3A_632, %mul3A_655 : vector<16xf32>
          %mul3A_657 = arith.mulf %gather3A_644, %get3A_654 : vector<16xf32>
          %add3A_658 = arith.addf %add3A_634, %mul3A_657 : vector<16xf32>
          %lt3A_659 = arith.constant 0 : i32
          %lt3A_660 = vector.broadcast %lt3A_659 : i32 to vector<16xi32>
          %lt3A_661 = arith.cmpi slt, %broadcast_in_dim3A, %lt3A_660 : vector<16xi32>
          %add3A_662 = arith.constant 16 : i32
          %add3A_663 = vector.broadcast %add3A_662 : i32 to vector<16xi32>
          %add3A_664 = arith.addi %broadcast_in_dim3A, %add3A_663 : vector<16xi32>
          %select_n3A_665 = arith.select %lt3A_661, %add3A_664, %broadcast_in_dim3A : vector<16xi1>, vector<16xi32>
          %broadcast_in_dim3A_666 = vector.shape_cast %select_n3A_665 : vector<16xi32> to vector<16x1xi32>
          %gather3A_667 = vector.shape_cast %broadcast_in_dim3A_666 : vector<16x1xi32> to vector<16xi32>
          %gather3A_668 = tpu.dynamic_gather %get3A_544[%gather3A_667] in [0] : vector<16xf32>, vector<16xi32> -> vector<16xf32>
          %add3A_669 = arith.constant 384 : i32
          %add3A_670 = arith.addi %add3A_669, %add3A_584 : i32
          %get3A_671 = arith.index_cast %add3A_670 : i32 to index
          %get3A_672 = arith.constant 0 : index
          %get3A_673 = tpu.vector_load %arg11[%get3A_671, %get3A_672] {strides = array<i32>} : memref<1536x32xf32, #tpu.memory_space<vmem>>, vector<16xf32>,
          %add3A_674 = arith.constant 384 : i32
          %add3A_675 = arith.addi %add3A_674, %add3A_584 : i32
          %get3A_676 = arith.index_cast %add3A_675 : i32 to index
          %get3A_677 = arith.constant 16 : index
          %get3A_678 = tpu.vector_load %arg11[%get3A_676, %get3A_677] {strides = array<i32>} : memref<1536x32xf32, #tpu.memory_space<vmem>>, vector<16xf32>,
          %mul3A_679 = arith.mulf %gather3A_668, %get3A_673 : vector<16xf32>
          %add3A_680 = arith.addf %add3A_656, %mul3A_679 : vector<16xf32>
          %mul3A_681 = arith.mulf %gather3A_668, %get3A_678 : vector<16xf32>
          %add3A_682 = arith.addf %add3A_658, %mul3A_681 : vector<16xf32>
          %lt3A_683 = arith.constant 0 : i32
          %lt3A_684 = vector.broadcast %lt3A_683 : i32 to vector<16xi32>
          %lt3A_685 = arith.cmpi slt, %broadcast_in_dim3A, %lt3A_684 : vector<16xi32>
          %add3A_686 = arith.constant 16 : i32
          %add3A_687 = vector.broadcast %add3A_686 : i32 to vector<16xi32>
          %add3A_688 = arith.addi %broadcast_in_dim3A, %add3A_687 : vector<16xi32>
          %select_n3A_689 = arith.select %lt3A_685, %add3A_688, %broadcast_in_dim3A : vector<16xi1>, vector<16xi32>
          %broadcast_in_dim3A_690 = vector.shape_cast %select_n3A_689 : vector<16xi32> to vector<16x1xi32>
          %gather3A_691 = vector.shape_cast %broadcast_in_dim3A_690 : vector<16x1xi32> to vector<16xi32>
          %gather3A_692 = tpu.dynamic_gather %get3A_548[%gather3A_691] in [0] : vector<16xf32>, vector<16xi32> -> vector<16xf32>
          %add3A_693 = arith.constant 512 : i32
          %add3A_694 = arith.addi %add3A_693, %add3A_584 : i32
          %get3A_695 = arith.index_cast %add3A_694 : i32 to index
          %get3A_696 = arith.constant 0 : index
          %get3A_697 = tpu.vector_load %arg11[%get3A_695, %get3A_696] {strides = array<i32>} : memref<1536x32xf32, #tpu.memory_space<vmem>>, vector<16xf32>,
          %add3A_698 = arith.constant 512 : i32
          %add3A_699 = arith.addi %add3A_698, %add3A_584 : i32
          %get3A_700 = arith.index_cast %add3A_699 : i32 to index
          %get3A_701 = arith.constant 16 : index
          %get3A_702 = tpu.vector_load %arg11[%get3A_700, %get3A_701] {strides = array<i32>} : memref<1536x32xf32, #tpu.memory_space<vmem>>, vector<16xf32>,
          %mul3A_703 = arith.mulf %gather3A_692, %get3A_697 : vector<16xf32>
          %add3A_704 = arith.addf %add3A_680, %mul3A_703 : vector<16xf32>
          %mul3A_705 = arith.mulf %gather3A_692, %get3A_702 : vector<16xf32>
          %add3A_706 = arith.addf %add3A_682, %mul3A_705 : vector<16xf32>
          %lt3A_707 = arith.constant 0 : i32
          %lt3A_708 = vector.broadcast %lt3A_707 : i32 to vector<16xi32>
          %lt3A_709 = arith.cmpi slt, %broadcast_in_dim3A, %lt3A_708 : vector<16xi32>
          %add3A_710 = arith.constant 16 : i32
          %add3A_711 = vector.broadcast %add3A_710 : i32 to vector<16xi32>
          %add3A_712 = arith.addi %broadcast_in_dim3A, %add3A_711 : vector<16xi32>
          %select_n3A_713 = arith.select %lt3A_709, %add3A_712, %broadcast_in_dim3A : vector<16xi1>, vector<16xi32>
          %broadcast_in_dim3A_714 = vector.shape_cast %select_n3A_713 : vector<16xi32> to vector<16x1xi32>
          %gather3A_715 = vector.shape_cast %broadcast_in_dim3A_714 : vector<16x1xi32> to vector<16xi32>
          %gather3A_716 = tpu.dynamic_gather %get3A_552[%gather3A_715] in [0] : vector<16xf32>, vector<16xi32> -> vector<16xf32>
          %add3A_717 = arith.constant 640 : i32
          %add3A_718 = arith.addi %add3A_717, %add3A_584 : i32
          %get3A_719 = arith.index_cast %add3A_718 : i32 to index
          %get3A_720 = arith.constant 0 : index
          %get3A_721 = tpu.vector_load %arg11[%get3A_719, %get3A_720] {strides = array<i32>} : memref<1536x32xf32, #tpu.memory_space<vmem>>, vector<16xf32>,
          %add3A_722 = arith.constant 640 : i32
          %add3A_723 = arith.addi %add3A_722, %add3A_584 : i32
          %get3A_724 = arith.index_cast %add3A_723 : i32 to index
          %get3A_725 = arith.constant 16 : index
          %get3A_726 = tpu.vector_load %arg11[%get3A_724, %get3A_725] {strides = array<i32>} : memref<1536x32xf32, #tpu.memory_space<vmem>>, vector<16xf32>,
          %mul3A_727 = arith.mulf %gather3A_716, %get3A_721 : vector<16xf32>
          %add3A_728 = arith.addf %add3A_704, %mul3A_727 : vector<16xf32>
          %mul3A_729 = arith.mulf %gather3A_716, %get3A_726 : vector<16xf32>
          %add3A_730 = arith.addf %add3A_706, %mul3A_729 : vector<16xf32>
          %lt3A_731 = arith.constant 0 : i32
          %lt3A_732 = vector.broadcast %lt3A_731 : i32 to vector<16xi32>
          %lt3A_733 = arith.cmpi slt, %broadcast_in_dim3A, %lt3A_732 : vector<16xi32>
          %add3A_734 = arith.constant 16 : i32
          %add3A_735 = vector.broadcast %add3A_734 : i32 to vector<16xi32>
          %add3A_736 = arith.addi %broadcast_in_dim3A, %add3A_735 : vector<16xi32>
          %select_n3A_737 = arith.select %lt3A_733, %add3A_736, %broadcast_in_dim3A : vector<16xi1>, vector<16xi32>
          %broadcast_in_dim3A_738 = vector.shape_cast %select_n3A_737 : vector<16xi32> to vector<16x1xi32>
          %gather3A_739 = vector.shape_cast %broadcast_in_dim3A_738 : vector<16x1xi32> to vector<16xi32>
          %gather3A_740 = tpu.dynamic_gather %get3A_556[%gather3A_739] in [0] : vector<16xf32>, vector<16xi32> -> vector<16xf32>
          %add3A_741 = arith.constant 768 : i32
          %add3A_742 = arith.addi %add3A_741, %add3A_584 : i32
          %get3A_743 = arith.index_cast %add3A_742 : i32 to index
          %get3A_744 = arith.constant 0 : index
          %get3A_745 = tpu.vector_load %arg11[%get3A_743, %get3A_744] {strides = array<i32>} : memref<1536x32xf32, #tpu.memory_space<vmem>>, vector<16xf32>,
          %add3A_746 = arith.constant 768 : i32
          %add3A_747 = arith.addi %add3A_746, %add3A_584 : i32
          %get3A_748 = arith.index_cast %add3A_747 : i32 to index
          %get3A_749 = arith.constant 16 : index
          %get3A_750 = tpu.vector_load %arg11[%get3A_748, %get3A_749] {strides = array<i32>} : memref<1536x32xf32, #tpu.memory_space<vmem>>, vector<16xf32>,
          %mul3A_751 = arith.mulf %gather3A_740, %get3A_745 : vector<16xf32>
          %add3A_752 = arith.addf %add3A_728, %mul3A_751 : vector<16xf32>
          %mul3A_753 = arith.mulf %gather3A_740, %get3A_750 : vector<16xf32>
          %add3A_754 = arith.addf %add3A_730, %mul3A_753 : vector<16xf32>
          %lt3A_755 = arith.constant 0 : i32
          %lt3A_756 = vector.broadcast %lt3A_755 : i32 to vector<16xi32>
          %lt3A_757 = arith.cmpi slt, %broadcast_in_dim3A, %lt3A_756 : vector<16xi32>
          %add3A_758 = arith.constant 16 : i32
          %add3A_759 = vector.broadcast %add3A_758 : i32 to vector<16xi32>
          %add3A_760 = arith.addi %broadcast_in_dim3A, %add3A_759 : vector<16xi32>
          %select_n3A_761 = arith.select %lt3A_757, %add3A_760, %broadcast_in_dim3A : vector<16xi1>, vector<16xi32>
          %broadcast_in_dim3A_762 = vector.shape_cast %select_n3A_761 : vector<16xi32> to vector<16x1xi32>
          %gather3A_763 = vector.shape_cast %broadcast_in_dim3A_762 : vector<16x1xi32> to vector<16xi32>
          %gather3A_764 = tpu.dynamic_gather %get3A_560[%gather3A_763] in [0] : vector<16xf32>, vector<16xi32> -> vector<16xf32>
          %add3A_765 = arith.constant 896 : i32
          %add3A_766 = arith.addi %add3A_765, %add3A_584 : i32
          %get3A_767 = arith.index_cast %add3A_766 : i32 to index
          %get3A_768 = arith.constant 0 : index
          %get3A_769 = tpu.vector_load %arg11[%get3A_767, %get3A_768] {strides = array<i32>} : memref<1536x32xf32, #tpu.memory_space<vmem>>, vector<16xf32>,
          %add3A_770 = arith.constant 896 : i32
          %add3A_771 = arith.addi %add3A_770, %add3A_584 : i32
          %get3A_772 = arith.index_cast %add3A_771 : i32 to index
          %get3A_773 = arith.constant 16 : index
          %get3A_774 = tpu.vector_load %arg11[%get3A_772, %get3A_773] {strides = array<i32>} : memref<1536x32xf32, #tpu.memory_space<vmem>>, vector<16xf32>,
          %mul3A_775 = arith.mulf %gather3A_764, %get3A_769 : vector<16xf32>
          %add3A_776 = arith.addf %add3A_752, %mul3A_775 : vector<16xf32>
          %mul3A_777 = arith.mulf %gather3A_764, %get3A_774 : vector<16xf32>
          %add3A_778 = arith.addf %add3A_754, %mul3A_777 : vector<16xf32>
          %lt3A_779 = arith.constant 0 : i32
          %lt3A_780 = vector.broadcast %lt3A_779 : i32 to vector<16xi32>
          %lt3A_781 = arith.cmpi slt, %broadcast_in_dim3A, %lt3A_780 : vector<16xi32>
          %add3A_782 = arith.constant 16 : i32
          %add3A_783 = vector.broadcast %add3A_782 : i32 to vector<16xi32>
          %add3A_784 = arith.addi %broadcast_in_dim3A, %add3A_783 : vector<16xi32>
          %select_n3A_785 = arith.select %lt3A_781, %add3A_784, %broadcast_in_dim3A : vector<16xi1>, vector<16xi32>
          %broadcast_in_dim3A_786 = vector.shape_cast %select_n3A_785 : vector<16xi32> to vector<16x1xi32>
          %gather3A_787 = vector.shape_cast %broadcast_in_dim3A_786 : vector<16x1xi32> to vector<16xi32>
          %gather3A_788 = tpu.dynamic_gather %get3A_564[%gather3A_787] in [0] : vector<16xf32>, vector<16xi32> -> vector<16xf32>
          %add3A_789 = arith.constant 1024 : i32
          %add3A_790 = arith.addi %add3A_789, %add3A_584 : i32
          %get3A_791 = arith.index_cast %add3A_790 : i32 to index
          %get3A_792 = arith.constant 0 : index
          %get3A_793 = tpu.vector_load %arg11[%get3A_791, %get3A_792] {strides = array<i32>} : memref<1536x32xf32, #tpu.memory_space<vmem>>, vector<16xf32>,
          %add3A_794 = arith.constant 1024 : i32
          %add3A_795 = arith.addi %add3A_794, %add3A_584 : i32
          %get3A_796 = arith.index_cast %add3A_795 : i32 to index
          %get3A_797 = arith.constant 16 : index
          %get3A_798 = tpu.vector_load %arg11[%get3A_796, %get3A_797] {strides = array<i32>} : memref<1536x32xf32, #tpu.memory_space<vmem>>, vector<16xf32>,
          %mul3A_799 = arith.mulf %gather3A_788, %get3A_793 : vector<16xf32>
          %add3A_800 = arith.addf %add3A_776, %mul3A_799 : vector<16xf32>
          %mul3A_801 = arith.mulf %gather3A_788, %get3A_798 : vector<16xf32>
          %add3A_802 = arith.addf %add3A_778, %mul3A_801 : vector<16xf32>
          %lt3A_803 = arith.constant 0 : i32
          %lt3A_804 = vector.broadcast %lt3A_803 : i32 to vector<16xi32>
          %lt3A_805 = arith.cmpi slt, %broadcast_in_dim3A, %lt3A_804 : vector<16xi32>
          %add3A_806 = arith.constant 16 : i32
          %add3A_807 = vector.broadcast %add3A_806 : i32 to vector<16xi32>
          %add3A_808 = arith.addi %broadcast_in_dim3A, %add3A_807 : vector<16xi32>
          %select_n3A_809 = arith.select %lt3A_805, %add3A_808, %broadcast_in_dim3A : vector<16xi1>, vector<16xi32>
          %broadcast_in_dim3A_810 = vector.shape_cast %select_n3A_809 : vector<16xi32> to vector<16x1xi32>
          %gather3A_811 = vector.shape_cast %broadcast_in_dim3A_810 : vector<16x1xi32> to vector<16xi32>
          %gather3A_812 = tpu.dynamic_gather %get3A_568[%gather3A_811] in [0] : vector<16xf32>, vector<16xi32> -> vector<16xf32>
          %add3A_813 = arith.constant 1152 : i32
          %add3A_814 = arith.addi %add3A_813, %add3A_584 : i32
          %get3A_815 = arith.index_cast %add3A_814 : i32 to index
          %get3A_816 = arith.constant 0 : index
          %get3A_817 = tpu.vector_load %arg11[%get3A_815, %get3A_816] {strides = array<i32>} : memref<1536x32xf32, #tpu.memory_space<vmem>>, vector<16xf32>,
          %add3A_818 = arith.constant 1152 : i32
          %add3A_819 = arith.addi %add3A_818, %add3A_584 : i32
          %get3A_820 = arith.index_cast %add3A_819 : i32 to index
          %get3A_821 = arith.constant 16 : index
          %get3A_822 = tpu.vector_load %arg11[%get3A_820, %get3A_821] {strides = array<i32>} : memref<1536x32xf32, #tpu.memory_space<vmem>>, vector<16xf32>,
          %mul3A_823 = arith.mulf %gather3A_812, %get3A_817 : vector<16xf32>
          %add3A_824 = arith.addf %add3A_800, %mul3A_823 : vector<16xf32>
          %mul3A_825 = arith.mulf %gather3A_812, %get3A_822 : vector<16xf32>
          %add3A_826 = arith.addf %add3A_802, %mul3A_825 : vector<16xf32>
          %lt3A_827 = arith.constant 0 : i32
          %lt3A_828 = vector.broadcast %lt3A_827 : i32 to vector<16xi32>
          %lt3A_829 = arith.cmpi slt, %broadcast_in_dim3A, %lt3A_828 : vector<16xi32>
          %add3A_830 = arith.constant 16 : i32
          %add3A_831 = vector.broadcast %add3A_830 : i32 to vector<16xi32>
          %add3A_832 = arith.addi %broadcast_in_dim3A, %add3A_831 : vector<16xi32>
          %select_n3A_833 = arith.select %lt3A_829, %add3A_832, %broadcast_in_dim3A : vector<16xi1>, vector<16xi32>
          %broadcast_in_dim3A_834 = vector.shape_cast %select_n3A_833 : vector<16xi32> to vector<16x1xi32>
          %gather3A_835 = vector.shape_cast %broadcast_in_dim3A_834 : vector<16x1xi32> to vector<16xi32>
          %gather3A_836 = tpu.dynamic_gather %get3A_572[%gather3A_835] in [0] : vector<16xf32>, vector<16xi32> -> vector<16xf32>
          %add3A_837 = arith.constant 1280 : i32
          %add3A_838 = arith.addi %add3A_837, %add3A_584 : i32
          %get3A_839 = arith.index_cast %add3A_838 : i32 to index
          %get3A_840 = arith.constant 0 : index
          %get3A_841 = tpu.vector_load %arg11[%get3A_839, %get3A_840] {strides = array<i32>} : memref<1536x32xf32, #tpu.memory_space<vmem>>, vector<16xf32>,
          %add3A_842 = arith.constant 1280 : i32
          %add3A_843 = arith.addi %add3A_842, %add3A_584 : i32
          %get3A_844 = arith.index_cast %add3A_843 : i32 to index
          %get3A_845 = arith.constant 16 : index
          %get3A_846 = tpu.vector_load %arg11[%get3A_844, %get3A_845] {strides = array<i32>} : memref<1536x32xf32, #tpu.memory_space<vmem>>, vector<16xf32>,
          %mul3A_847 = arith.mulf %gather3A_836, %get3A_841 : vector<16xf32>
          %add3A_848 = arith.addf %add3A_824, %mul3A_847 : vector<16xf32>
          %mul3A_849 = arith.mulf %gather3A_836, %get3A_846 : vector<16xf32>
          %add3A_850 = arith.addf %add3A_826, %mul3A_849 : vector<16xf32>
          %lt3A_851 = arith.constant 0 : i32
          %lt3A_852 = vector.broadcast %lt3A_851 : i32 to vector<16xi32>
          %lt3A_853 = arith.cmpi slt, %broadcast_in_dim3A, %lt3A_852 : vector<16xi32>
          %add3A_854 = arith.constant 16 : i32
          %add3A_855 = vector.broadcast %add3A_854 : i32 to vector<16xi32>
          %add3A_856 = arith.addi %broadcast_in_dim3A, %add3A_855 : vector<16xi32>
          %select_n3A_857 = arith.select %lt3A_853, %add3A_856, %broadcast_in_dim3A : vector<16xi1>, vector<16xi32>
          %broadcast_in_dim3A_858 = vector.shape_cast %select_n3A_857 : vector<16xi32> to vector<16x1xi32>
          %gather3A_859 = vector.shape_cast %broadcast_in_dim3A_858 : vector<16x1xi32> to vector<16xi32>
          %gather3A_860 = tpu.dynamic_gather %get3A_576[%gather3A_859] in [0] : vector<16xf32>, vector<16xi32> -> vector<16xf32>
          %add3A_861 = arith.constant 1408 : i32
          %add3A_862 = arith.addi %add3A_861, %add3A_584 : i32
          %get3A_863 = arith.index_cast %add3A_862 : i32 to index
          %get3A_864 = arith.constant 0 : index
          %get3A_865 = tpu.vector_load %arg11[%get3A_863, %get3A_864] {strides = array<i32>} : memref<1536x32xf32, #tpu.memory_space<vmem>>, vector<16xf32>,
          %add3A_866 = arith.constant 1408 : i32
          %add3A_867 = arith.addi %add3A_866, %add3A_584 : i32
          %get3A_868 = arith.index_cast %add3A_867 : i32 to index
          %get3A_869 = arith.constant 16 : index
          %get3A_870 = tpu.vector_load %arg11[%get3A_868, %get3A_869] {strides = array<i32>} : memref<1536x32xf32, #tpu.memory_space<vmem>>, vector<16xf32>,
          %mul3A_871 = arith.mulf %gather3A_860, %get3A_865 : vector<16xf32>
          %add3A_872 = arith.addf %add3A_848, %mul3A_871 : vector<16xf32>
          %mul3A_873 = arith.mulf %gather3A_860, %get3A_870 : vector<16xf32>
          %add3A_874 = arith.addf %add3A_850, %mul3A_873 : vector<16xf32>
          %swap3A = arith.index_cast %add3A_584 : i32 to index
          %swap3A_875 = arith.constant 0 : index
          %swap3A_876 = tpu.vector_load %arg13[%swap3A, %swap3A_875] {strides = array<i32>} : memref<128x32xf32, #tpu.memory_space<vmem>>, vector<16xf32>,
          tpu.vector_store %arg13[%swap3A, %swap3A_875], %add3A_872 {strides = array<i32>} : memref<128x32xf32, #tpu.memory_space<vmem>>, vector<16xf32>,
          %swap3A_877 = arith.index_cast %add3A_584 : i32 to index
          %swap3A_878 = arith.constant 16 : index
          %swap3A_879 = tpu.vector_load %arg13[%swap3A_877, %swap3A_878] {strides = array<i32>} : memref<128x32xf32, #tpu.memory_space<vmem>>, vector<16xf32>,
          tpu.vector_store %arg13[%swap3A_877, %swap3A_878], %add3A_874 {strides = array<i32>} : memref<128x32xf32, #tpu.memory_space<vmem>>, vector<16xf32>,
        }
        %scan3A_582 = arith.constant 16 : i32
      }
      %scan3A_365 = arith.constant 8 : i32
      %mul3A_366 = arith.constant 128 : i32
      %mul3A_367 = arith.muli %mul3A_224, %mul3A_366 : i32
      %add3A_368 = arith.addi %mul3A_2, %mul3A_367 : i32
      %dma_start3A_369 = arith.constant 0 : i32
      %dma_start3A_370 = tpu.memref_slice %arg4[%add3A_368, %dma_start3A_369] : memref<1048576x32xf32, #tpu.memory_space<hbm>> -> memref<128x32xf32, #tpu.memory_space<hbm>>
      %dma_start3A_371 = arith.constant 0 : i32
      %dma_start3A_372 = tpu.memref_slice %arg4[%add3A_368, %dma_start3A_371] : memref<1048576x32xf32, #tpu.memory_space<hbm>> -> memref<128x32xf32, #tpu.memory_space<hbm>>
      tpu.enqueue_dma source(%arg13 : memref<128x32xf32, #tpu.memory_space<vmem>>) target(%dma_start3A_372 : memref<128x32xf32, #tpu.memory_space<hbm>>) target_semaphore(%arg17 : memref<!tpu.dma_semaphore, #tpu.memory_space<semaphore_mem>>)
      %add3A_373 = arith.constant 1 : i32
      %add3A_374 = arith.addi %mul3A_224, %add3A_373 : i32
      %add3A_375 = arith.constant 1 : i32
      %add3A_376 = arith.addi %add3A_374, %add3A_375 : i32
      %lt3A_377 = arith.constant 256 : i32
      %lt3A_378 = arith.cmpi slt, %add3A_376, %lt3A_377 : i32
      %convert_element_type3A_379 = arith.extui %lt3A_378 : i1 to i32
      %cond3A_380 = arith.constant 0 : i32
      %cond3A_381 = arith.cmpi ne, %convert_element_type3A_379, %cond3A_380 : i32
      scf.if %cond3A_381 {
        %mul3A_527 = arith.constant 128 : i32
        %mul3A_528 = arith.muli %add3A_376, %mul3A_527 : i32
        %add3A_529 = arith.addi %mul3A_2, %mul3A_528 : i32
        %add3A_530 = arith.constant 0 : i32
        %add3A_531 = arith.addi %add3A_530, %add3A_529 : i32
        %dma_wait3A_532 = arith.constant 0 : i32
        %dma_wait3A_533 = tpu.memref_slice %arg5[%dma_wait3A_532] : memref<384xf32, #tpu.memory_space<vmem>> -> memref<128xf32, #tpu.memory_space<vmem>>
        %dma_wait3A_534 = tpu.memref_slice %arg3[%add3A_531] : memref<3145728xf32, #tpu.memory_space<hbm>> -> memref<128xf32, #tpu.memory_space<hbm>>
        %dma_wait3A_535 = arith.constant 0 : i32
        %dma_wait3A_536 = tpu.memref_slice %arg5[%dma_wait3A_535] : memref<384xf32, #tpu.memory_space<vmem>> -> memref<128xf32, #tpu.memory_space<vmem>>
        %dma_wait3A_537 = tpu.memref_slice %arg3[%add3A_531] : memref<3145728xf32, #tpu.memory_space<hbm>> -> memref<128xf32, #tpu.memory_space<hbm>>
        tpu.wait_dma2 semaphore(%arg19 : memref<!tpu.dma_semaphore, #tpu.memory_space<semaphore_mem>>) src(%dma_wait3A_537 : memref<128xf32, #tpu.memory_space<hbm>>) dst(%dma_wait3A_536 : memref<128xf32, #tpu.memory_space<vmem>>)
        %add3A_538 = arith.constant 1048576 : i32
        %add3A_539 = arith.addi %add3A_538, %add3A_529 : i32
        %dma_wait3A_540 = arith.constant 128 : i32
        %dma_wait3A_541 = tpu.memref_slice %arg5[%dma_wait3A_540] : memref<384xf32, #tpu.memory_space<vmem>> -> memref<128xf32, #tpu.memory_space<vmem>>
        %dma_wait3A_542 = tpu.memref_slice %arg3[%add3A_539] : memref<3145728xf32, #tpu.memory_space<hbm>> -> memref<128xf32, #tpu.memory_space<hbm>>
        %dma_wait3A_543 = arith.constant 128 : i32
        %dma_wait3A_544 = tpu.memref_slice %arg5[%dma_wait3A_543] : memref<384xf32, #tpu.memory_space<vmem>> -> memref<128xf32, #tpu.memory_space<vmem>>
        %dma_wait3A_545 = tpu.memref_slice %arg3[%add3A_539] : memref<3145728xf32, #tpu.memory_space<hbm>> -> memref<128xf32, #tpu.memory_space<hbm>>
        tpu.wait_dma2 semaphore(%arg19 : memref<!tpu.dma_semaphore, #tpu.memory_space<semaphore_mem>>) src(%dma_wait3A_545 : memref<128xf32, #tpu.memory_space<hbm>>) dst(%dma_wait3A_544 : memref<128xf32, #tpu.memory_space<vmem>>)
        %add3A_546 = arith.constant 2097152 : i32
        %add3A_547 = arith.addi %add3A_546, %add3A_529 : i32
        %dma_wait3A_548 = arith.constant 256 : i32
        %dma_wait3A_549 = tpu.memref_slice %arg5[%dma_wait3A_548] : memref<384xf32, #tpu.memory_space<vmem>> -> memref<128xf32, #tpu.memory_space<vmem>>
        %dma_wait3A_550 = tpu.memref_slice %arg3[%add3A_547] : memref<3145728xf32, #tpu.memory_space<hbm>> -> memref<128xf32, #tpu.memory_space<hbm>>
        %dma_wait3A_551 = arith.constant 256 : i32
        %dma_wait3A_552 = tpu.memref_slice %arg5[%dma_wait3A_551] : memref<384xf32, #tpu.memory_space<vmem>> -> memref<128xf32, #tpu.memory_space<vmem>>
        %dma_wait3A_553 = tpu.memref_slice %arg3[%add3A_547] : memref<3145728xf32, #tpu.memory_space<hbm>> -> memref<128xf32, #tpu.memory_space<hbm>>
        tpu.wait_dma2 semaphore(%arg19 : memref<!tpu.dma_semaphore, #tpu.memory_space<semaphore_mem>>) src(%dma_wait3A_553 : memref<128xf32, #tpu.memory_space<hbm>>) dst(%dma_wait3A_552 : memref<128xf32, #tpu.memory_space<vmem>>)
        %scan3A_554 = arith.constant 0 : i32
        %scan3A_555 = arith.constant 0 : i32
        %scan3A_556 = arith.constant 8 : i32
        %scan3A_557 = arith.addi %scan3A_555, %scan3A_556 : i32
        %scan3A_558 = arith.constant 1 : i32
        scf.for %scan3A_680 = %scan3A_555 to %scan3A_557 step %scan3A_558  : i32 {
          %mul3A_681 = arith.constant 16 : i32
          %mul3A_682 = arith.muli %scan3A_680, %mul3A_681 : i32
          %add3A_683 = arith.constant 0 : i32
          %add3A_684 = arith.addi %add3A_683, %mul3A_682 : i32
          %get3A = arith.index_cast %add3A_684 : i32 to index
          %get3A_685 = tpu.vector_load %arg5[%get3A] {strides = array<i32>} : memref<384xf32, #tpu.memory_space<vmem>>, vector<16xf32>,
          %add3A_686 = arith.constant 1.000000e+00 : f32
          %add3A_687 = vector.broadcast %add3A_686 : f32 to vector<16xf32>
          %add3A_688 = arith.addf %get3A_685, %add3A_687 : vector<16xf32>
          %mul3A_689 = arith.constant 5.000000e-01 : f32
          %mul3A_690 = vector.broadcast %mul3A_689 : f32 to vector<16xf32>
          %mul3A_691 = arith.mulf %add3A_688, %mul3A_690 : vector<16xf32>
          %jit3A = arith.constant 0.000000e+00 : f32
          %jit3A_692 = arith.constant 1.000000e+00 : f32
          %max3A = vector.broadcast %jit3A : f32 to vector<16xf32>
          %max3A_693 = arith.maximumf %max3A, %mul3A_691 : vector<16xf32>
          %min3A = vector.broadcast %jit3A_692 : f32 to vector<16xf32>
          %min3A_694 = arith.minimumf %min3A, %max3A_693 : vector<16xf32>
          %mul3A_695 = arith.constant 5.110000e+02 : f32
          %mul3A_696 = vector.broadcast %mul3A_695 : f32 to vector<16xf32>
          %mul3A_697 = arith.mulf %min3A_694, %mul3A_696 : vector<16xf32>
          %convert_element_type3A_698 = arith.fptosi %mul3A_697 : vector<16xf32> to vector<16xi32>
          %min3A_699 = arith.constant 510 : i32
          %min3A_700 = vector.broadcast %min3A_699 : i32 to vector<16xi32>
          %min3A_701 = arith.minsi %convert_element_type3A_698, %min3A_700 : vector<16xi32>
          %convert_element_type3A_702 = arith.sitofp %min3A_701 : vector<16xi32> to vector<16xf32>
          %sub3A = arith.subf %mul3A_697, %convert_element_type3A_702 : vector<16xf32>
          %add3A_703 = arith.constant 128 : i32
          %add3A_704 = arith.addi %add3A_703, %mul3A_682 : i32
          %get3A_705 = arith.index_cast %add3A_704 : i32 to index
          %get3A_706 = tpu.vector_load %arg5[%get3A_705] {strides = array<i32>} : memref<384xf32, #tpu.memory_space<vmem>>, vector<16xf32>,
          %add3A_707 = arith.constant 1.000000e+00 : f32
          %add3A_708 = vector.broadcast %add3A_707 : f32 to vector<16xf32>
          %add3A_709 = arith.addf %get3A_706, %add3A_708 : vector<16xf32>
          %mul3A_710 = arith.constant 5.000000e-01 : f32
          %mul3A_711 = vector.broadcast %mul3A_710 : f32 to vector<16xf32>
          %mul3A_712 = arith.mulf %add3A_709, %mul3A_711 : vector<16xf32>
          %jit3A_713 = arith.constant 0.000000e+00 : f32
          %jit3A_714 = arith.constant 1.000000e+00 : f32
          %max3A_715 = vector.broadcast %jit3A_713 : f32 to vector<16xf32>
          %max3A_716 = arith.maximumf %max3A_715, %mul3A_712 : vector<16xf32>
          %min3A_717 = vector.broadcast %jit3A_714 : f32 to vector<16xf32>
          %min3A_718 = arith.minimumf %min3A_717, %max3A_716 : vector<16xf32>
          %mul3A_719 = arith.constant 5.110000e+02 : f32
          %mul3A_720 = vector.broadcast %mul3A_719 : f32 to vector<16xf32>
          %mul3A_721 = arith.mulf %min3A_718, %mul3A_720 : vector<16xf32>
          %convert_element_type3A_722 = arith.fptosi %mul3A_721 : vector<16xf32> to vector<16xi32>
          %min3A_723 = arith.constant 510 : i32
          %min3A_724 = vector.broadcast %min3A_723 : i32 to vector<16xi32>
          %min3A_725 = arith.minsi %convert_element_type3A_722, %min3A_724 : vector<16xi32>
          %convert_element_type3A_726 = arith.sitofp %min3A_725 : vector<16xi32> to vector<16xf32>
          %sub3A_727 = arith.subf %mul3A_721, %convert_element_type3A_726 : vector<16xf32>
          %add3A_728 = arith.constant 256 : i32
          %add3A_729 = arith.addi %add3A_728, %mul3A_682 : i32
          %get3A_730 = arith.index_cast %add3A_729 : i32 to index
          %get3A_731 = tpu.vector_load %arg5[%get3A_730] {strides = array<i32>} : memref<384xf32, #tpu.memory_space<vmem>>, vector<16xf32>,
          %add3A_732 = arith.constant 1.000000e+00 : f32
          %add3A_733 = vector.broadcast %add3A_732 : f32 to vector<16xf32>
          %add3A_734 = arith.addf %get3A_731, %add3A_733 : vector<16xf32>
          %mul3A_735 = arith.constant 5.000000e-01 : f32
          %mul3A_736 = vector.broadcast %mul3A_735 : f32 to vector<16xf32>
          %mul3A_737 = arith.mulf %add3A_734, %mul3A_736 : vector<16xf32>
          %jit3A_738 = arith.constant 0.000000e+00 : f32
          %jit3A_739 = arith.constant 1.000000e+00 : f32
          %max3A_740 = vector.broadcast %jit3A_738 : f32 to vector<16xf32>
          %max3A_741 = arith.maximumf %max3A_740, %mul3A_737 : vector<16xf32>
          %min3A_742 = vector.broadcast %jit3A_739 : f32 to vector<16xf32>
          %min3A_743 = arith.minimumf %min3A_742, %max3A_741 : vector<16xf32>
          %mul3A_744 = arith.constant 5.110000e+02 : f32
          %mul3A_745 = vector.broadcast %mul3A_744 : f32 to vector<16xf32>
          %mul3A_746 = arith.mulf %min3A_743, %mul3A_745 : vector<16xf32>
          %convert_element_type3A_747 = arith.fptosi %mul3A_746 : vector<16xf32> to vector<16xi32>
          %min3A_748 = arith.constant 510 : i32
          %min3A_749 = vector.broadcast %min3A_748 : i32 to vector<16xi32>
          %min3A_750 = arith.minsi %convert_element_type3A_747, %min3A_749 : vector<16xi32>
          %convert_element_type3A_751 = arith.sitofp %min3A_750 : vector<16xi32> to vector<16xf32>
          %sub3A_752 = arith.subf %mul3A_746, %convert_element_type3A_751 : vector<16xf32>
          %mul3A_753 = arith.constant 512 : i32
          %mul3A_754 = vector.broadcast %mul3A_753 : i32 to vector<16xi32>
          %mul3A_755 = arith.muli %min3A_701, %mul3A_754 : vector<16xi32>
          %add3A_756 = arith.addi %mul3A_755, %min3A_725 : vector<16xi32>
          %add3A_757 = arith.constant 0 : i32
          %add3A_758 = vector.broadcast %add3A_757 : i32 to vector<16xi32>
          %add3A_759 = arith.addi %add3A_756, %add3A_758 : vector<16xi32>
          %sub3A_760 = arith.constant 1.000000e+00 : f32
          %sub3A_761 = vector.broadcast %sub3A_760 : f32 to vector<16xf32>
          %sub3A_762 = arith.subf %sub3A_761, %sub3A : vector<16xf32>
          %sub3A_763 = arith.constant 1.000000e+00 : f32
          %sub3A_764 = vector.broadcast %sub3A_763 : f32 to vector<16xf32>
          %sub3A_765 = arith.subf %sub3A_764, %sub3A_727 : vector<16xf32>
          %swap3A = arith.constant 0 : i32
          %swap3A_766 = arith.index_cast %swap3A : i32 to index
          %swap3A_767 = arith.index_cast %mul3A_682 : i32 to index
          %swap3A_768 = tpu.vector_load %arg7[%swap3A_766, %swap3A_767] {strides = array<i32>} : memref<12x128xi32, #tpu.memory_space<vmem>>, vector<16xi32>,
          tpu.vector_store %arg7[%swap3A_766, %swap3A_767], %add3A_759 {strides = array<i32>} : memref<12x128xi32, #tpu.memory_space<vmem>>, vector<16xi32>,
          %add3A_769 = arith.constant 1 : i32
          %add3A_770 = vector.broadcast %add3A_769 : i32 to vector<16xi32>
          %add3A_771 = arith.addi %add3A_759, %add3A_770 : vector<16xi32>
          %swap3A_772 = arith.constant 1 : i32
          %swap3A_773 = arith.index_cast %swap3A_772 : i32 to index
          %swap3A_774 = arith.index_cast %mul3A_682 : i32 to index
          %swap3A_775 = tpu.vector_load %arg7[%swap3A_773, %swap3A_774] {strides = array<i32>} : memref<12x128xi32, #tpu.memory_space<vmem>>, vector<16xi32>,
          tpu.vector_store %arg7[%swap3A_773, %swap3A_774], %add3A_771 {strides = array<i32>} : memref<12x128xi32, #tpu.memory_space<vmem>>, vector<16xi32>,
          %add3A_776 = arith.constant 512 : i32
          %add3A_777 = vector.broadcast %add3A_776 : i32 to vector<16xi32>
          %add3A_778 = arith.addi %add3A_759, %add3A_777 : vector<16xi32>
          %swap3A_779 = arith.constant 2 : i32
          %swap3A_780 = arith.index_cast %swap3A_779 : i32 to index
          %swap3A_781 = arith.index_cast %mul3A_682 : i32 to index
          %swap3A_782 = tpu.vector_load %arg7[%swap3A_780, %swap3A_781] {strides = array<i32>} : memref<12x128xi32, #tpu.memory_space<vmem>>, vector<16xi32>,
          tpu.vector_store %arg7[%swap3A_780, %swap3A_781], %add3A_778 {strides = array<i32>} : memref<12x128xi32, #tpu.memory_space<vmem>>, vector<16xi32>,
          %add3A_783 = arith.constant 513 : i32
          %add3A_784 = vector.broadcast %add3A_783 : i32 to vector<16xi32>
          %add3A_785 = arith.addi %add3A_759, %add3A_784 : vector<16xi32>
          %swap3A_786 = arith.constant 3 : i32
          %swap3A_787 = arith.index_cast %swap3A_786 : i32 to index
          %swap3A_788 = arith.index_cast %mul3A_682 : i32 to index
          %swap3A_789 = tpu.vector_load %arg7[%swap3A_787, %swap3A_788] {strides = array<i32>} : memref<12x128xi32, #tpu.memory_space<vmem>>, vector<16xi32>,
          tpu.vector_store %arg7[%swap3A_787, %swap3A_788], %add3A_785 {strides = array<i32>} : memref<12x128xi32, #tpu.memory_space<vmem>>, vector<16xi32>,
          %mul3A_790 = arith.mulf %sub3A_762, %sub3A_765 : vector<16xf32>
          %swap3A_791 = arith.constant 0 : i32
          %swap3A_792 = arith.index_cast %swap3A_791 : i32 to index
          %swap3A_793 = arith.index_cast %mul3A_682 : i32 to index
          %swap3A_794 = tpu.vector_load %arg9[%swap3A_792, %swap3A_793] {strides = array<i32>} : memref<12x128xf32, #tpu.memory_space<vmem>>, vector<16xf32>,
          tpu.vector_store %arg9[%swap3A_792, %swap3A_793], %mul3A_790 {strides = array<i32>} : memref<12x128xf32, #tpu.memory_space<vmem>>, vector<16xf32>,
          %mul3A_795 = arith.mulf %sub3A_762, %sub3A_727 : vector<16xf32>
          %swap3A_796 = arith.constant 1 : i32
          %swap3A_797 = arith.index_cast %swap3A_796 : i32 to index
          %swap3A_798 = arith.index_cast %mul3A_682 : i32 to index
          %swap3A_799 = tpu.vector_load %arg9[%swap3A_797, %swap3A_798] {strides = array<i32>} : memref<12x128xf32, #tpu.memory_space<vmem>>, vector<16xf32>,
          tpu.vector_store %arg9[%swap3A_797, %swap3A_798], %mul3A_795 {strides = array<i32>} : memref<12x128xf32, #tpu.memory_space<vmem>>, vector<16xf32>,
          %mul3A_800 = arith.mulf %sub3A, %sub3A_765 : vector<16xf32>
          %swap3A_801 = arith.constant 2 : i32
          %swap3A_802 = arith.index_cast %swap3A_801 : i32 to index
          %swap3A_803 = arith.index_cast %mul3A_682 : i32 to index
          %swap3A_804 = tpu.vector_load %arg9[%swap3A_802, %swap3A_803] {strides = array<i32>} : memref<12x128xf32, #tpu.memory_space<vmem>>, vector<16xf32>,
          tpu.vector_store %arg9[%swap3A_802, %swap3A_803], %mul3A_800 {strides = array<i32>} : memref<12x128xf32, #tpu.memory_space<vmem>>, vector<16xf32>,
          %mul3A_805 = arith.mulf %sub3A, %sub3A_727 : vector<16xf32>
          %swap3A_806 = arith.constant 3 : i32
          %swap3A_807 = arith.index_cast %swap3A_806 : i32 to index
          %swap3A_808 = arith.index_cast %mul3A_682 : i32 to index
          %swap3A_809 = tpu.vector_load %arg9[%swap3A_807, %swap3A_808] {strides = array<i32>} : memref<12x128xf32, #tpu.memory_space<vmem>>, vector<16xf32>,
          tpu.vector_store %arg9[%swap3A_807, %swap3A_808], %mul3A_805 {strides = array<i32>} : memref<12x128xf32, #tpu.memory_space<vmem>>, vector<16xf32>,
          %mul3A_810 = arith.constant 512 : i32
          %mul3A_811 = vector.broadcast %mul3A_810 : i32 to vector<16xi32>
          %mul3A_812 = arith.muli %min3A_701, %mul3A_811 : vector<16xi32>
          %add3A_813 = arith.addi %mul3A_812, %min3A_750 : vector<16xi32>
          %add3A_814 = arith.constant 262144 : i32
          %add3A_815 = vector.broadcast %add3A_814 : i32 to vector<16xi32>
          %add3A_816 = arith.addi %add3A_813, %add3A_815 : vector<16xi32>
          %sub3A_817 = arith.constant 1.000000e+00 : f32
          %sub3A_818 = vector.broadcast %sub3A_817 : f32 to vector<16xf32>
          %sub3A_819 = arith.subf %sub3A_818, %sub3A : vector<16xf32>
          %sub3A_820 = arith.constant 1.000000e+00 : f32
          %sub3A_821 = vector.broadcast %sub3A_820 : f32 to vector<16xf32>
          %sub3A_822 = arith.subf %sub3A_821, %sub3A_752 : vector<16xf32>
          %swap3A_823 = arith.constant 4 : i32
          %swap3A_824 = arith.index_cast %swap3A_823 : i32 to index
          %swap3A_825 = arith.index_cast %mul3A_682 : i32 to index
          %swap3A_826 = tpu.vector_load %arg7[%swap3A_824, %swap3A_825] {strides = array<i32>} : memref<12x128xi32, #tpu.memory_space<vmem>>, vector<16xi32>,
          tpu.vector_store %arg7[%swap3A_824, %swap3A_825], %add3A_816 {strides = array<i32>} : memref<12x128xi32, #tpu.memory_space<vmem>>, vector<16xi32>,
          %add3A_827 = arith.constant 1 : i32
          %add3A_828 = vector.broadcast %add3A_827 : i32 to vector<16xi32>
          %add3A_829 = arith.addi %add3A_816, %add3A_828 : vector<16xi32>
          %swap3A_830 = arith.constant 5 : i32
          %swap3A_831 = arith.index_cast %swap3A_830 : i32 to index
          %swap3A_832 = arith.index_cast %mul3A_682 : i32 to index
          %swap3A_833 = tpu.vector_load %arg7[%swap3A_831, %swap3A_832] {strides = array<i32>} : memref<12x128xi32, #tpu.memory_space<vmem>>, vector<16xi32>,
          tpu.vector_store %arg7[%swap3A_831, %swap3A_832], %add3A_829 {strides = array<i32>} : memref<12x128xi32, #tpu.memory_space<vmem>>, vector<16xi32>,
          %add3A_834 = arith.constant 512 : i32
          %add3A_835 = vector.broadcast %add3A_834 : i32 to vector<16xi32>
          %add3A_836 = arith.addi %add3A_816, %add3A_835 : vector<16xi32>
          %swap3A_837 = arith.constant 6 : i32
          %swap3A_838 = arith.index_cast %swap3A_837 : i32 to index
          %swap3A_839 = arith.index_cast %mul3A_682 : i32 to index
          %swap3A_840 = tpu.vector_load %arg7[%swap3A_838, %swap3A_839] {strides = array<i32>} : memref<12x128xi32, #tpu.memory_space<vmem>>, vector<16xi32>,
          tpu.vector_store %arg7[%swap3A_838, %swap3A_839], %add3A_836 {strides = array<i32>} : memref<12x128xi32, #tpu.memory_space<vmem>>, vector<16xi32>,
          %add3A_841 = arith.constant 513 : i32
          %add3A_842 = vector.broadcast %add3A_841 : i32 to vector<16xi32>
          %add3A_843 = arith.addi %add3A_816, %add3A_842 : vector<16xi32>
          %swap3A_844 = arith.constant 7 : i32
          %swap3A_845 = arith.index_cast %swap3A_844 : i32 to index
          %swap3A_846 = arith.index_cast %mul3A_682 : i32 to index
          %swap3A_847 = tpu.vector_load %arg7[%swap3A_845, %swap3A_846] {strides = array<i32>} : memref<12x128xi32, #tpu.memory_space<vmem>>, vector<16xi32>,
          tpu.vector_store %arg7[%swap3A_845, %swap3A_846], %add3A_843 {strides = array<i32>} : memref<12x128xi32, #tpu.memory_space<vmem>>, vector<16xi32>,
          %mul3A_848 = arith.mulf %sub3A_819, %sub3A_822 : vector<16xf32>
          %swap3A_849 = arith.constant 4 : i32
          %swap3A_850 = arith.index_cast %swap3A_849 : i32 to index
          %swap3A_851 = arith.index_cast %mul3A_682 : i32 to index
          %swap3A_852 = tpu.vector_load %arg9[%swap3A_850, %swap3A_851] {strides = array<i32>} : memref<12x128xf32, #tpu.memory_space<vmem>>, vector<16xf32>,
          tpu.vector_store %arg9[%swap3A_850, %swap3A_851], %mul3A_848 {strides = array<i32>} : memref<12x128xf32, #tpu.memory_space<vmem>>, vector<16xf32>,
          %mul3A_853 = arith.mulf %sub3A_819, %sub3A_752 : vector<16xf32>
          %swap3A_854 = arith.constant 5 : i32
          %swap3A_855 = arith.index_cast %swap3A_854 : i32 to index
          %swap3A_856 = arith.index_cast %mul3A_682 : i32 to index
          %swap3A_857 = tpu.vector_load %arg9[%swap3A_855, %swap3A_856] {strides = array<i32>} : memref<12x128xf32, #tpu.memory_space<vmem>>, vector<16xf32>,
          tpu.vector_store %arg9[%swap3A_855, %swap3A_856], %mul3A_853 {strides = array<i32>} : memref<12x128xf32, #tpu.memory_space<vmem>>, vector<16xf32>,
          %mul3A_858 = arith.mulf %sub3A, %sub3A_822 : vector<16xf32>
          %swap3A_859 = arith.constant 6 : i32
          %swap3A_860 = arith.index_cast %swap3A_859 : i32 to index
          %swap3A_861 = arith.index_cast %mul3A_682 : i32 to index
          %swap3A_862 = tpu.vector_load %arg9[%swap3A_860, %swap3A_861] {strides = array<i32>} : memref<12x128xf32, #tpu.memory_space<vmem>>, vector<16xf32>,
          tpu.vector_store %arg9[%swap3A_860, %swap3A_861], %mul3A_858 {strides = array<i32>} : memref<12x128xf32, #tpu.memory_space<vmem>>, vector<16xf32>,
          %mul3A_863 = arith.mulf %sub3A, %sub3A_752 : vector<16xf32>
          %swap3A_864 = arith.constant 7 : i32
          %swap3A_865 = arith.index_cast %swap3A_864 : i32 to index
          %swap3A_866 = arith.index_cast %mul3A_682 : i32 to index
          %swap3A_867 = tpu.vector_load %arg9[%swap3A_865, %swap3A_866] {strides = array<i32>} : memref<12x128xf32, #tpu.memory_space<vmem>>, vector<16xf32>,
          tpu.vector_store %arg9[%swap3A_865, %swap3A_866], %mul3A_863 {strides = array<i32>} : memref<12x128xf32, #tpu.memory_space<vmem>>, vector<16xf32>,
          %mul3A_868 = arith.constant 512 : i32
          %mul3A_869 = vector.broadcast %mul3A_868 : i32 to vector<16xi32>
          %mul3A_870 = arith.muli %min3A_725, %mul3A_869 : vector<16xi32>
          %add3A_871 = arith.addi %mul3A_870, %min3A_750 : vector<16xi32>
          %add3A_872 = arith.constant 524288 : i32
          %add3A_873 = vector.broadcast %add3A_872 : i32 to vector<16xi32>
          %add3A_874 = arith.addi %add3A_871, %add3A_873 : vector<16xi32>
          %sub3A_875 = arith.constant 1.000000e+00 : f32
          %sub3A_876 = vector.broadcast %sub3A_875 : f32 to vector<16xf32>
          %sub3A_877 = arith.subf %sub3A_876, %sub3A_727 : vector<16xf32>
          %sub3A_878 = arith.constant 1.000000e+00 : f32
          %sub3A_879 = vector.broadcast %sub3A_878 : f32 to vector<16xf32>
          %sub3A_880 = arith.subf %sub3A_879, %sub3A_752 : vector<16xf32>
          %swap3A_881 = arith.constant 8 : i32
          %swap3A_882 = arith.index_cast %swap3A_881 : i32 to index
          %swap3A_883 = arith.index_cast %mul3A_682 : i32 to index
          %swap3A_884 = tpu.vector_load %arg7[%swap3A_882, %swap3A_883] {strides = array<i32>} : memref<12x128xi32, #tpu.memory_space<vmem>>, vector<16xi32>,
          tpu.vector_store %arg7[%swap3A_882, %swap3A_883], %add3A_874 {strides = array<i32>} : memref<12x128xi32, #tpu.memory_space<vmem>>, vector<16xi32>,
          %add3A_885 = arith.constant 1 : i32
          %add3A_886 = vector.broadcast %add3A_885 : i32 to vector<16xi32>
          %add3A_887 = arith.addi %add3A_874, %add3A_886 : vector<16xi32>
          %swap3A_888 = arith.constant 9 : i32
          %swap3A_889 = arith.index_cast %swap3A_888 : i32 to index
          %swap3A_890 = arith.index_cast %mul3A_682 : i32 to index
          %swap3A_891 = tpu.vector_load %arg7[%swap3A_889, %swap3A_890] {strides = array<i32>} : memref<12x128xi32, #tpu.memory_space<vmem>>, vector<16xi32>,
          tpu.vector_store %arg7[%swap3A_889, %swap3A_890], %add3A_887 {strides = array<i32>} : memref<12x128xi32, #tpu.memory_space<vmem>>, vector<16xi32>,
          %add3A_892 = arith.constant 512 : i32
          %add3A_893 = vector.broadcast %add3A_892 : i32 to vector<16xi32>
          %add3A_894 = arith.addi %add3A_874, %add3A_893 : vector<16xi32>
          %swap3A_895 = arith.constant 10 : i32
          %swap3A_896 = arith.index_cast %swap3A_895 : i32 to index
          %swap3A_897 = arith.index_cast %mul3A_682 : i32 to index
          %swap3A_898 = tpu.vector_load %arg7[%swap3A_896, %swap3A_897] {strides = array<i32>} : memref<12x128xi32, #tpu.memory_space<vmem>>, vector<16xi32>,
          tpu.vector_store %arg7[%swap3A_896, %swap3A_897], %add3A_894 {strides = array<i32>} : memref<12x128xi32, #tpu.memory_space<vmem>>, vector<16xi32>,
          %add3A_899 = arith.constant 513 : i32
          %add3A_900 = vector.broadcast %add3A_899 : i32 to vector<16xi32>
          %add3A_901 = arith.addi %add3A_874, %add3A_900 : vector<16xi32>
          %swap3A_902 = arith.constant 11 : i32
          %swap3A_903 = arith.index_cast %swap3A_902 : i32 to index
          %swap3A_904 = arith.index_cast %mul3A_682 : i32 to index
          %swap3A_905 = tpu.vector_load %arg7[%swap3A_903, %swap3A_904] {strides = array<i32>} : memref<12x128xi32, #tpu.memory_space<vmem>>, vector<16xi32>,
          tpu.vector_store %arg7[%swap3A_903, %swap3A_904], %add3A_901 {strides = array<i32>} : memref<12x128xi32, #tpu.memory_space<vmem>>, vector<16xi32>,
          %mul3A_906 = arith.mulf %sub3A_877, %sub3A_880 : vector<16xf32>
          %swap3A_907 = arith.constant 8 : i32
          %swap3A_908 = arith.index_cast %swap3A_907 : i32 to index
          %swap3A_909 = arith.index_cast %mul3A_682 : i32 to index
          %swap3A_910 = tpu.vector_load %arg9[%swap3A_908, %swap3A_909] {strides = array<i32>} : memref<12x128xf32, #tpu.memory_space<vmem>>, vector<16xf32>,
          tpu.vector_store %arg9[%swap3A_908, %swap3A_909], %mul3A_906 {strides = array<i32>} : memref<12x128xf32, #tpu.memory_space<vmem>>, vector<16xf32>,
          %mul3A_911 = arith.mulf %sub3A_877, %sub3A_752 : vector<16xf32>
          %swap3A_912 = arith.constant 9 : i32
          %swap3A_913 = arith.index_cast %swap3A_912 : i32 to index
          %swap3A_914 = arith.index_cast %mul3A_682 : i32 to index
          %swap3A_915 = tpu.vector_load %arg9[%swap3A_913, %swap3A_914] {strides = array<i32>} : memref<12x128xf32, #tpu.memory_space<vmem>>, vector<16xf32>,
          tpu.vector_store %arg9[%swap3A_913, %swap3A_914], %mul3A_911 {strides = array<i32>} : memref<12x128xf32, #tpu.memory_space<vmem>>, vector<16xf32>,
          %mul3A_916 = arith.mulf %sub3A_727, %sub3A_880 : vector<16xf32>
          %swap3A_917 = arith.constant 10 : i32
          %swap3A_918 = arith.index_cast %swap3A_917 : i32 to index
          %swap3A_919 = arith.index_cast %mul3A_682 : i32 to index
          %swap3A_920 = tpu.vector_load %arg9[%swap3A_918, %swap3A_919] {strides = array<i32>} : memref<12x128xf32, #tpu.memory_space<vmem>>, vector<16xf32>,
          tpu.vector_store %arg9[%swap3A_918, %swap3A_919], %mul3A_916 {strides = array<i32>} : memref<12x128xf32, #tpu.memory_space<vmem>>, vector<16xf32>,
          %mul3A_921 = arith.mulf %sub3A_727, %sub3A_752 : vector<16xf32>
          %swap3A_922 = arith.constant 11 : i32
          %swap3A_923 = arith.index_cast %swap3A_922 : i32 to index
          %swap3A_924 = arith.index_cast %mul3A_682 : i32 to index
          %swap3A_925 = tpu.vector_load %arg9[%swap3A_923, %swap3A_924] {strides = array<i32>} : memref<12x128xf32, #tpu.memory_space<vmem>>, vector<16xf32>,
          tpu.vector_store %arg9[%swap3A_923, %swap3A_924], %mul3A_921 {strides = array<i32>} : memref<12x128xf32, #tpu.memory_space<vmem>>, vector<16xf32>,
        }
        %scan3A_559 = arith.constant 8 : i32
        %dma_start3A_560 = arith.constant 0 : i32
        %dma_start3A_561 = arith.constant 0 : i32
        %dma_start3A_562 = arith.constant 0 : i32
        %dma_start3A_563 = tpu.memref_slice %arg11[%dma_start3A_561, %dma_start3A_562] : memref<1536x32xf32, #tpu.memory_space<vmem>> -> memref<128x32xf32, #tpu.memory_space<vmem>>
        %dma_start3A_564 = arith.constant 0 : i32
        %dma_start3A_565 = tpu.memref_slice %arg7[%dma_start3A_560, %dma_start3A_564] : memref<12x128xi32, #tpu.memory_space<vmem>> -> memref<1x128xi32, #tpu.memory_space<vmem>>
        %dma_start3A_566 = tpu.memref_squeeze %dma_start3A_565 : memref<1x128xi32, #tpu.memory_space<vmem>> -> memref<128xi32, #tpu.memory_space<vmem>>
        %dma_start3A_567 = arith.constant 0 : i32
        %dma_start3A_568 = arith.constant 0 : i32
        %dma_start3A_569 = tpu.memref_slice %arg2[%dma_start3A_567, %dma_start3A_568] : memref<786432x32xf32, #tpu.memory_space<hbm>> -> memref<786432x32xf32, #tpu.memory_space<hbm>>
        tpu.enqueue_indirect_dma source(%dma_start3A_569 : memref<786432x32xf32, #tpu.memory_space<hbm>>) target(%dma_start3A_563 : memref<128x32xf32, #tpu.memory_space<vmem>>) offsets(%dma_start3A_566 : memref<128xi32, #tpu.memory_space<vmem>>) semaphore(%arg15 : memref<!tpu.dma_semaphore, #tpu.memory_space<semaphore_mem>>)
        %dma_start3A_570 = arith.constant 1 : i32
        %dma_start3A_571 = arith.constant 128 : i32
        %dma_start3A_572 = arith.constant 0 : i32
        %dma_start3A_573 = tpu.memref_slice %arg11[%dma_start3A_571, %dma_start3A_572] : memref<1536x32xf32, #tpu.memory_space<vmem>> -> memref<128x32xf32, #tpu.memory_space<vmem>>
        %dma_start3A_574 = arith.constant 0 : i32
        %dma_start3A_575 = tpu.memref_slice %arg7[%dma_start3A_570, %dma_start3A_574] : memref<12x128xi32, #tpu.memory_space<vmem>> -> memref<1x128xi32, #tpu.memory_space<vmem>>
        %dma_start3A_576 = tpu.memref_squeeze %dma_start3A_575 : memref<1x128xi32, #tpu.memory_space<vmem>> -> memref<128xi32, #tpu.memory_space<vmem>>
        %dma_start3A_577 = arith.constant 0 : i32
        %dma_start3A_578 = arith.constant 0 : i32
        %dma_start3A_579 = tpu.memref_slice %arg2[%dma_start3A_577, %dma_start3A_578] : memref<786432x32xf32, #tpu.memory_space<hbm>> -> memref<786432x32xf32, #tpu.memory_space<hbm>>
        tpu.enqueue_indirect_dma source(%dma_start3A_579 : memref<786432x32xf32, #tpu.memory_space<hbm>>) target(%dma_start3A_573 : memref<128x32xf32, #tpu.memory_space<vmem>>) offsets(%dma_start3A_576 : memref<128xi32, #tpu.memory_space<vmem>>) semaphore(%arg15 : memref<!tpu.dma_semaphore, #tpu.memory_space<semaphore_mem>>)
        %dma_start3A_580 = arith.constant 2 : i32
        %dma_start3A_581 = arith.constant 256 : i32
        %dma_start3A_582 = arith.constant 0 : i32
        %dma_start3A_583 = tpu.memref_slice %arg11[%dma_start3A_581, %dma_start3A_582] : memref<1536x32xf32, #tpu.memory_space<vmem>> -> memref<128x32xf32, #tpu.memory_space<vmem>>
        %dma_start3A_584 = arith.constant 0 : i32
        %dma_start3A_585 = tpu.memref_slice %arg7[%dma_start3A_580, %dma_start3A_584] : memref<12x128xi32, #tpu.memory_space<vmem>> -> memref<1x128xi32, #tpu.memory_space<vmem>>
        %dma_start3A_586 = tpu.memref_squeeze %dma_start3A_585 : memref<1x128xi32, #tpu.memory_space<vmem>> -> memref<128xi32, #tpu.memory_space<vmem>>
        %dma_start3A_587 = arith.constant 0 : i32
        %dma_start3A_588 = arith.constant 0 : i32
        %dma_start3A_589 = tpu.memref_slice %arg2[%dma_start3A_587, %dma_start3A_588] : memref<786432x32xf32, #tpu.memory_space<hbm>> -> memref<786432x32xf32, #tpu.memory_space<hbm>>
        tpu.enqueue_indirect_dma source(%dma_start3A_589 : memref<786432x32xf32, #tpu.memory_space<hbm>>) target(%dma_start3A_583 : memref<128x32xf32, #tpu.memory_space<vmem>>) offsets(%dma_start3A_586 : memref<128xi32, #tpu.memory_space<vmem>>) semaphore(%arg15 : memref<!tpu.dma_semaphore, #tpu.memory_space<semaphore_mem>>)
        %dma_start3A_590 = arith.constant 3 : i32
        %dma_start3A_591 = arith.constant 384 : i32
        %dma_start3A_592 = arith.constant 0 : i32
        %dma_start3A_593 = tpu.memref_slice %arg11[%dma_start3A_591, %dma_start3A_592] : memref<1536x32xf32, #tpu.memory_space<vmem>> -> memref<128x32xf32, #tpu.memory_space<vmem>>
        %dma_start3A_594 = arith.constant 0 : i32
        %dma_start3A_595 = tpu.memref_slice %arg7[%dma_start3A_590, %dma_start3A_594] : memref<12x128xi32, #tpu.memory_space<vmem>> -> memref<1x128xi32, #tpu.memory_space<vmem>>
        %dma_start3A_596 = tpu.memref_squeeze %dma_start3A_595 : memref<1x128xi32, #tpu.memory_space<vmem>> -> memref<128xi32, #tpu.memory_space<vmem>>
        %dma_start3A_597 = arith.constant 0 : i32
        %dma_start3A_598 = arith.constant 0 : i32
        %dma_start3A_599 = tpu.memref_slice %arg2[%dma_start3A_597, %dma_start3A_598] : memref<786432x32xf32, #tpu.memory_space<hbm>> -> memref<786432x32xf32, #tpu.memory_space<hbm>>
        tpu.enqueue_indirect_dma source(%dma_start3A_599 : memref<786432x32xf32, #tpu.memory_space<hbm>>) target(%dma_start3A_593 : memref<128x32xf32, #tpu.memory_space<vmem>>) offsets(%dma_start3A_596 : memref<128xi32, #tpu.memory_space<vmem>>) semaphore(%arg15 : memref<!tpu.dma_semaphore, #tpu.memory_space<semaphore_mem>>)
        %dma_start3A_600 = arith.constant 4 : i32
        %dma_start3A_601 = arith.constant 512 : i32
        %dma_start3A_602 = arith.constant 0 : i32
        %dma_start3A_603 = tpu.memref_slice %arg11[%dma_start3A_601, %dma_start3A_602] : memref<1536x32xf32, #tpu.memory_space<vmem>> -> memref<128x32xf32, #tpu.memory_space<vmem>>
        %dma_start3A_604 = arith.constant 0 : i32
        %dma_start3A_605 = tpu.memref_slice %arg7[%dma_start3A_600, %dma_start3A_604] : memref<12x128xi32, #tpu.memory_space<vmem>> -> memref<1x128xi32, #tpu.memory_space<vmem>>
        %dma_start3A_606 = tpu.memref_squeeze %dma_start3A_605 : memref<1x128xi32, #tpu.memory_space<vmem>> -> memref<128xi32, #tpu.memory_space<vmem>>
        %dma_start3A_607 = arith.constant 0 : i32
        %dma_start3A_608 = arith.constant 0 : i32
        %dma_start3A_609 = tpu.memref_slice %arg2[%dma_start3A_607, %dma_start3A_608] : memref<786432x32xf32, #tpu.memory_space<hbm>> -> memref<786432x32xf32, #tpu.memory_space<hbm>>
        tpu.enqueue_indirect_dma source(%dma_start3A_609 : memref<786432x32xf32, #tpu.memory_space<hbm>>) target(%dma_start3A_603 : memref<128x32xf32, #tpu.memory_space<vmem>>) offsets(%dma_start3A_606 : memref<128xi32, #tpu.memory_space<vmem>>) semaphore(%arg15 : memref<!tpu.dma_semaphore, #tpu.memory_space<semaphore_mem>>)
        %dma_start3A_610 = arith.constant 5 : i32
        %dma_start3A_611 = arith.constant 640 : i32
        %dma_start3A_612 = arith.constant 0 : i32
        %dma_start3A_613 = tpu.memref_slice %arg11[%dma_start3A_611, %dma_start3A_612] : memref<1536x32xf32, #tpu.memory_space<vmem>> -> memref<128x32xf32, #tpu.memory_space<vmem>>
        %dma_start3A_614 = arith.constant 0 : i32
        %dma_start3A_615 = tpu.memref_slice %arg7[%dma_start3A_610, %dma_start3A_614] : memref<12x128xi32, #tpu.memory_space<vmem>> -> memref<1x128xi32, #tpu.memory_space<vmem>>
        %dma_start3A_616 = tpu.memref_squeeze %dma_start3A_615 : memref<1x128xi32, #tpu.memory_space<vmem>> -> memref<128xi32, #tpu.memory_space<vmem>>
        %dma_start3A_617 = arith.constant 0 : i32
        %dma_start3A_618 = arith.constant 0 : i32
        %dma_start3A_619 = tpu.memref_slice %arg2[%dma_start3A_617, %dma_start3A_618] : memref<786432x32xf32, #tpu.memory_space<hbm>> -> memref<786432x32xf32, #tpu.memory_space<hbm>>
        tpu.enqueue_indirect_dma source(%dma_start3A_619 : memref<786432x32xf32, #tpu.memory_space<hbm>>) target(%dma_start3A_613 : memref<128x32xf32, #tpu.memory_space<vmem>>) offsets(%dma_start3A_616 : memref<128xi32, #tpu.memory_space<vmem>>) semaphore(%arg15 : memref<!tpu.dma_semaphore, #tpu.memory_space<semaphore_mem>>)
        %dma_start3A_620 = arith.constant 6 : i32
        %dma_start3A_621 = arith.constant 768 : i32
        %dma_start3A_622 = arith.constant 0 : i32
        %dma_start3A_623 = tpu.memref_slice %arg11[%dma_start3A_621, %dma_start3A_622] : memref<1536x32xf32, #tpu.memory_space<vmem>> -> memref<128x32xf32, #tpu.memory_space<vmem>>
        %dma_start3A_624 = arith.constant 0 : i32
        %dma_start3A_625 = tpu.memref_slice %arg7[%dma_start3A_620, %dma_start3A_624] : memref<12x128xi32, #tpu.memory_space<vmem>> -> memref<1x128xi32, #tpu.memory_space<vmem>>
        %dma_start3A_626 = tpu.memref_squeeze %dma_start3A_625 : memref<1x128xi32, #tpu.memory_space<vmem>> -> memref<128xi32, #tpu.memory_space<vmem>>
        %dma_start3A_627 = arith.constant 0 : i32
        %dma_start3A_628 = arith.constant 0 : i32
        %dma_start3A_629 = tpu.memref_slice %arg2[%dma_start3A_627, %dma_start3A_628] : memref<786432x32xf32, #tpu.memory_space<hbm>> -> memref<786432x32xf32, #tpu.memory_space<hbm>>
        tpu.enqueue_indirect_dma source(%dma_start3A_629 : memref<786432x32xf32, #tpu.memory_space<hbm>>) target(%dma_start3A_623 : memref<128x32xf32, #tpu.memory_space<vmem>>) offsets(%dma_start3A_626 : memref<128xi32, #tpu.memory_space<vmem>>) semaphore(%arg15 : memref<!tpu.dma_semaphore, #tpu.memory_space<semaphore_mem>>)
        %dma_start3A_630 = arith.constant 7 : i32
        %dma_start3A_631 = arith.constant 896 : i32
        %dma_start3A_632 = arith.constant 0 : i32
        %dma_start3A_633 = tpu.memref_slice %arg11[%dma_start3A_631, %dma_start3A_632] : memref<1536x32xf32, #tpu.memory_space<vmem>> -> memref<128x32xf32, #tpu.memory_space<vmem>>
        %dma_start3A_634 = arith.constant 0 : i32
        %dma_start3A_635 = tpu.memref_slice %arg7[%dma_start3A_630, %dma_start3A_634] : memref<12x128xi32, #tpu.memory_space<vmem>> -> memref<1x128xi32, #tpu.memory_space<vmem>>
        %dma_start3A_636 = tpu.memref_squeeze %dma_start3A_635 : memref<1x128xi32, #tpu.memory_space<vmem>> -> memref<128xi32, #tpu.memory_space<vmem>>
        %dma_start3A_637 = arith.constant 0 : i32
        %dma_start3A_638 = arith.constant 0 : i32
        %dma_start3A_639 = tpu.memref_slice %arg2[%dma_start3A_637, %dma_start3A_638] : memref<786432x32xf32, #tpu.memory_space<hbm>> -> memref<786432x32xf32, #tpu.memory_space<hbm>>
        tpu.enqueue_indirect_dma source(%dma_start3A_639 : memref<786432x32xf32, #tpu.memory_space<hbm>>) target(%dma_start3A_633 : memref<128x32xf32, #tpu.memory_space<vmem>>) offsets(%dma_start3A_636 : memref<128xi32, #tpu.memory_space<vmem>>) semaphore(%arg15 : memref<!tpu.dma_semaphore, #tpu.memory_space<semaphore_mem>>)
        %dma_start3A_640 = arith.constant 8 : i32
        %dma_start3A_641 = arith.constant 1024 : i32
        %dma_start3A_642 = arith.constant 0 : i32
        %dma_start3A_643 = tpu.memref_slice %arg11[%dma_start3A_641, %dma_start3A_642] : memref<1536x32xf32, #tpu.memory_space<vmem>> -> memref<128x32xf32, #tpu.memory_space<vmem>>
        %dma_start3A_644 = arith.constant 0 : i32
        %dma_start3A_645 = tpu.memref_slice %arg7[%dma_start3A_640, %dma_start3A_644] : memref<12x128xi32, #tpu.memory_space<vmem>> -> memref<1x128xi32, #tpu.memory_space<vmem>>
        %dma_start3A_646 = tpu.memref_squeeze %dma_start3A_645 : memref<1x128xi32, #tpu.memory_space<vmem>> -> memref<128xi32, #tpu.memory_space<vmem>>
        %dma_start3A_647 = arith.constant 0 : i32
        %dma_start3A_648 = arith.constant 0 : i32
        %dma_start3A_649 = tpu.memref_slice %arg2[%dma_start3A_647, %dma_start3A_648] : memref<786432x32xf32, #tpu.memory_space<hbm>> -> memref<786432x32xf32, #tpu.memory_space<hbm>>
        tpu.enqueue_indirect_dma source(%dma_start3A_649 : memref<786432x32xf32, #tpu.memory_space<hbm>>) target(%dma_start3A_643 : memref<128x32xf32, #tpu.memory_space<vmem>>) offsets(%dma_start3A_646 : memref<128xi32, #tpu.memory_space<vmem>>) semaphore(%arg15 : memref<!tpu.dma_semaphore, #tpu.memory_space<semaphore_mem>>)
        %dma_start3A_650 = arith.constant 9 : i32
        %dma_start3A_651 = arith.constant 1152 : i32
        %dma_start3A_652 = arith.constant 0 : i32
        %dma_start3A_653 = tpu.memref_slice %arg11[%dma_start3A_651, %dma_start3A_652] : memref<1536x32xf32, #tpu.memory_space<vmem>> -> memref<128x32xf32, #tpu.memory_space<vmem>>
        %dma_start3A_654 = arith.constant 0 : i32
        %dma_start3A_655 = tpu.memref_slice %arg7[%dma_start3A_650, %dma_start3A_654] : memref<12x128xi32, #tpu.memory_space<vmem>> -> memref<1x128xi32, #tpu.memory_space<vmem>>
        %dma_start3A_656 = tpu.memref_squeeze %dma_start3A_655 : memref<1x128xi32, #tpu.memory_space<vmem>> -> memref<128xi32, #tpu.memory_space<vmem>>
        %dma_start3A_657 = arith.constant 0 : i32
        %dma_start3A_658 = arith.constant 0 : i32
        %dma_start3A_659 = tpu.memref_slice %arg2[%dma_start3A_657, %dma_start3A_658] : memref<786432x32xf32, #tpu.memory_space<hbm>> -> memref<786432x32xf32, #tpu.memory_space<hbm>>
        tpu.enqueue_indirect_dma source(%dma_start3A_659 : memref<786432x32xf32, #tpu.memory_space<hbm>>) target(%dma_start3A_653 : memref<128x32xf32, #tpu.memory_space<vmem>>) offsets(%dma_start3A_656 : memref<128xi32, #tpu.memory_space<vmem>>) semaphore(%arg15 : memref<!tpu.dma_semaphore, #tpu.memory_space<semaphore_mem>>)
        %dma_start3A_660 = arith.constant 10 : i32
        %dma_start3A_661 = arith.constant 1280 : i32
        %dma_start3A_662 = arith.constant 0 : i32
        %dma_start3A_663 = tpu.memref_slice %arg11[%dma_start3A_661, %dma_start3A_662] : memref<1536x32xf32, #tpu.memory_space<vmem>> -> memref<128x32xf32, #tpu.memory_space<vmem>>
        %dma_start3A_664 = arith.constant 0 : i32
        %dma_start3A_665 = tpu.memref_slice %arg7[%dma_start3A_660, %dma_start3A_664] : memref<12x128xi32, #tpu.memory_space<vmem>> -> memref<1x128xi32, #tpu.memory_space<vmem>>
        %dma_start3A_666 = tpu.memref_squeeze %dma_start3A_665 : memref<1x128xi32, #tpu.memory_space<vmem>> -> memref<128xi32, #tpu.memory_space<vmem>>
        %dma_start3A_667 = arith.constant 0 : i32
        %dma_start3A_668 = arith.constant 0 : i32
        %dma_start3A_669 = tpu.memref_slice %arg2[%dma_start3A_667, %dma_start3A_668] : memref<786432x32xf32, #tpu.memory_space<hbm>> -> memref<786432x32xf32, #tpu.memory_space<hbm>>
        tpu.enqueue_indirect_dma source(%dma_start3A_669 : memref<786432x32xf32, #tpu.memory_space<hbm>>) target(%dma_start3A_663 : memref<128x32xf32, #tpu.memory_space<vmem>>) offsets(%dma_start3A_666 : memref<128xi32, #tpu.memory_space<vmem>>) semaphore(%arg15 : memref<!tpu.dma_semaphore, #tpu.memory_space<semaphore_mem>>)
        %dma_start3A_670 = arith.constant 11 : i32
        %dma_start3A_671 = arith.constant 1408 : i32
        %dma_start3A_672 = arith.constant 0 : i32
        %dma_start3A_673 = tpu.memref_slice %arg11[%dma_start3A_671, %dma_start3A_672] : memref<1536x32xf32, #tpu.memory_space<vmem>> -> memref<128x32xf32, #tpu.memory_space<vmem>>
        %dma_start3A_674 = arith.constant 0 : i32
        %dma_start3A_675 = tpu.memref_slice %arg7[%dma_start3A_670, %dma_start3A_674] : memref<12x128xi32, #tpu.memory_space<vmem>> -> memref<1x128xi32, #tpu.memory_space<vmem>>
        %dma_start3A_676 = tpu.memref_squeeze %dma_start3A_675 : memref<1x128xi32, #tpu.memory_space<vmem>> -> memref<128xi32, #tpu.memory_space<vmem>>
        %dma_start3A_677 = arith.constant 0 : i32
        %dma_start3A_678 = arith.constant 0 : i32
        %dma_start3A_679 = tpu.memref_slice %arg2[%dma_start3A_677, %dma_start3A_678] : memref<786432x32xf32, #tpu.memory_space<hbm>> -> memref<786432x32xf32, #tpu.memory_space<hbm>>
        tpu.enqueue_indirect_dma source(%dma_start3A_679 : memref<786432x32xf32, #tpu.memory_space<hbm>>) target(%dma_start3A_673 : memref<128x32xf32, #tpu.memory_space<vmem>>) offsets(%dma_start3A_676 : memref<128xi32, #tpu.memory_space<vmem>>) semaphore(%arg15 : memref<!tpu.dma_semaphore, #tpu.memory_space<semaphore_mem>>)
      } else {
      }
      %add3A_382 = arith.constant 2 : i32
      %add3A_383 = arith.addi %add3A_374, %add3A_382 : i32
      %lt3A_384 = arith.constant 256 : i32
      %lt3A_385 = arith.cmpi slt, %add3A_383, %lt3A_384 : i32
      %convert_element_type3A_386 = arith.extui %lt3A_385 : i1 to i32
      %cond3A_387 = arith.constant 0 : i32
      %cond3A_388 = arith.cmpi ne, %convert_element_type3A_386, %cond3A_387 : i32
      scf.if %cond3A_388 {
        %add3A_527 = arith.constant 2 : i32
        %add3A_528 = arith.addi %add3A_374, %add3A_527 : i32
        %mul3A_529 = arith.constant 128 : i32
        %mul3A_530 = arith.muli %add3A_528, %mul3A_529 : i32
        %add3A_531 = arith.addi %mul3A_2, %mul3A_530 : i32
        %add3A_532 = arith.constant 0 : i32
        %add3A_533 = arith.addi %add3A_532, %add3A_531 : i32
        %dma_start3A_534 = arith.constant 0 : i32
        %dma_start3A_535 = tpu.memref_slice %arg6[%dma_start3A_534] : memref<384xf32, #tpu.memory_space<vmem>> -> memref<128xf32, #tpu.memory_space<vmem>>
        %dma_start3A_536 = tpu.memref_slice %arg3[%add3A_533] : memref<3145728xf32, #tpu.memory_space<hbm>> -> memref<128xf32, #tpu.memory_space<hbm>>
        %dma_start3A_537 = arith.constant 0 : i32
        %dma_start3A_538 = tpu.memref_slice %arg6[%dma_start3A_537] : memref<384xf32, #tpu.memory_space<vmem>> -> memref<128xf32, #tpu.memory_space<vmem>>
        %dma_start3A_539 = tpu.memref_slice %arg3[%add3A_533] : memref<3145728xf32, #tpu.memory_space<hbm>> -> memref<128xf32, #tpu.memory_space<hbm>>
        tpu.enqueue_dma source(%dma_start3A_539 : memref<128xf32, #tpu.memory_space<hbm>>) target(%dma_start3A_538 : memref<128xf32, #tpu.memory_space<vmem>>) target_semaphore(%arg20 : memref<!tpu.dma_semaphore, #tpu.memory_space<semaphore_mem>>)
        %add3A_540 = arith.constant 1048576 : i32
        %add3A_541 = arith.addi %add3A_540, %add3A_531 : i32
        %dma_start3A_542 = arith.constant 128 : i32
        %dma_start3A_543 = tpu.memref_slice %arg6[%dma_start3A_542] : memref<384xf32, #tpu.memory_space<vmem>> -> memref<128xf32, #tpu.memory_space<vmem>>
        %dma_start3A_544 = tpu.memref_slice %arg3[%add3A_541] : memref<3145728xf32, #tpu.memory_space<hbm>> -> memref<128xf32, #tpu.memory_space<hbm>>
        %dma_start3A_545 = arith.constant 128 : i32
        %dma_start3A_546 = tpu.memref_slice %arg6[%dma_start3A_545] : memref<384xf32, #tpu.memory_space<vmem>> -> memref<128xf32, #tpu.memory_space<vmem>>
        %dma_start3A_547 = tpu.memref_slice %arg3[%add3A_541] : memref<3145728xf32, #tpu.memory_space<hbm>> -> memref<128xf32, #tpu.memory_space<hbm>>
        tpu.enqueue_dma source(%dma_start3A_547 : memref<128xf32, #tpu.memory_space<hbm>>) target(%dma_start3A_546 : memref<128xf32, #tpu.memory_space<vmem>>) target_semaphore(%arg20 : memref<!tpu.dma_semaphore, #tpu.memory_space<semaphore_mem>>)
        %add3A_548 = arith.constant 2097152 : i32
        %add3A_549 = arith.addi %add3A_548, %add3A_531 : i32
        %dma_start3A_550 = arith.constant 256 : i32
        %dma_start3A_551 = tpu.memref_slice %arg6[%dma_start3A_550] : memref<384xf32, #tpu.memory_space<vmem>> -> memref<128xf32, #tpu.memory_space<vmem>>
        %dma_start3A_552 = tpu.memref_slice %arg3[%add3A_549] : memref<3145728xf32, #tpu.memory_space<hbm>> -> memref<128xf32, #tpu.memory_space<hbm>>
        %dma_start3A_553 = arith.constant 256 : i32
        %dma_start3A_554 = tpu.memref_slice %arg6[%dma_start3A_553] : memref<384xf32, #tpu.memory_space<vmem>> -> memref<128xf32, #tpu.memory_space<vmem>>
        %dma_start3A_555 = tpu.memref_slice %arg3[%add3A_549] : memref<3145728xf32, #tpu.memory_space<hbm>> -> memref<128xf32, #tpu.memory_space<hbm>>
        tpu.enqueue_dma source(%dma_start3A_555 : memref<128xf32, #tpu.memory_space<hbm>>) target(%dma_start3A_554 : memref<128xf32, #tpu.memory_space<vmem>>) target_semaphore(%arg20 : memref<!tpu.dma_semaphore, #tpu.memory_space<semaphore_mem>>)
      } else {
      }
      %dma_wait3A_389 = arith.constant 0 : i32
      %dma_wait3A_390 = arith.constant 0 : i32
      %dma_wait3A_391 = arith.constant 0 : i32
      %dma_wait3A_392 = tpu.memref_slice %arg12[%dma_wait3A_390, %dma_wait3A_391] : memref<1536x32xf32, #tpu.memory_space<vmem>> -> memref<128x32xf32, #tpu.memory_space<vmem>>
      %dma_wait3A_393 = arith.constant 0 : i32
      %dma_wait3A_394 = tpu.memref_slice %arg8[%dma_wait3A_389, %dma_wait3A_393] : memref<12x128xi32, #tpu.memory_space<vmem>> -> memref<1x128xi32, #tpu.memory_space<vmem>>
      %dma_wait3A_395 = tpu.memref_squeeze %dma_wait3A_394 : memref<1x128xi32, #tpu.memory_space<vmem>> -> memref<128xi32, #tpu.memory_space<vmem>>
      %dma_wait3A_396 = arith.constant 0 : i32
      %dma_wait3A_397 = arith.constant 0 : i32
      %dma_wait3A_398 = tpu.memref_slice %arg2[%dma_wait3A_396, %dma_wait3A_397] : memref<786432x32xf32, #tpu.memory_space<hbm>> -> memref<786432x32xf32, #tpu.memory_space<hbm>>
      tpu.wait_indirect_dma semaphore(%arg16 : memref<!tpu.dma_semaphore, #tpu.memory_space<semaphore_mem>>) src(%dma_wait3A_398 : memref<786432x32xf32, #tpu.memory_space<hbm>>) dst(%dma_wait3A_392 : memref<128x32xf32, #tpu.memory_space<vmem>>)
      %dma_wait3A_399 = arith.constant 1 : i32
      %dma_wait3A_400 = arith.constant 128 : i32
      %dma_wait3A_401 = arith.constant 0 : i32
      %dma_wait3A_402 = tpu.memref_slice %arg12[%dma_wait3A_400, %dma_wait3A_401] : memref<1536x32xf32, #tpu.memory_space<vmem>> -> memref<128x32xf32, #tpu.memory_space<vmem>>
      %dma_wait3A_403 = arith.constant 0 : i32
      %dma_wait3A_404 = tpu.memref_slice %arg8[%dma_wait3A_399, %dma_wait3A_403] : memref<12x128xi32, #tpu.memory_space<vmem>> -> memref<1x128xi32, #tpu.memory_space<vmem>>
      %dma_wait3A_405 = tpu.memref_squeeze %dma_wait3A_404 : memref<1x128xi32, #tpu.memory_space<vmem>> -> memref<128xi32, #tpu.memory_space<vmem>>
      %dma_wait3A_406 = arith.constant 0 : i32
      %dma_wait3A_407 = arith.constant 0 : i32
      %dma_wait3A_408 = tpu.memref_slice %arg2[%dma_wait3A_406, %dma_wait3A_407] : memref<786432x32xf32, #tpu.memory_space<hbm>> -> memref<786432x32xf32, #tpu.memory_space<hbm>>
      tpu.wait_indirect_dma semaphore(%arg16 : memref<!tpu.dma_semaphore, #tpu.memory_space<semaphore_mem>>) src(%dma_wait3A_408 : memref<786432x32xf32, #tpu.memory_space<hbm>>) dst(%dma_wait3A_402 : memref<128x32xf32, #tpu.memory_space<vmem>>)
      %dma_wait3A_409 = arith.constant 2 : i32
      %dma_wait3A_410 = arith.constant 256 : i32
      %dma_wait3A_411 = arith.constant 0 : i32
      %dma_wait3A_412 = tpu.memref_slice %arg12[%dma_wait3A_410, %dma_wait3A_411] : memref<1536x32xf32, #tpu.memory_space<vmem>> -> memref<128x32xf32, #tpu.memory_space<vmem>>
      %dma_wait3A_413 = arith.constant 0 : i32
      %dma_wait3A_414 = tpu.memref_slice %arg8[%dma_wait3A_409, %dma_wait3A_413] : memref<12x128xi32, #tpu.memory_space<vmem>> -> memref<1x128xi32, #tpu.memory_space<vmem>>
      %dma_wait3A_415 = tpu.memref_squeeze %dma_wait3A_414 : memref<1x128xi32, #tpu.memory_space<vmem>> -> memref<128xi32, #tpu.memory_space<vmem>>
      %dma_wait3A_416 = arith.constant 0 : i32
      %dma_wait3A_417 = arith.constant 0 : i32
      %dma_wait3A_418 = tpu.memref_slice %arg2[%dma_wait3A_416, %dma_wait3A_417] : memref<786432x32xf32, #tpu.memory_space<hbm>> -> memref<786432x32xf32, #tpu.memory_space<hbm>>
      tpu.wait_indirect_dma semaphore(%arg16 : memref<!tpu.dma_semaphore, #tpu.memory_space<semaphore_mem>>) src(%dma_wait3A_418 : memref<786432x32xf32, #tpu.memory_space<hbm>>) dst(%dma_wait3A_412 : memref<128x32xf32, #tpu.memory_space<vmem>>)
      %dma_wait3A_419 = arith.constant 3 : i32
      %dma_wait3A_420 = arith.constant 384 : i32
      %dma_wait3A_421 = arith.constant 0 : i32
      %dma_wait3A_422 = tpu.memref_slice %arg12[%dma_wait3A_420, %dma_wait3A_421] : memref<1536x32xf32, #tpu.memory_space<vmem>> -> memref<128x32xf32, #tpu.memory_space<vmem>>
      %dma_wait3A_423 = arith.constant 0 : i32
      %dma_wait3A_424 = tpu.memref_slice %arg8[%dma_wait3A_419, %dma_wait3A_423] : memref<12x128xi32, #tpu.memory_space<vmem>> -> memref<1x128xi32, #tpu.memory_space<vmem>>
      %dma_wait3A_425 = tpu.memref_squeeze %dma_wait3A_424 : memref<1x128xi32, #tpu.memory_space<vmem>> -> memref<128xi32, #tpu.memory_space<vmem>>
      %dma_wait3A_426 = arith.constant 0 : i32
      %dma_wait3A_427 = arith.constant 0 : i32
      %dma_wait3A_428 = tpu.memref_slice %arg2[%dma_wait3A_426, %dma_wait3A_427] : memref<786432x32xf32, #tpu.memory_space<hbm>> -> memref<786432x32xf32, #tpu.memory_space<hbm>>
      tpu.wait_indirect_dma semaphore(%arg16 : memref<!tpu.dma_semaphore, #tpu.memory_space<semaphore_mem>>) src(%dma_wait3A_428 : memref<786432x32xf32, #tpu.memory_space<hbm>>) dst(%dma_wait3A_422 : memref<128x32xf32, #tpu.memory_space<vmem>>)
      %dma_wait3A_429 = arith.constant 4 : i32
      %dma_wait3A_430 = arith.constant 512 : i32
      %dma_wait3A_431 = arith.constant 0 : i32
      %dma_wait3A_432 = tpu.memref_slice %arg12[%dma_wait3A_430, %dma_wait3A_431] : memref<1536x32xf32, #tpu.memory_space<vmem>> -> memref<128x32xf32, #tpu.memory_space<vmem>>
      %dma_wait3A_433 = arith.constant 0 : i32
      %dma_wait3A_434 = tpu.memref_slice %arg8[%dma_wait3A_429, %dma_wait3A_433] : memref<12x128xi32, #tpu.memory_space<vmem>> -> memref<1x128xi32, #tpu.memory_space<vmem>>
      %dma_wait3A_435 = tpu.memref_squeeze %dma_wait3A_434 : memref<1x128xi32, #tpu.memory_space<vmem>> -> memref<128xi32, #tpu.memory_space<vmem>>
      %dma_wait3A_436 = arith.constant 0 : i32
      %dma_wait3A_437 = arith.constant 0 : i32
      %dma_wait3A_438 = tpu.memref_slice %arg2[%dma_wait3A_436, %dma_wait3A_437] : memref<786432x32xf32, #tpu.memory_space<hbm>> -> memref<786432x32xf32, #tpu.memory_space<hbm>>
      tpu.wait_indirect_dma semaphore(%arg16 : memref<!tpu.dma_semaphore, #tpu.memory_space<semaphore_mem>>) src(%dma_wait3A_438 : memref<786432x32xf32, #tpu.memory_space<hbm>>) dst(%dma_wait3A_432 : memref<128x32xf32, #tpu.memory_space<vmem>>)
      %dma_wait3A_439 = arith.constant 5 : i32
      %dma_wait3A_440 = arith.constant 640 : i32
      %dma_wait3A_441 = arith.constant 0 : i32
      %dma_wait3A_442 = tpu.memref_slice %arg12[%dma_wait3A_440, %dma_wait3A_441] : memref<1536x32xf32, #tpu.memory_space<vmem>> -> memref<128x32xf32, #tpu.memory_space<vmem>>
      %dma_wait3A_443 = arith.constant 0 : i32
      %dma_wait3A_444 = tpu.memref_slice %arg8[%dma_wait3A_439, %dma_wait3A_443] : memref<12x128xi32, #tpu.memory_space<vmem>> -> memref<1x128xi32, #tpu.memory_space<vmem>>
      %dma_wait3A_445 = tpu.memref_squeeze %dma_wait3A_444 : memref<1x128xi32, #tpu.memory_space<vmem>> -> memref<128xi32, #tpu.memory_space<vmem>>
      %dma_wait3A_446 = arith.constant 0 : i32
      %dma_wait3A_447 = arith.constant 0 : i32
      %dma_wait3A_448 = tpu.memref_slice %arg2[%dma_wait3A_446, %dma_wait3A_447] : memref<786432x32xf32, #tpu.memory_space<hbm>> -> memref<786432x32xf32, #tpu.memory_space<hbm>>
      tpu.wait_indirect_dma semaphore(%arg16 : memref<!tpu.dma_semaphore, #tpu.memory_space<semaphore_mem>>) src(%dma_wait3A_448 : memref<786432x32xf32, #tpu.memory_space<hbm>>) dst(%dma_wait3A_442 : memref<128x32xf32, #tpu.memory_space<vmem>>)
      %dma_wait3A_449 = arith.constant 6 : i32
      %dma_wait3A_450 = arith.constant 768 : i32
      %dma_wait3A_451 = arith.constant 0 : i32
      %dma_wait3A_452 = tpu.memref_slice %arg12[%dma_wait3A_450, %dma_wait3A_451] : memref<1536x32xf32, #tpu.memory_space<vmem>> -> memref<128x32xf32, #tpu.memory_space<vmem>>
      %dma_wait3A_453 = arith.constant 0 : i32
      %dma_wait3A_454 = tpu.memref_slice %arg8[%dma_wait3A_449, %dma_wait3A_453] : memref<12x128xi32, #tpu.memory_space<vmem>> -> memref<1x128xi32, #tpu.memory_space<vmem>>
      %dma_wait3A_455 = tpu.memref_squeeze %dma_wait3A_454 : memref<1x128xi32, #tpu.memory_space<vmem>> -> memref<128xi32, #tpu.memory_space<vmem>>
      %dma_wait3A_456 = arith.constant 0 : i32
      %dma_wait3A_457 = arith.constant 0 : i32
      %dma_wait3A_458 = tpu.memref_slice %arg2[%dma_wait3A_456, %dma_wait3A_457] : memref<786432x32xf32, #tpu.memory_space<hbm>> -> memref<786432x32xf32, #tpu.memory_space<hbm>>
      tpu.wait_indirect_dma semaphore(%arg16 : memref<!tpu.dma_semaphore, #tpu.memory_space<semaphore_mem>>) src(%dma_wait3A_458 : memref<786432x32xf32, #tpu.memory_space<hbm>>) dst(%dma_wait3A_452 : memref<128x32xf32, #tpu.memory_space<vmem>>)
      %dma_wait3A_459 = arith.constant 7 : i32
      %dma_wait3A_460 = arith.constant 896 : i32
      %dma_wait3A_461 = arith.constant 0 : i32
      %dma_wait3A_462 = tpu.memref_slice %arg12[%dma_wait3A_460, %dma_wait3A_461] : memref<1536x32xf32, #tpu.memory_space<vmem>> -> memref<128x32xf32, #tpu.memory_space<vmem>>
      %dma_wait3A_463 = arith.constant 0 : i32
      %dma_wait3A_464 = tpu.memref_slice %arg8[%dma_wait3A_459, %dma_wait3A_463] : memref<12x128xi32, #tpu.memory_space<vmem>> -> memref<1x128xi32, #tpu.memory_space<vmem>>
      %dma_wait3A_465 = tpu.memref_squeeze %dma_wait3A_464 : memref<1x128xi32, #tpu.memory_space<vmem>> -> memref<128xi32, #tpu.memory_space<vmem>>
      %dma_wait3A_466 = arith.constant 0 : i32
      %dma_wait3A_467 = arith.constant 0 : i32
      %dma_wait3A_468 = tpu.memref_slice %arg2[%dma_wait3A_466, %dma_wait3A_467] : memref<786432x32xf32, #tpu.memory_space<hbm>> -> memref<786432x32xf32, #tpu.memory_space<hbm>>
      tpu.wait_indirect_dma semaphore(%arg16 : memref<!tpu.dma_semaphore, #tpu.memory_space<semaphore_mem>>) src(%dma_wait3A_468 : memref<786432x32xf32, #tpu.memory_space<hbm>>) dst(%dma_wait3A_462 : memref<128x32xf32, #tpu.memory_space<vmem>>)
      %dma_wait3A_469 = arith.constant 8 : i32
      %dma_wait3A_470 = arith.constant 1024 : i32
      %dma_wait3A_471 = arith.constant 0 : i32
      %dma_wait3A_472 = tpu.memref_slice %arg12[%dma_wait3A_470, %dma_wait3A_471] : memref<1536x32xf32, #tpu.memory_space<vmem>> -> memref<128x32xf32, #tpu.memory_space<vmem>>
      %dma_wait3A_473 = arith.constant 0 : i32
      %dma_wait3A_474 = tpu.memref_slice %arg8[%dma_wait3A_469, %dma_wait3A_473] : memref<12x128xi32, #tpu.memory_space<vmem>> -> memref<1x128xi32, #tpu.memory_space<vmem>>
      %dma_wait3A_475 = tpu.memref_squeeze %dma_wait3A_474 : memref<1x128xi32, #tpu.memory_space<vmem>> -> memref<128xi32, #tpu.memory_space<vmem>>
      %dma_wait3A_476 = arith.constant 0 : i32
      %dma_wait3A_477 = arith.constant 0 : i32
      %dma_wait3A_478 = tpu.memref_slice %arg2[%dma_wait3A_476, %dma_wait3A_477] : memref<786432x32xf32, #tpu.memory_space<hbm>> -> memref<786432x32xf32, #tpu.memory_space<hbm>>
      tpu.wait_indirect_dma semaphore(%arg16 : memref<!tpu.dma_semaphore, #tpu.memory_space<semaphore_mem>>) src(%dma_wait3A_478 : memref<786432x32xf32, #tpu.memory_space<hbm>>) dst(%dma_wait3A_472 : memref<128x32xf32, #tpu.memory_space<vmem>>)
      %dma_wait3A_479 = arith.constant 9 : i32
      %dma_wait3A_480 = arith.constant 1152 : i32
      %dma_wait3A_481 = arith.constant 0 : i32
      %dma_wait3A_482 = tpu.memref_slice %arg12[%dma_wait3A_480, %dma_wait3A_481] : memref<1536x32xf32, #tpu.memory_space<vmem>> -> memref<128x32xf32, #tpu.memory_space<vmem>>
      %dma_wait3A_483 = arith.constant 0 : i32
      %dma_wait3A_484 = tpu.memref_slice %arg8[%dma_wait3A_479, %dma_wait3A_483] : memref<12x128xi32, #tpu.memory_space<vmem>> -> memref<1x128xi32, #tpu.memory_space<vmem>>
      %dma_wait3A_485 = tpu.memref_squeeze %dma_wait3A_484 : memref<1x128xi32, #tpu.memory_space<vmem>> -> memref<128xi32, #tpu.memory_space<vmem>>
      %dma_wait3A_486 = arith.constant 0 : i32
      %dma_wait3A_487 = arith.constant 0 : i32
      %dma_wait3A_488 = tpu.memref_slice %arg2[%dma_wait3A_486, %dma_wait3A_487] : memref<786432x32xf32, #tpu.memory_space<hbm>> -> memref<786432x32xf32, #tpu.memory_space<hbm>>
      tpu.wait_indirect_dma semaphore(%arg16 : memref<!tpu.dma_semaphore, #tpu.memory_space<semaphore_mem>>) src(%dma_wait3A_488 : memref<786432x32xf32, #tpu.memory_space<hbm>>) dst(%dma_wait3A_482 : memref<128x32xf32, #tpu.memory_space<vmem>>)
      %dma_wait3A_489 = arith.constant 10 : i32
      %dma_wait3A_490 = arith.constant 1280 : i32
      %dma_wait3A_491 = arith.constant 0 : i32
      %dma_wait3A_492 = tpu.memref_slice %arg12[%dma_wait3A_490, %dma_wait3A_491] : memref<1536x32xf32, #tpu.memory_space<vmem>> -> memref<128x32xf32, #tpu.memory_space<vmem>>
      %dma_wait3A_493 = arith.constant 0 : i32
      %dma_wait3A_494 = tpu.memref_slice %arg8[%dma_wait3A_489, %dma_wait3A_493] : memref<12x128xi32, #tpu.memory_space<vmem>> -> memref<1x128xi32, #tpu.memory_space<vmem>>
      %dma_wait3A_495 = tpu.memref_squeeze %dma_wait3A_494 : memref<1x128xi32, #tpu.memory_space<vmem>> -> memref<128xi32, #tpu.memory_space<vmem>>
      %dma_wait3A_496 = arith.constant 0 : i32
      %dma_wait3A_497 = arith.constant 0 : i32
      %dma_wait3A_498 = tpu.memref_slice %arg2[%dma_wait3A_496, %dma_wait3A_497] : memref<786432x32xf32, #tpu.memory_space<hbm>> -> memref<786432x32xf32, #tpu.memory_space<hbm>>
      tpu.wait_indirect_dma semaphore(%arg16 : memref<!tpu.dma_semaphore, #tpu.memory_space<semaphore_mem>>) src(%dma_wait3A_498 : memref<786432x32xf32, #tpu.memory_space<hbm>>) dst(%dma_wait3A_492 : memref<128x32xf32, #tpu.memory_space<vmem>>)
      %dma_wait3A_499 = arith.constant 11 : i32
      %dma_wait3A_500 = arith.constant 1408 : i32
      %dma_wait3A_501 = arith.constant 0 : i32
      %dma_wait3A_502 = tpu.memref_slice %arg12[%dma_wait3A_500, %dma_wait3A_501] : memref<1536x32xf32, #tpu.memory_space<vmem>> -> memref<128x32xf32, #tpu.memory_space<vmem>>
      %dma_wait3A_503 = arith.constant 0 : i32
      %dma_wait3A_504 = tpu.memref_slice %arg8[%dma_wait3A_499, %dma_wait3A_503] : memref<12x128xi32, #tpu.memory_space<vmem>> -> memref<1x128xi32, #tpu.memory_space<vmem>>
      %dma_wait3A_505 = tpu.memref_squeeze %dma_wait3A_504 : memref<1x128xi32, #tpu.memory_space<vmem>> -> memref<128xi32, #tpu.memory_space<vmem>>
      %dma_wait3A_506 = arith.constant 0 : i32
      %dma_wait3A_507 = arith.constant 0 : i32
      %dma_wait3A_508 = tpu.memref_slice %arg2[%dma_wait3A_506, %dma_wait3A_507] : memref<786432x32xf32, #tpu.memory_space<hbm>> -> memref<786432x32xf32, #tpu.memory_space<hbm>>
      tpu.wait_indirect_dma semaphore(%arg16 : memref<!tpu.dma_semaphore, #tpu.memory_space<semaphore_mem>>) src(%dma_wait3A_508 : memref<786432x32xf32, #tpu.memory_space<hbm>>) dst(%dma_wait3A_502 : memref<128x32xf32, #tpu.memory_space<vmem>>)
      %ge3A_509 = arith.constant 2 : i32
      %ge3A_510 = arith.cmpi sge, %add3A_374, %ge3A_509 : i32
      %convert_element_type3A_511 = arith.extui %ge3A_510 : i1 to i32
      %cond3A_512 = arith.constant 0 : i32
      %cond3A_513 = arith.cmpi ne, %convert_element_type3A_511, %cond3A_512 : i32
      scf.if %cond3A_513 {
        %sub3A = arith.constant 2 : i32
        %sub3A_527 = arith.subi %add3A_374, %sub3A : i32
        %mul3A_528 = arith.constant 128 : i32
        %mul3A_529 = arith.muli %sub3A_527, %mul3A_528 : i32
        %add3A_530 = arith.addi %mul3A_2, %mul3A_529 : i32
        %dma_wait3A_531 = arith.constant 0 : i32
        %dma_wait3A_532 = tpu.memref_slice %arg4[%add3A_530, %dma_wait3A_531] : memref<1048576x32xf32, #tpu.memory_space<hbm>> -> memref<128x32xf32, #tpu.memory_space<hbm>>
        %dma_wait3A_533 = arith.constant 0 : i32
        %dma_wait3A_534 = tpu.memref_slice %arg4[%add3A_530, %dma_wait3A_533] : memref<1048576x32xf32, #tpu.memory_space<hbm>> -> memref<128x32xf32, #tpu.memory_space<hbm>>
        tpu.wait_dma2 semaphore(%arg18 : memref<!tpu.dma_semaphore, #tpu.memory_space<semaphore_mem>>) src(%arg14 : memref<128x32xf32, #tpu.memory_space<vmem>>) dst(%dma_wait3A_534 : memref<128x32xf32, #tpu.memory_space<hbm>>)
      } else {
      }
      %scan3A_514 = arith.constant 0 : i32
      %scan3A_515 = arith.constant 0 : i32
      %scan3A_516 = arith.constant 8 : i32
      %scan3A_517 = arith.addi %scan3A_515, %scan3A_516 : i32
      %scan3A_518 = arith.constant 1 : i32
      scf.for %scan3A_527 = %scan3A_515 to %scan3A_517 step %scan3A_518  : i32 {
        %mul3A_528 = arith.constant 16 : i32
        %mul3A_529 = arith.muli %scan3A_527, %mul3A_528 : i32
        %get3A = arith.constant 0 : i32
        %get3A_530 = arith.index_cast %get3A : i32 to index
        %get3A_531 = arith.index_cast %mul3A_529 : i32 to index
        %get3A_532 = tpu.vector_load %arg10[%get3A_530, %get3A_531] {strides = array<i32>} : memref<12x128xf32, #tpu.memory_space<vmem>>, vector<16xf32>,
        %get3A_533 = arith.constant 1 : i32
        %get3A_534 = arith.index_cast %get3A_533 : i32 to index
        %get3A_535 = arith.index_cast %mul3A_529 : i32 to index
        %get3A_536 = tpu.vector_load %arg10[%get3A_534, %get3A_535] {strides = array<i32>} : memref<12x128xf32, #tpu.memory_space<vmem>>, vector<16xf32>,
        %get3A_537 = arith.constant 2 : i32
        %get3A_538 = arith.index_cast %get3A_537 : i32 to index
        %get3A_539 = arith.index_cast %mul3A_529 : i32 to index
        %get3A_540 = tpu.vector_load %arg10[%get3A_538, %get3A_539] {strides = array<i32>} : memref<12x128xf32, #tpu.memory_space<vmem>>, vector<16xf32>,
        %get3A_541 = arith.constant 3 : i32
        %get3A_542 = arith.index_cast %get3A_541 : i32 to index
        %get3A_543 = arith.index_cast %mul3A_529 : i32 to index
        %get3A_544 = tpu.vector_load %arg10[%get3A_542, %get3A_543] {strides = array<i32>} : memref<12x128xf32, #tpu.memory_space<vmem>>, vector<16xf32>,
        %get3A_545 = arith.constant 4 : i32
        %get3A_546 = arith.index_cast %get3A_545 : i32 to index
        %get3A_547 = arith.index_cast %mul3A_529 : i32 to index
        %get3A_548 = tpu.vector_load %arg10[%get3A_546, %get3A_547] {strides = array<i32>} : memref<12x128xf32, #tpu.memory_space<vmem>>, vector<16xf32>,
        %get3A_549 = arith.constant 5 : i32
        %get3A_550 = arith.index_cast %get3A_549 : i32 to index
        %get3A_551 = arith.index_cast %mul3A_529 : i32 to index
        %get3A_552 = tpu.vector_load %arg10[%get3A_550, %get3A_551] {strides = array<i32>} : memref<12x128xf32, #tpu.memory_space<vmem>>, vector<16xf32>,
        %get3A_553 = arith.constant 6 : i32
        %get3A_554 = arith.index_cast %get3A_553 : i32 to index
        %get3A_555 = arith.index_cast %mul3A_529 : i32 to index
        %get3A_556 = tpu.vector_load %arg10[%get3A_554, %get3A_555] {strides = array<i32>} : memref<12x128xf32, #tpu.memory_space<vmem>>, vector<16xf32>,
        %get3A_557 = arith.constant 7 : i32
        %get3A_558 = arith.index_cast %get3A_557 : i32 to index
        %get3A_559 = arith.index_cast %mul3A_529 : i32 to index
        %get3A_560 = tpu.vector_load %arg10[%get3A_558, %get3A_559] {strides = array<i32>} : memref<12x128xf32, #tpu.memory_space<vmem>>, vector<16xf32>,
        %get3A_561 = arith.constant 8 : i32
        %get3A_562 = arith.index_cast %get3A_561 : i32 to index
        %get3A_563 = arith.index_cast %mul3A_529 : i32 to index
        %get3A_564 = tpu.vector_load %arg10[%get3A_562, %get3A_563] {strides = array<i32>} : memref<12x128xf32, #tpu.memory_space<vmem>>, vector<16xf32>,
        %get3A_565 = arith.constant 9 : i32
        %get3A_566 = arith.index_cast %get3A_565 : i32 to index
        %get3A_567 = arith.index_cast %mul3A_529 : i32 to index
        %get3A_568 = tpu.vector_load %arg10[%get3A_566, %get3A_567] {strides = array<i32>} : memref<12x128xf32, #tpu.memory_space<vmem>>, vector<16xf32>,
        %get3A_569 = arith.constant 10 : i32
        %get3A_570 = arith.index_cast %get3A_569 : i32 to index
        %get3A_571 = arith.index_cast %mul3A_529 : i32 to index
        %get3A_572 = tpu.vector_load %arg10[%get3A_570, %get3A_571] {strides = array<i32>} : memref<12x128xf32, #tpu.memory_space<vmem>>, vector<16xf32>,
        %get3A_573 = arith.constant 11 : i32
        %get3A_574 = arith.index_cast %get3A_573 : i32 to index
        %get3A_575 = arith.index_cast %mul3A_529 : i32 to index
        %get3A_576 = tpu.vector_load %arg10[%get3A_574, %get3A_575] {strides = array<i32>} : memref<12x128xf32, #tpu.memory_space<vmem>>, vector<16xf32>,
        %scan3A_577 = arith.constant 0 : i32
        %scan3A_578 = arith.constant 0 : i32
        %scan3A_579 = arith.constant 16 : i32
        %scan3A_580 = arith.addi %scan3A_578, %scan3A_579 : i32
        %scan3A_581 = arith.constant 1 : i32
        scf.for %scan3A_583 = %scan3A_578 to %scan3A_580 step %scan3A_581  : i32 {
          %add3A_584 = arith.addi %mul3A_529, %scan3A_583 : i32
          %broadcast_in_dim3A = vector.broadcast %scan3A_583 : i32 to vector<16xi32>
          %broadcast_in_dim3A_585 = arith.constant 0.000000e+00 : f32
          %broadcast_in_dim3A_586 = vector.broadcast %broadcast_in_dim3A_585 : f32 to vector<16xf32>
          %broadcast_in_dim3A_587 = arith.constant 0.000000e+00 : f32
          %broadcast_in_dim3A_588 = vector.broadcast %broadcast_in_dim3A_587 : f32 to vector<16xf32>
          %lt3A_589 = arith.constant 0 : i32
          %lt3A_590 = vector.broadcast %lt3A_589 : i32 to vector<16xi32>
          %lt3A_591 = arith.cmpi slt, %broadcast_in_dim3A, %lt3A_590 : vector<16xi32>
          %add3A_592 = arith.constant 16 : i32
          %add3A_593 = vector.broadcast %add3A_592 : i32 to vector<16xi32>
          %add3A_594 = arith.addi %broadcast_in_dim3A, %add3A_593 : vector<16xi32>
          %select_n3A = arith.select %lt3A_591, %add3A_594, %broadcast_in_dim3A : vector<16xi1>, vector<16xi32>
          %broadcast_in_dim3A_595 = vector.shape_cast %select_n3A : vector<16xi32> to vector<16x1xi32>
          %gather3A = vector.shape_cast %broadcast_in_dim3A_595 : vector<16x1xi32> to vector<16xi32>
          %gather3A_596 = tpu.dynamic_gather %get3A_532[%gather3A] in [0] : vector<16xf32>, vector<16xi32> -> vector<16xf32>
          %add3A_597 = arith.constant 0 : i32
          %add3A_598 = arith.addi %add3A_597, %add3A_584 : i32
          %get3A_599 = arith.index_cast %add3A_598 : i32 to index
          %get3A_600 = arith.constant 0 : index
          %get3A_601 = tpu.vector_load %arg12[%get3A_599, %get3A_600] {strides = array<i32>} : memref<1536x32xf32, #tpu.memory_space<vmem>>, vector<16xf32>,
          %add3A_602 = arith.constant 0 : i32
          %add3A_603 = arith.addi %add3A_602, %add3A_584 : i32
          %get3A_604 = arith.index_cast %add3A_603 : i32 to index
          %get3A_605 = arith.constant 16 : index
          %get3A_606 = tpu.vector_load %arg12[%get3A_604, %get3A_605] {strides = array<i32>} : memref<1536x32xf32, #tpu.memory_space<vmem>>, vector<16xf32>,
          %mul3A_607 = arith.mulf %gather3A_596, %get3A_601 : vector<16xf32>
          %add3A_608 = arith.addf %broadcast_in_dim3A_586, %mul3A_607 : vector<16xf32>
          %mul3A_609 = arith.mulf %gather3A_596, %get3A_606 : vector<16xf32>
          %add3A_610 = arith.addf %broadcast_in_dim3A_588, %mul3A_609 : vector<16xf32>
          %lt3A_611 = arith.constant 0 : i32
          %lt3A_612 = vector.broadcast %lt3A_611 : i32 to vector<16xi32>
          %lt3A_613 = arith.cmpi slt, %broadcast_in_dim3A, %lt3A_612 : vector<16xi32>
          %add3A_614 = arith.constant 16 : i32
          %add3A_615 = vector.broadcast %add3A_614 : i32 to vector<16xi32>
          %add3A_616 = arith.addi %broadcast_in_dim3A, %add3A_615 : vector<16xi32>
          %select_n3A_617 = arith.select %lt3A_613, %add3A_616, %broadcast_in_dim3A : vector<16xi1>, vector<16xi32>
          %broadcast_in_dim3A_618 = vector.shape_cast %select_n3A_617 : vector<16xi32> to vector<16x1xi32>
          %gather3A_619 = vector.shape_cast %broadcast_in_dim3A_618 : vector<16x1xi32> to vector<16xi32>
          %gather3A_620 = tpu.dynamic_gather %get3A_536[%gather3A_619] in [0] : vector<16xf32>, vector<16xi32> -> vector<16xf32>
          %add3A_621 = arith.constant 128 : i32
          %add3A_622 = arith.addi %add3A_621, %add3A_584 : i32
          %get3A_623 = arith.index_cast %add3A_622 : i32 to index
          %get3A_624 = arith.constant 0 : index
          %get3A_625 = tpu.vector_load %arg12[%get3A_623, %get3A_624] {strides = array<i32>} : memref<1536x32xf32, #tpu.memory_space<vmem>>, vector<16xf32>,
          %add3A_626 = arith.constant 128 : i32
          %add3A_627 = arith.addi %add3A_626, %add3A_584 : i32
          %get3A_628 = arith.index_cast %add3A_627 : i32 to index
          %get3A_629 = arith.constant 16 : index
          %get3A_630 = tpu.vector_load %arg12[%get3A_628, %get3A_629] {strides = array<i32>} : memref<1536x32xf32, #tpu.memory_space<vmem>>, vector<16xf32>,
          %mul3A_631 = arith.mulf %gather3A_620, %get3A_625 : vector<16xf32>
          %add3A_632 = arith.addf %add3A_608, %mul3A_631 : vector<16xf32>
          %mul3A_633 = arith.mulf %gather3A_620, %get3A_630 : vector<16xf32>
          %add3A_634 = arith.addf %add3A_610, %mul3A_633 : vector<16xf32>
          %lt3A_635 = arith.constant 0 : i32
          %lt3A_636 = vector.broadcast %lt3A_635 : i32 to vector<16xi32>
          %lt3A_637 = arith.cmpi slt, %broadcast_in_dim3A, %lt3A_636 : vector<16xi32>
          %add3A_638 = arith.constant 16 : i32
          %add3A_639 = vector.broadcast %add3A_638 : i32 to vector<16xi32>
          %add3A_640 = arith.addi %broadcast_in_dim3A, %add3A_639 : vector<16xi32>
          %select_n3A_641 = arith.select %lt3A_637, %add3A_640, %broadcast_in_dim3A : vector<16xi1>, vector<16xi32>
          %broadcast_in_dim3A_642 = vector.shape_cast %select_n3A_641 : vector<16xi32> to vector<16x1xi32>
          %gather3A_643 = vector.shape_cast %broadcast_in_dim3A_642 : vector<16x1xi32> to vector<16xi32>
          %gather3A_644 = tpu.dynamic_gather %get3A_540[%gather3A_643] in [0] : vector<16xf32>, vector<16xi32> -> vector<16xf32>
          %add3A_645 = arith.constant 256 : i32
          %add3A_646 = arith.addi %add3A_645, %add3A_584 : i32
          %get3A_647 = arith.index_cast %add3A_646 : i32 to index
          %get3A_648 = arith.constant 0 : index
          %get3A_649 = tpu.vector_load %arg12[%get3A_647, %get3A_648] {strides = array<i32>} : memref<1536x32xf32, #tpu.memory_space<vmem>>, vector<16xf32>,
          %add3A_650 = arith.constant 256 : i32
          %add3A_651 = arith.addi %add3A_650, %add3A_584 : i32
          %get3A_652 = arith.index_cast %add3A_651 : i32 to index
          %get3A_653 = arith.constant 16 : index
          %get3A_654 = tpu.vector_load %arg12[%get3A_652, %get3A_653] {strides = array<i32>} : memref<1536x32xf32, #tpu.memory_space<vmem>>, vector<16xf32>,
          %mul3A_655 = arith.mulf %gather3A_644, %get3A_649 : vector<16xf32>
          %add3A_656 = arith.addf %add3A_632, %mul3A_655 : vector<16xf32>
          %mul3A_657 = arith.mulf %gather3A_644, %get3A_654 : vector<16xf32>
          %add3A_658 = arith.addf %add3A_634, %mul3A_657 : vector<16xf32>
          %lt3A_659 = arith.constant 0 : i32
          %lt3A_660 = vector.broadcast %lt3A_659 : i32 to vector<16xi32>
          %lt3A_661 = arith.cmpi slt, %broadcast_in_dim3A, %lt3A_660 : vector<16xi32>
          %add3A_662 = arith.constant 16 : i32
          %add3A_663 = vector.broadcast %add3A_662 : i32 to vector<16xi32>
          %add3A_664 = arith.addi %broadcast_in_dim3A, %add3A_663 : vector<16xi32>
          %select_n3A_665 = arith.select %lt3A_661, %add3A_664, %broadcast_in_dim3A : vector<16xi1>, vector<16xi32>
          %broadcast_in_dim3A_666 = vector.shape_cast %select_n3A_665 : vector<16xi32> to vector<16x1xi32>
          %gather3A_667 = vector.shape_cast %broadcast_in_dim3A_666 : vector<16x1xi32> to vector<16xi32>
          %gather3A_668 = tpu.dynamic_gather %get3A_544[%gather3A_667] in [0] : vector<16xf32>, vector<16xi32> -> vector<16xf32>
          %add3A_669 = arith.constant 384 : i32
          %add3A_670 = arith.addi %add3A_669, %add3A_584 : i32
          %get3A_671 = arith.index_cast %add3A_670 : i32 to index
          %get3A_672 = arith.constant 0 : index
          %get3A_673 = tpu.vector_load %arg12[%get3A_671, %get3A_672] {strides = array<i32>} : memref<1536x32xf32, #tpu.memory_space<vmem>>, vector<16xf32>,
          %add3A_674 = arith.constant 384 : i32
          %add3A_675 = arith.addi %add3A_674, %add3A_584 : i32
          %get3A_676 = arith.index_cast %add3A_675 : i32 to index
          %get3A_677 = arith.constant 16 : index
          %get3A_678 = tpu.vector_load %arg12[%get3A_676, %get3A_677] {strides = array<i32>} : memref<1536x32xf32, #tpu.memory_space<vmem>>, vector<16xf32>,
          %mul3A_679 = arith.mulf %gather3A_668, %get3A_673 : vector<16xf32>
          %add3A_680 = arith.addf %add3A_656, %mul3A_679 : vector<16xf32>
          %mul3A_681 = arith.mulf %gather3A_668, %get3A_678 : vector<16xf32>
          %add3A_682 = arith.addf %add3A_658, %mul3A_681 : vector<16xf32>
          %lt3A_683 = arith.constant 0 : i32
          %lt3A_684 = vector.broadcast %lt3A_683 : i32 to vector<16xi32>
          %lt3A_685 = arith.cmpi slt, %broadcast_in_dim3A, %lt3A_684 : vector<16xi32>
          %add3A_686 = arith.constant 16 : i32
          %add3A_687 = vector.broadcast %add3A_686 : i32 to vector<16xi32>
          %add3A_688 = arith.addi %broadcast_in_dim3A, %add3A_687 : vector<16xi32>
          %select_n3A_689 = arith.select %lt3A_685, %add3A_688, %broadcast_in_dim3A : vector<16xi1>, vector<16xi32>
          %broadcast_in_dim3A_690 = vector.shape_cast %select_n3A_689 : vector<16xi32> to vector<16x1xi32>
          %gather3A_691 = vector.shape_cast %broadcast_in_dim3A_690 : vector<16x1xi32> to vector<16xi32>
          %gather3A_692 = tpu.dynamic_gather %get3A_548[%gather3A_691] in [0] : vector<16xf32>, vector<16xi32> -> vector<16xf32>
          %add3A_693 = arith.constant 512 : i32
          %add3A_694 = arith.addi %add3A_693, %add3A_584 : i32
          %get3A_695 = arith.index_cast %add3A_694 : i32 to index
          %get3A_696 = arith.constant 0 : index
          %get3A_697 = tpu.vector_load %arg12[%get3A_695, %get3A_696] {strides = array<i32>} : memref<1536x32xf32, #tpu.memory_space<vmem>>, vector<16xf32>,
          %add3A_698 = arith.constant 512 : i32
          %add3A_699 = arith.addi %add3A_698, %add3A_584 : i32
          %get3A_700 = arith.index_cast %add3A_699 : i32 to index
          %get3A_701 = arith.constant 16 : index
          %get3A_702 = tpu.vector_load %arg12[%get3A_700, %get3A_701] {strides = array<i32>} : memref<1536x32xf32, #tpu.memory_space<vmem>>, vector<16xf32>,
          %mul3A_703 = arith.mulf %gather3A_692, %get3A_697 : vector<16xf32>
          %add3A_704 = arith.addf %add3A_680, %mul3A_703 : vector<16xf32>
          %mul3A_705 = arith.mulf %gather3A_692, %get3A_702 : vector<16xf32>
          %add3A_706 = arith.addf %add3A_682, %mul3A_705 : vector<16xf32>
          %lt3A_707 = arith.constant 0 : i32
          %lt3A_708 = vector.broadcast %lt3A_707 : i32 to vector<16xi32>
          %lt3A_709 = arith.cmpi slt, %broadcast_in_dim3A, %lt3A_708 : vector<16xi32>
          %add3A_710 = arith.constant 16 : i32
          %add3A_711 = vector.broadcast %add3A_710 : i32 to vector<16xi32>
          %add3A_712 = arith.addi %broadcast_in_dim3A, %add3A_711 : vector<16xi32>
          %select_n3A_713 = arith.select %lt3A_709, %add3A_712, %broadcast_in_dim3A : vector<16xi1>, vector<16xi32>
          %broadcast_in_dim3A_714 = vector.shape_cast %select_n3A_713 : vector<16xi32> to vector<16x1xi32>
          %gather3A_715 = vector.shape_cast %broadcast_in_dim3A_714 : vector<16x1xi32> to vector<16xi32>
          %gather3A_716 = tpu.dynamic_gather %get3A_552[%gather3A_715] in [0] : vector<16xf32>, vector<16xi32> -> vector<16xf32>
          %add3A_717 = arith.constant 640 : i32
          %add3A_718 = arith.addi %add3A_717, %add3A_584 : i32
          %get3A_719 = arith.index_cast %add3A_718 : i32 to index
          %get3A_720 = arith.constant 0 : index
          %get3A_721 = tpu.vector_load %arg12[%get3A_719, %get3A_720] {strides = array<i32>} : memref<1536x32xf32, #tpu.memory_space<vmem>>, vector<16xf32>,
          %add3A_722 = arith.constant 640 : i32
          %add3A_723 = arith.addi %add3A_722, %add3A_584 : i32
          %get3A_724 = arith.index_cast %add3A_723 : i32 to index
          %get3A_725 = arith.constant 16 : index
          %get3A_726 = tpu.vector_load %arg12[%get3A_724, %get3A_725] {strides = array<i32>} : memref<1536x32xf32, #tpu.memory_space<vmem>>, vector<16xf32>,
          %mul3A_727 = arith.mulf %gather3A_716, %get3A_721 : vector<16xf32>
          %add3A_728 = arith.addf %add3A_704, %mul3A_727 : vector<16xf32>
          %mul3A_729 = arith.mulf %gather3A_716, %get3A_726 : vector<16xf32>
          %add3A_730 = arith.addf %add3A_706, %mul3A_729 : vector<16xf32>
          %lt3A_731 = arith.constant 0 : i32
          %lt3A_732 = vector.broadcast %lt3A_731 : i32 to vector<16xi32>
          %lt3A_733 = arith.cmpi slt, %broadcast_in_dim3A, %lt3A_732 : vector<16xi32>
          %add3A_734 = arith.constant 16 : i32
          %add3A_735 = vector.broadcast %add3A_734 : i32 to vector<16xi32>
          %add3A_736 = arith.addi %broadcast_in_dim3A, %add3A_735 : vector<16xi32>
          %select_n3A_737 = arith.select %lt3A_733, %add3A_736, %broadcast_in_dim3A : vector<16xi1>, vector<16xi32>
          %broadcast_in_dim3A_738 = vector.shape_cast %select_n3A_737 : vector<16xi32> to vector<16x1xi32>
          %gather3A_739 = vector.shape_cast %broadcast_in_dim3A_738 : vector<16x1xi32> to vector<16xi32>
          %gather3A_740 = tpu.dynamic_gather %get3A_556[%gather3A_739] in [0] : vector<16xf32>, vector<16xi32> -> vector<16xf32>
          %add3A_741 = arith.constant 768 : i32
          %add3A_742 = arith.addi %add3A_741, %add3A_584 : i32
          %get3A_743 = arith.index_cast %add3A_742 : i32 to index
          %get3A_744 = arith.constant 0 : index
          %get3A_745 = tpu.vector_load %arg12[%get3A_743, %get3A_744] {strides = array<i32>} : memref<1536x32xf32, #tpu.memory_space<vmem>>, vector<16xf32>,
          %add3A_746 = arith.constant 768 : i32
          %add3A_747 = arith.addi %add3A_746, %add3A_584 : i32
          %get3A_748 = arith.index_cast %add3A_747 : i32 to index
          %get3A_749 = arith.constant 16 : index
          %get3A_750 = tpu.vector_load %arg12[%get3A_748, %get3A_749] {strides = array<i32>} : memref<1536x32xf32, #tpu.memory_space<vmem>>, vector<16xf32>,
          %mul3A_751 = arith.mulf %gather3A_740, %get3A_745 : vector<16xf32>
          %add3A_752 = arith.addf %add3A_728, %mul3A_751 : vector<16xf32>
          %mul3A_753 = arith.mulf %gather3A_740, %get3A_750 : vector<16xf32>
          %add3A_754 = arith.addf %add3A_730, %mul3A_753 : vector<16xf32>
          %lt3A_755 = arith.constant 0 : i32
          %lt3A_756 = vector.broadcast %lt3A_755 : i32 to vector<16xi32>
          %lt3A_757 = arith.cmpi slt, %broadcast_in_dim3A, %lt3A_756 : vector<16xi32>
          %add3A_758 = arith.constant 16 : i32
          %add3A_759 = vector.broadcast %add3A_758 : i32 to vector<16xi32>
          %add3A_760 = arith.addi %broadcast_in_dim3A, %add3A_759 : vector<16xi32>
          %select_n3A_761 = arith.select %lt3A_757, %add3A_760, %broadcast_in_dim3A : vector<16xi1>, vector<16xi32>
          %broadcast_in_dim3A_762 = vector.shape_cast %select_n3A_761 : vector<16xi32> to vector<16x1xi32>
          %gather3A_763 = vector.shape_cast %broadcast_in_dim3A_762 : vector<16x1xi32> to vector<16xi32>
          %gather3A_764 = tpu.dynamic_gather %get3A_560[%gather3A_763] in [0] : vector<16xf32>, vector<16xi32> -> vector<16xf32>
          %add3A_765 = arith.constant 896 : i32
          %add3A_766 = arith.addi %add3A_765, %add3A_584 : i32
          %get3A_767 = arith.index_cast %add3A_766 : i32 to index
          %get3A_768 = arith.constant 0 : index
          %get3A_769 = tpu.vector_load %arg12[%get3A_767, %get3A_768] {strides = array<i32>} : memref<1536x32xf32, #tpu.memory_space<vmem>>, vector<16xf32>,
          %add3A_770 = arith.constant 896 : i32
          %add3A_771 = arith.addi %add3A_770, %add3A_584 : i32
          %get3A_772 = arith.index_cast %add3A_771 : i32 to index
          %get3A_773 = arith.constant 16 : index
          %get3A_774 = tpu.vector_load %arg12[%get3A_772, %get3A_773] {strides = array<i32>} : memref<1536x32xf32, #tpu.memory_space<vmem>>, vector<16xf32>,
          %mul3A_775 = arith.mulf %gather3A_764, %get3A_769 : vector<16xf32>
          %add3A_776 = arith.addf %add3A_752, %mul3A_775 : vector<16xf32>
          %mul3A_777 = arith.mulf %gather3A_764, %get3A_774 : vector<16xf32>
          %add3A_778 = arith.addf %add3A_754, %mul3A_777 : vector<16xf32>
          %lt3A_779 = arith.constant 0 : i32
          %lt3A_780 = vector.broadcast %lt3A_779 : i32 to vector<16xi32>
          %lt3A_781 = arith.cmpi slt, %broadcast_in_dim3A, %lt3A_780 : vector<16xi32>
          %add3A_782 = arith.constant 16 : i32
          %add3A_783 = vector.broadcast %add3A_782 : i32 to vector<16xi32>
          %add3A_784 = arith.addi %broadcast_in_dim3A, %add3A_783 : vector<16xi32>
          %select_n3A_785 = arith.select %lt3A_781, %add3A_784, %broadcast_in_dim3A : vector<16xi1>, vector<16xi32>
          %broadcast_in_dim3A_786 = vector.shape_cast %select_n3A_785 : vector<16xi32> to vector<16x1xi32>
          %gather3A_787 = vector.shape_cast %broadcast_in_dim3A_786 : vector<16x1xi32> to vector<16xi32>
          %gather3A_788 = tpu.dynamic_gather %get3A_564[%gather3A_787] in [0] : vector<16xf32>, vector<16xi32> -> vector<16xf32>
          %add3A_789 = arith.constant 1024 : i32
          %add3A_790 = arith.addi %add3A_789, %add3A_584 : i32
          %get3A_791 = arith.index_cast %add3A_790 : i32 to index
          %get3A_792 = arith.constant 0 : index
          %get3A_793 = tpu.vector_load %arg12[%get3A_791, %get3A_792] {strides = array<i32>} : memref<1536x32xf32, #tpu.memory_space<vmem>>, vector<16xf32>,
          %add3A_794 = arith.constant 1024 : i32
          %add3A_795 = arith.addi %add3A_794, %add3A_584 : i32
          %get3A_796 = arith.index_cast %add3A_795 : i32 to index
          %get3A_797 = arith.constant 16 : index
          %get3A_798 = tpu.vector_load %arg12[%get3A_796, %get3A_797] {strides = array<i32>} : memref<1536x32xf32, #tpu.memory_space<vmem>>, vector<16xf32>,
          %mul3A_799 = arith.mulf %gather3A_788, %get3A_793 : vector<16xf32>
          %add3A_800 = arith.addf %add3A_776, %mul3A_799 : vector<16xf32>
          %mul3A_801 = arith.mulf %gather3A_788, %get3A_798 : vector<16xf32>
          %add3A_802 = arith.addf %add3A_778, %mul3A_801 : vector<16xf32>
          %lt3A_803 = arith.constant 0 : i32
          %lt3A_804 = vector.broadcast %lt3A_803 : i32 to vector<16xi32>
          %lt3A_805 = arith.cmpi slt, %broadcast_in_dim3A, %lt3A_804 : vector<16xi32>
          %add3A_806 = arith.constant 16 : i32
          %add3A_807 = vector.broadcast %add3A_806 : i32 to vector<16xi32>
          %add3A_808 = arith.addi %broadcast_in_dim3A, %add3A_807 : vector<16xi32>
          %select_n3A_809 = arith.select %lt3A_805, %add3A_808, %broadcast_in_dim3A : vector<16xi1>, vector<16xi32>
          %broadcast_in_dim3A_810 = vector.shape_cast %select_n3A_809 : vector<16xi32> to vector<16x1xi32>
          %gather3A_811 = vector.shape_cast %broadcast_in_dim3A_810 : vector<16x1xi32> to vector<16xi32>
          %gather3A_812 = tpu.dynamic_gather %get3A_568[%gather3A_811] in [0] : vector<16xf32>, vector<16xi32> -> vector<16xf32>
          %add3A_813 = arith.constant 1152 : i32
          %add3A_814 = arith.addi %add3A_813, %add3A_584 : i32
          %get3A_815 = arith.index_cast %add3A_814 : i32 to index
          %get3A_816 = arith.constant 0 : index
          %get3A_817 = tpu.vector_load %arg12[%get3A_815, %get3A_816] {strides = array<i32>} : memref<1536x32xf32, #tpu.memory_space<vmem>>, vector<16xf32>,
          %add3A_818 = arith.constant 1152 : i32
          %add3A_819 = arith.addi %add3A_818, %add3A_584 : i32
          %get3A_820 = arith.index_cast %add3A_819 : i32 to index
          %get3A_821 = arith.constant 16 : index
          %get3A_822 = tpu.vector_load %arg12[%get3A_820, %get3A_821] {strides = array<i32>} : memref<1536x32xf32, #tpu.memory_space<vmem>>, vector<16xf32>,
          %mul3A_823 = arith.mulf %gather3A_812, %get3A_817 : vector<16xf32>
          %add3A_824 = arith.addf %add3A_800, %mul3A_823 : vector<16xf32>
          %mul3A_825 = arith.mulf %gather3A_812, %get3A_822 : vector<16xf32>
          %add3A_826 = arith.addf %add3A_802, %mul3A_825 : vector<16xf32>
          %lt3A_827 = arith.constant 0 : i32
          %lt3A_828 = vector.broadcast %lt3A_827 : i32 to vector<16xi32>
          %lt3A_829 = arith.cmpi slt, %broadcast_in_dim3A, %lt3A_828 : vector<16xi32>
          %add3A_830 = arith.constant 16 : i32
          %add3A_831 = vector.broadcast %add3A_830 : i32 to vector<16xi32>
          %add3A_832 = arith.addi %broadcast_in_dim3A, %add3A_831 : vector<16xi32>
          %select_n3A_833 = arith.select %lt3A_829, %add3A_832, %broadcast_in_dim3A : vector<16xi1>, vector<16xi32>
          %broadcast_in_dim3A_834 = vector.shape_cast %select_n3A_833 : vector<16xi32> to vector<16x1xi32>
          %gather3A_835 = vector.shape_cast %broadcast_in_dim3A_834 : vector<16x1xi32> to vector<16xi32>
          %gather3A_836 = tpu.dynamic_gather %get3A_572[%gather3A_835] in [0] : vector<16xf32>, vector<16xi32> -> vector<16xf32>
          %add3A_837 = arith.constant 1280 : i32
          %add3A_838 = arith.addi %add3A_837, %add3A_584 : i32
          %get3A_839 = arith.index_cast %add3A_838 : i32 to index
          %get3A_840 = arith.constant 0 : index
          %get3A_841 = tpu.vector_load %arg12[%get3A_839, %get3A_840] {strides = array<i32>} : memref<1536x32xf32, #tpu.memory_space<vmem>>, vector<16xf32>,
          %add3A_842 = arith.constant 1280 : i32
          %add3A_843 = arith.addi %add3A_842, %add3A_584 : i32
          %get3A_844 = arith.index_cast %add3A_843 : i32 to index
          %get3A_845 = arith.constant 16 : index
          %get3A_846 = tpu.vector_load %arg12[%get3A_844, %get3A_845] {strides = array<i32>} : memref<1536x32xf32, #tpu.memory_space<vmem>>, vector<16xf32>,
          %mul3A_847 = arith.mulf %gather3A_836, %get3A_841 : vector<16xf32>
          %add3A_848 = arith.addf %add3A_824, %mul3A_847 : vector<16xf32>
          %mul3A_849 = arith.mulf %gather3A_836, %get3A_846 : vector<16xf32>
          %add3A_850 = arith.addf %add3A_826, %mul3A_849 : vector<16xf32>
          %lt3A_851 = arith.constant 0 : i32
          %lt3A_852 = vector.broadcast %lt3A_851 : i32 to vector<16xi32>
          %lt3A_853 = arith.cmpi slt, %broadcast_in_dim3A, %lt3A_852 : vector<16xi32>
          %add3A_854 = arith.constant 16 : i32
          %add3A_855 = vector.broadcast %add3A_854 : i32 to vector<16xi32>
          %add3A_856 = arith.addi %broadcast_in_dim3A, %add3A_855 : vector<16xi32>
          %select_n3A_857 = arith.select %lt3A_853, %add3A_856, %broadcast_in_dim3A : vector<16xi1>, vector<16xi32>
          %broadcast_in_dim3A_858 = vector.shape_cast %select_n3A_857 : vector<16xi32> to vector<16x1xi32>
          %gather3A_859 = vector.shape_cast %broadcast_in_dim3A_858 : vector<16x1xi32> to vector<16xi32>
          %gather3A_860 = tpu.dynamic_gather %get3A_576[%gather3A_859] in [0] : vector<16xf32>, vector<16xi32> -> vector<16xf32>
          %add3A_861 = arith.constant 1408 : i32
          %add3A_862 = arith.addi %add3A_861, %add3A_584 : i32
          %get3A_863 = arith.index_cast %add3A_862 : i32 to index
          %get3A_864 = arith.constant 0 : index
          %get3A_865 = tpu.vector_load %arg12[%get3A_863, %get3A_864] {strides = array<i32>} : memref<1536x32xf32, #tpu.memory_space<vmem>>, vector<16xf32>,
          %add3A_866 = arith.constant 1408 : i32
          %add3A_867 = arith.addi %add3A_866, %add3A_584 : i32
          %get3A_868 = arith.index_cast %add3A_867 : i32 to index
          %get3A_869 = arith.constant 16 : index
          %get3A_870 = tpu.vector_load %arg12[%get3A_868, %get3A_869] {strides = array<i32>} : memref<1536x32xf32, #tpu.memory_space<vmem>>, vector<16xf32>,
          %mul3A_871 = arith.mulf %gather3A_860, %get3A_865 : vector<16xf32>
          %add3A_872 = arith.addf %add3A_848, %mul3A_871 : vector<16xf32>
          %mul3A_873 = arith.mulf %gather3A_860, %get3A_870 : vector<16xf32>
          %add3A_874 = arith.addf %add3A_850, %mul3A_873 : vector<16xf32>
          %swap3A = arith.index_cast %add3A_584 : i32 to index
          %swap3A_875 = arith.constant 0 : index
          %swap3A_876 = tpu.vector_load %arg14[%swap3A, %swap3A_875] {strides = array<i32>} : memref<128x32xf32, #tpu.memory_space<vmem>>, vector<16xf32>,
          tpu.vector_store %arg14[%swap3A, %swap3A_875], %add3A_872 {strides = array<i32>} : memref<128x32xf32, #tpu.memory_space<vmem>>, vector<16xf32>,
          %swap3A_877 = arith.index_cast %add3A_584 : i32 to index
          %swap3A_878 = arith.constant 16 : index
          %swap3A_879 = tpu.vector_load %arg14[%swap3A_877, %swap3A_878] {strides = array<i32>} : memref<128x32xf32, #tpu.memory_space<vmem>>, vector<16xf32>,
          tpu.vector_store %arg14[%swap3A_877, %swap3A_878], %add3A_874 {strides = array<i32>} : memref<128x32xf32, #tpu.memory_space<vmem>>, vector<16xf32>,
        }
        %scan3A_582 = arith.constant 16 : i32
      }
      %scan3A_519 = arith.constant 8 : i32
      %mul3A_520 = arith.constant 128 : i32
      %mul3A_521 = arith.muli %add3A_374, %mul3A_520 : i32
      %add3A_522 = arith.addi %mul3A_2, %mul3A_521 : i32
      %dma_start3A_523 = arith.constant 0 : i32
      %dma_start3A_524 = tpu.memref_slice %arg4[%add3A_522, %dma_start3A_523] : memref<1048576x32xf32, #tpu.memory_space<hbm>> -> memref<128x32xf32, #tpu.memory_space<hbm>>
      %dma_start3A_525 = arith.constant 0 : i32
      %dma_start3A_526 = tpu.memref_slice %arg4[%add3A_522, %dma_start3A_525] : memref<1048576x32xf32, #tpu.memory_space<hbm>> -> memref<128x32xf32, #tpu.memory_space<hbm>>
      tpu.enqueue_dma source(%arg14 : memref<128x32xf32, #tpu.memory_space<vmem>>) target(%dma_start3A_526 : memref<128x32xf32, #tpu.memory_space<hbm>>) target_semaphore(%arg18 : memref<!tpu.dma_semaphore, #tpu.memory_space<semaphore_mem>>)
    }
    %scan3A_209 = arith.constant 128 : i32
    %add3A_210 = arith.constant 32512 : i32
    %add3A_211 = arith.addi %mul3A_2, %add3A_210 : i32
    %dma_wait3A_212 = arith.constant 0 : i32
    %dma_wait3A_213 = tpu.memref_slice %arg4[%add3A_211, %dma_wait3A_212] : memref<1048576x32xf32, #tpu.memory_space<hbm>> -> memref<128x32xf32, #tpu.memory_space<hbm>>
    %dma_wait3A_214 = arith.constant 0 : i32
    %dma_wait3A_215 = tpu.memref_slice %arg4[%add3A_211, %dma_wait3A_214] : memref<1048576x32xf32, #tpu.memory_space<hbm>> -> memref<128x32xf32, #tpu.memory_space<hbm>>
    tpu.wait_dma2 semaphore(%arg17 : memref<!tpu.dma_semaphore, #tpu.memory_space<semaphore_mem>>) src(%arg13 : memref<128x32xf32, #tpu.memory_space<vmem>>) dst(%dma_wait3A_215 : memref<128x32xf32, #tpu.memory_space<hbm>>)
    %add3A_216 = arith.constant 32640 : i32
    %add3A_217 = arith.addi %mul3A_2, %add3A_216 : i32
    %dma_wait3A_218 = arith.constant 0 : i32
    %dma_wait3A_219 = tpu.memref_slice %arg4[%add3A_217, %dma_wait3A_218] : memref<1048576x32xf32, #tpu.memory_space<hbm>> -> memref<128x32xf32, #tpu.memory_space<hbm>>
    %dma_wait3A_220 = arith.constant 0 : i32
    %dma_wait3A_221 = tpu.memref_slice %arg4[%add3A_217, %dma_wait3A_220] : memref<1048576x32xf32, #tpu.memory_space<hbm>> -> memref<128x32xf32, #tpu.memory_space<hbm>>
    tpu.wait_dma2 semaphore(%arg18 : memref<!tpu.dma_semaphore, #tpu.memory_space<semaphore_mem>>) src(%arg14 : memref<128x32xf32, #tpu.memory_space<vmem>>) dst(%dma_wait3A_221 : memref<128x32xf32, #tpu.memory_space<hbm>>)
    return
  }
}

</mosaic_0001>

<sc_bundles>
// kernel: _grid_encode_sc.3.cloned.1.call-start
scs
__scs_entry_jumppad:
0x0: {  	(pc) =	sbr.rel $0x88, $3  }
0x1: {  	(tag) =	ssettag $0x0;
	lr =	simm.s32 $0x1  }
0x2: {  	[smem:$0x3F9F] =	sst lr;
	_ =	strace $0xD0000000  }
0x3: {  	_ = 	snop  }
0x4: {  	_ = 	snop  }
0x5: {  	_ = 	snop  }
0x6: {  	_ = 	snop  }
0x7: {  	_ = 	snop  }
__scs_overlays_trampoline_lowered:
0x8: {  	[smem:$0x3FAE] =	sst s0  }
0x9: {  	[smem:$0x3FAF] =	sst s1  }
0xa: {  	[smem:$0x3FB0] =	sst s2  }
0xb: {  	[smem:$0x3FB1] =	sst s3  }
0xc: {  	[smem:$0x3FB2] =	sst s4  }
0xd: {  	[smem:$0x3FB3] =	sst s5  }
0xe: {  	[smem:$0x3FB4] =	sst s6  }
0xf: {  	[smem:$0x3FB5] =	sst s7  }
0x10: {  	[smem:$0x3FB6] =	sst s8  }
0x11: {  	[smem:$0x3FB7] =	sst s9;
	s0 =	simm.s32 @!p0 $0x0  }
0x12: {  	s1 =	sld [smem:$0x3F9D];
	s0 =	simm.s32 @p0 $0x1  }
0x13: {  	[smem:$0x3FB8] =	sst s0;
	s0 =	simm.s32 @!p1 $0x0  }
0x14: {  	s2 =	sld [smem:$0x3F9C];
	s0 =	simm.s32 @p1 $0x1  }
0x15: {  	[smem:$0x3FB9] =	sst s0;
	s0 =	simm.s32 @!p2 $0x0  }
0x16: {  	s3 =	sld [smem:$0x3FDB];
	s0 =	simm.s32 @p2 $0x1  }
0x17: {  	s4 =	simm.s32 $0x1BF5;
	[smem:$0x3FBB] =	sst s0  }
0x18: {  	s0 =	sld [smem:$0x3F9E];
	_ =	swait.ge [sflag:s4], $0x0  }
0x19: {  	s7 =	sld [smem:$0x3F9F]  }
0x1a: {  	s8 =	sadd.s32 $0xFFFFE003, lr  }
0x1b: {  	s9 =	sadd.s32 $0xFFFFFEF7, lr;
	s5 =	simm.s32 $0xFFFFFFFF;
	p2 =	slt.u32 s8, $0xFFFFF086  }
0x1c: {  	p1 =	slt.u32 s9, $0xF7A;
	s5 =	simm.s32 @!p2 $0x0  }
0x1d: {  	s5 =	simm.s32 @p1 $0x1;
	p0 =	seq.s32 s7, s2  }
0x1e: {  	s7 =	smul.u32 @!p0 $0xF7A, s2;
	p2 =	seq.s32 @!p0 s5, $0x0  }
0x1f: {  	s9 =	smul.u32 $0xF7A, s1;
	s8 =	simm.s32 @!p0 $0x1BF5;
	p2 =	por !p2, p0  }
0x20: {  	[sflag:s8] =	ssyncset.s32 @!p0 $0xFFFFF086;
	s6 =	sadd.s32 @!p0 s3, s7;
	s7 =	simm.s32 @!p0 $0x108  }
0x21: {  	s3 =	sadd.s32 s3, s9;
	s6 =	sadd.s32 @!p0 $0x88, s6;
	s7 =	simm.s32 @p2 $0x1082  }
0x22: {  	[simem:s7], [sflag:s8] =	dma.local @!p0 [hbm:s6], $0xF7A  }
0x23: {  	s9 =	sor.u32 $0xD0000000, s2;
	s6 =	simm.s32 $0x108;
	_ =	swait.ge @!p0 [sflag:s8], $0x0  }
0x24: {  	s3 =	sadd.s32 $0x88, s3;
	s6 =	simm.s32 @!p1 $0x1082;
	[sflag:s4] =	ssyncset.s32 $0xFFFFF086  }
0x25: {  	[simem:s6], [sflag:s4] =	dma.local [hbm:s3], $0xF7A  }
0x26: {  	[smem:$0x3F9F] =	sst s1;
	(tag) =	ssettag s2;
	_ =	strace s9  }
0x27: {  	s1 =	sld [smem:$0x3FAF]  }
0x28: {  	s2 =	sld [smem:$0x3FB0]  }
0x29: {  	s4 =	sld [smem:$0x3FB2]  }
0x2a: {  	p0 =	seq.s32 s5, $0x0;
	s5 =	sld [smem:$0x3FB3]  }
0x2b: {  	s6 =	sld [smem:$0x3FB4]  }
0x2c: {  	s7 =	sld [smem:$0x3FB5]  }
0x2d: {  	s3 =	simm.s32 $0x108;
	s8 =	sld [smem:$0x3FB6]  }
0x2e: {  	s3 =	simm.s32 @!p0 $0x1082;
	s9 =	sld [smem:$0x3FB7]  }
0x2f: {  	lr =	sadd.s32 s0, s3;
	s0 =	sld [smem:$0x3FAE]  }
0x30: {  	s3 =	sld [smem:$0x3FB1]  }
0x31: {  	[smem:$0x3FBA] =	sst s10  }
0x32: {  	s10 =	sld [smem:$0x3FB8];
	_ =	sdelay $0x3  }
0x33: {  	p0 =	seq.s32 s10, $0x1;
	s10 =	sld [smem:$0x3FBA];
	_ =	sdelay $0x3  }
0x34: {  	[smem:$0x3FBA] =	sst s10  }
0x35: {  	s10 =	sld [smem:$0x3FB9];
	_ =	sdelay $0x3  }
0x36: {  	p1 =	seq.s32 s10, $0x1;
	s10 =	sld [smem:$0x3FBA];
	_ =	sdelay $0x3  }
0x37: {  	[smem:$0x3FBA] =	sst s10  }
0x38: {  	s10 =	sld [smem:$0x3FBB]  }
0x39: {  	_ = 	snop;
	(pc) =	sbr.ind lr, $3  }
0x3a: {  	_ = 	snop  }
0x3b: {  	_ = 	snop  }
0x3c: {  	p2 =	seq.s32 s10, $0x1;
	s10 =	sld [smem:$0x3FBA]  }
0x3d: {  	_ =	shalt  }
0x3e: {  	_ =	shalt  }
0x3f: {  	_ =	shalt  }
0x40: {  	_ =	shalt  }
0x41: {  	_ =	shalt  }
0x42: {  	_ =	shalt  }
0x43: {  	_ =	shalt  }
0x44: {  	_ =	shalt  }
0x45: {  	_ =	shalt  }
0x46: {  	_ =	shalt  }
0x47: {  	_ =	shalt  }
0x48: {  	_ =	shalt  }
0x49: {  	_ =	shalt  }
0x4a: {  	_ =	shalt  }
0x4b: {  	_ =	shalt  }
0x4c: {  	_ =	shalt  }
0x4d: {  	_ =	shalt  }
0x4e: {  	_ =	shalt  }
0x4f: {  	_ =	shalt  }
0x50: {  	_ =	shalt  }
0x51: {  	_ =	shalt  }
0x52: {  	_ =	shalt  }
0x53: {  	_ =	shalt  }
0x54: {  	_ =	shalt  }
0x55: {  	_ =	shalt  }
0x56: {  	_ =	shalt  }
0x57: {  	_ =	shalt  }
0x58: {  	_ =	shalt  }
0x59: {  	_ =	shalt  }
0x5a: {  	_ =	shalt  }
0x5b: {  	_ =	shalt  }
0x5c: {  	_ =	shalt  }
0x5d: {  	_ =	shalt  }
0x5e: {  	_ =	shalt  }
0x5f: {  	_ =	shalt  }
0x60: {  	_ =	shalt  }
0x61: {  	_ =	shalt  }
0x62: {  	_ =	shalt  }
0x63: {  	_ =	shalt  }
0x64: {  	_ =	shalt  }
0x65: {  	_ =	shalt  }
0x66: {  	_ =	shalt  }
0x67: {  	_ =	shalt  }
0x68: {  	_ =	shalt  }
0x69: {  	_ =	shalt  }
0x6a: {  	_ =	shalt  }
0x6b: {  	_ =	shalt  }
0x6c: {  	_ =	shalt  }
0x6d: {  	_ =	shalt  }
0x6e: {  	_ =	shalt  }
0x6f: {  	_ =	shalt  }
0x70: {  	_ =	shalt  }
0x71: {  	_ =	shalt  }
0x72: {  	_ =	shalt  }
0x73: {  	_ =	shalt  }
0x74: {  	_ =	shalt  }
0x75: {  	_ =	shalt  }
0x76: {  	_ =	shalt  }
0x77: {  	_ =	shalt  }
0x78: {  	_ =	shalt  }
0x79: {  	_ =	shalt  }
0x7a: {  	_ =	shalt  }
0x7b: {  	_ =	shalt  }
0x7c: {  	_ =	shalt  }
0x7d: {  	_ =	shalt  }
0x7e: {  	_ =	shalt  }
0x7f: {  	_ =	shalt  }
0x80: {  	_ =	shalt  }
0x81: {  	_ =	shalt  }
0x82: {  	_ =	shalt  }
0x83: {  	_ =	shalt  }
0x84: {  	_ =	shalt  }
0x85: {  	_ =	shalt  }
0x86: {  	_ =	shalt  }
0x87: {  	_ =	shalt  }
.Lfunc_end0:
.L_simem_size_0:
called_computation.1_lowered:
.L_overlay_start_0:
0x88: {  	s2 =	sld [smem:$0x3FD9]  }
0x89: {  	s3 =	sld [smem:$0x3FFE];
	_ =	sdelay $0x1  }
0x8a: {  	s1 =	srdreg.scid  }
0x8b: {  	s0 =	sand.u32 $0x1, s1  }
0x8c: {  	s17 =	sshll.u32 s0, $0xA;
	s2 =	sadd.s32 s3, s2  }
0x8d: {  	s2 =	sadd.s32 s2, s17  }
0x8e: {  	[smem:$0x3FC6] =	sst s2  }
0x8f: {  	_ = 	snop  }
0x90: {  	s2 =	sld [smem:$0x3FC8]  }
0x91: {  	s18 =	sld [smem:$0x3FD0];
	(tm) =	ssettm $0x1  }
0x92: {  	s4 =	sld [smem:$0x3FFB];
	_ =	sdelay $0x3  }
0x93: {  	_ =	strace s4  }
0x94: {  	s4 =	sld [smem:$0x3FFC];
	_ =	sdelay $0x3  }
0x95: {  	_ =	strace s4  }
0x96: {  	s4 =	sld [smem:$0x3FFD];
	_ =	sdelay $0x3  }
0x97: {  	_ =	strace s4  }
0x98: {  	_ =	strace $0x8FFFFFFF  }
0x99: {  	s19 =	sld [smem:$0x3FDB];
	_ =	sdelay $0x1  }
0x9a: {  	s5 =	simm.s32 $_scs_section_size  }
0x9b: {  	s6 =	simm.s32 $_size__tile_overlayer_lowered;
	s7 =	simm.s32 $_tile_overlayer_lowered  }
0x9c: {  	s22 =	simm.s32 $0x1BFF;
	s21 =	sshll.u32 s7, $0x1;
	s4 =	sadd.s32 s5, s19  }
0x9d: {  	s8 =	simm.s32 $0x0;
	s20 =	sshll.u32 s6, $0x1;
	s6 =	sadd.s32 s21, s4  }
0x9e: {  	[timem:s8], [sflag:s22] =	dma.local [hbm:s6], s20  }
0x9f: {  	_ =	swait.ge [sflag:s22], s20  }
0xa0: {  	s5 =	ssub.s32 $0x0, s20;
	[sflag:s22] =	ssyncset.done $0x0  }
0xa1: {  	[sflag:s22] =	ssyncadd.s32 s5;
	_ =	sdelay $0x1  }
0xa2: {  	s23 =	simm.s32 $0x1B8B  }
0xa3: {  	_ =	swait.ge [sflag:s23], $0x1  }
0xa4: {  	[sflag:s23] =	ssyncset.done $0x0  }
0xa5: {  	s25 =	simm.s32 $0x1B8E;
	s24 =	sld [smem:$0x3FFE];
	[sflag:s23] =	ssyncadd.s32 $0xFFFFFFFF  }
0xa6: {  	s26 =	simm.s32 $execute0_lowered;
	[smem:$0x3FD2] =	sst s25  }
0xa7: {  	s6 =	sshll.u32 s26, $0x1;
	_ =	strace $0x80000046;
	[dreg:$0x1] =	wrdreg $0xFFFFFFFF  }
0xa8: {  	s28 =	simm.s32 $_size_execute0_lowered;
	s4 =	sadd.s32 s4, s6;
	[dreg:$0x0] =	wrdreg $0x0  }
0xa9: {  	s6 =	sshll.u32 s28, $0x1;
	[dreg:$0x2] =	wrdreg s4  }
0xaa: {  	[dreg:$0x3] =	wrdreg s6  }
0xab: {  	[dreg:$0x4] =	wrdreg $0xC0  }
0xac: {  	_ =	task [dreg:s8], $0x5FFFF  }
0xad: {  	[dreg:$0x1] =	wrdreg $0xFFFFFFFF  }
0xae: {  	[dreg:$0x0] =	wrdreg $0x60  }
0xaf: {  	[dreg:$0x2] =	wrdreg s24  }
0xb0: {  	[dreg:$0x3] =	wrdreg s2  }
0xb1: {  	[dreg:$0x4] =	wrdreg s18  }
0xb2: {  	[dreg:$0x5] =	wrdreg $0x9  }
0xb3: {  	_ =	task.clear_ibuf [dreg:s8], $0x6FFFF;
	_ =	strace $0x90000046  }
0xb4: {  	s29 =	simm.s32 $0x9;
	_ =	strace $0x80000048  }
0xb5: {  	_ =	swait.ge [sflag:s29], $0x1  }
0xb6: {  	[sflag:s29] =	ssyncadd.s32 $0xFFFFFFFF  }
0xb7: {  	_ =	strace $0x90000048  }
0xb8: {  	_ =	sfence  }
0xb9: {  	s30 =	sld [smem:$0x0];
	_ =	sdelay $0x2  }
0xba: {  	s31 =	sshll.u32 s1, $0xD;
	s1 =	sshrl.u32 s1, $0x2  }
0xbb: {  	s3 =	sand.u32 $0x4000, s31;
	s1 =	sadd.s32 s1, s30  }
0xbc: {  	s0 =	sor.u32 s3, s0;
	s1 =	sshll.u32 s1, $0x11  }
0xbd: {  	s0 =	sor.u32 s1, s0  }
0xbe: {  	s0 =	sadd.s32 $0x8F2B, s0  }
0xbf: {  	[sflag:s0] =	ssyncadd.remote.s32 $0x1  }
0xc0: {  	_ =	sfence.sel $0xFFFF  }
0xc1: {  	[dreg:$0x0] =	wrdreg $0xFFFFFFFF;
	(pc) =	sbr.abs _section_cstart, $3  }
0xc2: {  	[dreg:$0x1] =	wrdreg $0xFFFFFFFF  }
0xc3: {  	_ =	task.clear_ibuf [dreg:s8], $0x2FFFF;
	_ =	strace $0x9FFFFFFF  }
0xc4: {  	(tm) =	ssettm $0x7FFFFFFF  }
0xc5: {  	_ =	shalt  }
tec
execute0_lowered:
.L_overlay_start_1:
0x0: {  	(tag) =	ssettag $0x1  }
0x1: {  	s0 =	rddreg [dreg:$0x0]  }
0x2: {  	s1 =	rddreg [dreg:$0x1]  }
0x3: {  	s8 =	rddreg [dreg:$0x2];
	s2 =	srdreg.scid;
	s4 =	simm.s32 $0x0  }
0x4: {  	s3 =	stileid.u32;
	s18 =	simm.s32 $0x80;
	s29 =	simm.s32 $0x6  }
0x5: {  	s28 =	simm.s32 $0xD80;
	s15 =	simm.s32 $0xE00;
	s30 =	simm.s32 $0x17B00  }
0x6: {  	s31 =	simm.s32 $0xE80;
	s19 =	simm.s32 $0x19B00;
	s11 =	simm.s32 $0x0  }
0x7: {  	s2 =	sand.u32 $0x1, s2;
	[smem:$0x7FF] =	sst s4;
	s3 =	sshll.u32 s3, $0x10  }
0x8: {  	s7 =	sadd.s32 $0x40000, s1;
	s16 =	sadd.s32 $0x200, s8;
	s5 =	sshll.u32 s2, $0xF  }
0x9: {  	_ =	strace $0x80000047;
	s2 =	ssub.s32 $0x2, s2;
	s3 =	sor.u32 s5, s3  }
0xa: {  	s22 =	sshrl.u32 s2, $0x1;
	s6 =	sshrl.u32 s3, $0x3;
	s26 =	sor.u32 $0x180, s3  }
0xb: {  	s23 =	sadd.s32 s1, s6;
	s6 =	sadd.s32 s6, s7;
	[dreg:$0xa] =	wrdreg s26  }
0xc: {  	s5 =	sadd.s32 $0xC00800, s0;
	s0 =	ssub.s32 s2, s22;
	[dreg:$0x6] =	wrdreg s6  }
0xd: {  	s8 =	simm.s32 $0x2;
	s0 =	smax.u32 s0, $0x1;
	[dreg:$0x4] =	wrdreg s23  }
0xe: {  	s13 =	sor.u32 $0x100, s3;
	s9 =	sadd.s32 $0x20000, s23;
	[dreg:$0xb] =	wrdreg s0  }
0xf: {  	s14 =	sshll.u32 s3, $0x2;
	s24 =	sadd.s32 $0x10, s23;
	[dreg:$0x5] =	wrdreg s9  }
0x10: {  	s3 =	simm.s32 $0x16B00;
	s25 =	sadd.s32 $0x20010, s23;
	[dreg:$0x7] =	wrdreg s24  }
0x11: {  	s26 =	simm.s32 $0x15B00;
	s2 =	sadd.s32 $0x40010, s23;
	[dreg:$0x8] =	wrdreg s25  }
0x12: {  	s23 =	simm.s32 $0x5;
	s0 =	simm.s32 $0x18B00;
	[dreg:$0x9] =	wrdreg s2  }
0x13: {  	s25 =	simm.s32 $0xD00;
	s2 =	simm.s32 $0x1;
	s9 =	simm.s32 $0x1AB00  }
.LBB2_1:
0x14: {  	[dreg:$0xc] =	wrdreg s11  }
0x15: {  	s6 =	rddreg [dreg:$0x4]  }
0x16: {  	[tilespmem:s4], [sflag:$0x5] =	stream.linear.gather [hbm4b:s6+s4], $0x80, $0x38;
	[tilespmem:$0x1BB00] =	vst v63  }
0x17: {  	s10 =	rddreg [dreg:$0x5]  }
0x18: {  	[tilespmem:s18], [sflag:$0x5] =	stream.linear.gather [hbm4b:s10+s4], $0x80, $0x38;
	[tilespmem:$0x1BB00] =	vst v63  }
0x19: {  	s11 =	rddreg [dreg:$0x6];
	s10 =	simm.s32 $0x100  }
0x1a: {  	[tilespmem:s10], [sflag:$0x5] =	stream.linear.gather [hbm4b:s11+s4], $0x80, $0x38;
	[tilespmem:$0x1BB00] =	vst v63  }
0x1b: {  	s12 =	rddreg [dreg:$0x7];
	s17 =	simm.s32 $0x180  }
0x1c: {  	[tilespmem:s17], [sflag:$0x6] =	stream.linear.gather [hbm4b:s12+s4], $0x80, $0x38;
	[tilespmem:$0x1BB00] =	vst v63  }
0x1d: {  	s20 =	rddreg [dreg:$0x8];
	s21 =	simm.s32 $0x200  }
0x1e: {  	[tilespmem:s21], [sflag:$0x6] =	stream.linear.gather [hbm4b:s20+s4], $0x80, $0x38;
	[tilespmem:$0x1BB00] =	vst v63  }
0x1f: {  	s22 =	rddreg [dreg:$0x9];
	s24 =	simm.s32 $0x280  }
0x20: {  	[tilespmem:s24], [sflag:$0x6] =	stream.linear.gather [hbm4b:s22+s4], $0x80, $0x38;
	[tilespmem:$0x1BB00] =	vst v63  }
0x21: {  	_ =	swait.ge [sflag:s23], $0x80  }
0x22: {  	[sflag:s23] =	ssyncset.done $0x0  }
0x23: {  	[sflag:s23] =	ssyncadd.s32 $0xFFFFFF80  }
0x24: {  	_ =	swait.ge [sflag:s23], $0x80  }
0x25: {  	[sflag:s23] =	ssyncset.done $0x0  }
0x26: {  	[sflag:s23] =	ssyncadd.s32 $0xFFFFFF80  }
0x27: {  	_ =	swait.ge [sflag:s23], $0x80  }
0x28: {  	[sflag:s23] =	ssyncset.done $0x0  }
0x29: {  	s10 =	simm.s32 $0x0;
	[sflag:s23] =	ssyncadd.s32 $0xFFFFFF80  }
0x2a: {  	v0 =	vld [tilespmem:s10+$0x100]  }
0x2b: {  	v1 =	vld [tilespmem:s10+$0x0]  }
0x2c: {  	v2 =	vld [tilespmem:s10+$0x80];
	_ =	sdelay $0x2  }
0x2d: {  	v0 =	vadd.f32 $1.000000000e+00, v0  }
0x2e: {  	v1 =	vadd.f32 $1.000000000e+00, v1  }
0x2f: {  	v2 =	vadd.f32 $1.000000000e+00, v2;
	v0 =	vmul.f32 $5.000000000e-01, v0  }
0x30: {  	v1 =	vmul.f32 $5.000000000e-01, v1  }
0x31: {  	v2 =	vmul.f32 $5.000000000e-01, v2;
	v0 =	vmax.f32 v0, $0.0e+00  }
0x32: {  	v1 =	vmax.f32 v1, $0.0e+00;
	v0 =	vmin.f32 v0, $1.000000000e+00  }
0x33: {  	v2 =	vmax.f32 v2, $0.0e+00;
	v1 =	vmin.f32 v1, $1.000000000e+00;
	v0 =	vmul.f32 $5.110000000e+02, v0  }
0x34: {  	v2 =	vmin.f32 v2, $1.000000000e+00;
	v1 =	vmul.f32 $5.110000000e+02, v1  }
0x35: {  	v3 =	vmul.f32 $5.110000000e+02, v2;
	v2 =	vtrunc.f32 v0  }
0x36: {  	v4 =	vtrunc.f32 v1;
	v2 =	vcvt.f32.s32 v2  }
0x37: {  	v5 =	vtrunc.f32 v3;
	v4 =	vcvt.f32.s32 v4  }
0x38: {  	v5 =	vcvt.f32.s32 v5;
	vm0 =	vlt.s32 v2, $0x1FE  }
0x39: {  	vm1 =	vlt.s32 v4, $0x1FE;
	v7 =	vnsel vm0, $0x1FE, v2  }
0x3a: {  	vm15 =	vlt.s32 v5, $0x1FE;
	v2 =	vnsel vm1, $0x1FE, v4;
	v4 =	vcvt.s32.f32 v7  }
0x3b: {  	v5 =	vnsel vm15, $0x1FE, v5;
	v6 =	vcvt.s32.f32 v2;
	v8 =	vshll.u32 v2, $0x9  }
0x3c: {  	v9 =	vcvt.s32.f32 v5;
	v2 =	vsub.f32 v0, v4;
	v0 =	vshll.u32 v5, $0x9  }
0x3d: {  	v4 =	vsub.f32 v1, v6;
	v5 =	vadd.s32 v5, v8;
	v1 =	vadd.s32 v8, v7  }
0x3e: {  	v3 =	vsub.f32 v3, v9;
	v0 =	vadd.s32 v7, v0;
	v6 =	vsub.f32 $1.000000000e+00, v2  }
0x3f: {  	s6 =	simm.s32 $0x10;
	s11 =	simm.s32 $0x80;
	[tilespmem:s10+$0x300] =	vst v5;
	v9 =	vadd.s32 $0x1, v5;
	v7 =	vsub.f32 $1.000000000e+00, v4;
	v8 =	vmul.f32 v2, v4  }
.LBB2_2:
0x40: {  	p0 =	sne.s32 s11, $0x1C0;
	v10 =	vld [tilespmem:s6+$0x100];
	v11 =	vsub.f32 $1.000000000e+00, v3;
	[tilespmem:s10+$0x380] =	vst v9;
	v9 =	vmul.f32 v6, v4;
	v12 =	vmul.f32 v6, v3  }
0x41: {  	v14 =	vadd.s32 $0x200, v5;
	v13 =	vld [tilespmem:s6+$0x0];
	v15 =	vmul.f32 v3, v7;
	v16 =	vmul.f32 v6, v7;
	[tilespmem:s10+$0x1280] =	vst v8  }
0x42: {  	v5 =	vadd.s32 $0x201, v5;
	v8 =	vld [tilespmem:s6+$0x80];
	v17 =	vmul.f32 v11, v7;
	v18 =	vmul.f32 v11, v4;
	[tilespmem:s10+$0x1400] =	vst v12  }
0x43: {  	v12 =	vadd.s32 $0x40000, v1;
	v7 =	vmul.f32 v2, v7;
	v6 =	vmul.f32 v6, v11;
	[tilespmem:s10+$0xF80] =	vst v15  }
0x44: {  	v4 =	vmul.f32 v3, v4;
	v11 =	vmul.f32 v2, v11;
	v15 =	vadd.s32 $0x40001, v1;
	[tilespmem:s10+$0xF00] =	vst v17  }
0x45: {  	v2 =	vmul.f32 v2, v3;
	v17 =	vadd.s32 $0x40200, v1;
	v10 =	vadd.f32 $1.000000000e+00, v10;
	[tilespmem:s10+$0x1000] =	vst v18  }
0x46: {  	v1 =	vadd.s32 $0x40201, v1;
	v3 =	vadd.f32 $1.000000000e+00, v13;
	[tilespmem:s10+$0x1100] =	vst v16;
	v13 =	vadd.s32 $0x80000, v0  }
0x47: {  	v8 =	vadd.f32 $1.000000000e+00, v8;
	v10 =	vmul.f32 $5.000000000e-01, v10;
	[tilespmem:s10+$0x1180] =	vst v7;
	v7 =	vadd.s32 $0x80001, v0  }
0x48: {  	v16 =	vadd.s32 $0x80201, v0;
	v3 =	vmul.f32 $5.000000000e-01, v3;
	[tilespmem:s10+$0x1200] =	vst v9;
	v9 =	vadd.s32 $0x80200, v0  }
0x49: {  	v0 =	vmul.f32 $5.000000000e-01, v8;
	v8 =	vmax.f32 v10, $0.0e+00;
	[tilespmem:s10+$0x1300] =	vst v6  }
0x4a: {  	v3 =	vmax.f32 v3, $0.0e+00;
	v6 =	vmin.f32 v8, $1.000000000e+00;
	[tilespmem:s10+$0x1380] =	vst v11  }
0x4b: {  	v3 =	vmin.f32 v3, $1.000000000e+00;
	v0 =	vmax.f32 v0, $0.0e+00;
	v6 =	vmul.f32 $5.110000000e+02, v6;
	[tilespmem:s10+$0x1080] =	vst v4  }
0x4c: {  	v3 =	vmul.f32 $5.110000000e+02, v3;
	v0 =	vmin.f32 v0, $1.000000000e+00;
	[tilespmem:s10+$0x1480] =	vst v2  }
0x4d: {  	v0 =	vmul.f32 $5.110000000e+02, v0;
	v2 =	vtrunc.f32 v6;
	[tilespmem:s10+$0x400] =	vst v14  }
0x4e: {  	v4 =	vtrunc.f32 v3;
	v2 =	vcvt.f32.s32 v2;
	[tilespmem:s10+$0x480] =	vst v5  }
0x4f: {  	v4 =	vcvt.f32.s32 v4;
	v5 =	vtrunc.f32 v0;
	[tilespmem:s10+$0x500] =	vst v12  }
0x50: {  	v5 =	vcvt.f32.s32 v5;
	vm0 =	vlt.s32 v2, $0x1FE;
	[tilespmem:s10+$0x580] =	vst v15  }
0x51: {  	vm1 =	vlt.s32 v4, $0x1FE;
	v8 =	vnsel vm0, $0x1FE, v2;
	[tilespmem:s10+$0x600] =	vst v17  }
0x52: {  	v2 =	vnsel vm1, $0x1FE, v4;
	vm0 =	vlt.s32 v5, $0x1FE;
	v4 =	vcvt.s32.f32 v8;
	[tilespmem:s10+$0x680] =	vst v1  }
.Ltmp0:
0x53: {  	v1 =	vcvt.s32.f32 v2;
	v5 =	vnsel vm0, $0x1FE, v5;
	v10 =	vshll.u32 v2, $0x9;
	[tilespmem:s10+$0x700] =	vst v13;
	(pc) =	sbr.rel @p0 .LBB2_2-.Ltmp0, $4  }
0x54: {  	v11 =	vcvt.s32.f32 v5;
	v2 =	vsub.f32 v6, v4;
	v12 =	vshll.u32 v5, $0x9;
	[tilespmem:s10+$0x780] =	vst v7  }
0x55: {  	v5 =	vadd.s32 v5, v10;
	v4 =	vsub.f32 v3, v1;
	v1 =	vadd.s32 v10, v8;
	[tilespmem:s10+$0x800] =	vst v9  }
0x56: {  	v3 =	vsub.f32 v0, v11;
	v6 =	vsub.f32 $1.000000000e+00, v2;
	v0 =	vadd.s32 v8, v12;
	[tilespmem:s10+$0x880] =	vst v16;
	s10 =	smov.u32 s6  }
0x57: {  	v9 =	vadd.s32 $0x1, v5;
	s6 =	sshra.s32 s11, $0x2;
	s11 =	sadd.s32 $0x40, s11;
	v7 =	vsub.f32 $1.000000000e+00, v4;
	[tilespmem:s10+$0x300] =	vst v5;
	v8 =	vmul.f32 v2, v4  }
0x58: {  	v10 =	vld [tilespmem:s6+$0x100];
	[tilespmem:s10+$0x380] =	vst v9;
	v12 =	vmul.f32 v6, v3  }
0x59: {  	v18 =	vmul.f32 v6, v4;
	v9 =	vld [tilespmem:s6+$0x0];
	[tilespmem:s10+$0x1280] =	vst v8  }
0x5a: {  	v22 =	vmul.f32 v3, v4;
	v13 =	vld [tilespmem:s6+$0x80];
	[tilespmem:s10+$0x1400] =	vst v12  }
0x5b: {  	v23 =	vmul.f32 v2, v3;
	[tilespmem:s10+$0x1200] =	vst v18  }
0x5c: {  	[tilespmem:s10+$0x1080] =	vst v22  }
0x5d: {  	v21 =	vadd.s32 $0x200, v5;
	[tilespmem:s10+$0x1480] =	vst v23  }
0x5e: {  	v26 =	vadd.s32 $0x201, v5;
	[tilespmem:s10+$0x400] =	vst v21  }
0x5f: {  	v11 =	vsub.f32 $1.000000000e+00, v3;
	v28 =	vadd.s32 $0x40000, v1;
	v30 =	vadd.s32 $0x40001, v1;
	[tilespmem:s10+$0x480] =	vst v26  }
0x60: {  	v32 =	vadd.s32 $0x40200, v1;
	v34 =	vadd.s32 $0x40201, v1;
	[tilespmem:s10+$0x500] =	vst v28;
	v9 =	vadd.f32 $1.000000000e+00, v9  }
0x61: {  	v36 =	vadd.s32 $0x80000, v0;
	v39 =	vadd.s32 $0x80001, v0;
	[tilespmem:s10+$0x580] =	vst v30;
	v20 =	vadd.f32 $1.000000000e+00, v13  }
0x62: {  	v41 =	vadd.s32 $0x80200, v0;
	v62 =	vmul.f32 v3, v7;
	[tilespmem:s10+$0x600] =	vst v32;
	v9 =	vmul.f32 $5.000000000e-01, v9  }
0x63: {  	v43 =	vadd.s32 $0x80201, v0;
	v16 =	vmul.f32 v6, v7;
	[tilespmem:s10+$0x680] =	vst v34;
	v8 =	vmul.f32 $5.000000000e-01, v20  }
0x64: {  	v17 =	vmul.f32 v2, v7;
	[tilespmem:s10+$0x700] =	vst v36;
	v10 =	vadd.f32 $1.000000000e+00, v10;
	v24 =	vmax.f32 v9, $0.0e+00  }
0x65: {  	v14 =	vmul.f32 v11, v7;
	[tilespmem:s10+$0x780] =	vst v39;
	v3 =	vmin.f32 v24, $1.000000000e+00;
	v8 =	vmax.f32 v8, $0.0e+00  }
0x66: {  	[tilespmem:s10+$0x800] =	vst v41;
	v10 =	vmul.f32 $5.000000000e-01, v10;
	v3 =	vmul.f32 $5.110000000e+02, v3;
	v27 =	vmin.f32 v8, $1.000000000e+00  }
0x67: {  	v63 =	vmul.f32 v11, v4;
	[tilespmem:s10+$0x880] =	vst v43;
	v5 =	vmul.f32 $5.110000000e+02, v27  }
0x68: {  	v19 =	vmul.f32 v6, v11;
	[tilespmem:s10+$0xF80] =	vst v62;
	v10 =	vmax.f32 v10, $0.0e+00;
	v31 =	vtrunc.f32 v3  }
0x69: {  	[tilespmem:s10+$0x1100] =	vst v16;
	v25 =	vmin.f32 v10, $1.000000000e+00;
	v9 =	vcvt.f32.s32 v31;
	v33 =	vtrunc.f32 v5  }
0x6a: {  	[tilespmem:s10+$0x1180] =	vst v17;
	v6 =	vmul.f32 $5.110000000e+02, v25;
	v35 =	vcvt.f32.s32 v33  }
0x6b: {  	v11 =	vmul.f32 v2, v11;
	[tilespmem:s10+$0xF00] =	vst v14;
	vm1 =	vlt.s32 v9, $0x1FE  }
0x6c: {  	[tilespmem:s10+$0x1000] =	vst v63;
	v29 =	vtrunc.f32 v6;
	v37 =	vnsel vm1, $0x1FE, v9;
	vm15 =	vlt.s32 v35, $0x1FE  }
0x6d: {  	[tilespmem:s10+$0x1300] =	vst v19;
	v8 =	vcvt.f32.s32 v29;
	v2 =	vnsel vm15, $0x1FE, v35;
	v44 =	vshll.u32 v37, $0x9  }
0x6e: {  	[tilespmem:s10+$0x1380] =	vst v11;
	v45 =	vadd.s32 v2, v44  }
0x6f: {  	vm0 =	vlt.s32 v8, $0x1FE;
	[tilespmem:s6+$0x300] =	vst v45;
	v49 =	vadd.s32 $0x1, v45  }
0x70: {  	v8 =	vnsel vm0, $0x1FE, v8;
	v57 =	vadd.s32 $0x200, v45;
	[tilespmem:s6+$0x380] =	vst v49  }
0x71: {  	v1 =	vadd.s32 v44, v8;
	v0 =	vadd.s32 $0x201, v45;
	[tilespmem:s6+$0x400] =	vst v57  }
0x72: {  	v58 =	vadd.s32 $0x40000, v1;
	[tilespmem:s6+$0x480] =	vst v0  }
0x73: {  	v38 =	vcvt.s32.f32 v8;
	v59 =	vadd.s32 $0x40001, v1;
	[tilespmem:s6+$0x500] =	vst v58  }
0x74: {  	v42 =	vcvt.s32.f32 v2;
	v2 =	vshll.u32 v2, $0x9;
	v60 =	vadd.s32 $0x40200, v1;
	[tilespmem:s6+$0x580] =	vst v59  }
0x75: {  	v40 =	vcvt.s32.f32 v37;
	v61 =	vadd.s32 v8, v2;
	v1 =	vadd.s32 $0x40201, v1;
	[tilespmem:s6+$0x600] =	vst v60  }
0x76: {  	v6 =	vsub.f32 v6, v38;
	v2 =	vadd.s32 $0x80000, v61;
	[tilespmem:s6+$0x680] =	vst v1  }
0x77: {  	v3 =	vsub.f32 v3, v40;
	v62 =	vadd.s32 $0x80001, v61;
	[tilespmem:s6+$0x700] =	vst v2  }
0x78: {  	v46 =	vsub.f32 v5, v42;
	v47 =	vsub.f32 $1.000000000e+00, v6;
	v63 =	vadd.s32 $0x80200, v61;
	[tilespmem:s6+$0x780] =	vst v62  }
0x79: {  	v0 =	vadd.s32 $0x80201, v61;
	v10 =	vmul.f32 v6, v3;
	[tilespmem:s6+$0x800] =	vst v63  }
0x7a: {  	[tilespmem:s6+$0x880] =	vst v0;
	v50 =	vmul.f32 v47, v46  }
0x7b: {  	v48 =	vsub.f32 $1.000000000e+00, v3;
	v55 =	vmul.f32 v47, v3;
	[tilespmem:s6+$0x1280] =	vst v10  }
0x7c: {  	v4 =	vmul.f32 v6, v46;
	[tilespmem:s6+$0x1400] =	vst v50  }
0x7d: {  	v51 =	vmul.f32 v46, v48;
	[tilespmem:s6+$0x1200] =	vst v55  }
0x7e: {  	v11 =	vsub.f32 $1.000000000e+00, v46;
	v54 =	vmul.f32 v47, v48;
	[tilespmem:s6+$0x1480] =	vst v4  }
0x7f: {  	v7 =	vmul.f32 v6, v48;
	[tilespmem:s6+$0xF80] =	vst v51  }
0x80: {  	v52 =	vmul.f32 v11, v48;
	[tilespmem:s6+$0x1100] =	vst v54  }
0x81: {  	v53 =	vmul.f32 v11, v3;
	[tilespmem:s6+$0x1180] =	vst v7  }
0x82: {  	v5 =	vmul.f32 v47, v11;
	[tilespmem:s6+$0xF00] =	vst v52  }
0x83: {  	v56 =	vmul.f32 v6, v11;
	[tilespmem:s6+$0x1000] =	vst v53  }
0x84: {  	v3 =	vmul.f32 v46, v3;
	[tilespmem:s6+$0x1300] =	vst v5  }
0x85: {  	[tilespmem:s6+$0x1380] =	vst v56  }
0x86: {  	s11 =	simm.s32 $0x1B00;
	s10 =	simm.s32 $0x300;
	[tilespmem:s6+$0x1080] =	vst v3  }
0x87: {  	[tilespmem:s11], [sflag:$0x1] =	stream.indirect.gather [hbm4b:s5+s18], $0x20, s10, s18, $0xb8;
	[tilespmem:$0x1BB00] =	vst v63  }
0x88: {  	s12 =	simm.s32 $0x380;
	s17 =	simm.s32 $0x2B00  }
0x89: {  	[tilespmem:s17], [sflag:$0x1] =	stream.indirect.gather [hbm4b:s5+s18], $0x20, s12, s18, $0xb8;
	[tilespmem:$0x1BB00] =	vst v63  }
0x8a: {  	s20 =	simm.s32 $0x400;
	s21 =	simm.s32 $0x3B00  }
0x8b: {  	[tilespmem:s21], [sflag:$0x1] =	stream.indirect.gather [hbm4b:s5+s18], $0x20, s20, s18, $0xb8;
	[tilespmem:$0x1BB00] =	vst v63  }
0x8c: {  	s22 =	simm.s32 $0x480;
	s24 =	simm.s32 $0x4B00  }
0x8d: {  	[tilespmem:s24], [sflag:$0x1] =	stream.indirect.gather [hbm4b:s5+s18], $0x20, s22, s18, $0xb8;
	[tilespmem:$0x1BB00] =	vst v63  }
0x8e: {  	s10 =	simm.s32 $0x500;
	s11 =	simm.s32 $0x5B00  }
0x8f: {  	[tilespmem:s11], [sflag:$0x1] =	stream.indirect.gather [hbm4b:s5+s18], $0x20, s10, s18, $0xb8;
	[tilespmem:$0x1BB00] =	vst v63  }
0x90: {  	s12 =	simm.s32 $0x580;
	s17 =	simm.s32 $0x6B00  }
0x91: {  	[tilespmem:s17], [sflag:$0x1] =	stream.indirect.gather [hbm4b:s5+s18], $0x20, s12, s18, $0xb8;
	[tilespmem:$0x1BB00] =	vst v63  }
0x92: {  	s20 =	simm.s32 $0x600;
	s21 =	simm.s32 $0x7B00  }
0x93: {  	[tilespmem:s21], [sflag:$0x1] =	stream.indirect.gather [hbm4b:s5+s18], $0x20, s20, s18, $0xb8;
	[tilespmem:$0x1BB00] =	vst v63  }
0x94: {  	s22 =	simm.s32 $0x680;
	s24 =	simm.s32 $0x8B00  }
0x95: {  	[tilespmem:s24], [sflag:$0x1] =	stream.indirect.gather [hbm4b:s5+s18], $0x20, s22, s18, $0xb8;
	[tilespmem:$0x1BB00] =	vst v63  }
0x96: {  	s10 =	simm.s32 $0x700;
	s11 =	simm.s32 $0x9B00  }
0x97: {  	[tilespmem:s11], [sflag:$0x1] =	stream.indirect.gather [hbm4b:s5+s18], $0x20, s10, s18, $0xb8;
	[tilespmem:$0x1BB00] =	vst v63  }
0x98: {  	s12 =	simm.s32 $0x780;
	s17 =	simm.s32 $0xAB00  }
0x99: {  	[tilespmem:s17], [sflag:$0x1] =	stream.indirect.gather [hbm4b:s5+s18], $0x20, s12, s18, $0xb8;
	[tilespmem:$0x1BB00] =	vst v63  }
0x9a: {  	s20 =	simm.s32 $0x800;
	s21 =	simm.s32 $0xBB00  }
0x9b: {  	[tilespmem:s21], [sflag:$0x1] =	stream.indirect.gather [hbm4b:s5+s18], $0x20, s20, s18, $0xb8;
	[tilespmem:$0x1BB00] =	vst v63  }
0x9c: {  	s22 =	simm.s32 $0x880;
	s24 =	simm.s32 $0xCB00;
	s10 =	simm.s32 $0x0  }
0x9d: {  	[tilespmem:s24], [sflag:$0x1] =	stream.indirect.gather [hbm4b:s5+s18], $0x20, s22, s18, $0xb8;
	[tilespmem:$0x1BB00] =	vst v63  }
.LBB2_4:
0x9e: {  	_ =	swait.ge [sflag:s29], $0x80  }
0x9f: {  	[sflag:s29] =	ssyncset.done $0x0  }
0xa0: {  	[sflag:s29] =	ssyncadd.s32 $0xFFFFFF80  }
0xa1: {  	_ =	swait.ge [sflag:s29], $0x80  }
0xa2: {  	[sflag:s29] =	ssyncset.done $0x0  }
0xa3: {  	[sflag:s29] =	ssyncadd.s32 $0xFFFFFF80  }
0xa4: {  	_ =	swait.ge [sflag:s29], $0x80  }
0xa5: {  	[sflag:s29] =	ssyncset.done $0x0  }
0xa6: {  	s11 =	simm.s32 $0x0;
	[sflag:s29] =	ssyncadd.s32 $0xFFFFFF80  }
0xa7: {  	v0 =	vld [tilespmem:s11+$0x280]  }
0xa8: {  	v1 =	vld [tilespmem:s11+$0x180]  }
0xa9: {  	v2 =	vld [tilespmem:s11+$0x200];
	_ =	sdelay $0x2  }
0xaa: {  	v0 =	vadd.f32 $1.000000000e+00, v0  }
0xab: {  	v1 =	vadd.f32 $1.000000000e+00, v1  }
0xac: {  	v2 =	vadd.f32 $1.000000000e+00, v2;
	v0 =	vmul.f32 $5.000000000e-01, v0  }
0xad: {  	v1 =	vmul.f32 $5.000000000e-01, v1  }
0xae: {  	v2 =	vmul.f32 $5.000000000e-01, v2;
	v0 =	vmax.f32 v0, $0.0e+00  }
0xaf: {  	v1 =	vmax.f32 v1, $0.0e+00;
	v0 =	vmin.f32 v0, $1.000000000e+00  }
0xb0: {  	v2 =	vmax.f32 v2, $0.0e+00;
	v1 =	vmin.f32 v1, $1.000000000e+00;
	v0 =	vmul.f32 $5.110000000e+02, v0  }
0xb1: {  	v2 =	vmin.f32 v2, $1.000000000e+00;
	v1 =	vmul.f32 $5.110000000e+02, v1  }
0xb2: {  	v3 =	vmul.f32 $5.110000000e+02, v2;
	v2 =	vtrunc.f32 v0  }
0xb3: {  	v4 =	vtrunc.f32 v1;
	v2 =	vcvt.f32.s32 v2  }
0xb4: {  	v5 =	vtrunc.f32 v3;
	v4 =	vcvt.f32.s32 v4  }
0xb5: {  	v5 =	vcvt.f32.s32 v5;
	vm0 =	vlt.s32 v2, $0x1FE  }
0xb6: {  	vm1 =	vlt.s32 v4, $0x1FE;
	v7 =	vnsel vm0, $0x1FE, v2  }
0xb7: {  	vm15 =	vlt.s32 v5, $0x1FE;
	v2 =	vnsel vm1, $0x1FE, v4;
	v4 =	vcvt.s32.f32 v7  }
0xb8: {  	v5 =	vnsel vm15, $0x1FE, v5;
	v6 =	vcvt.s32.f32 v2;
	v8 =	vshll.u32 v2, $0x9  }
0xb9: {  	v9 =	vcvt.s32.f32 v5;
	v2 =	vsub.f32 v0, v4;
	v0 =	vshll.u32 v5, $0x9  }
0xba: {  	v4 =	vsub.f32 v1, v6;
	v5 =	vadd.s32 v5, v8;
	v1 =	vadd.s32 v8, v7  }
0xbb: {  	v3 =	vsub.f32 v3, v9;
	v0 =	vadd.s32 v7, v0;
	v6 =	vsub.f32 $1.000000000e+00, v2  }
0xbc: {  	s6 =	simm.s32 $0x10;
	s12 =	simm.s32 $0x80;
	[tilespmem:s11+$0x900] =	vst v5;
	v9 =	vadd.s32 $0x1, v5;
	v7 =	vsub.f32 $1.000000000e+00, v4;
	v8 =	vmul.f32 v2, v4  }
.LBB2_5:
0xbd: {  	p0 =	sne.s32 s12, $0x1C0;
	v10 =	vld [tilespmem:s6+$0x280];
	v11 =	vsub.f32 $1.000000000e+00, v3;
	[tilespmem:s11+$0x980] =	vst v9;
	v9 =	vmul.f32 v6, v4;
	v12 =	vmul.f32 v6, v3  }
0xbe: {  	v14 =	vadd.s32 $0x200, v5;
	v13 =	vld [tilespmem:s6+$0x180];
	v15 =	vmul.f32 v3, v7;
	v16 =	vmul.f32 v6, v7;
	[tilespmem:s11+$0x1880] =	vst v8  }
0xbf: {  	v5 =	vadd.s32 $0x201, v5;
	v8 =	vld [tilespmem:s6+$0x200];
	v17 =	vmul.f32 v11, v7;
	v18 =	vmul.f32 v11, v4;
	[tilespmem:s11+$0x1A00] =	vst v12  }
0xc0: {  	v12 =	vadd.s32 $0x40000, v1;
	v7 =	vmul.f32 v2, v7;
	v6 =	vmul.f32 v6, v11;
	[tilespmem:s11+$0x1580] =	vst v15  }
0xc1: {  	v4 =	vmul.f32 v3, v4;
	v11 =	vmul.f32 v2, v11;
	v15 =	vadd.s32 $0x40001, v1;
	[tilespmem:s11+$0x1500] =	vst v17  }
0xc2: {  	v2 =	vmul.f32 v2, v3;
	v17 =	vadd.s32 $0x40200, v1;
	v10 =	vadd.f32 $1.000000000e+00, v10;
	[tilespmem:s11+$0x1600] =	vst v18  }
0xc3: {  	v1 =	vadd.s32 $0x40201, v1;
	v3 =	vadd.f32 $1.000000000e+00, v13;
	[tilespmem:s11+$0x1700] =	vst v16;
	v13 =	vadd.s32 $0x80000, v0  }
0xc4: {  	v8 =	vadd.f32 $1.000000000e+00, v8;
	v10 =	vmul.f32 $5.000000000e-01, v10;
	[tilespmem:s11+$0x1780] =	vst v7;
	v7 =	vadd.s32 $0x80001, v0  }
0xc5: {  	v16 =	vadd.s32 $0x80201, v0;
	v3 =	vmul.f32 $5.000000000e-01, v3;
	[tilespmem:s11+$0x1800] =	vst v9;
	v9 =	vadd.s32 $0x80200, v0  }
0xc6: {  	v0 =	vmul.f32 $5.000000000e-01, v8;
	v8 =	vmax.f32 v10, $0.0e+00;
	[tilespmem:s11+$0x1900] =	vst v6  }
0xc7: {  	v3 =	vmax.f32 v3, $0.0e+00;
	v6 =	vmin.f32 v8, $1.000000000e+00;
	[tilespmem:s11+$0x1980] =	vst v11  }
0xc8: {  	v3 =	vmin.f32 v3, $1.000000000e+00;
	v0 =	vmax.f32 v0, $0.0e+00;
	v6 =	vmul.f32 $5.110000000e+02, v6;
	[tilespmem:s11+$0x1680] =	vst v4  }
0xc9: {  	v3 =	vmul.f32 $5.110000000e+02, v3;
	v0 =	vmin.f32 v0, $1.000000000e+00;
	[tilespmem:s11+$0x1A80] =	vst v2  }
0xca: {  	v0 =	vmul.f32 $5.110000000e+02, v0;
	v2 =	vtrunc.f32 v6;
	[tilespmem:s11+$0xA00] =	vst v14  }
0xcb: {  	v4 =	vtrunc.f32 v3;
	v2 =	vcvt.f32.s32 v2;
	[tilespmem:s11+$0xA80] =	vst v5  }
0xcc: {  	v4 =	vcvt.f32.s32 v4;
	v5 =	vtrunc.f32 v0;
	[tilespmem:s11+$0xB00] =	vst v12  }
0xcd: {  	v5 =	vcvt.f32.s32 v5;
	vm0 =	vlt.s32 v2, $0x1FE;
	[tilespmem:s11+$0xB80] =	vst v15  }
0xce: {  	vm1 =	vlt.s32 v4, $0x1FE;
	v8 =	vnsel vm0, $0x1FE, v2;
	[tilespmem:s11+$0xC00] =	vst v17  }
0xcf: {  	v2 =	vnsel vm1, $0x1FE, v4;
	vm0 =	vlt.s32 v5, $0x1FE;
	v4 =	vcvt.s32.f32 v8;
	[tilespmem:s11+$0xC80] =	vst v1  }
.Ltmp1:
0xd0: {  	v1 =	vcvt.s32.f32 v2;
	v5 =	vnsel vm0, $0x1FE, v5;
	v10 =	vshll.u32 v2, $0x9;
	[tilespmem:s11+$0xD00] =	vst v13;
	(pc) =	sbr.rel @p0 .LBB2_5-.Ltmp1, $4  }
0xd1: {  	v11 =	vcvt.s32.f32 v5;
	v2 =	vsub.f32 v6, v4;
	v12 =	vshll.u32 v5, $0x9;
	[tilespmem:s11+$0xD80] =	vst v7  }
0xd2: {  	v5 =	vadd.s32 v5, v10;
	v4 =	vsub.f32 v3, v1;
	v1 =	vadd.s32 v10, v8;
	[tilespmem:s11+$0xE00] =	vst v9  }
0xd3: {  	v3 =	vsub.f32 v0, v11;
	v6 =	vsub.f32 $1.000000000e+00, v2;
	v0 =	vadd.s32 v8, v12;
	[tilespmem:s11+$0xE80] =	vst v16;
	s11 =	smov.u32 s6  }
0xd4: {  	v9 =	vadd.s32 $0x1, v5;
	s6 =	sshra.s32 s12, $0x2;
	s12 =	sadd.s32 $0x40, s12;
	v7 =	vsub.f32 $1.000000000e+00, v4;
	[tilespmem:s11+$0x900] =	vst v5;
	v8 =	vmul.f32 v2, v4  }
0xd5: {  	v10 =	vld [tilespmem:s6+$0x280];
	[tilespmem:s11+$0x980] =	vst v9;
	v12 =	vmul.f32 v6, v3  }
0xd6: {  	v18 =	vmul.f32 v6, v4;
	v9 =	vld [tilespmem:s6+$0x180];
	[tilespmem:s11+$0x1880] =	vst v8  }
0xd7: {  	v22 =	vmul.f32 v3, v4;
	v13 =	vld [tilespmem:s6+$0x200];
	[tilespmem:s11+$0x1A00] =	vst v12  }
0xd8: {  	v23 =	vmul.f32 v2, v3;
	[tilespmem:s11+$0x1800] =	vst v18  }
0xd9: {  	[tilespmem:s11+$0x1680] =	vst v22  }
0xda: {  	v21 =	vadd.s32 $0x200, v5;
	[tilespmem:s11+$0x1A80] =	vst v23  }
0xdb: {  	v11 =	vsub.f32 $1.000000000e+00, v3;
	v26 =	vadd.s32 $0x201, v5;
	[tilespmem:s11+$0xA00] =	vst v21  }
0xdc: {  	v28 =	vadd.s32 $0x40000, v1;
	v30 =	vadd.s32 $0x40001, v1;
	v32 =	vadd.s32 $0x40200, v1;
	[tilespmem:s11+$0xA80] =	vst v26  }
0xdd: {  	v34 =	vadd.s32 $0x40201, v1;
	v36 =	vadd.s32 $0x80000, v0;
	[tilespmem:s11+$0xB00] =	vst v28;
	v9 =	vadd.f32 $1.000000000e+00, v9  }
0xde: {  	v39 =	vadd.s32 $0x80001, v0;
	v41 =	vadd.s32 $0x80200, v0;
	[tilespmem:s11+$0xB80] =	vst v30;
	v20 =	vadd.f32 $1.000000000e+00, v13  }
0xdf: {  	v62 =	vmul.f32 v3, v7;
	[tilespmem:s11+$0xC00] =	vst v32;
	v10 =	vadd.f32 $1.000000000e+00, v10;
	v9 =	vmul.f32 $5.000000000e-01, v9  }
0xe0: {  	v43 =	vadd.s32 $0x80201, v0;
	v16 =	vmul.f32 v6, v7;
	[tilespmem:s11+$0xC80] =	vst v34;
	v8 =	vmul.f32 $5.000000000e-01, v20  }
0xe1: {  	v17 =	vmul.f32 v2, v7;
	[tilespmem:s11+$0xD00] =	vst v36;
	v10 =	vmul.f32 $5.000000000e-01, v10;
	v24 =	vmax.f32 v9, $0.0e+00  }
0xe2: {  	v14 =	vmul.f32 v11, v7;
	[tilespmem:s11+$0xD80] =	vst v39;
	v3 =	vmin.f32 v24, $1.000000000e+00;
	v8 =	vmax.f32 v8, $0.0e+00  }
0xe3: {  	[tilespmem:s11+$0xE00] =	vst v41;
	v10 =	vmax.f32 v10, $0.0e+00;
	v3 =	vmul.f32 $5.110000000e+02, v3;
	v27 =	vmin.f32 v8, $1.000000000e+00  }
0xe4: {  	v19 =	vmul.f32 v6, v11;
	[tilespmem:s11+$0xE80] =	vst v43;
	v25 =	vmin.f32 v10, $1.000000000e+00;
	v5 =	vmul.f32 $5.110000000e+02, v27  }
0xe5: {  	[tilespmem:s11+$0x1580] =	vst v62;
	v6 =	vmul.f32 $5.110000000e+02, v25;
	v31 =	vtrunc.f32 v3  }
0xe6: {  	[tilespmem:s11+$0x1700] =	vst v16;
	v9 =	vcvt.f32.s32 v31;
	v33 =	vtrunc.f32 v5  }
0xe7: {  	v63 =	vmul.f32 v11, v4;
	[tilespmem:s11+$0x1780] =	vst v17;
	v35 =	vcvt.f32.s32 v33  }
0xe8: {  	v11 =	vmul.f32 v2, v11;
	[tilespmem:s11+$0x1500] =	vst v14;
	v29 =	vtrunc.f32 v6;
	vm1 =	vlt.s32 v9, $0x1FE  }
0xe9: {  	[tilespmem:s11+$0x1600] =	vst v63;
	v8 =	vcvt.f32.s32 v29;
	v37 =	vnsel vm1, $0x1FE, v9;
	vm15 =	vlt.s32 v35, $0x1FE  }
0xea: {  	[tilespmem:s11+$0x1900] =	vst v19;
	v2 =	vnsel vm15, $0x1FE, v35;
	v44 =	vshll.u32 v37, $0x9  }
0xeb: {  	[tilespmem:s11+$0x1980] =	vst v11;
	vm0 =	vlt.s32 v8, $0x1FE;
	v4 =	vadd.s32 v2, v44  }
0xec: {  	v8 =	vnsel vm0, $0x1FE, v8;
	[tilespmem:s6+$0x900] =	vst v4;
	v47 =	vadd.s32 $0x1, v4  }
0xed: {  	v38 =	vcvt.s32.f32 v8;
	v55 =	vadd.s32 $0x200, v4;
	[tilespmem:s6+$0x980] =	vst v47  }
0xee: {  	v40 =	vcvt.s32.f32 v37;
	v1 =	vadd.s32 v44, v8;
	v56 =	vadd.s32 $0x201, v4;
	[tilespmem:s6+$0xA00] =	vst v55  }
0xef: {  	v42 =	vcvt.s32.f32 v2;
	v6 =	vsub.f32 v6, v38;
	v57 =	vadd.s32 $0x40000, v1;
	[tilespmem:s6+$0xA80] =	vst v56  }
0xf0: {  	v3 =	vsub.f32 v3, v40;
	v58 =	vadd.s32 $0x40001, v1;
	[tilespmem:s6+$0xB00] =	vst v57  }
0xf1: {  	v60 =	vadd.s32 $0x40200, v1;
	v5 =	vsub.f32 v5, v42;
	v45 =	vsub.f32 $1.000000000e+00, v6;
	[tilespmem:s6+$0xB80] =	vst v58  }
0xf2: {  	v1 =	vadd.s32 $0x40201, v1;
	[tilespmem:s6+$0xC00] =	vst v60;
	v10 =	vmul.f32 v6, v3  }
0xf3: {  	[tilespmem:s6+$0xC80] =	vst v1;
	v46 =	vsub.f32 $1.000000000e+00, v3;
	v48 =	vmul.f32 v45, v5  }
0xf4: {  	v53 =	vmul.f32 v45, v3;
	[tilespmem:s6+$0x1880] =	vst v10  }
0xf5: {  	v49 =	vmul.f32 v5, v46;
	[tilespmem:s6+$0x1A00] =	vst v48  }
0xf6: {  	v11 =	vsub.f32 $1.000000000e+00, v5;
	v52 =	vmul.f32 v45, v46;
	[tilespmem:s6+$0x1800] =	vst v53  }
0xf7: {  	v0 =	vmul.f32 v6, v46;
	[tilespmem:s6+$0x1580] =	vst v49  }
0xf8: {  	v50 =	vmul.f32 v11, v46;
	[tilespmem:s6+$0x1700] =	vst v52  }
0xf9: {  	v51 =	vmul.f32 v11, v3;
	[tilespmem:s6+$0x1780] =	vst v0  }
0xfa: {  	v7 =	vmul.f32 v45, v11;
	[tilespmem:s6+$0x1500] =	vst v50  }
0xfb: {  	v54 =	vmul.f32 v6, v11;
	[tilespmem:s6+$0x1600] =	vst v51  }
0xfc: {  	v3 =	vmul.f32 v5, v3;
	[tilespmem:s6+$0x1900] =	vst v7  }
0xfd: {  	v59 =	vshll.u32 v2, $0x9;
	v5 =	vmul.f32 v6, v5;
	[tilespmem:s6+$0x1980] =	vst v54  }
0xfe: {  	v0 =	vadd.s32 v8, v59;
	[tilespmem:s6+$0x1680] =	vst v3  }
0xff: {  	[tilespmem:s6+$0x1A80] =	vst v5;
	v61 =	vadd.s32 $0x80000, v0  }
0x100: {  	v62 =	vadd.s32 $0x80001, v0;
	[tilespmem:s6+$0xD00] =	vst v61  }
0x101: {  	v63 =	vadd.s32 $0x80200, v0;
	[tilespmem:s6+$0xD80] =	vst v62  }
0x102: {  	v0 =	vadd.s32 $0x80201, v0;
	[tilespmem:s6+$0xE00] =	vst v63  }
0x103: {  	s20 =	simm.s32 $0x900;
	s21 =	simm.s32 $0xDB00;
	[tilespmem:s6+$0xE80] =	vst v0  }
0x104: {  	[tilespmem:s21], [sflag:$0x2] =	stream.indirect.gather [hbm4b:s5+s18], $0x20, s20, s18, $0xb8;
	[tilespmem:$0x1BB00] =	vst v63  }
0x105: {  	s22 =	simm.s32 $0x980;
	s24 =	simm.s32 $0xEB00  }
0x106: {  	[tilespmem:s24], [sflag:$0x2] =	stream.indirect.gather [hbm4b:s5+s18], $0x20, s22, s18, $0xb8;
	[tilespmem:$0x1BB00] =	vst v63  }
0x107: {  	s12 =	simm.s32 $0xA00;
	s17 =	simm.s32 $0xFB00  }
0x108: {  	[tilespmem:s17], [sflag:$0x2] =	stream.indirect.gather [hbm4b:s5+s18], $0x20, s12, s18, $0xb8;
	[tilespmem:$0x1BB00] =	vst v63  }
0x109: {  	s20 =	simm.s32 $0xA80;
	s21 =	simm.s32 $0x10B00  }
0x10a: {  	[tilespmem:s21], [sflag:$0x2] =	stream.indirect.gather [hbm4b:s5+s18], $0x20, s20, s18, $0xb8;
	[tilespmem:$0x1BB00] =	vst v63  }
0x10b: {  	s22 =	simm.s32 $0xB00;
	s24 =	simm.s32 $0x11B00  }
0x10c: {  	[tilespmem:s24], [sflag:$0x2] =	stream.indirect.gather [hbm4b:s5+s18], $0x20, s22, s18, $0xb8;
	[tilespmem:$0x1BB00] =	vst v63  }
0x10d: {  	s12 =	simm.s32 $0xB80;
	s17 =	simm.s32 $0x12B00  }
0x10e: {  	[tilespmem:s17], [sflag:$0x2] =	stream.indirect.gather [hbm4b:s5+s18], $0x20, s12, s18, $0xb8;
	[tilespmem:$0x1BB00] =	vst v63  }
0x10f: {  	s20 =	simm.s32 $0xC00;
	s21 =	simm.s32 $0x13B00  }
0x110: {  	[tilespmem:s21], [sflag:$0x2] =	stream.indirect.gather [hbm4b:s5+s18], $0x20, s20, s18, $0xb8;
	[tilespmem:$0x1BB00] =	vst v63  }
0x111: {  	s22 =	simm.s32 $0xC80;
	s24 =	simm.s32 $0x14B00  }
0x112: {  	[tilespmem:s24], [sflag:$0x2] =	stream.indirect.gather [hbm4b:s5+s18], $0x20, s22, s18, $0xb8;
	[tilespmem:$0x1BB00] =	vst v63  }
0x113: {  	p1 =	seq.s32 s10, $0x7F  }
0x114: {  	[tilespmem:s26], [sflag:$0x2] =	stream.indirect.gather [hbm4b:s5+s18], $0x20, s25, s18, $0xb8;
	[tilespmem:$0x1BB00] =	vst v63  }
0x115: {  	s6 =	sshll.u32 @!p1 s10, $0x8  }
0x116: {  	[tilespmem:s3], [sflag:$0x2] =	stream.indirect.gather [hbm4b:s5+s18], $0x20, s28, s18, $0xb8;
	[tilespmem:$0x1BB00] =	vst v63  }
0x117: {  	s6 =	sadd.s32 @!p1 s6, s13  }
0x118: {  	[tilespmem:s30], [sflag:$0x2] =	stream.indirect.gather [hbm4b:s5+s18], $0x20, s15, s18, $0xb8;
	[tilespmem:$0x1BB00] =	vst v63  }
0x119: {  	s6 =	sshrl.u32 @!p1 s6, $0x3  }
0x11a: {  	[tilespmem:s0], [sflag:$0x2] =	stream.indirect.gather [hbm4b:s5+s18], $0x20, s31, s18, $0xb8;
	[tilespmem:$0x1BB00] =	vst v63  }
0x11b: {  	s11 =	sadd.s32 @!p1 s1, s6;
	s12 =	simm.s32 @!p1 $0x0  }
0x11c: {  	[tilespmem:s12], [sflag:$0x5] =	stream.linear.gather @!p1 [hbm4b:s11+s12], $0x80, $0x38;
	[tilespmem:$0x1BB00] =	vst v63  }
0x11d: {  	s17 =	simm.s32 @!p1 $0x80;
	s11 =	sadd.s32 @!p1 $0x20000, s11  }
0x11e: {  	[tilespmem:s17], [sflag:$0x5] =	stream.linear.gather @!p1 [hbm4b:s11+s12], $0x80, $0x38;
	[tilespmem:$0x1BB00] =	vst v63  }
0x11f: {  	s6 =	sadd.s32 @!p1 s6, s7;
	s11 =	simm.s32 @!p1 $0x100  }
0x120: {  	[tilespmem:s11], [sflag:$0x5] =	stream.linear.gather @!p1 [hbm4b:s6+s12], $0x80, $0x38;
	[tilespmem:$0x1BB00] =	vst v63  }
0x121: {  	_ =	swait.ge [sflag:s2], $0x1000  }
0x122: {  	[sflag:s2] =	ssyncset.done $0x0  }
0x123: {  	[sflag:s2] =	ssyncadd.s32 $0xFFFFF000  }
0x124: {  	_ =	swait.ge [sflag:s2], $0x1000  }
0x125: {  	[sflag:s2] =	ssyncset.done $0x0  }
0x126: {  	[sflag:s2] =	ssyncadd.s32 $0xFFFFF000  }
0x127: {  	_ =	swait.ge [sflag:s2], $0x1000  }
0x128: {  	[sflag:s2] =	ssyncset.done $0x0  }
0x129: {  	[sflag:s2] =	ssyncadd.s32 $0xFFFFF000  }
0x12a: {  	_ =	swait.ge [sflag:s2], $0x1000  }
0x12b: {  	[sflag:s2] =	ssyncset.done $0x0  }
0x12c: {  	[sflag:s2] =	ssyncadd.s32 $0xFFFFF000  }
0x12d: {  	_ =	swait.ge [sflag:s2], $0x1000  }
0x12e: {  	[sflag:s2] =	ssyncset.done $0x0  }
0x12f: {  	[sflag:s2] =	ssyncadd.s32 $0xFFFFF000  }
0x130: {  	_ =	swait.ge [sflag:s2], $0x1000  }
0x131: {  	[sflag:s2] =	ssyncset.done $0x0  }
0x132: {  	[sflag:s2] =	ssyncadd.s32 $0xFFFFF000  }
0x133: {  	_ =	swait.ge [sflag:s2], $0x1000  }
0x134: {  	[sflag:s2] =	ssyncset.done $0x0  }
0x135: {  	[sflag:s2] =	ssyncadd.s32 $0xFFFFF000  }
0x136: {  	_ =	swait.ge [sflag:s2], $0x1000  }
0x137: {  	[sflag:s2] =	ssyncset.done $0x0  }
0x138: {  	[sflag:s2] =	ssyncadd.s32 $0xFFFFF000  }
0x139: {  	_ =	swait.ge [sflag:s2], $0x1000  }
0x13a: {  	[sflag:s2] =	ssyncset.done $0x0  }
0x13b: {  	[sflag:s2] =	ssyncadd.s32 $0xFFFFF000  }
0x13c: {  	_ =	swait.ge [sflag:s2], $0x1000  }
0x13d: {  	[sflag:s2] =	ssyncset.done $0x0  }
0x13e: {  	[sflag:s2] =	ssyncadd.s32 $0xFFFFF000  }
0x13f: {  	_ =	swait.ge [sflag:s2], $0x1000  }
0x140: {  	[sflag:s2] =	ssyncset.done $0x0  }
0x141: {  	[sflag:s2] =	ssyncadd.s32 $0xFFFFF000  }
0x142: {  	_ =	swait.ge [sflag:s2], $0x1000  }
0x143: {  	p0 =	seq.s32 s10, $0x0;
	[sflag:s2] =	ssyncset.done $0x0  }
0x144: {  	s6 =	simm.s32 @!p0 $0x3;
	[sflag:s2] =	ssyncadd.s32 $0xFFFFF000  }
0x145: {  	s20 =	simm.s32 $0x0;
	_ =	swait.ge @!p0 [sflag:s6], $0x1000  }
0x146: {  	s17 =	simm.s32 $0x1B00;
	s11 =	sshll.u32 s10, $0xA;
	[sflag:s6] =	ssyncset.done @!p0 $0x0  }
0x147: {  	s12 =	simm.s32 $0x0;
	[sflag:s6] =	ssyncadd.s32 @!p0 $0xFFFFF000;
	s6 =	simm.s32 $0x19B10  }
.LBB2_7:
0x148: {  	s21 =	sshll.u32 s20, $0x4  }
0x149: {  	v12 =	vld [tilespmem:s21+$0xF00]  }
0x14a: {  	v11 =	vld [tilespmem:s21+$0xF80]  }
0x14b: {  	v10 =	vld [tilespmem:s21+$0x1000]  }
0x14c: {  	v9 =	vld [tilespmem:s21+$0x1080]  }
0x14d: {  	v8 =	vld [tilespmem:s21+$0x1100]  }
0x14e: {  	v7 =	vld [tilespmem:s21+$0x1180]  }
0x14f: {  	v6 =	vld [tilespmem:s21+$0x1200]  }
0x150: {  	v2 =	vmov s17;
	v5 =	vld [tilespmem:s21+$0x1280]  }
0x151: {  	v4 =	vld [tilespmem:s21+$0x1300]  }
0x152: {  	v3 =	vld [tilespmem:s21+$0x1380]  }
0x153: {  	v1 =	vld [tilespmem:s21+$0x1400]  }
0x154: {  	s22 =	simm.s32 $0x0;
	v0 =	vld [tilespmem:s21+$0x1480]  }
0x155: {  	v13 =	vld.idx.msk [tilespmem:v2+s22+$0x0 ss:$0x1], $0xffff  }
0x156: {  	v14 =	vld.idx.msk [tilespmem:v2+s22+$0x10 ss:$0x1], $0xffff  }
0x157: {  	v16 =	vmov s12;
	v15 =	vld.idx.msk [tilespmem:v2+s22+$0x1000 ss:$0x1], $0xffff  }
0x158: {  	v17 =	vld.idx.msk [tilespmem:v2+s22+$0x1010 ss:$0x1], $0xffff;
	v18 =	vperm.xlane v12, v16  }
0x159: {  	v19 =	vld.idx.msk [tilespmem:v2+s22+$0x2000 ss:$0x1], $0xffff  }
0x15a: {  	v20 =	vld.idx.msk [tilespmem:v2+s22+$0x2010 ss:$0x1], $0xffff;
	v21 =	vperm.xlane v11, v16;
	v13 =	vmul.f32 v13, v18  }
0x15b: {  	v22 =	vld.idx.msk [tilespmem:v2+s22+$0x3000 ss:$0x1], $0xffff;
	v14 =	vmul.f32 v14, v18  }
0x15c: {  	v30 =	vld.idx.msk [tilespmem:v2+s22+$0x3010 ss:$0x1], $0xffff;
	v23 =	vperm.xlane v10, v16;
	v15 =	vmul.f32 v15, v21;
	v13 =	vadd.f32 $0.0e+00, v13  }
0x15d: {  	v24 =	vld.idx.msk [tilespmem:v2+s22+$0x4000 ss:$0x1], $0xffff;
	v17 =	vmul.f32 v17, v21;
	v14 =	vadd.f32 $0.0e+00, v14  }
0x15e: {  	v31 =	vld.idx.msk [tilespmem:v2+s22+$0x4010 ss:$0x1], $0xffff;
	v32 =	vperm.xlane v9, v16;
	v13 =	vadd.f32 v15, v13;
	v15 =	vmul.f32 v19, v23  }
0x15f: {  	v25 =	vld.idx.msk [tilespmem:v2+s22+$0x5000 ss:$0x1], $0xffff;
	v33 =	vmul.f32 v20, v23;
	v14 =	vadd.f32 v17, v14  }
0x160: {  	v34 =	vld.idx.msk [tilespmem:v2+s22+$0x5010 ss:$0x1], $0xffff;
	v35 =	vperm.xlane v8, v16;
	v13 =	vadd.f32 v15, v13;
	v15 =	vmul.f32 v22, v32  }
0x161: {  	v36 =	vld.idx.msk [tilespmem:v2+s22+$0x6000 ss:$0x1], $0xffff;
	v37 =	vmul.f32 v30, v32;
	v14 =	vadd.f32 v33, v14  }
0x162: {  	v38 =	vld.idx.msk [tilespmem:v2+s22+$0x6010 ss:$0x1], $0xffff;
	v39 =	vperm.xlane v7, v16;
	v13 =	vadd.f32 v15, v13;
	v15 =	vmul.f32 v24, v35  }
0x163: {  	v40 =	vld.idx.msk [tilespmem:v2+s22+$0x7000 ss:$0x1], $0xffff;
	v41 =	vmul.f32 v31, v35;
	v14 =	vadd.f32 v37, v14  }
0x164: {  	v42 =	vld.idx.msk [tilespmem:v2+s22+$0x7010 ss:$0x1], $0xffff;
	v43 =	vperm.xlane v6, v16;
	v13 =	vadd.f32 v15, v13;
	v15 =	vmul.f32 v25, v39  }
0x165: {  	v44 =	vld.idx.msk [tilespmem:v2+s22+$0x8000 ss:$0x1], $0xffff;
	v45 =	vmul.f32 v34, v39;
	v14 =	vadd.f32 v41, v14  }
0x166: {  	v46 =	vld.idx.msk [tilespmem:v2+s22+$0x8010 ss:$0x1], $0xffff;
	v47 =	vperm.xlane v5, v16;
	v13 =	vadd.f32 v15, v13;
	v15 =	vmul.f32 v36, v43  }
0x167: {  	v48 =	vld.idx.msk [tilespmem:v2+s22+$0x9000 ss:$0x1], $0xffff;
	v49 =	vmul.f32 v38, v43;
	v14 =	vadd.f32 v45, v14  }
0x168: {  	v50 =	vld.idx.msk [tilespmem:v2+s22+$0x9010 ss:$0x1], $0xffff;
	v51 =	vperm.xlane v4, v16;
	v13 =	vadd.f32 v15, v13;
	v15 =	vmul.f32 v40, v47  }
0x169: {  	v52 =	vld.idx.msk [tilespmem:v2+s22+$0xA000 ss:$0x1], $0xffff;
	v53 =	vmul.f32 v42, v47;
	v14 =	vadd.f32 v49, v14  }
0x16a: {  	v54 =	vld.idx.msk [tilespmem:v2+s22+$0xA010 ss:$0x1], $0xffff;
	v55 =	vperm.xlane v3, v16;
	v13 =	vadd.f32 v15, v13;
	v15 =	vmul.f32 v44, v51  }
0x16b: {  	v56 =	vld.idx.msk [tilespmem:v2+s22+$0xB000 ss:$0x1], $0xffff;
	v57 =	vmul.f32 v46, v51;
	v14 =	vadd.f32 v53, v14  }
0x16c: {  	v58 =	vld.idx.msk [tilespmem:v2+s22+$0xB010 ss:$0x1], $0xffff;
	v59 =	vperm.xlane v1, v16;
	v13 =	vadd.f32 v15, v13;
	v15 =	vmul.f32 v48, v55  }
0x16d: {  	v60 =	vmul.f32 v50, v55;
	v14 =	vadd.f32 v57, v14  }
0x16e: {  	v16 =	vperm.xlane v0, v16;
	v61 =	vmul.f32 v52, v59;
	v15 =	vadd.f32 v15, v13  }
0x16f: {  	v62 =	vmul.f32 v54, v59;
	v13 =	vmov s6;
	v14 =	vadd.f32 v60, v14  }
0x170: {  	v63 =	vmul.f32 v56, v16;
	v15 =	vadd.f32 v61, v15  }
0x171: {  	v16 =	vmul.f32 v58, v16;
	v14 =	vadd.f32 v62, v14  }
0x172: {  	v15 =	vadd.f32 v63, v15  }
0x173: {  	v14 =	vadd.f32 v16, v14  }
0x174: {  	[tilespmem:v13+s22+$0xFFFFFFF0 ss:$0x1] =	vst.idx.msk $0xffff, v15  }
0x175: {  	s21 =	simm.s32 $0x20;
	[tilespmem:v13+s22+$0x0 ss:$0x1] =	vst.idx.msk $0xffff, v14  }
0x176: {  	s24 =	simm.s32 $0x100;
	s22 =	simm.s32 $0x0;
	v14 =	vld.idx.msk [tilespmem:v2+s21+$0x0 ss:$0x1], $0xffff  }
.LBB2_8:
0x177: {  	p2 =	sne.s32 s24, $0x780;
	v15 =	vld.idx.msk [tilespmem:v2+s21+$0x10 ss:$0x1], $0xffff  }
0x178: {  	s22 =	sadd.s32 $0x1, s22;
	v16 =	vld.idx.msk [tilespmem:v2+s21+$0x1000 ss:$0x1], $0xffff  }
0x179: {  	v17 =	vmov s22;
	v18 =	vld.idx.msk [tilespmem:v2+s21+$0x1010 ss:$0x1], $0xffff  }
0x17a: {  	v19 =	vperm.xlane v12, v17;
	v20 =	vld.idx.msk [tilespmem:v2+s21+$0x2000 ss:$0x1], $0xffff  }
0x17b: {  	v21 =	vld.idx.msk [tilespmem:v2+s21+$0x2010 ss:$0x1], $0xffff  }
0x17c: {  	v22 =	vperm.xlane v11, v17;
	v14 =	vmul.f32 v14, v19;
	v23 =	vld.idx.msk [tilespmem:v2+s21+$0x3000 ss:$0x1], $0xffff  }
0x17d: {  	v15 =	vmul.f32 v15, v19;
	v19 =	vld.idx.msk [tilespmem:v2+s21+$0x3010 ss:$0x1], $0xffff  }
0x17e: {  	v24 =	vperm.xlane v10, v17;
	v14 =	vadd.f32 $0.0e+00, v14;
	v16 =	vmul.f32 v16, v22;
	v25 =	vld.idx.msk [tilespmem:v2+s21+$0x4000 ss:$0x1], $0xffff  }
0x17f: {  	v15 =	vadd.f32 $0.0e+00, v15;
	v18 =	vmul.f32 v18, v22;
	v22 =	vld.idx.msk [tilespmem:v2+s21+$0x4010 ss:$0x1], $0xffff  }
0x180: {  	v14 =	vadd.f32 v16, v14;
	v16 =	vmul.f32 v20, v24;
	v20 =	vperm.xlane v9, v17;
	v26 =	vld.idx.msk [tilespmem:v2+s21+$0x5000 ss:$0x1], $0xffff  }
0x181: {  	v15 =	vadd.f32 v18, v15;
	v18 =	vmul.f32 v21, v24;
	v21 =	vld.idx.msk [tilespmem:v2+s21+$0x5010 ss:$0x1], $0xffff  }
0x182: {  	v14 =	vadd.f32 v16, v14;
	v16 =	vmul.f32 v23, v20;
	v23 =	vperm.xlane v8, v17;
	v24 =	vld.idx.msk [tilespmem:v2+s21+$0x6000 ss:$0x1], $0xffff  }
0x183: {  	v15 =	vadd.f32 v18, v15;
	v18 =	vmul.f32 v19, v20;
	v19 =	vld.idx.msk [tilespmem:v2+s21+$0x6010 ss:$0x1], $0xffff  }
0x184: {  	v20 =	vperm.xlane v7, v17;
	v14 =	vadd.f32 v16, v14;
	v16 =	vmul.f32 v25, v23;
	v25 =	vld.idx.msk [tilespmem:v2+s21+$0x7000 ss:$0x1], $0xffff  }
0x185: {  	v15 =	vadd.f32 v18, v15;
	v18 =	vmul.f32 v22, v23;
	v22 =	vld.idx.msk [tilespmem:v2+s21+$0x7010 ss:$0x1], $0xffff  }
0x186: {  	v23 =	vperm.xlane v6, v17;
	v14 =	vadd.f32 v16, v14;
	v16 =	vmul.f32 v26, v20;
	v26 =	vld.idx.msk [tilespmem:v2+s21+$0x8000 ss:$0x1], $0xffff  }
0x187: {  	v15 =	vadd.f32 v18, v15;
	v18 =	vmul.f32 v21, v20;
	v20 =	vld.idx.msk [tilespmem:v2+s21+$0x8010 ss:$0x1], $0xffff  }
0x188: {  	v21 =	vperm.xlane v5, v17;
	v14 =	vadd.f32 v16, v14;
	v16 =	vmul.f32 v24, v23;
	v24 =	vld.idx.msk [tilespmem:v2+s21+$0x9000 ss:$0x1], $0xffff  }
0x189: {  	v15 =	vadd.f32 v18, v15;
	v18 =	vmul.f32 v19, v23;
	v19 =	vld.idx.msk [tilespmem:v2+s21+$0x9010 ss:$0x1], $0xffff  }
0x18a: {  	v23 =	vperm.xlane v4, v17;
	v14 =	vadd.f32 v16, v14;
	v16 =	vmul.f32 v25, v21;
	v25 =	vld.idx.msk [tilespmem:v2+s21+$0xA000 ss:$0x1], $0xffff  }
0x18b: {  	v15 =	vadd.f32 v18, v15;
	v18 =	vmul.f32 v22, v21;
	v21 =	vld.idx.msk [tilespmem:v2+s21+$0xA010 ss:$0x1], $0xffff  }
0x18c: {  	v22 =	vperm.xlane v3, v17;
	v14 =	vadd.f32 v16, v14;
	v16 =	vmul.f32 v26, v23;
	v26 =	vld.idx.msk [tilespmem:v2+s21+$0xB000 ss:$0x1], $0xffff  }
0x18d: {  	v15 =	vadd.f32 v18, v15;
	v18 =	vmul.f32 v20, v23;
	v20 =	vld.idx.msk [tilespmem:v2+s21+$0xB010 ss:$0x1], $0xffff  }
0x18e: {  	v23 =	vperm.xlane v1, v17;
	v14 =	vadd.f32 v16, v14;
	v16 =	vmul.f32 v24, v22  }
0x18f: {  	v15 =	vadd.f32 v18, v15;
	v18 =	vmul.f32 v19, v22  }
0x190: {  	v17 =	vperm.xlane v0, v17;
	v14 =	vadd.f32 v16, v14;
	v16 =	vmul.f32 v25, v23  }
0x191: {  	v15 =	vadd.f32 v18, v15;
	v18 =	vmul.f32 v21, v23  }
0x192: {  	v14 =	vadd.f32 v16, v14;
	v16 =	vmul.f32 v26, v17  }
0x193: {  	v15 =	vadd.f32 v18, v15;
	v17 =	vmul.f32 v20, v17  }
.Ltmp2:
0x194: {  	v14 =	vadd.f32 v16, v14;
	(pc) =	sbr.rel @p2 .LBB2_8-.Ltmp2, $4  }
0x195: {  	v15 =	vadd.f32 v17, v15  }
0x196: {  	[tilespmem:v13+s21+$0xFFFFFFF0 ss:$0x1] =	vst.idx.msk $0xffff, v14  }
0x197: {  	[tilespmem:v13+s21+$0x0 ss:$0x1] =	vst.idx.msk $0xffff, v15;
	s21 =	sshra.s32 s24, $0x2  }
0x198: {  	s24 =	sadd.s32 $0x80, s24;
	v14 =	vld.idx.msk [tilespmem:v2+s21+$0x0 ss:$0x1], $0xffff  }
0x199: {  	_ =	sdelay $0x3  }
0x19a: {  	v15 =	vld.idx.msk [tilespmem:v2+s21+$0x10 ss:$0x1], $0xffff;
	s22 =	sadd.s32 $0x1, s22  }
0x19b: {  	v16 =	vld.idx.msk [tilespmem:v2+s21+$0x1000 ss:$0x1], $0xffff;
	v17 =	vmov s22  }
0x19c: {  	v18 =	vld.idx.msk [tilespmem:v2+s21+$0x1010 ss:$0x1], $0xffff;
	v12 =	vperm.xlane v12, v17  }
0x19d: {  	v19 =	vld.idx.msk [tilespmem:v2+s21+$0x2000 ss:$0x1], $0xffff  }
0x19e: {  	v20 =	vld.idx.msk [tilespmem:v2+s21+$0x2010 ss:$0x1], $0xffff;
	v11 =	vperm.xlane v11, v17;
	v14 =	vmul.f32 v14, v12  }
0x19f: {  	v21 =	vld.idx.msk [tilespmem:v2+s21+$0x3000 ss:$0x1], $0xffff;
	v12 =	vmul.f32 v15, v12  }
0x1a0: {  	v31 =	vld.idx.msk [tilespmem:v2+s21+$0x3010 ss:$0x1], $0xffff;
	v10 =	vperm.xlane v10, v17;
	v16 =	vmul.f32 v16, v11;
	v14 =	vadd.f32 $0.0e+00, v14  }
0x1a1: {  	v22 =	vld.idx.msk [tilespmem:v2+s21+$0x4000 ss:$0x1], $0xffff;
	v11 =	vmul.f32 v18, v11;
	v12 =	vadd.f32 $0.0e+00, v12  }
0x1a2: {  	v32 =	vld.idx.msk [tilespmem:v2+s21+$0x4010 ss:$0x1], $0xffff;
	v9 =	vperm.xlane v9, v17;
	v33 =	vmul.f32 v19, v10;
	v14 =	vadd.f32 v16, v14  }
0x1a3: {  	v34 =	vld.idx.msk [tilespmem:v2+s21+$0x5000 ss:$0x1], $0xffff;
	v10 =	vmul.f32 v20, v10;
	v11 =	vadd.f32 v11, v12  }
0x1a4: {  	v35 =	vld.idx.msk [tilespmem:v2+s21+$0x5010 ss:$0x1], $0xffff;
	v8 =	vperm.xlane v8, v17;
	v36 =	vmul.f32 v21, v9;
	v14 =	vadd.f32 v33, v14  }
0x1a5: {  	v37 =	vld.idx.msk [tilespmem:v2+s21+$0x6000 ss:$0x1], $0xffff;
	v9 =	vmul.f32 v31, v9;
	v10 =	vadd.f32 v10, v11  }
0x1a6: {  	v38 =	vld.idx.msk [tilespmem:v2+s21+$0x6010 ss:$0x1], $0xffff;
	v7 =	vperm.xlane v7, v17;
	v39 =	vmul.f32 v22, v8;
	v14 =	vadd.f32 v36, v14  }
0x1a7: {  	v40 =	vld.idx.msk [tilespmem:v2+s21+$0x7000 ss:$0x1], $0xffff;
	v8 =	vmul.f32 v32, v8;
	v9 =	vadd.f32 v9, v10  }
0x1a8: {  	v41 =	vld.idx.msk [tilespmem:v2+s21+$0x7010 ss:$0x1], $0xffff;
	v6 =	vperm.xlane v6, v17;
	v42 =	vmul.f32 v34, v7;
	v14 =	vadd.f32 v39, v14  }
0x1a9: {  	v43 =	vld.idx.msk [tilespmem:v2+s21+$0x8000 ss:$0x1], $0xffff;
	v7 =	vmul.f32 v35, v7;
	v8 =	vadd.f32 v8, v9  }
0x1aa: {  	v44 =	vld.idx.msk [tilespmem:v2+s21+$0x8010 ss:$0x1], $0xffff;
	v5 =	vperm.xlane v5, v17;
	v46 =	vmul.f32 v37, v6;
	v45 =	vadd.f32 v42, v14  }
0x1ab: {  	v47 =	vld.idx.msk [tilespmem:v2+s21+$0x9000 ss:$0x1], $0xffff;
	v6 =	vmul.f32 v38, v6;
	v7 =	vadd.f32 v7, v8  }
0x1ac: {  	v48 =	vld.idx.msk [tilespmem:v2+s21+$0x9010 ss:$0x1], $0xffff;
	v4 =	vperm.xlane v4, v17;
	v50 =	vmul.f32 v40, v5;
	v49 =	vadd.f32 v46, v45  }
0x1ad: {  	v51 =	vld.idx.msk [tilespmem:v2+s21+$0xA000 ss:$0x1], $0xffff;
	v5 =	vmul.f32 v41, v5;
	v6 =	vadd.f32 v6, v7  }
0x1ae: {  	v52 =	vld.idx.msk [tilespmem:v2+s21+$0xA010 ss:$0x1], $0xffff;
	v3 =	vperm.xlane v3, v17;
	v54 =	vmul.f32 v43, v4;
	v53 =	vadd.f32 v50, v49  }
0x1af: {  	v55 =	vld.idx.msk [tilespmem:v2+s21+$0xB000 ss:$0x1], $0xffff;
	v4 =	vmul.f32 v44, v4;
	v5 =	vadd.f32 v5, v6  }
0x1b0: {  	v56 =	vld.idx.msk [tilespmem:v2+s21+$0xB010 ss:$0x1], $0xffff;
	v1 =	vperm.xlane v1, v17;
	v58 =	vmul.f32 v47, v3;
	v57 =	vadd.f32 v54, v53  }
0x1b1: {  	v3 =	vmul.f32 v48, v3;
	v4 =	vadd.f32 v4, v5  }
0x1b2: {  	v0 =	vperm.xlane v0, v17;
	v60 =	vmul.f32 v51, v1;
	v59 =	vadd.f32 v58, v57  }
0x1b3: {  	s20 =	sadd.s32 $0x1, s20;
	v1 =	vmul.f32 v52, v1;
	v3 =	vadd.f32 v3, v4  }
0x1b4: {  	p2 =	sne.s32 s20, $0x8;
	v62 =	vmul.f32 v55, v0;
	v61 =	vadd.f32 v60, v59  }
.Ltmp3:
0x1b5: {  	v0 =	vmul.f32 v56, v0;
	v1 =	vadd.f32 v1, v3;
	(pc) =	sbr.rel @p2 .LBB2_7-.Ltmp3, $4  }
0x1b6: {  	v63 =	vadd.f32 v62, v61  }
0x1b7: {  	v0 =	vadd.f32 v0, v1  }
0x1b8: {  	[tilespmem:v13+s21+$0xFFFFFFF0 ss:$0x1] =	vst.idx.msk $0xffff, v63  }
0x1b9: {  	s17 =	sadd.s32 $0x200, s17;
	s6 =	sadd.s32 $0x200, s6;
	[tilespmem:v13+s21+$0x0 ss:$0x1] =	vst.idx.msk $0xffff, v0  }
.Ltmp4:
0x1ba: {  	(pc) =	sbr.rel @p1 .LBB2_14-.Ltmp4, $4  }
0x1bb: {  	_ = 	snop  }
0x1bc: {  	s11 =	sadd.s32 s14, s11;
	s6 =	rddreg [dreg:$0x2]  }
0x1bd: {  	s6 =	sadd.s32 s6, s11  }
0x1be: {  	[hbm4b:s6+s4] =	stream.linear.scatter [tilespmem:s19], [sflag:$0x3], $0x1000, $0x38;
	[tilespmem:$0x1BB00] =	vst v63  }
0x1bf: {  	_ =	swait.ge [sflag:s23], $0x80  }
0x1c0: {  	[sflag:s23] =	ssyncset.done $0x0  }
0x1c1: {  	[sflag:s23] =	ssyncadd.s32 $0xFFFFFF80  }
0x1c2: {  	_ =	swait.ge [sflag:s23], $0x80  }
0x1c3: {  	[sflag:s23] =	ssyncset.done $0x0  }
0x1c4: {  	[sflag:s23] =	ssyncadd.s32 $0xFFFFFF80  }
0x1c5: {  	_ =	swait.ge [sflag:s23], $0x80  }
0x1c6: {  	[sflag:s23] =	ssyncset.done $0x0  }
0x1c7: {  	s12 =	simm.s32 $0x0;
	[sflag:s23] =	ssyncadd.s32 $0xFFFFFF80  }
0x1c8: {  	v0 =	vld [tilespmem:s12+$0x100]  }
0x1c9: {  	v1 =	vld [tilespmem:s12+$0x0]  }
0x1ca: {  	v2 =	vld [tilespmem:s12+$0x80];
	_ =	sdelay $0x2  }
0x1cb: {  	v0 =	vadd.f32 $1.000000000e+00, v0  }
0x1cc: {  	v1 =	vadd.f32 $1.000000000e+00, v1  }
0x1cd: {  	v2 =	vadd.f32 $1.000000000e+00, v2;
	v0 =	vmul.f32 $5.000000000e-01, v0  }
0x1ce: {  	v1 =	vmul.f32 $5.000000000e-01, v1  }
0x1cf: {  	v2 =	vmul.f32 $5.000000000e-01, v2;
	v0 =	vmax.f32 v0, $0.0e+00  }
0x1d0: {  	v1 =	vmax.f32 v1, $0.0e+00;
	v0 =	vmin.f32 v0, $1.000000000e+00  }
0x1d1: {  	v2 =	vmax.f32 v2, $0.0e+00;
	v1 =	vmin.f32 v1, $1.000000000e+00;
	v0 =	vmul.f32 $5.110000000e+02, v0  }
0x1d2: {  	v2 =	vmin.f32 v2, $1.000000000e+00;
	v1 =	vmul.f32 $5.110000000e+02, v1  }
0x1d3: {  	v3 =	vmul.f32 $5.110000000e+02, v2;
	v2 =	vtrunc.f32 v0  }
0x1d4: {  	v4 =	vtrunc.f32 v1;
	v2 =	vcvt.f32.s32 v2  }
0x1d5: {  	v5 =	vtrunc.f32 v3;
	v4 =	vcvt.f32.s32 v4  }
0x1d6: {  	v5 =	vcvt.f32.s32 v5;
	vm0 =	vlt.s32 v2, $0x1FE  }
0x1d7: {  	vm1 =	vlt.s32 v4, $0x1FE;
	v7 =	vnsel vm0, $0x1FE, v2  }
0x1d8: {  	vm15 =	vlt.s32 v5, $0x1FE;
	v2 =	vnsel vm1, $0x1FE, v4;
	v4 =	vcvt.s32.f32 v7  }
0x1d9: {  	v5 =	vnsel vm15, $0x1FE, v5;
	v6 =	vcvt.s32.f32 v2;
	v8 =	vshll.u32 v2, $0x9  }
0x1da: {  	v9 =	vcvt.s32.f32 v5;
	v2 =	vsub.f32 v0, v4;
	v0 =	vshll.u32 v5, $0x9  }
0x1db: {  	v4 =	vsub.f32 v1, v6;
	v5 =	vadd.s32 v5, v8;
	v1 =	vadd.s32 v8, v7  }
0x1dc: {  	v3 =	vsub.f32 v3, v9;
	v0 =	vadd.s32 v7, v0;
	v6 =	vsub.f32 $1.000000000e+00, v2  }
0x1dd: {  	s6 =	simm.s32 $0x10;
	s17 =	simm.s32 $0x80;
	[tilespmem:s12+$0x300] =	vst v5;
	v9 =	vadd.s32 $0x1, v5;
	v7 =	vsub.f32 $1.000000000e+00, v4;
	v8 =	vmul.f32 v2, v4  }
.LBB2_12:
0x1de: {  	p1 =	sne.s32 s17, $0x1C0;
	v10 =	vld [tilespmem:s6+$0x100];
	v11 =	vsub.f32 $1.000000000e+00, v3;
	[tilespmem:s12+$0x380] =	vst v9;
	v9 =	vmul.f32 v6, v4;
	v12 =	vmul.f32 v6, v3  }
0x1df: {  	v14 =	vadd.s32 $0x200, v5;
	v13 =	vld [tilespmem:s6+$0x0];
	v15 =	vmul.f32 v3, v7;
	v16 =	vmul.f32 v6, v7;
	[tilespmem:s12+$0x1280] =	vst v8  }
0x1e0: {  	v5 =	vadd.s32 $0x201, v5;
	v8 =	vld [tilespmem:s6+$0x80];
	v17 =	vmul.f32 v11, v7;
	v18 =	vmul.f32 v11, v4;
	[tilespmem:s12+$0x1400] =	vst v12  }
0x1e1: {  	v12 =	vadd.s32 $0x40000, v1;
	v7 =	vmul.f32 v2, v7;
	v6 =	vmul.f32 v6, v11;
	[tilespmem:s12+$0xF80] =	vst v15  }
0x1e2: {  	v4 =	vmul.f32 v3, v4;
	v11 =	vmul.f32 v2, v11;
	v15 =	vadd.s32 $0x40001, v1;
	[tilespmem:s12+$0xF00] =	vst v17  }
0x1e3: {  	v2 =	vmul.f32 v2, v3;
	v17 =	vadd.s32 $0x40200, v1;
	v10 =	vadd.f32 $1.000000000e+00, v10;
	[tilespmem:s12+$0x1000] =	vst v18  }
0x1e4: {  	v1 =	vadd.s32 $0x40201, v1;
	v3 =	vadd.f32 $1.000000000e+00, v13;
	[tilespmem:s12+$0x1100] =	vst v16;
	v13 =	vadd.s32 $0x80000, v0  }
0x1e5: {  	v8 =	vadd.f32 $1.000000000e+00, v8;
	v10 =	vmul.f32 $5.000000000e-01, v10;
	[tilespmem:s12+$0x1180] =	vst v7;
	v7 =	vadd.s32 $0x80001, v0  }
0x1e6: {  	v16 =	vadd.s32 $0x80201, v0;
	v3 =	vmul.f32 $5.000000000e-01, v3;
	[tilespmem:s12+$0x1200] =	vst v9;
	v9 =	vadd.s32 $0x80200, v0  }
0x1e7: {  	v0 =	vmul.f32 $5.000000000e-01, v8;
	v8 =	vmax.f32 v10, $0.0e+00;
	[tilespmem:s12+$0x1300] =	vst v6  }
0x1e8: {  	v3 =	vmax.f32 v3, $0.0e+00;
	v6 =	vmin.f32 v8, $1.000000000e+00;
	[tilespmem:s12+$0x1380] =	vst v11  }
0x1e9: {  	v3 =	vmin.f32 v3, $1.000000000e+00;
	v0 =	vmax.f32 v0, $0.0e+00;
	v6 =	vmul.f32 $5.110000000e+02, v6;
	[tilespmem:s12+$0x1080] =	vst v4  }
0x1ea: {  	v3 =	vmul.f32 $5.110000000e+02, v3;
	v0 =	vmin.f32 v0, $1.000000000e+00;
	[tilespmem:s12+$0x1480] =	vst v2  }
0x1eb: {  	v0 =	vmul.f32 $5.110000000e+02, v0;
	v2 =	vtrunc.f32 v6;
	[tilespmem:s12+$0x400] =	vst v14  }
0x1ec: {  	v4 =	vtrunc.f32 v3;
	v2 =	vcvt.f32.s32 v2;
	[tilespmem:s12+$0x480] =	vst v5  }
0x1ed: {  	v4 =	vcvt.f32.s32 v4;
	v5 =	vtrunc.f32 v0;
	[tilespmem:s12+$0x500] =	vst v12  }
0x1ee: {  	v5 =	vcvt.f32.s32 v5;
	vm0 =	vlt.s32 v2, $0x1FE;
	[tilespmem:s12+$0x580] =	vst v15  }
0x1ef: {  	vm1 =	vlt.s32 v4, $0x1FE;
	v8 =	vnsel vm0, $0x1FE, v2;
	[tilespmem:s12+$0x600] =	vst v17  }
0x1f0: {  	v2 =	vnsel vm1, $0x1FE, v4;
	vm0 =	vlt.s32 v5, $0x1FE;
	v4 =	vcvt.s32.f32 v8;
	[tilespmem:s12+$0x680] =	vst v1  }
.Ltmp5:
0x1f1: {  	v1 =	vcvt.s32.f32 v2;
	v5 =	vnsel vm0, $0x1FE, v5;
	v10 =	vshll.u32 v2, $0x9;
	[tilespmem:s12+$0x700] =	vst v13;
	(pc) =	sbr.rel @p1 .LBB2_12-.Ltmp5, $4  }
0x1f2: {  	v11 =	vcvt.s32.f32 v5;
	v2 =	vsub.f32 v6, v4;
	v12 =	vshll.u32 v5, $0x9;
	[tilespmem:s12+$0x780] =	vst v7  }
0x1f3: {  	v5 =	vadd.s32 v5, v10;
	v4 =	vsub.f32 v3, v1;
	v1 =	vadd.s32 v10, v8;
	[tilespmem:s12+$0x800] =	vst v9  }
0x1f4: {  	v3 =	vsub.f32 v0, v11;
	v6 =	vsub.f32 $1.000000000e+00, v2;
	v0 =	vadd.s32 v8, v12;
	[tilespmem:s12+$0x880] =	vst v16;
	s12 =	smov.u32 s6  }
0x1f5: {  	v9 =	vadd.s32 $0x1, v5;
	s6 =	sshra.s32 s17, $0x2;
	s17 =	sadd.s32 $0x40, s17;
	v7 =	vsub.f32 $1.000000000e+00, v4;
	[tilespmem:s12+$0x300] =	vst v5;
	v8 =	vmul.f32 v2, v4  }
0x1f6: {  	v10 =	vld [tilespmem:s6+$0x100];
	[tilespmem:s12+$0x380] =	vst v9;
	v12 =	vmul.f32 v6, v3  }
0x1f7: {  	v18 =	vmul.f32 v6, v4;
	v9 =	vld [tilespmem:s6+$0x0];
	[tilespmem:s12+$0x1280] =	vst v8  }
0x1f8: {  	v22 =	vmul.f32 v3, v4;
	v13 =	vld [tilespmem:s6+$0x80];
	[tilespmem:s12+$0x1400] =	vst v12  }
0x1f9: {  	v23 =	vmul.f32 v2, v3;
	[tilespmem:s12+$0x1200] =	vst v18  }
0x1fa: {  	[tilespmem:s12+$0x1080] =	vst v22  }
0x1fb: {  	v21 =	vadd.s32 $0x200, v5;
	[tilespmem:s12+$0x1480] =	vst v23  }
0x1fc: {  	v11 =	vsub.f32 $1.000000000e+00, v3;
	v26 =	vadd.s32 $0x201, v5;
	[tilespmem:s12+$0x400] =	vst v21  }
0x1fd: {  	v28 =	vadd.s32 $0x40000, v1;
	v30 =	vadd.s32 $0x40001, v1;
	v32 =	vadd.s32 $0x40200, v1;
	[tilespmem:s12+$0x480] =	vst v26  }
0x1fe: {  	v34 =	vadd.s32 $0x40201, v1;
	v36 =	vadd.s32 $0x80000, v0;
	[tilespmem:s12+$0x500] =	vst v28;
	v9 =	vadd.f32 $1.000000000e+00, v9  }
0x1ff: {  	v39 =	vadd.s32 $0x80001, v0;
	v41 =	vadd.s32 $0x80200, v0;
	[tilespmem:s12+$0x580] =	vst v30;
	v20 =	vadd.f32 $1.000000000e+00, v13  }
0x200: {  	v62 =	vmul.f32 v3, v7;
	[tilespmem:s12+$0x600] =	vst v32;
	v10 =	vadd.f32 $1.000000000e+00, v10;
	v9 =	vmul.f32 $5.000000000e-01, v9  }
0x201: {  	v43 =	vadd.s32 $0x80201, v0;
	v16 =	vmul.f32 v6, v7;
	[tilespmem:s12+$0x680] =	vst v34;
	v8 =	vmul.f32 $5.000000000e-01, v20  }
0x202: {  	v17 =	vmul.f32 v2, v7;
	[tilespmem:s12+$0x700] =	vst v36;
	v10 =	vmul.f32 $5.000000000e-01, v10;
	v24 =	vmax.f32 v9, $0.0e+00  }
0x203: {  	v14 =	vmul.f32 v11, v7;
	[tilespmem:s12+$0x780] =	vst v39;
	v3 =	vmin.f32 v24, $1.000000000e+00;
	v8 =	vmax.f32 v8, $0.0e+00  }
0x204: {  	[tilespmem:s12+$0x800] =	vst v41;
	v10 =	vmax.f32 v10, $0.0e+00;
	v3 =	vmul.f32 $5.110000000e+02, v3;
	v27 =	vmin.f32 v8, $1.000000000e+00  }
0x205: {  	v19 =	vmul.f32 v6, v11;
	[tilespmem:s12+$0x880] =	vst v43;
	v25 =	vmin.f32 v10, $1.000000000e+00;
	v5 =	vmul.f32 $5.110000000e+02, v27  }
0x206: {  	[tilespmem:s12+$0xF80] =	vst v62;
	v6 =	vmul.f32 $5.110000000e+02, v25;
	v31 =	vtrunc.f32 v3  }
0x207: {  	[tilespmem:s12+$0x1100] =	vst v16;
	v9 =	vcvt.f32.s32 v31;
	v33 =	vtrunc.f32 v5  }
0x208: {  	v63 =	vmul.f32 v11, v4;
	[tilespmem:s12+$0x1180] =	vst v17;
	v35 =	vcvt.f32.s32 v33  }
0x209: {  	v11 =	vmul.f32 v2, v11;
	[tilespmem:s12+$0xF00] =	vst v14;
	v29 =	vtrunc.f32 v6;
	vm1 =	vlt.s32 v9, $0x1FE  }
0x20a: {  	[tilespmem:s12+$0x1000] =	vst v63;
	v8 =	vcvt.f32.s32 v29;
	v37 =	vnsel vm1, $0x1FE, v9;
	vm15 =	vlt.s32 v35, $0x1FE  }
0x20b: {  	[tilespmem:s12+$0x1300] =	vst v19;
	v2 =	vnsel vm15, $0x1FE, v35;
	v44 =	vshll.u32 v37, $0x9  }
0x20c: {  	[tilespmem:s12+$0x1380] =	vst v11;
	vm0 =	vlt.s32 v8, $0x1FE;
	v4 =	vadd.s32 v2, v44  }
0x20d: {  	v8 =	vnsel vm0, $0x1FE, v8;
	[tilespmem:s6+$0x300] =	vst v4;
	v47 =	vadd.s32 $0x1, v4  }
0x20e: {  	v38 =	vcvt.s32.f32 v8;
	v55 =	vadd.s32 $0x200, v4;
	[tilespmem:s6+$0x380] =	vst v47  }
0x20f: {  	v40 =	vcvt.s32.f32 v37;
	v1 =	vadd.s32 v44, v8;
	v56 =	vadd.s32 $0x201, v4;
	[tilespmem:s6+$0x400] =	vst v55  }
0x210: {  	v42 =	vcvt.s32.f32 v2;
	v6 =	vsub.f32 v6, v38;
	v57 =	vadd.s32 $0x40000, v1;
	[tilespmem:s6+$0x480] =	vst v56  }
0x211: {  	v3 =	vsub.f32 v3, v40;
	v58 =	vadd.s32 $0x40001, v1;
	[tilespmem:s6+$0x500] =	vst v57  }
0x212: {  	v60 =	vadd.s32 $0x40200, v1;
	v5 =	vsub.f32 v5, v42;
	v45 =	vsub.f32 $1.000000000e+00, v6;
	[tilespmem:s6+$0x580] =	vst v58  }
0x213: {  	v1 =	vadd.s32 $0x40201, v1;
	[tilespmem:s6+$0x600] =	vst v60;
	v10 =	vmul.f32 v6, v3  }
0x214: {  	[tilespmem:s6+$0x680] =	vst v1;
	v46 =	vsub.f32 $1.000000000e+00, v3;
	v48 =	vmul.f32 v45, v5  }
0x215: {  	v53 =	vmul.f32 v45, v3;
	[tilespmem:s6+$0x1280] =	vst v10  }
0x216: {  	v49 =	vmul.f32 v5, v46;
	[tilespmem:s6+$0x1400] =	vst v48  }
0x217: {  	v11 =	vsub.f32 $1.000000000e+00, v5;
	v52 =	vmul.f32 v45, v46;
	[tilespmem:s6+$0x1200] =	vst v53  }
0x218: {  	v0 =	vmul.f32 v6, v46;
	[tilespmem:s6+$0xF80] =	vst v49  }
0x219: {  	v50 =	vmul.f32 v11, v46;
	[tilespmem:s6+$0x1100] =	vst v52  }
0x21a: {  	v51 =	vmul.f32 v11, v3;
	[tilespmem:s6+$0x1180] =	vst v0  }
0x21b: {  	v7 =	vmul.f32 v45, v11;
	[tilespmem:s6+$0xF00] =	vst v50  }
0x21c: {  	v54 =	vmul.f32 v6, v11;
	[tilespmem:s6+$0x1000] =	vst v51  }
0x21d: {  	v3 =	vmul.f32 v5, v3;
	[tilespmem:s6+$0x1300] =	vst v7  }
0x21e: {  	v59 =	vshll.u32 v2, $0x9;
	v5 =	vmul.f32 v6, v5;
	[tilespmem:s6+$0x1380] =	vst v54  }
0x21f: {  	v0 =	vadd.s32 v8, v59;
	[tilespmem:s6+$0x1080] =	vst v3  }
0x220: {  	[tilespmem:s6+$0x1480] =	vst v5;
	v61 =	vadd.s32 $0x80000, v0  }
0x221: {  	v62 =	vadd.s32 $0x80001, v0;
	[tilespmem:s6+$0x700] =	vst v61  }
0x222: {  	v63 =	vadd.s32 $0x80200, v0;
	[tilespmem:s6+$0x780] =	vst v62  }
0x223: {  	v0 =	vadd.s32 $0x80201, v0;
	[tilespmem:s6+$0x800] =	vst v63  }
0x224: {  	s17 =	simm.s32 $0x1B00;
	s12 =	simm.s32 $0x300;
	[tilespmem:s6+$0x880] =	vst v0  }
0x225: {  	[tilespmem:s17], [sflag:$0x1] =	stream.indirect.gather [hbm4b:s5+s18], $0x20, s12, s18, $0xb8;
	[tilespmem:$0x1BB00] =	vst v63  }
0x226: {  	s20 =	simm.s32 $0x380;
	s21 =	simm.s32 $0x2B00  }
0x227: {  	[tilespmem:s21], [sflag:$0x1] =	stream.indirect.gather [hbm4b:s5+s18], $0x20, s20, s18, $0xb8;
	[tilespmem:$0x1BB00] =	vst v63  }
0x228: {  	s22 =	simm.s32 $0x400;
	s24 =	simm.s32 $0x3B00  }
0x229: {  	[tilespmem:s24], [sflag:$0x1] =	stream.indirect.gather [hbm4b:s5+s18], $0x20, s22, s18, $0xb8;
	[tilespmem:$0x1BB00] =	vst v63  }
0x22a: {  	s12 =	simm.s32 $0x480;
	s17 =	simm.s32 $0x4B00  }
0x22b: {  	[tilespmem:s17], [sflag:$0x1] =	stream.indirect.gather [hbm4b:s5+s18], $0x20, s12, s18, $0xb8;
	[tilespmem:$0x1BB00] =	vst v63  }
0x22c: {  	s20 =	simm.s32 $0x500;
	s21 =	simm.s32 $0x5B00  }
0x22d: {  	[tilespmem:s21], [sflag:$0x1] =	stream.indirect.gather [hbm4b:s5+s18], $0x20, s20, s18, $0xb8;
	[tilespmem:$0x1BB00] =	vst v63  }
0x22e: {  	s22 =	simm.s32 $0x580;
	s24 =	simm.s32 $0x6B00  }
0x22f: {  	[tilespmem:s24], [sflag:$0x1] =	stream.indirect.gather [hbm4b:s5+s18], $0x20, s22, s18, $0xb8;
	[tilespmem:$0x1BB00] =	vst v63  }
0x230: {  	s12 =	simm.s32 $0x600;
	s17 =	simm.s32 $0x7B00  }
0x231: {  	[tilespmem:s17], [sflag:$0x1] =	stream.indirect.gather [hbm4b:s5+s18], $0x20, s12, s18, $0xb8;
	[tilespmem:$0x1BB00] =	vst v63  }
0x232: {  	s20 =	simm.s32 $0x680;
	s21 =	simm.s32 $0x8B00  }
0x233: {  	[tilespmem:s21], [sflag:$0x1] =	stream.indirect.gather [hbm4b:s5+s18], $0x20, s20, s18, $0xb8;
	[tilespmem:$0x1BB00] =	vst v63  }
0x234: {  	s22 =	simm.s32 $0x700;
	s24 =	simm.s32 $0x9B00  }
0x235: {  	[tilespmem:s24], [sflag:$0x1] =	stream.indirect.gather [hbm4b:s5+s18], $0x20, s22, s18, $0xb8;
	[tilespmem:$0x1BB00] =	vst v63  }
0x236: {  	s12 =	simm.s32 $0x780;
	s17 =	simm.s32 $0xAB00  }
0x237: {  	[tilespmem:s17], [sflag:$0x1] =	stream.indirect.gather [hbm4b:s5+s18], $0x20, s12, s18, $0xb8;
	[tilespmem:$0x1BB00] =	vst v63  }
0x238: {  	s20 =	simm.s32 $0x800;
	s21 =	simm.s32 $0xBB00  }
0x239: {  	[tilespmem:s21], [sflag:$0x1] =	stream.indirect.gather [hbm4b:s5+s18], $0x20, s20, s18, $0xb8;
	[tilespmem:$0x1BB00] =	vst v63  }
0x23a: {  	s17 =	sshll.u32 s10, $0x8;
	s20 =	rddreg [dreg:$0xa]  }
0x23b: {  	s22 =	simm.s32 $0x880;
	s24 =	simm.s32 $0xCB00;
	s6 =	sadd.s32 s17, s20  }
0x23c: {  	[tilespmem:s24], [sflag:$0x1] =	stream.indirect.gather [hbm4b:s5+s18], $0x20, s22, s18, $0xb8;
	[tilespmem:$0x1BB00] =	vst v63  }
0x23d: {  	s6 =	sshrl.u32 s6, $0x3  }
0x23e: {  	s17 =	simm.s32 $0x180;
	s21 =	sadd.s32 s1, s6  }
0x23f: {  	[tilespmem:s17], [sflag:$0x6] =	stream.linear.gather [hbm4b:s21+s4], $0x80, $0x38;
	[tilespmem:$0x1BB00] =	vst v63  }
0x240: {  	s22 =	simm.s32 $0x200;
	s12 =	sadd.s32 $0x20000, s21  }
0x241: {  	[tilespmem:s22], [sflag:$0x6] =	stream.linear.gather [hbm4b:s12+s4], $0x80, $0x38;
	[tilespmem:$0x1BB00] =	vst v63  }
0x242: {  	s24 =	simm.s32 $0x280;
	s6 =	sadd.s32 s6, s7  }
0x243: {  	[tilespmem:s24], [sflag:$0x6] =	stream.linear.gather [hbm4b:s6+s4], $0x80, $0x38;
	[tilespmem:$0x1BB00] =	vst v63  }
.LBB2_14:
0x244: {  	_ =	swait.ge [sflag:s8], $0x1000  }
0x245: {  	[sflag:s8] =	ssyncset.done $0x0  }
0x246: {  	[sflag:s8] =	ssyncadd.s32 $0xFFFFF000  }
0x247: {  	_ =	swait.ge [sflag:s8], $0x1000  }
0x248: {  	[sflag:s8] =	ssyncset.done $0x0  }
0x249: {  	[sflag:s8] =	ssyncadd.s32 $0xFFFFF000  }
0x24a: {  	_ =	swait.ge [sflag:s8], $0x1000  }
0x24b: {  	[sflag:s8] =	ssyncset.done $0x0  }
0x24c: {  	[sflag:s8] =	ssyncadd.s32 $0xFFFFF000  }
0x24d: {  	_ =	swait.ge [sflag:s8], $0x1000  }
0x24e: {  	[sflag:s8] =	ssyncset.done $0x0  }
0x24f: {  	[sflag:s8] =	ssyncadd.s32 $0xFFFFF000  }
0x250: {  	_ =	swait.ge [sflag:s8], $0x1000  }
0x251: {  	[sflag:s8] =	ssyncset.done $0x0  }
0x252: {  	[sflag:s8] =	ssyncadd.s32 $0xFFFFF000  }
0x253: {  	_ =	swait.ge [sflag:s8], $0x1000  }
0x254: {  	[sflag:s8] =	ssyncset.done $0x0  }
0x255: {  	[sflag:s8] =	ssyncadd.s32 $0xFFFFF000  }
0x256: {  	_ =	swait.ge [sflag:s8], $0x1000  }
0x257: {  	[sflag:s8] =	ssyncset.done $0x0  }
0x258: {  	[sflag:s8] =	ssyncadd.s32 $0xFFFFF000  }
0x259: {  	_ =	swait.ge [sflag:s8], $0x1000  }
0x25a: {  	[sflag:s8] =	ssyncset.done $0x0  }
0x25b: {  	[sflag:s8] =	ssyncadd.s32 $0xFFFFF000  }
0x25c: {  	_ =	swait.ge [sflag:s8], $0x1000  }
0x25d: {  	[sflag:s8] =	ssyncset.done $0x0  }
0x25e: {  	[sflag:s8] =	ssyncadd.s32 $0xFFFFF000  }
0x25f: {  	_ =	swait.ge [sflag:s8], $0x1000  }
0x260: {  	[sflag:s8] =	ssyncset.done $0x0  }
0x261: {  	[sflag:s8] =	ssyncadd.s32 $0xFFFFF000  }
0x262: {  	_ =	swait.ge [sflag:s8], $0x1000  }
0x263: {  	[sflag:s8] =	ssyncset.done $0x0  }
0x264: {  	[sflag:s8] =	ssyncadd.s32 $0xFFFFF000  }
0x265: {  	_ =	swait.ge [sflag:s8], $0x1000  }
0x266: {  	[sflag:s8] =	ssyncset.done $0x0  }
0x267: {  	s6 =	simm.s32 @!p0 $0x4;
	[sflag:s8] =	ssyncadd.s32 $0xFFFFF000  }
0x268: {  	_ =	swait.ge @!p0 [sflag:s6], $0x1000  }
0x269: {  	s12 =	simm.s32 $0x0;
	s17 =	simm.s32 $0xDB00;
	[sflag:s6] =	ssyncset.done @!p0 $0x0  }
0x26a: {  	s20 =	simm.s32 $0x0;
	[sflag:s6] =	ssyncadd.s32 @!p0 $0xFFFFF000;
	s6 =	simm.s32 $0x1AB10  }
.LBB2_15:
0x26b: {  	s21 =	sshll.u32 s20, $0x4  }
0x26c: {  	v12 =	vld [tilespmem:s21+$0x1500]  }
0x26d: {  	v11 =	vld [tilespmem:s21+$0x1580]  }
0x26e: {  	v10 =	vld [tilespmem:s21+$0x1600]  }
0x26f: {  	v9 =	vld [tilespmem:s21+$0x1680]  }
0x270: {  	v8 =	vld [tilespmem:s21+$0x1700]  }
0x271: {  	v7 =	vld [tilespmem:s21+$0x1780]  }
0x272: {  	v6 =	vld [tilespmem:s21+$0x1800]  }
0x273: {  	v2 =	vmov s17;
	v5 =	vld [tilespmem:s21+$0x1880]  }
0x274: {  	v4 =	vld [tilespmem:s21+$0x1900]  }
0x275: {  	v3 =	vld [tilespmem:s21+$0x1980]  }
0x276: {  	v1 =	vld [tilespmem:s21+$0x1A00]  }
0x277: {  	s22 =	simm.s32 $0x0;
	v0 =	vld [tilespmem:s21+$0x1A80]  }
0x278: {  	v13 =	vld.idx.msk [tilespmem:v2+s22+$0x0 ss:$0x1], $0xffff  }
0x279: {  	v14 =	vld.idx.msk [tilespmem:v2+s22+$0x10 ss:$0x1], $0xffff  }
0x27a: {  	v16 =	vmov s12;
	v15 =	vld.idx.msk [tilespmem:v2+s22+$0x1000 ss:$0x1], $0xffff  }
0x27b: {  	v17 =	vld.idx.msk [tilespmem:v2+s22+$0x1010 ss:$0x1], $0xffff;
	v18 =	vperm.xlane v12, v16  }
0x27c: {  	v19 =	vld.idx.msk [tilespmem:v2+s22+$0x2000 ss:$0x1], $0xffff  }
0x27d: {  	v20 =	vld.idx.msk [tilespmem:v2+s22+$0x2010 ss:$0x1], $0xffff;
	v21 =	vperm.xlane v11, v16;
	v13 =	vmul.f32 v13, v18  }
0x27e: {  	v22 =	vld.idx.msk [tilespmem:v2+s22+$0x3000 ss:$0x1], $0xffff;
	v14 =	vmul.f32 v14, v18  }
0x27f: {  	v30 =	vld.idx.msk [tilespmem:v2+s22+$0x3010 ss:$0x1], $0xffff;
	v23 =	vperm.xlane v10, v16;
	v15 =	vmul.f32 v15, v21;
	v13 =	vadd.f32 $0.0e+00, v13  }
0x280: {  	v24 =	vld.idx.msk [tilespmem:v2+s22+$0x4000 ss:$0x1], $0xffff;
	v17 =	vmul.f32 v17, v21;
	v14 =	vadd.f32 $0.0e+00, v14  }
0x281: {  	v31 =	vld.idx.msk [tilespmem:v2+s22+$0x4010 ss:$0x1], $0xffff;
	v32 =	vperm.xlane v9, v16;
	v13 =	vadd.f32 v15, v13;
	v15 =	vmul.f32 v19, v23  }
0x282: {  	v25 =	vld.idx.msk [tilespmem:v2+s22+$0x5000 ss:$0x1], $0xffff;
	v33 =	vmul.f32 v20, v23;
	v14 =	vadd.f32 v17, v14  }
0x283: {  	v34 =	vld.idx.msk [tilespmem:v2+s22+$0x5010 ss:$0x1], $0xffff;
	v35 =	vperm.xlane v8, v16;
	v13 =	vadd.f32 v15, v13;
	v15 =	vmul.f32 v22, v32  }
0x284: {  	v36 =	vld.idx.msk [tilespmem:v2+s22+$0x6000 ss:$0x1], $0xffff;
	v37 =	vmul.f32 v30, v32;
	v14 =	vadd.f32 v33, v14  }
0x285: {  	v38 =	vld.idx.msk [tilespmem:v2+s22+$0x6010 ss:$0x1], $0xffff;
	v39 =	vperm.xlane v7, v16;
	v13 =	vadd.f32 v15, v13;
	v15 =	vmul.f32 v24, v35  }
0x286: {  	v40 =	vld.idx.msk [tilespmem:v2+s22+$0x7000 ss:$0x1], $0xffff;
	v41 =	vmul.f32 v31, v35;
	v14 =	vadd.f32 v37, v14  }
0x287: {  	v42 =	vld.idx.msk [tilespmem:v2+s22+$0x7010 ss:$0x1], $0xffff;
	v43 =	vperm.xlane v6, v16;
	v13 =	vadd.f32 v15, v13;
	v15 =	vmul.f32 v25, v39  }
0x288: {  	v44 =	vld.idx.msk [tilespmem:v2+s22+$0x8000 ss:$0x1], $0xffff;
	v45 =	vmul.f32 v34, v39;
	v14 =	vadd.f32 v41, v14  }
0x289: {  	v46 =	vld.idx.msk [tilespmem:v2+s22+$0x8010 ss:$0x1], $0xffff;
	v47 =	vperm.xlane v5, v16;
	v13 =	vadd.f32 v15, v13;
	v15 =	vmul.f32 v36, v43  }
0x28a: {  	v48 =	vld.idx.msk [tilespmem:v2+s22+$0x9000 ss:$0x1], $0xffff;
	v49 =	vmul.f32 v38, v43;
	v14 =	vadd.f32 v45, v14  }
0x28b: {  	v50 =	vld.idx.msk [tilespmem:v2+s22+$0x9010 ss:$0x1], $0xffff;
	v51 =	vperm.xlane v4, v16;
	v13 =	vadd.f32 v15, v13;
	v15 =	vmul.f32 v40, v47  }
0x28c: {  	v52 =	vld.idx.msk [tilespmem:v2+s22+$0xA000 ss:$0x1], $0xffff;
	v53 =	vmul.f32 v42, v47;
	v14 =	vadd.f32 v49, v14  }
0x28d: {  	v54 =	vld.idx.msk [tilespmem:v2+s22+$0xA010 ss:$0x1], $0xffff;
	v55 =	vperm.xlane v3, v16;
	v13 =	vadd.f32 v15, v13;
	v15 =	vmul.f32 v44, v51  }
0x28e: {  	v56 =	vld.idx.msk [tilespmem:v2+s22+$0xB000 ss:$0x1], $0xffff;
	v57 =	vmul.f32 v46, v51;
	v14 =	vadd.f32 v53, v14  }
0x28f: {  	v58 =	vld.idx.msk [tilespmem:v2+s22+$0xB010 ss:$0x1], $0xffff;
	v59 =	vperm.xlane v1, v16;
	v13 =	vadd.f32 v15, v13;
	v15 =	vmul.f32 v48, v55  }
0x290: {  	v60 =	vmul.f32 v50, v55;
	v14 =	vadd.f32 v57, v14  }
0x291: {  	v16 =	vperm.xlane v0, v16;
	v61 =	vmul.f32 v52, v59;
	v15 =	vadd.f32 v15, v13  }
0x292: {  	v62 =	vmul.f32 v54, v59;
	v13 =	vmov s6;
	v14 =	vadd.f32 v60, v14  }
0x293: {  	v63 =	vmul.f32 v56, v16;
	v15 =	vadd.f32 v61, v15  }
0x294: {  	v16 =	vmul.f32 v58, v16;
	v14 =	vadd.f32 v62, v14  }
0x295: {  	v15 =	vadd.f32 v63, v15  }
0x296: {  	v14 =	vadd.f32 v16, v14  }
0x297: {  	[tilespmem:v13+s22+$0xFFFFFFF0 ss:$0x1] =	vst.idx.msk $0xffff, v15  }
0x298: {  	s21 =	simm.s32 $0x20;
	[tilespmem:v13+s22+$0x0 ss:$0x1] =	vst.idx.msk $0xffff, v14  }
0x299: {  	s24 =	simm.s32 $0x100;
	s22 =	simm.s32 $0x0;
	v14 =	vld.idx.msk [tilespmem:v2+s21+$0x0 ss:$0x1], $0xffff  }
.LBB2_16:
0x29a: {  	p0 =	sne.s32 s24, $0x780;
	v15 =	vld.idx.msk [tilespmem:v2+s21+$0x10 ss:$0x1], $0xffff  }
0x29b: {  	s22 =	sadd.s32 $0x1, s22;
	v16 =	vld.idx.msk [tilespmem:v2+s21+$0x1000 ss:$0x1], $0xffff  }
0x29c: {  	v17 =	vmov s22;
	v18 =	vld.idx.msk [tilespmem:v2+s21+$0x1010 ss:$0x1], $0xffff  }
0x29d: {  	v19 =	vperm.xlane v12, v17;
	v20 =	vld.idx.msk [tilespmem:v2+s21+$0x2000 ss:$0x1], $0xffff  }
0x29e: {  	v21 =	vld.idx.msk [tilespmem:v2+s21+$0x2010 ss:$0x1], $0xffff  }
0x29f: {  	v22 =	vperm.xlane v11, v17;
	v14 =	vmul.f32 v14, v19;
	v23 =	vld.idx.msk [tilespmem:v2+s21+$0x3000 ss:$0x1], $0xffff  }
0x2a0: {  	v15 =	vmul.f32 v15, v19;
	v19 =	vld.idx.msk [tilespmem:v2+s21+$0x3010 ss:$0x1], $0xffff  }
0x2a1: {  	v24 =	vperm.xlane v10, v17;
	v14 =	vadd.f32 $0.0e+00, v14;
	v16 =	vmul.f32 v16, v22;
	v25 =	vld.idx.msk [tilespmem:v2+s21+$0x4000 ss:$0x1], $0xffff  }
0x2a2: {  	v15 =	vadd.f32 $0.0e+00, v15;
	v18 =	vmul.f32 v18, v22;
	v22 =	vld.idx.msk [tilespmem:v2+s21+$0x4010 ss:$0x1], $0xffff  }
0x2a3: {  	v14 =	vadd.f32 v16, v14;
	v16 =	vmul.f32 v20, v24;
	v20 =	vperm.xlane v9, v17;
	v26 =	vld.idx.msk [tilespmem:v2+s21+$0x5000 ss:$0x1], $0xffff  }
0x2a4: {  	v15 =	vadd.f32 v18, v15;
	v18 =	vmul.f32 v21, v24;
	v21 =	vld.idx.msk [tilespmem:v2+s21+$0x5010 ss:$0x1], $0xffff  }
0x2a5: {  	v14 =	vadd.f32 v16, v14;
	v16 =	vmul.f32 v23, v20;
	v23 =	vperm.xlane v8, v17;
	v24 =	vld.idx.msk [tilespmem:v2+s21+$0x6000 ss:$0x1], $0xffff  }
0x2a6: {  	v15 =	vadd.f32 v18, v15;
	v18 =	vmul.f32 v19, v20;
	v19 =	vld.idx.msk [tilespmem:v2+s21+$0x6010 ss:$0x1], $0xffff  }
0x2a7: {  	v20 =	vperm.xlane v7, v17;
	v14 =	vadd.f32 v16, v14;
	v16 =	vmul.f32 v25, v23;
	v25 =	vld.idx.msk [tilespmem:v2+s21+$0x7000 ss:$0x1], $0xffff  }
0x2a8: {  	v15 =	vadd.f32 v18, v15;
	v18 =	vmul.f32 v22, v23;
	v22 =	vld.idx.msk [tilespmem:v2+s21+$0x7010 ss:$0x1], $0xffff  }
0x2a9: {  	v23 =	vperm.xlane v6, v17;
	v14 =	vadd.f32 v16, v14;
	v16 =	vmul.f32 v26, v20;
	v26 =	vld.idx.msk [tilespmem:v2+s21+$0x8000 ss:$0x1], $0xffff  }
0x2aa: {  	v15 =	vadd.f32 v18, v15;
	v18 =	vmul.f32 v21, v20;
	v20 =	vld.idx.msk [tilespmem:v2+s21+$0x8010 ss:$0x1], $0xffff  }
0x2ab: {  	v21 =	vperm.xlane v5, v17;
	v14 =	vadd.f32 v16, v14;
	v16 =	vmul.f32 v24, v23;
	v24 =	vld.idx.msk [tilespmem:v2+s21+$0x9000 ss:$0x1], $0xffff  }
0x2ac: {  	v15 =	vadd.f32 v18, v15;
	v18 =	vmul.f32 v19, v23;
	v19 =	vld.idx.msk [tilespmem:v2+s21+$0x9010 ss:$0x1], $0xffff  }
0x2ad: {  	v23 =	vperm.xlane v4, v17;
	v14 =	vadd.f32 v16, v14;
	v16 =	vmul.f32 v25, v21;
	v25 =	vld.idx.msk [tilespmem:v2+s21+$0xA000 ss:$0x1], $0xffff  }
0x2ae: {  	v15 =	vadd.f32 v18, v15;
	v18 =	vmul.f32 v22, v21;
	v21 =	vld.idx.msk [tilespmem:v2+s21+$0xA010 ss:$0x1], $0xffff  }
0x2af: {  	v22 =	vperm.xlane v3, v17;
	v14 =	vadd.f32 v16, v14;
	v16 =	vmul.f32 v26, v23;
	v26 =	vld.idx.msk [tilespmem:v2+s21+$0xB000 ss:$0x1], $0xffff  }
0x2b0: {  	v15 =	vadd.f32 v18, v15;
	v18 =	vmul.f32 v20, v23;
	v20 =	vld.idx.msk [tilespmem:v2+s21+$0xB010 ss:$0x1], $0xffff  }
0x2b1: {  	v23 =	vperm.xlane v1, v17;
	v14 =	vadd.f32 v16, v14;
	v16 =	vmul.f32 v24, v22  }
0x2b2: {  	v15 =	vadd.f32 v18, v15;
	v18 =	vmul.f32 v19, v22  }
0x2b3: {  	v17 =	vperm.xlane v0, v17;
	v14 =	vadd.f32 v16, v14;
	v16 =	vmul.f32 v25, v23  }
0x2b4: {  	v15 =	vadd.f32 v18, v15;
	v18 =	vmul.f32 v21, v23  }
0x2b5: {  	v14 =	vadd.f32 v16, v14;
	v16 =	vmul.f32 v26, v17  }
0x2b6: {  	v15 =	vadd.f32 v18, v15;
	v17 =	vmul.f32 v20, v17  }
.Ltmp6:
0x2b7: {  	v14 =	vadd.f32 v16, v14;
	(pc) =	sbr.rel @p0 .LBB2_16-.Ltmp6, $4  }
0x2b8: {  	v15 =	vadd.f32 v17, v15  }
0x2b9: {  	[tilespmem:v13+s21+$0xFFFFFFF0 ss:$0x1] =	vst.idx.msk $0xffff, v14  }
0x2ba: {  	[tilespmem:v13+s21+$0x0 ss:$0x1] =	vst.idx.msk $0xffff, v15;
	s21 =	sshra.s32 s24, $0x2  }
0x2bb: {  	s24 =	sadd.s32 $0x80, s24;
	v14 =	vld.idx.msk [tilespmem:v2+s21+$0x0 ss:$0x1], $0xffff  }
0x2bc: {  	_ =	sdelay $0x3  }
0x2bd: {  	v15 =	vld.idx.msk [tilespmem:v2+s21+$0x10 ss:$0x1], $0xffff;
	s22 =	sadd.s32 $0x1, s22  }
0x2be: {  	v16 =	vld.idx.msk [tilespmem:v2+s21+$0x1000 ss:$0x1], $0xffff;
	v17 =	vmov s22  }
0x2bf: {  	v18 =	vld.idx.msk [tilespmem:v2+s21+$0x1010 ss:$0x1], $0xffff;
	v12 =	vperm.xlane v12, v17  }
0x2c0: {  	v19 =	vld.idx.msk [tilespmem:v2+s21+$0x2000 ss:$0x1], $0xffff  }
0x2c1: {  	v20 =	vld.idx.msk [tilespmem:v2+s21+$0x2010 ss:$0x1], $0xffff;
	v11 =	vperm.xlane v11, v17;
	v14 =	vmul.f32 v14, v12  }
0x2c2: {  	v21 =	vld.idx.msk [tilespmem:v2+s21+$0x3000 ss:$0x1], $0xffff;
	v12 =	vmul.f32 v15, v12  }
0x2c3: {  	v31 =	vld.idx.msk [tilespmem:v2+s21+$0x3010 ss:$0x1], $0xffff;
	v10 =	vperm.xlane v10, v17;
	v16 =	vmul.f32 v16, v11;
	v14 =	vadd.f32 $0.0e+00, v14  }
0x2c4: {  	v22 =	vld.idx.msk [tilespmem:v2+s21+$0x4000 ss:$0x1], $0xffff;
	v11 =	vmul.f32 v18, v11;
	v12 =	vadd.f32 $0.0e+00, v12  }
0x2c5: {  	v32 =	vld.idx.msk [tilespmem:v2+s21+$0x4010 ss:$0x1], $0xffff;
	v9 =	vperm.xlane v9, v17;
	v33 =	vmul.f32 v19, v10;
	v14 =	vadd.f32 v16, v14  }
0x2c6: {  	v34 =	vld.idx.msk [tilespmem:v2+s21+$0x5000 ss:$0x1], $0xffff;
	v10 =	vmul.f32 v20, v10;
	v11 =	vadd.f32 v11, v12  }
0x2c7: {  	v35 =	vld.idx.msk [tilespmem:v2+s21+$0x5010 ss:$0x1], $0xffff;
	v8 =	vperm.xlane v8, v17;
	v36 =	vmul.f32 v21, v9;
	v14 =	vadd.f32 v33, v14  }
0x2c8: {  	v37 =	vld.idx.msk [tilespmem:v2+s21+$0x6000 ss:$0x1], $0xffff;
	v9 =	vmul.f32 v31, v9;
	v10 =	vadd.f32 v10, v11  }
0x2c9: {  	v38 =	vld.idx.msk [tilespmem:v2+s21+$0x6010 ss:$0x1], $0xffff;
	v7 =	vperm.xlane v7, v17;
	v39 =	vmul.f32 v22, v8;
	v14 =	vadd.f32 v36, v14  }
0x2ca: {  	v40 =	vld.idx.msk [tilespmem:v2+s21+$0x7000 ss:$0x1], $0xffff;
	v8 =	vmul.f32 v32, v8;
	v9 =	vadd.f32 v9, v10  }
0x2cb: {  	v41 =	vld.idx.msk [tilespmem:v2+s21+$0x7010 ss:$0x1], $0xffff;
	v6 =	vperm.xlane v6, v17;
	v42 =	vmul.f32 v34, v7;
	v14 =	vadd.f32 v39, v14  }
0x2cc: {  	v43 =	vld.idx.msk [tilespmem:v2+s21+$0x8000 ss:$0x1], $0xffff;
	v7 =	vmul.f32 v35, v7;
	v8 =	vadd.f32 v8, v9  }
0x2cd: {  	v44 =	vld.idx.msk [tilespmem:v2+s21+$0x8010 ss:$0x1], $0xffff;
	v5 =	vperm.xlane v5, v17;
	v46 =	vmul.f32 v37, v6;
	v45 =	vadd.f32 v42, v14  }
0x2ce: {  	v47 =	vld.idx.msk [tilespmem:v2+s21+$0x9000 ss:$0x1], $0xffff;
	v6 =	vmul.f32 v38, v6;
	v7 =	vadd.f32 v7, v8  }
0x2cf: {  	v48 =	vld.idx.msk [tilespmem:v2+s21+$0x9010 ss:$0x1], $0xffff;
	v4 =	vperm.xlane v4, v17;
	v50 =	vmul.f32 v40, v5;
	v49 =	vadd.f32 v46, v45  }
0x2d0: {  	v51 =	vld.idx.msk [tilespmem:v2+s21+$0xA000 ss:$0x1], $0xffff;
	v5 =	vmul.f32 v41, v5;
	v6 =	vadd.f32 v6, v7  }
0x2d1: {  	v52 =	vld.idx.msk [tilespmem:v2+s21+$0xA010 ss:$0x1], $0xffff;
	v3 =	vperm.xlane v3, v17;
	v54 =	vmul.f32 v43, v4;
	v53 =	vadd.f32 v50, v49  }
0x2d2: {  	v55 =	vld.idx.msk [tilespmem:v2+s21+$0xB000 ss:$0x1], $0xffff;
	v4 =	vmul.f32 v44, v4;
	v5 =	vadd.f32 v5, v6  }
0x2d3: {  	v56 =	vld.idx.msk [tilespmem:v2+s21+$0xB010 ss:$0x1], $0xffff;
	v1 =	vperm.xlane v1, v17;
	v58 =	vmul.f32 v47, v3;
	v57 =	vadd.f32 v54, v53  }
0x2d4: {  	v3 =	vmul.f32 v48, v3;
	v4 =	vadd.f32 v4, v5  }
0x2d5: {  	v0 =	vperm.xlane v0, v17;
	v60 =	vmul.f32 v51, v1;
	v59 =	vadd.f32 v58, v57  }
0x2d6: {  	s20 =	sadd.s32 $0x1, s20;
	v1 =	vmul.f32 v52, v1;
	v3 =	vadd.f32 v3, v4  }
0x2d7: {  	p0 =	sne.s32 s20, $0x8;
	v62 =	vmul.f32 v55, v0;
	v61 =	vadd.f32 v60, v59  }
.Ltmp7:
0x2d8: {  	v0 =	vmul.f32 v56, v0;
	v1 =	vadd.f32 v1, v3;
	(pc) =	sbr.rel @p0 .LBB2_15-.Ltmp7, $4  }
0x2d9: {  	v63 =	vadd.f32 v62, v61  }
0x2da: {  	v0 =	vadd.f32 v0, v1  }
0x2db: {  	[tilespmem:v13+s21+$0xFFFFFFF0 ss:$0x1] =	vst.idx.msk $0xffff, v63  }
0x2dc: {  	s17 =	sadd.s32 $0x200, s17;
	s6 =	sadd.s32 $0x200, s6;
	[tilespmem:v13+s21+$0x0 ss:$0x1] =	vst.idx.msk $0xffff, v0  }
0x2dd: {  	s10 =	sadd.s32 $0x1, s10  }
0x2de: {  	p0 =	sne.s32 s10, $0x80  }
.Ltmp8:
0x2df: {  	_ = 	snop;
	(pc) =	sbr.rel @p0 .LBB2_4-.Ltmp8, $3  }
0x2e0: {  	_ =	sdelay $0x1  }
0x2e1: {  	s6 =	sadd.s32 s11, s16  }
0x2e2: {  	[hbm4b:s6+s4] =	stream.linear.scatter [tilespmem:s9], [sflag:$0x4], $0x1000, $0x38;
	[tilespmem:$0x1BB00] =	vst v63  }
0x2e3: {  	s6 =	simm.s32 $0x3  }
0x2e4: {  	_ =	swait.ge [sflag:s6], $0x1000  }
0x2e5: {  	[sflag:s6] =	ssyncset.done $0x0  }
0x2e6: {  	s10 =	simm.s32 $0x4;
	[sflag:s6] =	ssyncadd.s32 $0xFFFFF000  }
0x2e7: {  	_ =	swait.ge [sflag:s10], $0x1000  }
0x2e8: {  	s11 =	rddreg [dreg:$0xc]  }
0x2e9: {  	s24 =	rddreg [dreg:$0xb];
	s11 =	sadd.s32 $0x1, s11  }
0x2ea: {  	p0 =	sne.s32 s11, s24  }
.Ltmp9:
0x2eb: {  	_ = 	snop;
	(pc) =	sbr.rel @p0 .LBB2_1-.Ltmp9, $3  }
0x2ec: {  	_ =	sdelay $0x1  }
0x2ed: {  	[sflag:s10] =	ssyncset.done $0x0  }
0x2ee: {  	[sflag:s10] =	ssyncadd.s32 $0xFFFFF000  }
0x2ef: {  	_ =	sfence.sel $0x180000  }
0x2f0: {  	[bflag:$0x0] =	sbarrier.arrive $0xFFFF  }
0x2f1: {  	_ =	strace $0x90000047  }
0x2f2: {  	s0 =	stileid.u32;
	[bflag:$0x2] =	sbarrier.arrive $0xFFFF  }
0x2f3: {  	p0 =	sne.s32 s0, $0x0;
	s0 =	rddreg [dreg:$0x3]  }
0x2f4: {  	s0 =	sadd.s32 @!p0 $0x100000, s0  }
0x2f5: {  	[sflag:s0] =	ssyncadd.tile.s32 @!p0 $0x1;
	_ =	shalt  }
.Lfunc_end2:
_tile_overlayer_lowered:
.L_overlay_start_2:
0x2f6: {  	(tag) =	ssettag $0x2  }
0x2f7: {  	s0 =	rddreg [dreg:$0x0];
	s2 =	stileid.u32  }
0x2f8: {  	s1 =	rddreg [dreg:$0x1];
	p0 =	sne.s32 s2, $0x0  }
0x2f9: {  	s3 =	rddreg [dreg:$0x2];
	[bflag:$0x3] =	sbarrier.arrive $0xFFFF;
	s2 =	simm.s32 @!p0 $0x1C07  }
0x2fa: {  	[timem:s3], [sflag:s2] =	dma.local @!p0 [hbm:s0], s1  }
0x2fb: {  	s0 =	simm.s32 @!p0 $0x7  }
0x2fc: {  	_ =	swait.ge @!p0 [sflag:s0], s1  }
0x2fd: {  	s1 =	ssub.s32 @!p0 $0x0, s1;
	[sflag:s0] =	ssyncset.done @!p0 $0x0  }
0x2fe: {  	[sflag:s0] =	ssyncadd.s32 @!p0 s1  }
0x2ff: {  	[bflag:$0x3] =	sbarrier.arrive $0xFFFF  }
0x300: {  	_ =	shalt  }

// kernel: sparse-core-data-format-call.cloned.1.call-start
scs
called_computation_lowered:
.L_overlay_start_0:
0x0: {  	s2 =	sld [smem:$0x3FD9]  }
0x1: {  	s3 =	sld [smem:$0x3FFE];
	_ =	sdelay $0x1  }
0x2: {  	s1 =	srdreg.scid  }
0x3: {  	s0 =	sand.u32 $0x1, s1  }
0x4: {  	s18 =	sshll.u32 s0, $0xA;
	s2 =	sadd.s32 s3, s2  }
0x5: {  	s2 =	sadd.s32 s2, s18  }
0x6: {  	[smem:$0x3FC6] =	sst s2  }
0x7: {  	_ = 	snop  }
0x8: {  	s2 =	sld [smem:$0x3FD0];
	(tm) =	ssettm $0x1  }
0x9: {  	s19 =	sld [smem:$0x3FFB];
	_ =	sdelay $0x3  }
0xa: {  	_ =	strace s19  }
0xb: {  	s3 =	sld [smem:$0x3FFC];
	_ =	sdelay $0x3  }
0xc: {  	_ =	strace s3  }
0xd: {  	s3 =	sld [smem:$0x3FFD];
	_ =	sdelay $0x3  }
0xe: {  	_ =	strace s3  }
0xf: {  	_ =	strace $0x8FFFFFFF  }
0x10: {  	s20 =	sld [smem:$0x3FDB];
	_ =	sdelay $0x1  }
0x11: {  	s4 =	simm.s32 $_scs_section_size  }
0x12: {  	s5 =	simm.s32 $_size__tile_overlayer_lowered;
	s6 =	simm.s32 $_tile_overlayer_lowered  }
0x13: {  	s23 =	simm.s32 $0x1BFF;
	s22 =	sshll.u32 s6, $0x1;
	s3 =	sadd.s32 s4, s20  }
0x14: {  	s7 =	simm.s32 $0x0;
	s21 =	sshll.u32 s5, $0x1;
	s5 =	sadd.s32 s22, s3  }
0x15: {  	[timem:s7], [sflag:s23] =	dma.local [hbm:s5], s21  }
0x16: {  	_ =	swait.ge [sflag:s23], s21  }
0x17: {  	s4 =	ssub.s32 $0x0, s21;
	[sflag:s23] =	ssyncset.done $0x0  }
0x18: {  	[sflag:s23] =	ssyncadd.s32 s4;
	_ =	sdelay $0x1  }
0x19: {  	s24 =	simm.s32 $0x1B8B  }
0x1a: {  	_ =	swait.ge [sflag:s24], $0x1  }
0x1b: {  	[sflag:s24] =	ssyncset.done $0x0  }
0x1c: {  	s26 =	simm.s32 $0x1B8E;
	s25 =	sld [smem:$0x3FFE];
	[sflag:s24] =	ssyncadd.s32 $0xFFFFFFFF  }
0x1d: {  	s27 =	simm.s32 $execute0_lowered;
	[smem:$0x3FD2] =	sst s26  }
0x1e: {  	s5 =	sshll.u32 s27, $0x1;
	_ =	strace $0x80000049;
	[dreg:$0x1] =	wrdreg $0xFFFFFFFF  }
0x1f: {  	s28 =	simm.s32 $_size_execute0_lowered;
	s3 =	sadd.s32 s3, s5;
	[dreg:$0x0] =	wrdreg $0x0  }
0x20: {  	s5 =	sshll.u32 s28, $0x1;
	[dreg:$0x2] =	wrdreg s3  }
0x21: {  	[dreg:$0x3] =	wrdreg s5  }
0x22: {  	[dreg:$0x4] =	wrdreg $0xC0  }
0x23: {  	_ =	task [dreg:s7], $0x5FFFF  }
0x24: {  	[dreg:$0x1] =	wrdreg $0xFFFFFFFF  }
0x25: {  	[dreg:$0x0] =	wrdreg $0x60  }
0x26: {  	[dreg:$0x2] =	wrdreg s25  }
0x27: {  	[dreg:$0x3] =	wrdreg s2  }
0x28: {  	[dreg:$0x4] =	wrdreg $0x9  }
0x29: {  	_ =	task.clear_ibuf [dreg:s7], $0x5FFFF;
	_ =	strace $0x90000049  }
0x2a: {  	s29 =	simm.s32 $0x9;
	_ =	strace $0x8000004B  }
0x2b: {  	_ =	swait.ge [sflag:s29], $0x1  }
0x2c: {  	[sflag:s29] =	ssyncadd.s32 $0xFFFFFFFF  }
0x2d: {  	_ =	strace $0x9000004B  }
0x2e: {  	_ =	sfence  }
0x2f: {  	s30 =	sld [smem:$0x0];
	_ =	sdelay $0x2  }
0x30: {  	s31 =	sshll.u32 s1, $0xD;
	s1 =	sshrl.u32 s1, $0x2  }
0x31: {  	s3 =	sand.u32 $0x4000, s31;
	s1 =	sadd.s32 s1, s30  }
0x32: {  	s0 =	sor.u32 s3, s0;
	s1 =	sshll.u32 s1, $0x11  }
0x33: {  	s0 =	sor.u32 s1, s0  }
0x34: {  	s0 =	sadd.s32 $0x8F2B, s0  }
0x35: {  	[sflag:s0] =	ssyncadd.remote.s32 $0x1  }
0x36: {  	_ =	sfence.sel $0xFFFF  }
0x37: {  	[dreg:$0x0] =	wrdreg $0xFFFFFFFF;
	(pc) =	sbr.abs _section_cstart, $3  }
0x38: {  	[dreg:$0x1] =	wrdreg $0xFFFFFFFF  }
0x39: {  	_ =	task.clear_ibuf [dreg:s7], $0x2FFFF;
	_ =	strace $0x9FFFFFFF  }
0x3a: {  	(tm) =	ssettm $0x7FFFFFFF  }
0x3b: {  	_ =	shalt  }
tec
execute0_lowered:
.L_overlay_start_1:
0x0: {  	(tag) =	ssettag $0x1  }
0x1: {  	s0 =	srdreg.scid  }
0x2: {  	s1 =	sshll.u32 s0, $0x4  }
0x3: {  	s4 =	rddreg [dreg:$0x0];
	s0 =	stileid.u32;
	s1 =	sand.u32 $0x10, s1  }
0x4: {  	s2 =	rddreg [dreg:$0x1];
	s7 =	simm.s32 $0x1;
	s1 =	sor.u32 s0, s1  }
0x5: {  	s8 =	simm.s32 $0x2;
	s11 =	simm.s32 $0x0;
	s3 =	sshll.u32 s1, $0x7  }
0x6: {  	s10 =	simm.s32 $0x0;
	s4 =	sadd.s32 $0x800, s4;
	s6 =	ssub.s32 $0x100000, s3  }
.Ltmp0:
0x7: {  	s1 =	rddreg [dreg:$0x2];
	s5 =	sand.u32 $0xF80, s6;
	(pc) =	sbr.rel .LBB1_1-.Ltmp0, $4  }
0x8: {  	_ =	strace $0x8000004A;
	s9 =	smov.u32 s3;
	p0 =	sne.s32 s5, $0x0  }
0x9: {  	s6 =	sshrl.u32 s6, $0xC;
	s5 =	simm.s32 $0x1;
	s7 =	simm.s32 @!p0 $0x0  }
0xa: {  	[sflag:s5] =	ssyncpa.u1 $0x0;
	p0 =	por $0x0, $0x0;
	s6 =	sadd.s32 s7, s6  }
0xb: {  	[sflag:s8] =	ssyncpa.u1 $0x0;
	s8 =	simm.s32 $0x800000;
	s7 =	sadd.s32 $0x1, s6  }
.LBB1_4:
0xc: {  	s13 =	sshll.u32 s11, $0x3  }
0xd: {  	s15 =	sand.u32 $0x78, s11;
	s13 =	sand.u32 $0xFFC00, s13  }
0xe: {  	s30 =	sand.u32 $0x3E0000, s11;
	s31 =	sand.u32 $0x7, s11;
	s13 =	sor.u32 s15, s13  }
0xf: {  	s11 =	sshll.u32 s31, $0x12;
	s15 =	sadd.s32 s2, s30;
	s13 =	sshrl.u32 s13, $0x3  }
0x10: {  	[tilespmem:s14+$0x0 ss:$0x81] =	vst.msk $0xffff, v0;
	s11 =	sor.u32 $0x400, s11;
	s13 =	sadd.s32 s13, s15  }
0x11: {  	[hbm4b:s13+s11] =	stream.strided.scatter [tilespmem:s12], [sflag:$0x2], $0x1000, s8, s11, $0x20;
	[tilespmem:$0x4040] =	vst v63  }
.LBB1_5:
0x12: {  	s13 =	sadd.s32 $0x1000, s9  }
0x13: {  	p2 =	sgt.s32 s13, $0xFFFFF  }
0x14: {  	s13 =	smov.u32 @p2 s3;
	p2 =	sne.s32 s10, s7  }
.Ltmp1:
0x15: {  	p1 =	slt.u32 s10, $0x2;
	(pc) =	sbr.rel @!p2 .LBB1_6-.Ltmp1, $4  }
0x16: {  	s12 =	simm.s32 @!p1 $0x2  }
0x17: {  	s14 =	sadd.s32 $0x1, s10;
	_ =	swait.ge @!p1 [sflag:s12], $0x1000  }
0x18: {  	s11 =	smov.u32 s9;
	p0 =	por !p0, !p0;
	[sflag:s12] =	ssyncset.done @!p1 $0x0  }
0x19: {  	s10 =	smov.u32 s14;
	s9 =	smov.u32 s13;
	[sflag:s12] =	ssyncadd.s32 @!p1 $0xFFFFF000  }
.LBB1_1:
0x1a: {  	p1 =	sge.u32 s10, s6  }
0x1b: {  	s31 =	sadd.s32 $0xFFFFFFFF, s10;
	s12 =	sxor.u32 @!p1 $0xFFFFFFFF, s10;
	s13 =	sshll.u32 @!p1 s9, $0x4  }
0x1c: {  	s14 =	simm.s32 @!p1 $0x20;
	s12 =	sshll.u32 @!p1 s12, $0xC;
	s13 =	sand.u32 @!p1 $0xFFFFF0, s13  }
0x1d: {  	s15 =	simm.s32 @!p1 $0x80;
	s12 =	sand.u32 @!p1 $0x1000, s12;
	s13 =	sadd.s32 @!p1 s4, s13  }
0x1e: {  	[tilespmem:s12], [sflag:$0x1] =	stream.strided.gather @!p1 [hbm4b:s13+s14], $0x1000, s15, s14, $0x38;
	[tilespmem:$0x4040] =	vst v63  }
0x1f: {  	p1 =	sge.u32 s31, s6  }
.Ltmp2:
0x20: {  	_ = 	snop;
	(pc) =	sbr.rel @p1 .LBB1_5-.Ltmp2, $1  }
0x21: {  	_ =	sdelay $0x3  }
0x22: {  	s12 =	simm.s32 $0x1  }
0x23: {  	_ =	swait.ge [sflag:s5], $0x1000;
	s12 =	simm.s32 @!p0 $0x0  }
0x24: {  	[sflag:s5] =	ssyncset.done $0x0;
	s13 =	sshll.u32 s12, $0xC  }
0x25: {  	[sflag:s5] =	ssyncadd.s32 $0xFFFFF000;
	s16 =	sor.u32 $0x10, s13  }
0x26: {  	s12 =	smul.u32 $0x4080, s12;
	v1 =	vld [tilespmem:s16+$0x0]  }
0x27: {  	s30 =	sand.u32 $0x1, s10;
	v0 =	vld [tilespmem:s16+$0xFFFFFFF0]  }
0x28: {  	s14 =	smul.u32 $0x4080, s30;
	s12 =	sshrl.u32 s12, $0x2  }
0x29: {  	s13 =	sor.u32 $0x2000, s12  }
0x2a: {  	s31 =	sshrl.u32 s14, $0x2;
	s14 =	sadd.s32 $0x0, s13  }
0x2b: {  	s15 =	simm.s32 $0x4;
	s16 =	sadd.s32 $0x20, s16;
	s12 =	sor.u32 $0x2000, s31;
	[tilespmem:s14+$0x810 ss:$0x81] =	vst.msk $0xffff, v1  }
.LBB1_3:
0x2c: {  	v1 =	vld [tilespmem:s16+$0x0];
	p1 =	sne.s32 s15, $0x1FC;
	[tilespmem:s14+$0x0 ss:$0x81] =	vst.msk $0xffff, v0;
	s14 =	smov.u32 s15;
	s15 =	sadd.s32 $0x4, s15  }
.Ltmp3:
0x2d: {  	v0 =	vld [tilespmem:s16+$0xFFFFFFF0];
	(pc) =	sbr.rel @p1 .LBB1_3-.Ltmp3, $4  }
0x2e: {  	_ = 	snop  }
0x2f: {  	s14 =	sshra.s32 s14, $0x2  }
0x30: {  	s14 =	sadd.s32 s14, s13  }
0x31: {  	s16 =	sadd.s32 $0x20, s16;
	[tilespmem:s14+$0x810 ss:$0x81] =	vst.msk $0xffff, v1  }
.Ltmp4:
0x32: {  	_ = 	snop;
	(pc) =	sbr.rel .LBB1_4-.Ltmp4, $1  }
0x33: {  	_ =	sdelay $0x3  }
.LBB1_6:
0x34: {  	_ =	sfence.sel $0x180000  }
0x35: {  	s2 =	simm.s32 $0x1;
	[bflag:$0x0] =	sbarrier.arrive $0xFFFF  }
0x36: {  	s31 =	simm.s32 $0x2;
	[sflag:s2] =	ssyncpa.u1 $0x1  }
0x37: {  	[sflag:s31] =	ssyncpa.u1 $0x1  }
0x38: {  	p0 =	sne.s32 s0, $0x0;
	_ =	strace $0x9000004A  }
0x39: {  	s0 =	sadd.s32 @!p0 $0x100000, s1;
	[bflag:$0x2] =	sbarrier.arrive $0xFFFF  }
0x3a: {  	[sflag:s0] =	ssyncadd.tile.s32 @!p0 $0x1;
	_ =	shalt  }
.Lfunc_end1:
_tile_overlayer_lowered:
.L_overlay_start_2:
0x3b: {  	(tag) =	ssettag $0x2  }
0x3c: {  	s0 =	rddreg [dreg:$0x0];
	s2 =	stileid.u32  }
0x3d: {  	s1 =	rddreg [dreg:$0x1];
	p0 =	sne.s32 s2, $0x0  }
0x3e: {  	s3 =	rddreg [dreg:$0x2];
	[bflag:$0x3] =	sbarrier.arrive $0xFFFF;
	s2 =	simm.s32 @!p0 $0x1C01  }
0x3f: {  	[timem:s3], [sflag:s2] =	dma.local @!p0 [hbm:s0], s1  }
0x40: {  	s0 =	simm.s32 @!p0 $0x1  }
0x41: {  	_ =	swait.ge @!p0 [sflag:s0], s1  }
0x42: {  	s1 =	ssub.s32 @!p0 $0x0, s1;
	[sflag:s0] =	ssyncset.done @!p0 $0x0  }
0x43: {  	[sflag:s0] =	ssyncadd.s32 @!p0 s1  }
0x44: {  	[bflag:$0x3] =	sbarrier.arrive $0xFFFF  }
0x45: {  	_ =	shalt  }

</sc_bundles>
